<compile_context>
chip_gen: v7x
topology: tpu7x:2x2x1
jax: 0.10.2.dev20260603
libtpu: 0.0.44.dev20260713+nightly
codegen_flags: <defaults>
</compile_context>

<pallas_src>
import jax
import jax.numpy as jnp
from jax import lax
from jax.experimental import pallas as pl
from jax.experimental.pallas import tpu as pltpu
from jax.experimental.pallas import tpu_sc as plsc

B = 16384
D = 32
L_CTX = 50
L_ITM = 20
L_TOT = L_CTX + L_ITM
NC = 2
NS = 16
NW = NC * NS
BW = B // NW
CB = 16
NCHUNK = BW // CB
LANES = 16
WPAD = 4 * LANES


def _sc_body(idx_hbm, w_hbm, table_hbm, out_hbm,
             idx0, w0, rows0, idx1, w1, rows1, out_v, sem0, sem1):
    wid = lax.axis_index("s") * NC + lax.axis_index("c")
    base_b = wid * BW
    bufs = ((idx0, w0, rows0, sem0), (idx1, w1, rows1, sem1))

    def fire(c, buf):
        idx_v, w_v, rows_v, sem = buf
        b0 = base_b + c * CB
        pltpu.sync_copy(idx_hbm.at[pl.ds(b0, CB)], idx_v)
        pltpu.sync_copy(w_hbm.at[pl.ds(b0, CB)], w_v)
        for i in range(CB):
            pltpu.async_copy(table_hbm.at[idx_v.at[i]],
                             rows_v.at[pl.ds(i * L_TOT, L_TOT)], sem)

    def drain(buf):
        idx_v, w_v, rows_v, sem = buf
        for i in range(CB):
            pltpu.make_async_copy(table_hbm.at[idx_v.at[i]],
                                  rows_v.at[pl.ds(i * L_TOT, L_TOT)],
                                  sem).wait()

    def compute(c, buf):
        idx_v, w_v, rows_v, sem = buf
        lane_iota = lax.iota(jnp.int32, LANES)

        def batch_body(i, dots):
            r0 = i * L_TOT
            zero = jnp.zeros((LANES,), jnp.float32)

            c0, c1 = zero, zero
            for g in range(4):
                wv = w_v[i, pl.ds(g * LANES, LANES)]
                for jl in range(LANES if g < 3 else L_CTX - 3 * LANES):
                    j = g * LANES + jl
                    w = wv[jl]
                    c0 = c0 + rows_v[r0 + j, 0:16] * w
                    c1 = c1 + rows_v[r0 + j, 16:32] * w

            s0, s1 = zero, zero
            for k in range(L_ITM):
                r = r0 + L_CTX + k
                s0 = s0 + rows_v[r, 0:16]
                s1 = s1 + rows_v[r, 16:32]

            p = c0 * s0 + c1 * s1
            for sh in (8, 4, 2, 1):
                p = p + jnp.take(p, lane_iota ^ sh)
            return jnp.where(lane_iota == i, p, dots)

        dots = lax.fori_loop(0, CB, batch_body,
                             jnp.zeros((LANES,), jnp.float32))
        out_v[pl.ds(c * CB, CB)] = dots

    fire(0, bufs[0])

    def pair_body(h, _):
        c0 = 2 * h
        fire(c0 + 1, bufs[1])
        drain(bufs[0])
        compute(c0, bufs[0])

        @pl.when(h + 1 < NCHUNK // 2)
        def _():
            fire(c0 + 2, bufs[0])

        drain(bufs[1])
        compute(c0 + 1, bufs[1])
        return 0

    lax.fori_loop(0, NCHUNK // 2, pair_body, 0)
    pltpu.sync_copy(out_v, out_hbm.at[pl.ds(base_b, BW)])


def kernel(ctx, itm, pos, ctx_v, embed1_weight):
    del pos
    all_idx = jnp.concatenate([ctx, itm], axis=1)
    w_pad = jnp.pad(ctx_v, ((0, 0), (0, WPAD - L_CTX)))

    run = pl.kernel(
        _sc_body,
        out_type=jax.ShapeDtypeStruct((B,), jnp.float32),
        mesh=plsc.VectorSubcoreMesh(core_axis_name="c", subcore_axis_name="s",
                                    num_cores=NC, num_subcores=NS),
        scratch_types=[
            pltpu.VMEM((CB, L_TOT), jnp.int32),
            pltpu.VMEM((CB, WPAD), jnp.float32),
            pltpu.VMEM((CB * L_TOT, D), jnp.float32),
            pltpu.VMEM((CB, L_TOT), jnp.int32),
            pltpu.VMEM((CB, WPAD), jnp.float32),
            pltpu.VMEM((CB * L_TOT, D), jnp.float32),
            pltpu.VMEM((BW,), jnp.float32),
            pltpu.SemaphoreType.DMA,
            pltpu.SemaphoreType.DMA,
        ],
        compiler_params=pltpu.CompilerParams(use_tc_tiling_on_sc=False),
    )
    return run(all_idx, w_pad, embed1_weight)

# --- scband reference (transcript-rebuilt; emitter-appended) ---
"""Pipeline reference for scband-generator-2937757630691 (READ-ONLY COPY).

The authoritative reference and input builder live on the scoring server;
editing this copy changes nothing except your own understanding.
"""

import jax, jax.numpy as jnp
import numpy as np

INPUT_SIZE = 1000000
EMBED_DIM = 32
B = 16384
L_CTX = 50
L_ITM = 20


def setup_inputs(seed: int = 0) -> dict:
    key = jax.random.key(seed)
    k1, k2, k3, k4, k5 = jax.random.split(key, 5)
    ctx = jax.random.randint(k1, (B, L_CTX), 0, INPUT_SIZE, dtype=jnp.int64 if jax.config.read('jax_enable_x64') else jnp.int32).astype(jnp.int32)
    itm = jax.random.randint(k2, (B, L_ITM), 0, INPUT_SIZE, dtype=jnp.int32)
    pos = jax.random.randint(k3, (B, L_CTX), 0, 50, dtype=jnp.int32)
    ctx_v = jax.random.uniform(k4, (B, L_CTX), dtype=jnp.float32)
    # Embedding table ~ xavier_uniform on rows 1:, padding_idx=0 row is zero
    limit = float(np.sqrt(6.0 / (INPUT_SIZE - 1 + EMBED_DIM)))
    W = jax.random.uniform(k5, (INPUT_SIZE, EMBED_DIM), minval=-limit, maxval=limit, dtype=jnp.float32)
    W = W.at[0].set(0.0)
    return {"ctx": ctx, "itm": itm, "pos": pos, "ctx_v": ctx_v, "embed1_weight": W}


def reference(ctx, itm, pos, ctx_v, embed1_weight):
    # pos is unused in the original forward
    ctx_e = jnp.take(embed1_weight, ctx, axis=0)              # [B, L_ctx, D] gather
    ctx_sum = jnp.sum(ctx_e * ctx_v[:, :, None], axis=1)      # [B, D]
    itm_e = jnp.take(embed1_weight, itm, axis=0)              # [B, L_itm, D] gather
    itm_sum = jnp.sum(itm_e, axis=1)                          # [B, D]
    x12 = jnp.sum(ctx_sum * itm_sum, axis=1)                  # [B]
    return x12

if __name__ == "__main__":
    import jax
    _d = setup_inputs()
    print(jax.jit(kernel)(*tuple(_d.values())))

</pallas_src>

<mosaic_0001>
#map = affine_map<(d0, d1) -> (0, 0)>
#map1 = affine_map<(d0, d1) -> (0)>
module attributes {stable_mosaic.version = 14 : i64} {
  func.func @_sc_body(%arg0: i32, %arg1: i32, %arg2: memref<16384x70xi32, #tpu.memory_space<hbm>>, %arg3: memref<16384x64xf32, #tpu.memory_space<hbm>>, %arg4: memref<1000000x32xf32, #tpu.memory_space<hbm>>, %arg5: memref<16384xf32, #tpu.memory_space<hbm>>, %arg6: memref<16x70xi32, #tpu.memory_space<vmem>>, %arg7: memref<16x64xf32, #tpu.memory_space<vmem>>, %arg8: memref<1120x32xf32, #tpu.memory_space<vmem>>, %arg9: memref<16x70xi32, #tpu.memory_space<vmem>>, %arg10: memref<16x64xf32, #tpu.memory_space<vmem>>, %arg11: memref<1120x32xf32, #tpu.memory_space<vmem>>, %arg12: memref<512xf32, #tpu.memory_space<vmem>>, %arg13: memref<!tpu.dma_semaphore, #tpu.memory_space<semaphore_mem>>, %arg14: memref<!tpu.dma_semaphore, #tpu.memory_space<semaphore_mem>>) attributes {dimension_semantics = [#tpu.dimension_semantics<core_parallel>, #tpu.dimension_semantics<subcore_parallel>], iteration_bounds = array<i64: 2, 16>, scalar_prefetch = 0 : i64, scratch_operands = 9 : i64, tpu.core_type = #tpu.core_type<sc_vector_subcore>, window_params = [{transform_indices = #map}, {transform_indices = #map}, {transform_indices = #map}, {transform_indices = #map1}]} {
    %mul3A = arith.constant 2 : i32
    %mul3A_0 = arith.muli %arg1, %mul3A : i32
    %add3A = arith.addi %mul3A_0, %arg0 : i32
    %mul3A_1 = arith.constant 512 : i32
    %mul3A_2 = arith.muli %add3A, %mul3A_1 : i32
    %add3A_3 = arith.constant 0 : i32
    %add3A_4 = arith.addi %mul3A_2, %add3A_3 : i32
    "tpu.region"() ({
      %run_scoped3A = tpu.sem_alloc : memref<!tpu.dma_semaphore, #tpu.memory_space<semaphore_mem>>
      %dma_start3A_170 = arith.constant 0 : i32
      %dma_start3A_171 = tpu.memref_slice %arg2[%add3A_4, %dma_start3A_170] : memref<16384x70xi32, #tpu.memory_space<hbm>> -> memref<16x70xi32, #tpu.memory_space<hbm>>
      %dma_start3A_172 = arith.constant 0 : i32
      %dma_start3A_173 = tpu.memref_slice %arg2[%add3A_4, %dma_start3A_172] : memref<16384x70xi32, #tpu.memory_space<hbm>> -> memref<16x70xi32, #tpu.memory_space<hbm>>
      tpu.enqueue_dma source(%dma_start3A_173 : memref<16x70xi32, #tpu.memory_space<hbm>>) target(%arg6 : memref<16x70xi32, #tpu.memory_space<vmem>>) target_semaphore(%run_scoped3A : memref<!tpu.dma_semaphore, #tpu.memory_space<semaphore_mem>>)
      %dma_wait3A = arith.constant 0 : i32
      %dma_wait3A_174 = tpu.memref_slice %arg2[%add3A_4, %dma_wait3A] : memref<16384x70xi32, #tpu.memory_space<hbm>> -> memref<16x70xi32, #tpu.memory_space<hbm>>
      %dma_wait3A_175 = arith.constant 0 : i32
      %dma_wait3A_176 = tpu.memref_slice %arg2[%add3A_4, %dma_wait3A_175] : memref<16384x70xi32, #tpu.memory_space<hbm>> -> memref<16x70xi32, #tpu.memory_space<hbm>>
      tpu.wait_dma2 semaphore(%run_scoped3A : memref<!tpu.dma_semaphore, #tpu.memory_space<semaphore_mem>>) src(%dma_wait3A_176 : memref<16x70xi32, #tpu.memory_space<hbm>>) dst(%arg6 : memref<16x70xi32, #tpu.memory_space<vmem>>)
      tpu.yield
    }) : () -> ()
    "tpu.region"() ({
      %run_scoped3A = tpu.sem_alloc : memref<!tpu.dma_semaphore, #tpu.memory_space<semaphore_mem>>
      %dma_start3A_170 = arith.constant 0 : i32
      %dma_start3A_171 = tpu.memref_slice %arg3[%add3A_4, %dma_start3A_170] : memref<16384x64xf32, #tpu.memory_space<hbm>> -> memref<16x64xf32, #tpu.memory_space<hbm>>
      %dma_start3A_172 = arith.constant 0 : i32
      %dma_start3A_173 = tpu.memref_slice %arg3[%add3A_4, %dma_start3A_172] : memref<16384x64xf32, #tpu.memory_space<hbm>> -> memref<16x64xf32, #tpu.memory_space<hbm>>
      tpu.enqueue_dma source(%dma_start3A_173 : memref<16x64xf32, #tpu.memory_space<hbm>>) target(%arg7 : memref<16x64xf32, #tpu.memory_space<vmem>>) target_semaphore(%run_scoped3A : memref<!tpu.dma_semaphore, #tpu.memory_space<semaphore_mem>>)
      %dma_wait3A = arith.constant 0 : i32
      %dma_wait3A_174 = tpu.memref_slice %arg3[%add3A_4, %dma_wait3A] : memref<16384x64xf32, #tpu.memory_space<hbm>> -> memref<16x64xf32, #tpu.memory_space<hbm>>
      %dma_wait3A_175 = arith.constant 0 : i32
      %dma_wait3A_176 = tpu.memref_slice %arg3[%add3A_4, %dma_wait3A_175] : memref<16384x64xf32, #tpu.memory_space<hbm>> -> memref<16x64xf32, #tpu.memory_space<hbm>>
      tpu.wait_dma2 semaphore(%run_scoped3A : memref<!tpu.dma_semaphore, #tpu.memory_space<semaphore_mem>>) src(%dma_wait3A_176 : memref<16x64xf32, #tpu.memory_space<hbm>>) dst(%arg7 : memref<16x64xf32, #tpu.memory_space<vmem>>)
      tpu.yield
    }) : () -> ()
    %dma_start3A = arith.constant 0 : i32
    %dma_start3A_5 = arith.constant 0 : i32
    %dma_start3A_6 = arith.constant 0 : i32
    %dma_start3A_7 = tpu.memref_slice %arg8[%dma_start3A_5, %dma_start3A_6] : memref<1120x32xf32, #tpu.memory_space<vmem>> -> memref<70x32xf32, #tpu.memory_space<vmem>>
    %dma_start3A_8 = arith.constant 0 : i32
    %dma_start3A_9 = tpu.memref_slice %arg6[%dma_start3A, %dma_start3A_8] : memref<16x70xi32, #tpu.memory_space<vmem>> -> memref<1x70xi32, #tpu.memory_space<vmem>>
    %dma_start3A_10 = tpu.memref_squeeze %dma_start3A_9 : memref<1x70xi32, #tpu.memory_space<vmem>> -> memref<70xi32, #tpu.memory_space<vmem>>
    %dma_start3A_11 = arith.constant 0 : i32
    %dma_start3A_12 = arith.constant 0 : i32
    %dma_start3A_13 = tpu.memref_slice %arg4[%dma_start3A_11, %dma_start3A_12] : memref<1000000x32xf32, #tpu.memory_space<hbm>> -> memref<1000000x32xf32, #tpu.memory_space<hbm>>
    tpu.enqueue_indirect_dma source(%dma_start3A_13 : memref<1000000x32xf32, #tpu.memory_space<hbm>>) target(%dma_start3A_7 : memref<70x32xf32, #tpu.memory_space<vmem>>) offsets(%dma_start3A_10 : memref<70xi32, #tpu.memory_space<vmem>>) semaphore(%arg13 : memref<!tpu.dma_semaphore, #tpu.memory_space<semaphore_mem>>)
    %dma_start3A_14 = arith.constant 1 : i32
    %dma_start3A_15 = arith.constant 70 : i32
    %dma_start3A_16 = arith.constant 0 : i32
    %dma_start3A_17 = tpu.memref_slice %arg8[%dma_start3A_15, %dma_start3A_16] : memref<1120x32xf32, #tpu.memory_space<vmem>> -> memref<70x32xf32, #tpu.memory_space<vmem>>
    %dma_start3A_18 = arith.constant 0 : i32
    %dma_start3A_19 = tpu.memref_slice %arg6[%dma_start3A_14, %dma_start3A_18] : memref<16x70xi32, #tpu.memory_space<vmem>> -> memref<1x70xi32, #tpu.memory_space<vmem>>
    %dma_start3A_20 = tpu.memref_squeeze %dma_start3A_19 : memref<1x70xi32, #tpu.memory_space<vmem>> -> memref<70xi32, #tpu.memory_space<vmem>>
    %dma_start3A_21 = arith.constant 0 : i32
    %dma_start3A_22 = arith.constant 0 : i32
    %dma_start3A_23 = tpu.memref_slice %arg4[%dma_start3A_21, %dma_start3A_22] : memref<1000000x32xf32, #tpu.memory_space<hbm>> -> memref<1000000x32xf32, #tpu.memory_space<hbm>>
    tpu.enqueue_indirect_dma source(%dma_start3A_23 : memref<1000000x32xf32, #tpu.memory_space<hbm>>) target(%dma_start3A_17 : memref<70x32xf32, #tpu.memory_space<vmem>>) offsets(%dma_start3A_20 : memref<70xi32, #tpu.memory_space<vmem>>) semaphore(%arg13 : memref<!tpu.dma_semaphore, #tpu.memory_space<semaphore_mem>>)
    %dma_start3A_24 = arith.constant 2 : i32
    %dma_start3A_25 = arith.constant 140 : i32
    %dma_start3A_26 = arith.constant 0 : i32
    %dma_start3A_27 = tpu.memref_slice %arg8[%dma_start3A_25, %dma_start3A_26] : memref<1120x32xf32, #tpu.memory_space<vmem>> -> memref<70x32xf32, #tpu.memory_space<vmem>>
    %dma_start3A_28 = arith.constant 0 : i32
    %dma_start3A_29 = tpu.memref_slice %arg6[%dma_start3A_24, %dma_start3A_28] : memref<16x70xi32, #tpu.memory_space<vmem>> -> memref<1x70xi32, #tpu.memory_space<vmem>>
    %dma_start3A_30 = tpu.memref_squeeze %dma_start3A_29 : memref<1x70xi32, #tpu.memory_space<vmem>> -> memref<70xi32, #tpu.memory_space<vmem>>
    %dma_start3A_31 = arith.constant 0 : i32
    %dma_start3A_32 = arith.constant 0 : i32
    %dma_start3A_33 = tpu.memref_slice %arg4[%dma_start3A_31, %dma_start3A_32] : memref<1000000x32xf32, #tpu.memory_space<hbm>> -> memref<1000000x32xf32, #tpu.memory_space<hbm>>
    tpu.enqueue_indirect_dma source(%dma_start3A_33 : memref<1000000x32xf32, #tpu.memory_space<hbm>>) target(%dma_start3A_27 : memref<70x32xf32, #tpu.memory_space<vmem>>) offsets(%dma_start3A_30 : memref<70xi32, #tpu.memory_space<vmem>>) semaphore(%arg13 : memref<!tpu.dma_semaphore, #tpu.memory_space<semaphore_mem>>)
    %dma_start3A_34 = arith.constant 3 : i32
    %dma_start3A_35 = arith.constant 210 : i32
    %dma_start3A_36 = arith.constant 0 : i32
    %dma_start3A_37 = tpu.memref_slice %arg8[%dma_start3A_35, %dma_start3A_36] : memref<1120x32xf32, #tpu.memory_space<vmem>> -> memref<70x32xf32, #tpu.memory_space<vmem>>
    %dma_start3A_38 = arith.constant 0 : i32
    %dma_start3A_39 = tpu.memref_slice %arg6[%dma_start3A_34, %dma_start3A_38] : memref<16x70xi32, #tpu.memory_space<vmem>> -> memref<1x70xi32, #tpu.memory_space<vmem>>
    %dma_start3A_40 = tpu.memref_squeeze %dma_start3A_39 : memref<1x70xi32, #tpu.memory_space<vmem>> -> memref<70xi32, #tpu.memory_space<vmem>>
    %dma_start3A_41 = arith.constant 0 : i32
    %dma_start3A_42 = arith.constant 0 : i32
    %dma_start3A_43 = tpu.memref_slice %arg4[%dma_start3A_41, %dma_start3A_42] : memref<1000000x32xf32, #tpu.memory_space<hbm>> -> memref<1000000x32xf32, #tpu.memory_space<hbm>>
    tpu.enqueue_indirect_dma source(%dma_start3A_43 : memref<1000000x32xf32, #tpu.memory_space<hbm>>) target(%dma_start3A_37 : memref<70x32xf32, #tpu.memory_space<vmem>>) offsets(%dma_start3A_40 : memref<70xi32, #tpu.memory_space<vmem>>) semaphore(%arg13 : memref<!tpu.dma_semaphore, #tpu.memory_space<semaphore_mem>>)
    %dma_start3A_44 = arith.constant 4 : i32
    %dma_start3A_45 = arith.constant 280 : i32
    %dma_start3A_46 = arith.constant 0 : i32
    %dma_start3A_47 = tpu.memref_slice %arg8[%dma_start3A_45, %dma_start3A_46] : memref<1120x32xf32, #tpu.memory_space<vmem>> -> memref<70x32xf32, #tpu.memory_space<vmem>>
    %dma_start3A_48 = arith.constant 0 : i32
    %dma_start3A_49 = tpu.memref_slice %arg6[%dma_start3A_44, %dma_start3A_48] : memref<16x70xi32, #tpu.memory_space<vmem>> -> memref<1x70xi32, #tpu.memory_space<vmem>>
    %dma_start3A_50 = tpu.memref_squeeze %dma_start3A_49 : memref<1x70xi32, #tpu.memory_space<vmem>> -> memref<70xi32, #tpu.memory_space<vmem>>
    %dma_start3A_51 = arith.constant 0 : i32
    %dma_start3A_52 = arith.constant 0 : i32
    %dma_start3A_53 = tpu.memref_slice %arg4[%dma_start3A_51, %dma_start3A_52] : memref<1000000x32xf32, #tpu.memory_space<hbm>> -> memref<1000000x32xf32, #tpu.memory_space<hbm>>
    tpu.enqueue_indirect_dma source(%dma_start3A_53 : memref<1000000x32xf32, #tpu.memory_space<hbm>>) target(%dma_start3A_47 : memref<70x32xf32, #tpu.memory_space<vmem>>) offsets(%dma_start3A_50 : memref<70xi32, #tpu.memory_space<vmem>>) semaphore(%arg13 : memref<!tpu.dma_semaphore, #tpu.memory_space<semaphore_mem>>)
    %dma_start3A_54 = arith.constant 5 : i32
    %dma_start3A_55 = arith.constant 350 : i32
    %dma_start3A_56 = arith.constant 0 : i32
    %dma_start3A_57 = tpu.memref_slice %arg8[%dma_start3A_55, %dma_start3A_56] : memref<1120x32xf32, #tpu.memory_space<vmem>> -> memref<70x32xf32, #tpu.memory_space<vmem>>
    %dma_start3A_58 = arith.constant 0 : i32
    %dma_start3A_59 = tpu.memref_slice %arg6[%dma_start3A_54, %dma_start3A_58] : memref<16x70xi32, #tpu.memory_space<vmem>> -> memref<1x70xi32, #tpu.memory_space<vmem>>
    %dma_start3A_60 = tpu.memref_squeeze %dma_start3A_59 : memref<1x70xi32, #tpu.memory_space<vmem>> -> memref<70xi32, #tpu.memory_space<vmem>>
    %dma_start3A_61 = arith.constant 0 : i32
    %dma_start3A_62 = arith.constant 0 : i32
    %dma_start3A_63 = tpu.memref_slice %arg4[%dma_start3A_61, %dma_start3A_62] : memref<1000000x32xf32, #tpu.memory_space<hbm>> -> memref<1000000x32xf32, #tpu.memory_space<hbm>>
    tpu.enqueue_indirect_dma source(%dma_start3A_63 : memref<1000000x32xf32, #tpu.memory_space<hbm>>) target(%dma_start3A_57 : memref<70x32xf32, #tpu.memory_space<vmem>>) offsets(%dma_start3A_60 : memref<70xi32, #tpu.memory_space<vmem>>) semaphore(%arg13 : memref<!tpu.dma_semaphore, #tpu.memory_space<semaphore_mem>>)
    %dma_start3A_64 = arith.constant 6 : i32
    %dma_start3A_65 = arith.constant 420 : i32
    %dma_start3A_66 = arith.constant 0 : i32
    %dma_start3A_67 = tpu.memref_slice %arg8[%dma_start3A_65, %dma_start3A_66] : memref<1120x32xf32, #tpu.memory_space<vmem>> -> memref<70x32xf32, #tpu.memory_space<vmem>>
    %dma_start3A_68 = arith.constant 0 : i32
    %dma_start3A_69 = tpu.memref_slice %arg6[%dma_start3A_64, %dma_start3A_68] : memref<16x70xi32, #tpu.memory_space<vmem>> -> memref<1x70xi32, #tpu.memory_space<vmem>>
    %dma_start3A_70 = tpu.memref_squeeze %dma_start3A_69 : memref<1x70xi32, #tpu.memory_space<vmem>> -> memref<70xi32, #tpu.memory_space<vmem>>
    %dma_start3A_71 = arith.constant 0 : i32
    %dma_start3A_72 = arith.constant 0 : i32
    %dma_start3A_73 = tpu.memref_slice %arg4[%dma_start3A_71, %dma_start3A_72] : memref<1000000x32xf32, #tpu.memory_space<hbm>> -> memref<1000000x32xf32, #tpu.memory_space<hbm>>
    tpu.enqueue_indirect_dma source(%dma_start3A_73 : memref<1000000x32xf32, #tpu.memory_space<hbm>>) target(%dma_start3A_67 : memref<70x32xf32, #tpu.memory_space<vmem>>) offsets(%dma_start3A_70 : memref<70xi32, #tpu.memory_space<vmem>>) semaphore(%arg13 : memref<!tpu.dma_semaphore, #tpu.memory_space<semaphore_mem>>)
    %dma_start3A_74 = arith.constant 7 : i32
    %dma_start3A_75 = arith.constant 490 : i32
    %dma_start3A_76 = arith.constant 0 : i32
    %dma_start3A_77 = tpu.memref_slice %arg8[%dma_start3A_75, %dma_start3A_76] : memref<1120x32xf32, #tpu.memory_space<vmem>> -> memref<70x32xf32, #tpu.memory_space<vmem>>
    %dma_start3A_78 = arith.constant 0 : i32
    %dma_start3A_79 = tpu.memref_slice %arg6[%dma_start3A_74, %dma_start3A_78] : memref<16x70xi32, #tpu.memory_space<vmem>> -> memref<1x70xi32, #tpu.memory_space<vmem>>
    %dma_start3A_80 = tpu.memref_squeeze %dma_start3A_79 : memref<1x70xi32, #tpu.memory_space<vmem>> -> memref<70xi32, #tpu.memory_space<vmem>>
    %dma_start3A_81 = arith.constant 0 : i32
    %dma_start3A_82 = arith.constant 0 : i32
    %dma_start3A_83 = tpu.memref_slice %arg4[%dma_start3A_81, %dma_start3A_82] : memref<1000000x32xf32, #tpu.memory_space<hbm>> -> memref<1000000x32xf32, #tpu.memory_space<hbm>>
    tpu.enqueue_indirect_dma source(%dma_start3A_83 : memref<1000000x32xf32, #tpu.memory_space<hbm>>) target(%dma_start3A_77 : memref<70x32xf32, #tpu.memory_space<vmem>>) offsets(%dma_start3A_80 : memref<70xi32, #tpu.memory_space<vmem>>) semaphore(%arg13 : memref<!tpu.dma_semaphore, #tpu.memory_space<semaphore_mem>>)
    %dma_start3A_84 = arith.constant 8 : i32
    %dma_start3A_85 = arith.constant 560 : i32
    %dma_start3A_86 = arith.constant 0 : i32
    %dma_start3A_87 = tpu.memref_slice %arg8[%dma_start3A_85, %dma_start3A_86] : memref<1120x32xf32, #tpu.memory_space<vmem>> -> memref<70x32xf32, #tpu.memory_space<vmem>>
    %dma_start3A_88 = arith.constant 0 : i32
    %dma_start3A_89 = tpu.memref_slice %arg6[%dma_start3A_84, %dma_start3A_88] : memref<16x70xi32, #tpu.memory_space<vmem>> -> memref<1x70xi32, #tpu.memory_space<vmem>>
    %dma_start3A_90 = tpu.memref_squeeze %dma_start3A_89 : memref<1x70xi32, #tpu.memory_space<vmem>> -> memref<70xi32, #tpu.memory_space<vmem>>
    %dma_start3A_91 = arith.constant 0 : i32
    %dma_start3A_92 = arith.constant 0 : i32
    %dma_start3A_93 = tpu.memref_slice %arg4[%dma_start3A_91, %dma_start3A_92] : memref<1000000x32xf32, #tpu.memory_space<hbm>> -> memref<1000000x32xf32, #tpu.memory_space<hbm>>
    tpu.enqueue_indirect_dma source(%dma_start3A_93 : memref<1000000x32xf32, #tpu.memory_space<hbm>>) target(%dma_start3A_87 : memref<70x32xf32, #tpu.memory_space<vmem>>) offsets(%dma_start3A_90 : memref<70xi32, #tpu.memory_space<vmem>>) semaphore(%arg13 : memref<!tpu.dma_semaphore, #tpu.memory_space<semaphore_mem>>)
    %dma_start3A_94 = arith.constant 9 : i32
    %dma_start3A_95 = arith.constant 630 : i32
    %dma_start3A_96 = arith.constant 0 : i32
    %dma_start3A_97 = tpu.memref_slice %arg8[%dma_start3A_95, %dma_start3A_96] : memref<1120x32xf32, #tpu.memory_space<vmem>> -> memref<70x32xf32, #tpu.memory_space<vmem>>
    %dma_start3A_98 = arith.constant 0 : i32
    %dma_start3A_99 = tpu.memref_slice %arg6[%dma_start3A_94, %dma_start3A_98] : memref<16x70xi32, #tpu.memory_space<vmem>> -> memref<1x70xi32, #tpu.memory_space<vmem>>
    %dma_start3A_100 = tpu.memref_squeeze %dma_start3A_99 : memref<1x70xi32, #tpu.memory_space<vmem>> -> memref<70xi32, #tpu.memory_space<vmem>>
    %dma_start3A_101 = arith.constant 0 : i32
    %dma_start3A_102 = arith.constant 0 : i32
    %dma_start3A_103 = tpu.memref_slice %arg4[%dma_start3A_101, %dma_start3A_102] : memref<1000000x32xf32, #tpu.memory_space<hbm>> -> memref<1000000x32xf32, #tpu.memory_space<hbm>>
    tpu.enqueue_indirect_dma source(%dma_start3A_103 : memref<1000000x32xf32, #tpu.memory_space<hbm>>) target(%dma_start3A_97 : memref<70x32xf32, #tpu.memory_space<vmem>>) offsets(%dma_start3A_100 : memref<70xi32, #tpu.memory_space<vmem>>) semaphore(%arg13 : memref<!tpu.dma_semaphore, #tpu.memory_space<semaphore_mem>>)
    %dma_start3A_104 = arith.constant 10 : i32
    %dma_start3A_105 = arith.constant 700 : i32
    %dma_start3A_106 = arith.constant 0 : i32
    %dma_start3A_107 = tpu.memref_slice %arg8[%dma_start3A_105, %dma_start3A_106] : memref<1120x32xf32, #tpu.memory_space<vmem>> -> memref<70x32xf32, #tpu.memory_space<vmem>>
    %dma_start3A_108 = arith.constant 0 : i32
    %dma_start3A_109 = tpu.memref_slice %arg6[%dma_start3A_104, %dma_start3A_108] : memref<16x70xi32, #tpu.memory_space<vmem>> -> memref<1x70xi32, #tpu.memory_space<vmem>>
    %dma_start3A_110 = tpu.memref_squeeze %dma_start3A_109 : memref<1x70xi32, #tpu.memory_space<vmem>> -> memref<70xi32, #tpu.memory_space<vmem>>
    %dma_start3A_111 = arith.constant 0 : i32
    %dma_start3A_112 = arith.constant 0 : i32
    %dma_start3A_113 = tpu.memref_slice %arg4[%dma_start3A_111, %dma_start3A_112] : memref<1000000x32xf32, #tpu.memory_space<hbm>> -> memref<1000000x32xf32, #tpu.memory_space<hbm>>
    tpu.enqueue_indirect_dma source(%dma_start3A_113 : memref<1000000x32xf32, #tpu.memory_space<hbm>>) target(%dma_start3A_107 : memref<70x32xf32, #tpu.memory_space<vmem>>) offsets(%dma_start3A_110 : memref<70xi32, #tpu.memory_space<vmem>>) semaphore(%arg13 : memref<!tpu.dma_semaphore, #tpu.memory_space<semaphore_mem>>)
    %dma_start3A_114 = arith.constant 11 : i32
    %dma_start3A_115 = arith.constant 770 : i32
    %dma_start3A_116 = arith.constant 0 : i32
    %dma_start3A_117 = tpu.memref_slice %arg8[%dma_start3A_115, %dma_start3A_116] : memref<1120x32xf32, #tpu.memory_space<vmem>> -> memref<70x32xf32, #tpu.memory_space<vmem>>
    %dma_start3A_118 = arith.constant 0 : i32
    %dma_start3A_119 = tpu.memref_slice %arg6[%dma_start3A_114, %dma_start3A_118] : memref<16x70xi32, #tpu.memory_space<vmem>> -> memref<1x70xi32, #tpu.memory_space<vmem>>
    %dma_start3A_120 = tpu.memref_squeeze %dma_start3A_119 : memref<1x70xi32, #tpu.memory_space<vmem>> -> memref<70xi32, #tpu.memory_space<vmem>>
    %dma_start3A_121 = arith.constant 0 : i32
    %dma_start3A_122 = arith.constant 0 : i32
    %dma_start3A_123 = tpu.memref_slice %arg4[%dma_start3A_121, %dma_start3A_122] : memref<1000000x32xf32, #tpu.memory_space<hbm>> -> memref<1000000x32xf32, #tpu.memory_space<hbm>>
    tpu.enqueue_indirect_dma source(%dma_start3A_123 : memref<1000000x32xf32, #tpu.memory_space<hbm>>) target(%dma_start3A_117 : memref<70x32xf32, #tpu.memory_space<vmem>>) offsets(%dma_start3A_120 : memref<70xi32, #tpu.memory_space<vmem>>) semaphore(%arg13 : memref<!tpu.dma_semaphore, #tpu.memory_space<semaphore_mem>>)
    %dma_start3A_124 = arith.constant 12 : i32
    %dma_start3A_125 = arith.constant 840 : i32
    %dma_start3A_126 = arith.constant 0 : i32
    %dma_start3A_127 = tpu.memref_slice %arg8[%dma_start3A_125, %dma_start3A_126] : memref<1120x32xf32, #tpu.memory_space<vmem>> -> memref<70x32xf32, #tpu.memory_space<vmem>>
    %dma_start3A_128 = arith.constant 0 : i32
    %dma_start3A_129 = tpu.memref_slice %arg6[%dma_start3A_124, %dma_start3A_128] : memref<16x70xi32, #tpu.memory_space<vmem>> -> memref<1x70xi32, #tpu.memory_space<vmem>>
    %dma_start3A_130 = tpu.memref_squeeze %dma_start3A_129 : memref<1x70xi32, #tpu.memory_space<vmem>> -> memref<70xi32, #tpu.memory_space<vmem>>
    %dma_start3A_131 = arith.constant 0 : i32
    %dma_start3A_132 = arith.constant 0 : i32
    %dma_start3A_133 = tpu.memref_slice %arg4[%dma_start3A_131, %dma_start3A_132] : memref<1000000x32xf32, #tpu.memory_space<hbm>> -> memref<1000000x32xf32, #tpu.memory_space<hbm>>
    tpu.enqueue_indirect_dma source(%dma_start3A_133 : memref<1000000x32xf32, #tpu.memory_space<hbm>>) target(%dma_start3A_127 : memref<70x32xf32, #tpu.memory_space<vmem>>) offsets(%dma_start3A_130 : memref<70xi32, #tpu.memory_space<vmem>>) semaphore(%arg13 : memref<!tpu.dma_semaphore, #tpu.memory_space<semaphore_mem>>)
    %dma_start3A_134 = arith.constant 13 : i32
    %dma_start3A_135 = arith.constant 910 : i32
    %dma_start3A_136 = arith.constant 0 : i32
    %dma_start3A_137 = tpu.memref_slice %arg8[%dma_start3A_135, %dma_start3A_136] : memref<1120x32xf32, #tpu.memory_space<vmem>> -> memref<70x32xf32, #tpu.memory_space<vmem>>
    %dma_start3A_138 = arith.constant 0 : i32
    %dma_start3A_139 = tpu.memref_slice %arg6[%dma_start3A_134, %dma_start3A_138] : memref<16x70xi32, #tpu.memory_space<vmem>> -> memref<1x70xi32, #tpu.memory_space<vmem>>
    %dma_start3A_140 = tpu.memref_squeeze %dma_start3A_139 : memref<1x70xi32, #tpu.memory_space<vmem>> -> memref<70xi32, #tpu.memory_space<vmem>>
    %dma_start3A_141 = arith.constant 0 : i32
    %dma_start3A_142 = arith.constant 0 : i32
    %dma_start3A_143 = tpu.memref_slice %arg4[%dma_start3A_141, %dma_start3A_142] : memref<1000000x32xf32, #tpu.memory_space<hbm>> -> memref<1000000x32xf32, #tpu.memory_space<hbm>>
    tpu.enqueue_indirect_dma source(%dma_start3A_143 : memref<1000000x32xf32, #tpu.memory_space<hbm>>) target(%dma_start3A_137 : memref<70x32xf32, #tpu.memory_space<vmem>>) offsets(%dma_start3A_140 : memref<70xi32, #tpu.memory_space<vmem>>) semaphore(%arg13 : memref<!tpu.dma_semaphore, #tpu.memory_space<semaphore_mem>>)
    %dma_start3A_144 = arith.constant 14 : i32
    %dma_start3A_145 = arith.constant 980 : i32
    %dma_start3A_146 = arith.constant 0 : i32
    %dma_start3A_147 = tpu.memref_slice %arg8[%dma_start3A_145, %dma_start3A_146] : memref<1120x32xf32, #tpu.memory_space<vmem>> -> memref<70x32xf32, #tpu.memory_space<vmem>>
    %dma_start3A_148 = arith.constant 0 : i32
    %dma_start3A_149 = tpu.memref_slice %arg6[%dma_start3A_144, %dma_start3A_148] : memref<16x70xi32, #tpu.memory_space<vmem>> -> memref<1x70xi32, #tpu.memory_space<vmem>>
    %dma_start3A_150 = tpu.memref_squeeze %dma_start3A_149 : memref<1x70xi32, #tpu.memory_space<vmem>> -> memref<70xi32, #tpu.memory_space<vmem>>
    %dma_start3A_151 = arith.constant 0 : i32
    %dma_start3A_152 = arith.constant 0 : i32
    %dma_start3A_153 = tpu.memref_slice %arg4[%dma_start3A_151, %dma_start3A_152] : memref<1000000x32xf32, #tpu.memory_space<hbm>> -> memref<1000000x32xf32, #tpu.memory_space<hbm>>
    tpu.enqueue_indirect_dma source(%dma_start3A_153 : memref<1000000x32xf32, #tpu.memory_space<hbm>>) target(%dma_start3A_147 : memref<70x32xf32, #tpu.memory_space<vmem>>) offsets(%dma_start3A_150 : memref<70xi32, #tpu.memory_space<vmem>>) semaphore(%arg13 : memref<!tpu.dma_semaphore, #tpu.memory_space<semaphore_mem>>)
    %dma_start3A_154 = arith.constant 15 : i32
    %dma_start3A_155 = arith.constant 1050 : i32
    %dma_start3A_156 = arith.constant 0 : i32
    %dma_start3A_157 = tpu.memref_slice %arg8[%dma_start3A_155, %dma_start3A_156] : memref<1120x32xf32, #tpu.memory_space<vmem>> -> memref<70x32xf32, #tpu.memory_space<vmem>>
    %dma_start3A_158 = arith.constant 0 : i32
    %dma_start3A_159 = tpu.memref_slice %arg6[%dma_start3A_154, %dma_start3A_158] : memref<16x70xi32, #tpu.memory_space<vmem>> -> memref<1x70xi32, #tpu.memory_space<vmem>>
    %dma_start3A_160 = tpu.memref_squeeze %dma_start3A_159 : memref<1x70xi32, #tpu.memory_space<vmem>> -> memref<70xi32, #tpu.memory_space<vmem>>
    %dma_start3A_161 = arith.constant 0 : i32
    %dma_start3A_162 = arith.constant 0 : i32
    %dma_start3A_163 = tpu.memref_slice %arg4[%dma_start3A_161, %dma_start3A_162] : memref<1000000x32xf32, #tpu.memory_space<hbm>> -> memref<1000000x32xf32, #tpu.memory_space<hbm>>
    tpu.enqueue_indirect_dma source(%dma_start3A_163 : memref<1000000x32xf32, #tpu.memory_space<hbm>>) target(%dma_start3A_157 : memref<70x32xf32, #tpu.memory_space<vmem>>) offsets(%dma_start3A_160 : memref<70xi32, #tpu.memory_space<vmem>>) semaphore(%arg13 : memref<!tpu.dma_semaphore, #tpu.memory_space<semaphore_mem>>)
    %scan3A = arith.constant 0 : i32
    %scan3A_164 = arith.constant 0 : i32
    %scan3A_165 = arith.constant 16 : i32
    %scan3A_166 = arith.addi %scan3A_164, %scan3A_165 : i32
    %scan3A_167 = arith.constant 1 : i32
    %scan3A_168 = scf.for %scan3A_170 = %scan3A_164 to %scan3A_166 step %scan3A_167 iter_args(%scan3A_171 = %scan3A) -> (i32)  : i32 {
      %mul3A_172 = arith.constant 2 : i32
      %mul3A_173 = arith.muli %mul3A_172, %scan3A_170 : i32
      %add3A_174 = arith.constant 1 : i32
      %add3A_175 = arith.addi %mul3A_173, %add3A_174 : i32
      %mul3A_176 = arith.constant 16 : i32
      %mul3A_177 = arith.muli %add3A_175, %mul3A_176 : i32
      %add3A_178 = arith.addi %mul3A_2, %mul3A_177 : i32
      "tpu.region"() ({
        %run_scoped3A = tpu.sem_alloc : memref<!tpu.dma_semaphore, #tpu.memory_space<semaphore_mem>>
        %dma_start3A_692 = arith.constant 0 : i32
        %dma_start3A_693 = tpu.memref_slice %arg2[%add3A_178, %dma_start3A_692] : memref<16384x70xi32, #tpu.memory_space<hbm>> -> memref<16x70xi32, #tpu.memory_space<hbm>>
        %dma_start3A_694 = arith.constant 0 : i32
        %dma_start3A_695 = tpu.memref_slice %arg2[%add3A_178, %dma_start3A_694] : memref<16384x70xi32, #tpu.memory_space<hbm>> -> memref<16x70xi32, #tpu.memory_space<hbm>>
        tpu.enqueue_dma source(%dma_start3A_695 : memref<16x70xi32, #tpu.memory_space<hbm>>) target(%arg9 : memref<16x70xi32, #tpu.memory_space<vmem>>) target_semaphore(%run_scoped3A : memref<!tpu.dma_semaphore, #tpu.memory_space<semaphore_mem>>)
        %dma_wait3A_696 = arith.constant 0 : i32
        %dma_wait3A_697 = tpu.memref_slice %arg2[%add3A_178, %dma_wait3A_696] : memref<16384x70xi32, #tpu.memory_space<hbm>> -> memref<16x70xi32, #tpu.memory_space<hbm>>
        %dma_wait3A_698 = arith.constant 0 : i32
        %dma_wait3A_699 = tpu.memref_slice %arg2[%add3A_178, %dma_wait3A_698] : memref<16384x70xi32, #tpu.memory_space<hbm>> -> memref<16x70xi32, #tpu.memory_space<hbm>>
        tpu.wait_dma2 semaphore(%run_scoped3A : memref<!tpu.dma_semaphore, #tpu.memory_space<semaphore_mem>>) src(%dma_wait3A_699 : memref<16x70xi32, #tpu.memory_space<hbm>>) dst(%arg9 : memref<16x70xi32, #tpu.memory_space<vmem>>)
        tpu.yield
      }) : () -> ()
      "tpu.region"() ({
        %run_scoped3A = tpu.sem_alloc : memref<!tpu.dma_semaphore, #tpu.memory_space<semaphore_mem>>
        %dma_start3A_692 = arith.constant 0 : i32
        %dma_start3A_693 = tpu.memref_slice %arg3[%add3A_178, %dma_start3A_692] : memref<16384x64xf32, #tpu.memory_space<hbm>> -> memref<16x64xf32, #tpu.memory_space<hbm>>
        %dma_start3A_694 = arith.constant 0 : i32
        %dma_start3A_695 = tpu.memref_slice %arg3[%add3A_178, %dma_start3A_694] : memref<16384x64xf32, #tpu.memory_space<hbm>> -> memref<16x64xf32, #tpu.memory_space<hbm>>
        tpu.enqueue_dma source(%dma_start3A_695 : memref<16x64xf32, #tpu.memory_space<hbm>>) target(%arg10 : memref<16x64xf32, #tpu.memory_space<vmem>>) target_semaphore(%run_scoped3A : memref<!tpu.dma_semaphore, #tpu.memory_space<semaphore_mem>>)
        %dma_wait3A_696 = arith.constant 0 : i32
        %dma_wait3A_697 = tpu.memref_slice %arg3[%add3A_178, %dma_wait3A_696] : memref<16384x64xf32, #tpu.memory_space<hbm>> -> memref<16x64xf32, #tpu.memory_space<hbm>>
        %dma_wait3A_698 = arith.constant 0 : i32
        %dma_wait3A_699 = tpu.memref_slice %arg3[%add3A_178, %dma_wait3A_698] : memref<16384x64xf32, #tpu.memory_space<hbm>> -> memref<16x64xf32, #tpu.memory_space<hbm>>
        tpu.wait_dma2 semaphore(%run_scoped3A : memref<!tpu.dma_semaphore, #tpu.memory_space<semaphore_mem>>) src(%dma_wait3A_699 : memref<16x64xf32, #tpu.memory_space<hbm>>) dst(%arg10 : memref<16x64xf32, #tpu.memory_space<vmem>>)
        tpu.yield
      }) : () -> ()
      %dma_start3A_179 = arith.constant 0 : i32
      %dma_start3A_180 = arith.constant 0 : i32
      %dma_start3A_181 = arith.constant 0 : i32
      %dma_start3A_182 = tpu.memref_slice %arg11[%dma_start3A_180, %dma_start3A_181] : memref<1120x32xf32, #tpu.memory_space<vmem>> -> memref<70x32xf32, #tpu.memory_space<vmem>>
      %dma_start3A_183 = arith.constant 0 : i32
      %dma_start3A_184 = tpu.memref_slice %arg9[%dma_start3A_179, %dma_start3A_183] : memref<16x70xi32, #tpu.memory_space<vmem>> -> memref<1x70xi32, #tpu.memory_space<vmem>>
      %dma_start3A_185 = tpu.memref_squeeze %dma_start3A_184 : memref<1x70xi32, #tpu.memory_space<vmem>> -> memref<70xi32, #tpu.memory_space<vmem>>
      %dma_start3A_186 = arith.constant 0 : i32
      %dma_start3A_187 = arith.constant 0 : i32
      %dma_start3A_188 = tpu.memref_slice %arg4[%dma_start3A_186, %dma_start3A_187] : memref<1000000x32xf32, #tpu.memory_space<hbm>> -> memref<1000000x32xf32, #tpu.memory_space<hbm>>
      tpu.enqueue_indirect_dma source(%dma_start3A_188 : memref<1000000x32xf32, #tpu.memory_space<hbm>>) target(%dma_start3A_182 : memref<70x32xf32, #tpu.memory_space<vmem>>) offsets(%dma_start3A_185 : memref<70xi32, #tpu.memory_space<vmem>>) semaphore(%arg14 : memref<!tpu.dma_semaphore, #tpu.memory_space<semaphore_mem>>)
      %dma_start3A_189 = arith.constant 1 : i32
      %dma_start3A_190 = arith.constant 70 : i32
      %dma_start3A_191 = arith.constant 0 : i32
      %dma_start3A_192 = tpu.memref_slice %arg11[%dma_start3A_190, %dma_start3A_191] : memref<1120x32xf32, #tpu.memory_space<vmem>> -> memref<70x32xf32, #tpu.memory_space<vmem>>
      %dma_start3A_193 = arith.constant 0 : i32
      %dma_start3A_194 = tpu.memref_slice %arg9[%dma_start3A_189, %dma_start3A_193] : memref<16x70xi32, #tpu.memory_space<vmem>> -> memref<1x70xi32, #tpu.memory_space<vmem>>
      %dma_start3A_195 = tpu.memref_squeeze %dma_start3A_194 : memref<1x70xi32, #tpu.memory_space<vmem>> -> memref<70xi32, #tpu.memory_space<vmem>>
      %dma_start3A_196 = arith.constant 0 : i32
      %dma_start3A_197 = arith.constant 0 : i32
      %dma_start3A_198 = tpu.memref_slice %arg4[%dma_start3A_196, %dma_start3A_197] : memref<1000000x32xf32, #tpu.memory_space<hbm>> -> memref<1000000x32xf32, #tpu.memory_space<hbm>>
      tpu.enqueue_indirect_dma source(%dma_start3A_198 : memref<1000000x32xf32, #tpu.memory_space<hbm>>) target(%dma_start3A_192 : memref<70x32xf32, #tpu.memory_space<vmem>>) offsets(%dma_start3A_195 : memref<70xi32, #tpu.memory_space<vmem>>) semaphore(%arg14 : memref<!tpu.dma_semaphore, #tpu.memory_space<semaphore_mem>>)
      %dma_start3A_199 = arith.constant 2 : i32
      %dma_start3A_200 = arith.constant 140 : i32
      %dma_start3A_201 = arith.constant 0 : i32
      %dma_start3A_202 = tpu.memref_slice %arg11[%dma_start3A_200, %dma_start3A_201] : memref<1120x32xf32, #tpu.memory_space<vmem>> -> memref<70x32xf32, #tpu.memory_space<vmem>>
      %dma_start3A_203 = arith.constant 0 : i32
      %dma_start3A_204 = tpu.memref_slice %arg9[%dma_start3A_199, %dma_start3A_203] : memref<16x70xi32, #tpu.memory_space<vmem>> -> memref<1x70xi32, #tpu.memory_space<vmem>>
      %dma_start3A_205 = tpu.memref_squeeze %dma_start3A_204 : memref<1x70xi32, #tpu.memory_space<vmem>> -> memref<70xi32, #tpu.memory_space<vmem>>
      %dma_start3A_206 = arith.constant 0 : i32
      %dma_start3A_207 = arith.constant 0 : i32
      %dma_start3A_208 = tpu.memref_slice %arg4[%dma_start3A_206, %dma_start3A_207] : memref<1000000x32xf32, #tpu.memory_space<hbm>> -> memref<1000000x32xf32, #tpu.memory_space<hbm>>
      tpu.enqueue_indirect_dma source(%dma_start3A_208 : memref<1000000x32xf32, #tpu.memory_space<hbm>>) target(%dma_start3A_202 : memref<70x32xf32, #tpu.memory_space<vmem>>) offsets(%dma_start3A_205 : memref<70xi32, #tpu.memory_space<vmem>>) semaphore(%arg14 : memref<!tpu.dma_semaphore, #tpu.memory_space<semaphore_mem>>)
      %dma_start3A_209 = arith.constant 3 : i32
      %dma_start3A_210 = arith.constant 210 : i32
      %dma_start3A_211 = arith.constant 0 : i32
      %dma_start3A_212 = tpu.memref_slice %arg11[%dma_start3A_210, %dma_start3A_211] : memref<1120x32xf32, #tpu.memory_space<vmem>> -> memref<70x32xf32, #tpu.memory_space<vmem>>
      %dma_start3A_213 = arith.constant 0 : i32
      %dma_start3A_214 = tpu.memref_slice %arg9[%dma_start3A_209, %dma_start3A_213] : memref<16x70xi32, #tpu.memory_space<vmem>> -> memref<1x70xi32, #tpu.memory_space<vmem>>
      %dma_start3A_215 = tpu.memref_squeeze %dma_start3A_214 : memref<1x70xi32, #tpu.memory_space<vmem>> -> memref<70xi32, #tpu.memory_space<vmem>>
      %dma_start3A_216 = arith.constant 0 : i32
      %dma_start3A_217 = arith.constant 0 : i32
      %dma_start3A_218 = tpu.memref_slice %arg4[%dma_start3A_216, %dma_start3A_217] : memref<1000000x32xf32, #tpu.memory_space<hbm>> -> memref<1000000x32xf32, #tpu.memory_space<hbm>>
      tpu.enqueue_indirect_dma source(%dma_start3A_218 : memref<1000000x32xf32, #tpu.memory_space<hbm>>) target(%dma_start3A_212 : memref<70x32xf32, #tpu.memory_space<vmem>>) offsets(%dma_start3A_215 : memref<70xi32, #tpu.memory_space<vmem>>) semaphore(%arg14 : memref<!tpu.dma_semaphore, #tpu.memory_space<semaphore_mem>>)
      %dma_start3A_219 = arith.constant 4 : i32
      %dma_start3A_220 = arith.constant 280 : i32
      %dma_start3A_221 = arith.constant 0 : i32
      %dma_start3A_222 = tpu.memref_slice %arg11[%dma_start3A_220, %dma_start3A_221] : memref<1120x32xf32, #tpu.memory_space<vmem>> -> memref<70x32xf32, #tpu.memory_space<vmem>>
      %dma_start3A_223 = arith.constant 0 : i32
      %dma_start3A_224 = tpu.memref_slice %arg9[%dma_start3A_219, %dma_start3A_223] : memref<16x70xi32, #tpu.memory_space<vmem>> -> memref<1x70xi32, #tpu.memory_space<vmem>>
      %dma_start3A_225 = tpu.memref_squeeze %dma_start3A_224 : memref<1x70xi32, #tpu.memory_space<vmem>> -> memref<70xi32, #tpu.memory_space<vmem>>
      %dma_start3A_226 = arith.constant 0 : i32
      %dma_start3A_227 = arith.constant 0 : i32
      %dma_start3A_228 = tpu.memref_slice %arg4[%dma_start3A_226, %dma_start3A_227] : memref<1000000x32xf32, #tpu.memory_space<hbm>> -> memref<1000000x32xf32, #tpu.memory_space<hbm>>
      tpu.enqueue_indirect_dma source(%dma_start3A_228 : memref<1000000x32xf32, #tpu.memory_space<hbm>>) target(%dma_start3A_222 : memref<70x32xf32, #tpu.memory_space<vmem>>) offsets(%dma_start3A_225 : memref<70xi32, #tpu.memory_space<vmem>>) semaphore(%arg14 : memref<!tpu.dma_semaphore, #tpu.memory_space<semaphore_mem>>)
      %dma_start3A_229 = arith.constant 5 : i32
      %dma_start3A_230 = arith.constant 350 : i32
      %dma_start3A_231 = arith.constant 0 : i32
      %dma_start3A_232 = tpu.memref_slice %arg11[%dma_start3A_230, %dma_start3A_231] : memref<1120x32xf32, #tpu.memory_space<vmem>> -> memref<70x32xf32, #tpu.memory_space<vmem>>
      %dma_start3A_233 = arith.constant 0 : i32
      %dma_start3A_234 = tpu.memref_slice %arg9[%dma_start3A_229, %dma_start3A_233] : memref<16x70xi32, #tpu.memory_space<vmem>> -> memref<1x70xi32, #tpu.memory_space<vmem>>
      %dma_start3A_235 = tpu.memref_squeeze %dma_start3A_234 : memref<1x70xi32, #tpu.memory_space<vmem>> -> memref<70xi32, #tpu.memory_space<vmem>>
      %dma_start3A_236 = arith.constant 0 : i32
      %dma_start3A_237 = arith.constant 0 : i32
      %dma_start3A_238 = tpu.memref_slice %arg4[%dma_start3A_236, %dma_start3A_237] : memref<1000000x32xf32, #tpu.memory_space<hbm>> -> memref<1000000x32xf32, #tpu.memory_space<hbm>>
      tpu.enqueue_indirect_dma source(%dma_start3A_238 : memref<1000000x32xf32, #tpu.memory_space<hbm>>) target(%dma_start3A_232 : memref<70x32xf32, #tpu.memory_space<vmem>>) offsets(%dma_start3A_235 : memref<70xi32, #tpu.memory_space<vmem>>) semaphore(%arg14 : memref<!tpu.dma_semaphore, #tpu.memory_space<semaphore_mem>>)
      %dma_start3A_239 = arith.constant 6 : i32
      %dma_start3A_240 = arith.constant 420 : i32
      %dma_start3A_241 = arith.constant 0 : i32
      %dma_start3A_242 = tpu.memref_slice %arg11[%dma_start3A_240, %dma_start3A_241] : memref<1120x32xf32, #tpu.memory_space<vmem>> -> memref<70x32xf32, #tpu.memory_space<vmem>>
      %dma_start3A_243 = arith.constant 0 : i32
      %dma_start3A_244 = tpu.memref_slice %arg9[%dma_start3A_239, %dma_start3A_243] : memref<16x70xi32, #tpu.memory_space<vmem>> -> memref<1x70xi32, #tpu.memory_space<vmem>>
      %dma_start3A_245 = tpu.memref_squeeze %dma_start3A_244 : memref<1x70xi32, #tpu.memory_space<vmem>> -> memref<70xi32, #tpu.memory_space<vmem>>
      %dma_start3A_246 = arith.constant 0 : i32
      %dma_start3A_247 = arith.constant 0 : i32
      %dma_start3A_248 = tpu.memref_slice %arg4[%dma_start3A_246, %dma_start3A_247] : memref<1000000x32xf32, #tpu.memory_space<hbm>> -> memref<1000000x32xf32, #tpu.memory_space<hbm>>
      tpu.enqueue_indirect_dma source(%dma_start3A_248 : memref<1000000x32xf32, #tpu.memory_space<hbm>>) target(%dma_start3A_242 : memref<70x32xf32, #tpu.memory_space<vmem>>) offsets(%dma_start3A_245 : memref<70xi32, #tpu.memory_space<vmem>>) semaphore(%arg14 : memref<!tpu.dma_semaphore, #tpu.memory_space<semaphore_mem>>)
      %dma_start3A_249 = arith.constant 7 : i32
      %dma_start3A_250 = arith.constant 490 : i32
      %dma_start3A_251 = arith.constant 0 : i32
      %dma_start3A_252 = tpu.memref_slice %arg11[%dma_start3A_250, %dma_start3A_251] : memref<1120x32xf32, #tpu.memory_space<vmem>> -> memref<70x32xf32, #tpu.memory_space<vmem>>
      %dma_start3A_253 = arith.constant 0 : i32
      %dma_start3A_254 = tpu.memref_slice %arg9[%dma_start3A_249, %dma_start3A_253] : memref<16x70xi32, #tpu.memory_space<vmem>> -> memref<1x70xi32, #tpu.memory_space<vmem>>
      %dma_start3A_255 = tpu.memref_squeeze %dma_start3A_254 : memref<1x70xi32, #tpu.memory_space<vmem>> -> memref<70xi32, #tpu.memory_space<vmem>>
      %dma_start3A_256 = arith.constant 0 : i32
      %dma_start3A_257 = arith.constant 0 : i32
      %dma_start3A_258 = tpu.memref_slice %arg4[%dma_start3A_256, %dma_start3A_257] : memref<1000000x32xf32, #tpu.memory_space<hbm>> -> memref<1000000x32xf32, #tpu.memory_space<hbm>>
      tpu.enqueue_indirect_dma source(%dma_start3A_258 : memref<1000000x32xf32, #tpu.memory_space<hbm>>) target(%dma_start3A_252 : memref<70x32xf32, #tpu.memory_space<vmem>>) offsets(%dma_start3A_255 : memref<70xi32, #tpu.memory_space<vmem>>) semaphore(%arg14 : memref<!tpu.dma_semaphore, #tpu.memory_space<semaphore_mem>>)
      %dma_start3A_259 = arith.constant 8 : i32
      %dma_start3A_260 = arith.constant 560 : i32
      %dma_start3A_261 = arith.constant 0 : i32
      %dma_start3A_262 = tpu.memref_slice %arg11[%dma_start3A_260, %dma_start3A_261] : memref<1120x32xf32, #tpu.memory_space<vmem>> -> memref<70x32xf32, #tpu.memory_space<vmem>>
      %dma_start3A_263 = arith.constant 0 : i32
      %dma_start3A_264 = tpu.memref_slice %arg9[%dma_start3A_259, %dma_start3A_263] : memref<16x70xi32, #tpu.memory_space<vmem>> -> memref<1x70xi32, #tpu.memory_space<vmem>>
      %dma_start3A_265 = tpu.memref_squeeze %dma_start3A_264 : memref<1x70xi32, #tpu.memory_space<vmem>> -> memref<70xi32, #tpu.memory_space<vmem>>
      %dma_start3A_266 = arith.constant 0 : i32
      %dma_start3A_267 = arith.constant 0 : i32
      %dma_start3A_268 = tpu.memref_slice %arg4[%dma_start3A_266, %dma_start3A_267] : memref<1000000x32xf32, #tpu.memory_space<hbm>> -> memref<1000000x32xf32, #tpu.memory_space<hbm>>
      tpu.enqueue_indirect_dma source(%dma_start3A_268 : memref<1000000x32xf32, #tpu.memory_space<hbm>>) target(%dma_start3A_262 : memref<70x32xf32, #tpu.memory_space<vmem>>) offsets(%dma_start3A_265 : memref<70xi32, #tpu.memory_space<vmem>>) semaphore(%arg14 : memref<!tpu.dma_semaphore, #tpu.memory_space<semaphore_mem>>)
      %dma_start3A_269 = arith.constant 9 : i32
      %dma_start3A_270 = arith.constant 630 : i32
      %dma_start3A_271 = arith.constant 0 : i32
      %dma_start3A_272 = tpu.memref_slice %arg11[%dma_start3A_270, %dma_start3A_271] : memref<1120x32xf32, #tpu.memory_space<vmem>> -> memref<70x32xf32, #tpu.memory_space<vmem>>
      %dma_start3A_273 = arith.constant 0 : i32
      %dma_start3A_274 = tpu.memref_slice %arg9[%dma_start3A_269, %dma_start3A_273] : memref<16x70xi32, #tpu.memory_space<vmem>> -> memref<1x70xi32, #tpu.memory_space<vmem>>
      %dma_start3A_275 = tpu.memref_squeeze %dma_start3A_274 : memref<1x70xi32, #tpu.memory_space<vmem>> -> memref<70xi32, #tpu.memory_space<vmem>>
      %dma_start3A_276 = arith.constant 0 : i32
      %dma_start3A_277 = arith.constant 0 : i32
      %dma_start3A_278 = tpu.memref_slice %arg4[%dma_start3A_276, %dma_start3A_277] : memref<1000000x32xf32, #tpu.memory_space<hbm>> -> memref<1000000x32xf32, #tpu.memory_space<hbm>>
      tpu.enqueue_indirect_dma source(%dma_start3A_278 : memref<1000000x32xf32, #tpu.memory_space<hbm>>) target(%dma_start3A_272 : memref<70x32xf32, #tpu.memory_space<vmem>>) offsets(%dma_start3A_275 : memref<70xi32, #tpu.memory_space<vmem>>) semaphore(%arg14 : memref<!tpu.dma_semaphore, #tpu.memory_space<semaphore_mem>>)
      %dma_start3A_279 = arith.constant 10 : i32
      %dma_start3A_280 = arith.constant 700 : i32
      %dma_start3A_281 = arith.constant 0 : i32
      %dma_start3A_282 = tpu.memref_slice %arg11[%dma_start3A_280, %dma_start3A_281] : memref<1120x32xf32, #tpu.memory_space<vmem>> -> memref<70x32xf32, #tpu.memory_space<vmem>>
      %dma_start3A_283 = arith.constant 0 : i32
      %dma_start3A_284 = tpu.memref_slice %arg9[%dma_start3A_279, %dma_start3A_283] : memref<16x70xi32, #tpu.memory_space<vmem>> -> memref<1x70xi32, #tpu.memory_space<vmem>>
      %dma_start3A_285 = tpu.memref_squeeze %dma_start3A_284 : memref<1x70xi32, #tpu.memory_space<vmem>> -> memref<70xi32, #tpu.memory_space<vmem>>
      %dma_start3A_286 = arith.constant 0 : i32
      %dma_start3A_287 = arith.constant 0 : i32
      %dma_start3A_288 = tpu.memref_slice %arg4[%dma_start3A_286, %dma_start3A_287] : memref<1000000x32xf32, #tpu.memory_space<hbm>> -> memref<1000000x32xf32, #tpu.memory_space<hbm>>
      tpu.enqueue_indirect_dma source(%dma_start3A_288 : memref<1000000x32xf32, #tpu.memory_space<hbm>>) target(%dma_start3A_282 : memref<70x32xf32, #tpu.memory_space<vmem>>) offsets(%dma_start3A_285 : memref<70xi32, #tpu.memory_space<vmem>>) semaphore(%arg14 : memref<!tpu.dma_semaphore, #tpu.memory_space<semaphore_mem>>)
      %dma_start3A_289 = arith.constant 11 : i32
      %dma_start3A_290 = arith.constant 770 : i32
      %dma_start3A_291 = arith.constant 0 : i32
      %dma_start3A_292 = tpu.memref_slice %arg11[%dma_start3A_290, %dma_start3A_291] : memref<1120x32xf32, #tpu.memory_space<vmem>> -> memref<70x32xf32, #tpu.memory_space<vmem>>
      %dma_start3A_293 = arith.constant 0 : i32
      %dma_start3A_294 = tpu.memref_slice %arg9[%dma_start3A_289, %dma_start3A_293] : memref<16x70xi32, #tpu.memory_space<vmem>> -> memref<1x70xi32, #tpu.memory_space<vmem>>
      %dma_start3A_295 = tpu.memref_squeeze %dma_start3A_294 : memref<1x70xi32, #tpu.memory_space<vmem>> -> memref<70xi32, #tpu.memory_space<vmem>>
      %dma_start3A_296 = arith.constant 0 : i32
      %dma_start3A_297 = arith.constant 0 : i32
      %dma_start3A_298 = tpu.memref_slice %arg4[%dma_start3A_296, %dma_start3A_297] : memref<1000000x32xf32, #tpu.memory_space<hbm>> -> memref<1000000x32xf32, #tpu.memory_space<hbm>>
      tpu.enqueue_indirect_dma source(%dma_start3A_298 : memref<1000000x32xf32, #tpu.memory_space<hbm>>) target(%dma_start3A_292 : memref<70x32xf32, #tpu.memory_space<vmem>>) offsets(%dma_start3A_295 : memref<70xi32, #tpu.memory_space<vmem>>) semaphore(%arg14 : memref<!tpu.dma_semaphore, #tpu.memory_space<semaphore_mem>>)
      %dma_start3A_299 = arith.constant 12 : i32
      %dma_start3A_300 = arith.constant 840 : i32
      %dma_start3A_301 = arith.constant 0 : i32
      %dma_start3A_302 = tpu.memref_slice %arg11[%dma_start3A_300, %dma_start3A_301] : memref<1120x32xf32, #tpu.memory_space<vmem>> -> memref<70x32xf32, #tpu.memory_space<vmem>>
      %dma_start3A_303 = arith.constant 0 : i32
      %dma_start3A_304 = tpu.memref_slice %arg9[%dma_start3A_299, %dma_start3A_303] : memref<16x70xi32, #tpu.memory_space<vmem>> -> memref<1x70xi32, #tpu.memory_space<vmem>>
      %dma_start3A_305 = tpu.memref_squeeze %dma_start3A_304 : memref<1x70xi32, #tpu.memory_space<vmem>> -> memref<70xi32, #tpu.memory_space<vmem>>
      %dma_start3A_306 = arith.constant 0 : i32
      %dma_start3A_307 = arith.constant 0 : i32
      %dma_start3A_308 = tpu.memref_slice %arg4[%dma_start3A_306, %dma_start3A_307] : memref<1000000x32xf32, #tpu.memory_space<hbm>> -> memref<1000000x32xf32, #tpu.memory_space<hbm>>
      tpu.enqueue_indirect_dma source(%dma_start3A_308 : memref<1000000x32xf32, #tpu.memory_space<hbm>>) target(%dma_start3A_302 : memref<70x32xf32, #tpu.memory_space<vmem>>) offsets(%dma_start3A_305 : memref<70xi32, #tpu.memory_space<vmem>>) semaphore(%arg14 : memref<!tpu.dma_semaphore, #tpu.memory_space<semaphore_mem>>)
      %dma_start3A_309 = arith.constant 13 : i32
      %dma_start3A_310 = arith.constant 910 : i32
      %dma_start3A_311 = arith.constant 0 : i32
      %dma_start3A_312 = tpu.memref_slice %arg11[%dma_start3A_310, %dma_start3A_311] : memref<1120x32xf32, #tpu.memory_space<vmem>> -> memref<70x32xf32, #tpu.memory_space<vmem>>
      %dma_start3A_313 = arith.constant 0 : i32
      %dma_start3A_314 = tpu.memref_slice %arg9[%dma_start3A_309, %dma_start3A_313] : memref<16x70xi32, #tpu.memory_space<vmem>> -> memref<1x70xi32, #tpu.memory_space<vmem>>
      %dma_start3A_315 = tpu.memref_squeeze %dma_start3A_314 : memref<1x70xi32, #tpu.memory_space<vmem>> -> memref<70xi32, #tpu.memory_space<vmem>>
      %dma_start3A_316 = arith.constant 0 : i32
      %dma_start3A_317 = arith.constant 0 : i32
      %dma_start3A_318 = tpu.memref_slice %arg4[%dma_start3A_316, %dma_start3A_317] : memref<1000000x32xf32, #tpu.memory_space<hbm>> -> memref<1000000x32xf32, #tpu.memory_space<hbm>>
      tpu.enqueue_indirect_dma source(%dma_start3A_318 : memref<1000000x32xf32, #tpu.memory_space<hbm>>) target(%dma_start3A_312 : memref<70x32xf32, #tpu.memory_space<vmem>>) offsets(%dma_start3A_315 : memref<70xi32, #tpu.memory_space<vmem>>) semaphore(%arg14 : memref<!tpu.dma_semaphore, #tpu.memory_space<semaphore_mem>>)
      %dma_start3A_319 = arith.constant 14 : i32
      %dma_start3A_320 = arith.constant 980 : i32
      %dma_start3A_321 = arith.constant 0 : i32
      %dma_start3A_322 = tpu.memref_slice %arg11[%dma_start3A_320, %dma_start3A_321] : memref<1120x32xf32, #tpu.memory_space<vmem>> -> memref<70x32xf32, #tpu.memory_space<vmem>>
      %dma_start3A_323 = arith.constant 0 : i32
      %dma_start3A_324 = tpu.memref_slice %arg9[%dma_start3A_319, %dma_start3A_323] : memref<16x70xi32, #tpu.memory_space<vmem>> -> memref<1x70xi32, #tpu.memory_space<vmem>>
      %dma_start3A_325 = tpu.memref_squeeze %dma_start3A_324 : memref<1x70xi32, #tpu.memory_space<vmem>> -> memref<70xi32, #tpu.memory_space<vmem>>
      %dma_start3A_326 = arith.constant 0 : i32
      %dma_start3A_327 = arith.constant 0 : i32
      %dma_start3A_328 = tpu.memref_slice %arg4[%dma_start3A_326, %dma_start3A_327] : memref<1000000x32xf32, #tpu.memory_space<hbm>> -> memref<1000000x32xf32, #tpu.memory_space<hbm>>
      tpu.enqueue_indirect_dma source(%dma_start3A_328 : memref<1000000x32xf32, #tpu.memory_space<hbm>>) target(%dma_start3A_322 : memref<70x32xf32, #tpu.memory_space<vmem>>) offsets(%dma_start3A_325 : memref<70xi32, #tpu.memory_space<vmem>>) semaphore(%arg14 : memref<!tpu.dma_semaphore, #tpu.memory_space<semaphore_mem>>)
      %dma_start3A_329 = arith.constant 15 : i32
      %dma_start3A_330 = arith.constant 1050 : i32
      %dma_start3A_331 = arith.constant 0 : i32
      %dma_start3A_332 = tpu.memref_slice %arg11[%dma_start3A_330, %dma_start3A_331] : memref<1120x32xf32, #tpu.memory_space<vmem>> -> memref<70x32xf32, #tpu.memory_space<vmem>>
      %dma_start3A_333 = arith.constant 0 : i32
      %dma_start3A_334 = tpu.memref_slice %arg9[%dma_start3A_329, %dma_start3A_333] : memref<16x70xi32, #tpu.memory_space<vmem>> -> memref<1x70xi32, #tpu.memory_space<vmem>>
      %dma_start3A_335 = tpu.memref_squeeze %dma_start3A_334 : memref<1x70xi32, #tpu.memory_space<vmem>> -> memref<70xi32, #tpu.memory_space<vmem>>
      %dma_start3A_336 = arith.constant 0 : i32
      %dma_start3A_337 = arith.constant 0 : i32
      %dma_start3A_338 = tpu.memref_slice %arg4[%dma_start3A_336, %dma_start3A_337] : memref<1000000x32xf32, #tpu.memory_space<hbm>> -> memref<1000000x32xf32, #tpu.memory_space<hbm>>
      tpu.enqueue_indirect_dma source(%dma_start3A_338 : memref<1000000x32xf32, #tpu.memory_space<hbm>>) target(%dma_start3A_332 : memref<70x32xf32, #tpu.memory_space<vmem>>) offsets(%dma_start3A_335 : memref<70xi32, #tpu.memory_space<vmem>>) semaphore(%arg14 : memref<!tpu.dma_semaphore, #tpu.memory_space<semaphore_mem>>)
      %dma_wait3A = arith.constant 0 : i32
      %dma_wait3A_339 = arith.constant 0 : i32
      %dma_wait3A_340 = arith.constant 0 : i32
      %dma_wait3A_341 = tpu.memref_slice %arg8[%dma_wait3A_339, %dma_wait3A_340] : memref<1120x32xf32, #tpu.memory_space<vmem>> -> memref<70x32xf32, #tpu.memory_space<vmem>>
      %dma_wait3A_342 = arith.constant 0 : i32
      %dma_wait3A_343 = tpu.memref_slice %arg6[%dma_wait3A, %dma_wait3A_342] : memref<16x70xi32, #tpu.memory_space<vmem>> -> memref<1x70xi32, #tpu.memory_space<vmem>>
      %dma_wait3A_344 = tpu.memref_squeeze %dma_wait3A_343 : memref<1x70xi32, #tpu.memory_space<vmem>> -> memref<70xi32, #tpu.memory_space<vmem>>
      %dma_wait3A_345 = arith.constant 0 : i32
      %dma_wait3A_346 = arith.constant 0 : i32
      %dma_wait3A_347 = tpu.memref_slice %arg4[%dma_wait3A_345, %dma_wait3A_346] : memref<1000000x32xf32, #tpu.memory_space<hbm>> -> memref<1000000x32xf32, #tpu.memory_space<hbm>>
      tpu.wait_indirect_dma semaphore(%arg13 : memref<!tpu.dma_semaphore, #tpu.memory_space<semaphore_mem>>) src(%dma_wait3A_347 : memref<1000000x32xf32, #tpu.memory_space<hbm>>) dst(%dma_wait3A_341 : memref<70x32xf32, #tpu.memory_space<vmem>>)
      %dma_wait3A_348 = arith.constant 1 : i32
      %dma_wait3A_349 = arith.constant 70 : i32
      %dma_wait3A_350 = arith.constant 0 : i32
      %dma_wait3A_351 = tpu.memref_slice %arg8[%dma_wait3A_349, %dma_wait3A_350] : memref<1120x32xf32, #tpu.memory_space<vmem>> -> memref<70x32xf32, #tpu.memory_space<vmem>>
      %dma_wait3A_352 = arith.constant 0 : i32
      %dma_wait3A_353 = tpu.memref_slice %arg6[%dma_wait3A_348, %dma_wait3A_352] : memref<16x70xi32, #tpu.memory_space<vmem>> -> memref<1x70xi32, #tpu.memory_space<vmem>>
      %dma_wait3A_354 = tpu.memref_squeeze %dma_wait3A_353 : memref<1x70xi32, #tpu.memory_space<vmem>> -> memref<70xi32, #tpu.memory_space<vmem>>
      %dma_wait3A_355 = arith.constant 0 : i32
      %dma_wait3A_356 = arith.constant 0 : i32
      %dma_wait3A_357 = tpu.memref_slice %arg4[%dma_wait3A_355, %dma_wait3A_356] : memref<1000000x32xf32, #tpu.memory_space<hbm>> -> memref<1000000x32xf32, #tpu.memory_space<hbm>>
      tpu.wait_indirect_dma semaphore(%arg13 : memref<!tpu.dma_semaphore, #tpu.memory_space<semaphore_mem>>) src(%dma_wait3A_357 : memref<1000000x32xf32, #tpu.memory_space<hbm>>) dst(%dma_wait3A_351 : memref<70x32xf32, #tpu.memory_space<vmem>>)
      %dma_wait3A_358 = arith.constant 2 : i32
      %dma_wait3A_359 = arith.constant 140 : i32
      %dma_wait3A_360 = arith.constant 0 : i32
      %dma_wait3A_361 = tpu.memref_slice %arg8[%dma_wait3A_359, %dma_wait3A_360] : memref<1120x32xf32, #tpu.memory_space<vmem>> -> memref<70x32xf32, #tpu.memory_space<vmem>>
      %dma_wait3A_362 = arith.constant 0 : i32
      %dma_wait3A_363 = tpu.memref_slice %arg6[%dma_wait3A_358, %dma_wait3A_362] : memref<16x70xi32, #tpu.memory_space<vmem>> -> memref<1x70xi32, #tpu.memory_space<vmem>>
      %dma_wait3A_364 = tpu.memref_squeeze %dma_wait3A_363 : memref<1x70xi32, #tpu.memory_space<vmem>> -> memref<70xi32, #tpu.memory_space<vmem>>
      %dma_wait3A_365 = arith.constant 0 : i32
      %dma_wait3A_366 = arith.constant 0 : i32
      %dma_wait3A_367 = tpu.memref_slice %arg4[%dma_wait3A_365, %dma_wait3A_366] : memref<1000000x32xf32, #tpu.memory_space<hbm>> -> memref<1000000x32xf32, #tpu.memory_space<hbm>>
      tpu.wait_indirect_dma semaphore(%arg13 : memref<!tpu.dma_semaphore, #tpu.memory_space<semaphore_mem>>) src(%dma_wait3A_367 : memref<1000000x32xf32, #tpu.memory_space<hbm>>) dst(%dma_wait3A_361 : memref<70x32xf32, #tpu.memory_space<vmem>>)
      %dma_wait3A_368 = arith.constant 3 : i32
      %dma_wait3A_369 = arith.constant 210 : i32
      %dma_wait3A_370 = arith.constant 0 : i32
      %dma_wait3A_371 = tpu.memref_slice %arg8[%dma_wait3A_369, %dma_wait3A_370] : memref<1120x32xf32, #tpu.memory_space<vmem>> -> memref<70x32xf32, #tpu.memory_space<vmem>>
      %dma_wait3A_372 = arith.constant 0 : i32
      %dma_wait3A_373 = tpu.memref_slice %arg6[%dma_wait3A_368, %dma_wait3A_372] : memref<16x70xi32, #tpu.memory_space<vmem>> -> memref<1x70xi32, #tpu.memory_space<vmem>>
      %dma_wait3A_374 = tpu.memref_squeeze %dma_wait3A_373 : memref<1x70xi32, #tpu.memory_space<vmem>> -> memref<70xi32, #tpu.memory_space<vmem>>
      %dma_wait3A_375 = arith.constant 0 : i32
      %dma_wait3A_376 = arith.constant 0 : i32
      %dma_wait3A_377 = tpu.memref_slice %arg4[%dma_wait3A_375, %dma_wait3A_376] : memref<1000000x32xf32, #tpu.memory_space<hbm>> -> memref<1000000x32xf32, #tpu.memory_space<hbm>>
      tpu.wait_indirect_dma semaphore(%arg13 : memref<!tpu.dma_semaphore, #tpu.memory_space<semaphore_mem>>) src(%dma_wait3A_377 : memref<1000000x32xf32, #tpu.memory_space<hbm>>) dst(%dma_wait3A_371 : memref<70x32xf32, #tpu.memory_space<vmem>>)
      %dma_wait3A_378 = arith.constant 4 : i32
      %dma_wait3A_379 = arith.constant 280 : i32
      %dma_wait3A_380 = arith.constant 0 : i32
      %dma_wait3A_381 = tpu.memref_slice %arg8[%dma_wait3A_379, %dma_wait3A_380] : memref<1120x32xf32, #tpu.memory_space<vmem>> -> memref<70x32xf32, #tpu.memory_space<vmem>>
      %dma_wait3A_382 = arith.constant 0 : i32
      %dma_wait3A_383 = tpu.memref_slice %arg6[%dma_wait3A_378, %dma_wait3A_382] : memref<16x70xi32, #tpu.memory_space<vmem>> -> memref<1x70xi32, #tpu.memory_space<vmem>>
      %dma_wait3A_384 = tpu.memref_squeeze %dma_wait3A_383 : memref<1x70xi32, #tpu.memory_space<vmem>> -> memref<70xi32, #tpu.memory_space<vmem>>
      %dma_wait3A_385 = arith.constant 0 : i32
      %dma_wait3A_386 = arith.constant 0 : i32
      %dma_wait3A_387 = tpu.memref_slice %arg4[%dma_wait3A_385, %dma_wait3A_386] : memref<1000000x32xf32, #tpu.memory_space<hbm>> -> memref<1000000x32xf32, #tpu.memory_space<hbm>>
      tpu.wait_indirect_dma semaphore(%arg13 : memref<!tpu.dma_semaphore, #tpu.memory_space<semaphore_mem>>) src(%dma_wait3A_387 : memref<1000000x32xf32, #tpu.memory_space<hbm>>) dst(%dma_wait3A_381 : memref<70x32xf32, #tpu.memory_space<vmem>>)
      %dma_wait3A_388 = arith.constant 5 : i32
      %dma_wait3A_389 = arith.constant 350 : i32
      %dma_wait3A_390 = arith.constant 0 : i32
      %dma_wait3A_391 = tpu.memref_slice %arg8[%dma_wait3A_389, %dma_wait3A_390] : memref<1120x32xf32, #tpu.memory_space<vmem>> -> memref<70x32xf32, #tpu.memory_space<vmem>>
      %dma_wait3A_392 = arith.constant 0 : i32
      %dma_wait3A_393 = tpu.memref_slice %arg6[%dma_wait3A_388, %dma_wait3A_392] : memref<16x70xi32, #tpu.memory_space<vmem>> -> memref<1x70xi32, #tpu.memory_space<vmem>>
      %dma_wait3A_394 = tpu.memref_squeeze %dma_wait3A_393 : memref<1x70xi32, #tpu.memory_space<vmem>> -> memref<70xi32, #tpu.memory_space<vmem>>
      %dma_wait3A_395 = arith.constant 0 : i32
      %dma_wait3A_396 = arith.constant 0 : i32
      %dma_wait3A_397 = tpu.memref_slice %arg4[%dma_wait3A_395, %dma_wait3A_396] : memref<1000000x32xf32, #tpu.memory_space<hbm>> -> memref<1000000x32xf32, #tpu.memory_space<hbm>>
      tpu.wait_indirect_dma semaphore(%arg13 : memref<!tpu.dma_semaphore, #tpu.memory_space<semaphore_mem>>) src(%dma_wait3A_397 : memref<1000000x32xf32, #tpu.memory_space<hbm>>) dst(%dma_wait3A_391 : memref<70x32xf32, #tpu.memory_space<vmem>>)
      %dma_wait3A_398 = arith.constant 6 : i32
      %dma_wait3A_399 = arith.constant 420 : i32
      %dma_wait3A_400 = arith.constant 0 : i32
      %dma_wait3A_401 = tpu.memref_slice %arg8[%dma_wait3A_399, %dma_wait3A_400] : memref<1120x32xf32, #tpu.memory_space<vmem>> -> memref<70x32xf32, #tpu.memory_space<vmem>>
      %dma_wait3A_402 = arith.constant 0 : i32
      %dma_wait3A_403 = tpu.memref_slice %arg6[%dma_wait3A_398, %dma_wait3A_402] : memref<16x70xi32, #tpu.memory_space<vmem>> -> memref<1x70xi32, #tpu.memory_space<vmem>>
      %dma_wait3A_404 = tpu.memref_squeeze %dma_wait3A_403 : memref<1x70xi32, #tpu.memory_space<vmem>> -> memref<70xi32, #tpu.memory_space<vmem>>
      %dma_wait3A_405 = arith.constant 0 : i32
      %dma_wait3A_406 = arith.constant 0 : i32
      %dma_wait3A_407 = tpu.memref_slice %arg4[%dma_wait3A_405, %dma_wait3A_406] : memref<1000000x32xf32, #tpu.memory_space<hbm>> -> memref<1000000x32xf32, #tpu.memory_space<hbm>>
      tpu.wait_indirect_dma semaphore(%arg13 : memref<!tpu.dma_semaphore, #tpu.memory_space<semaphore_mem>>) src(%dma_wait3A_407 : memref<1000000x32xf32, #tpu.memory_space<hbm>>) dst(%dma_wait3A_401 : memref<70x32xf32, #tpu.memory_space<vmem>>)
      %dma_wait3A_408 = arith.constant 7 : i32
      %dma_wait3A_409 = arith.constant 490 : i32
      %dma_wait3A_410 = arith.constant 0 : i32
      %dma_wait3A_411 = tpu.memref_slice %arg8[%dma_wait3A_409, %dma_wait3A_410] : memref<1120x32xf32, #tpu.memory_space<vmem>> -> memref<70x32xf32, #tpu.memory_space<vmem>>
      %dma_wait3A_412 = arith.constant 0 : i32
      %dma_wait3A_413 = tpu.memref_slice %arg6[%dma_wait3A_408, %dma_wait3A_412] : memref<16x70xi32, #tpu.memory_space<vmem>> -> memref<1x70xi32, #tpu.memory_space<vmem>>
      %dma_wait3A_414 = tpu.memref_squeeze %dma_wait3A_413 : memref<1x70xi32, #tpu.memory_space<vmem>> -> memref<70xi32, #tpu.memory_space<vmem>>
      %dma_wait3A_415 = arith.constant 0 : i32
      %dma_wait3A_416 = arith.constant 0 : i32
      %dma_wait3A_417 = tpu.memref_slice %arg4[%dma_wait3A_415, %dma_wait3A_416] : memref<1000000x32xf32, #tpu.memory_space<hbm>> -> memref<1000000x32xf32, #tpu.memory_space<hbm>>
      tpu.wait_indirect_dma semaphore(%arg13 : memref<!tpu.dma_semaphore, #tpu.memory_space<semaphore_mem>>) src(%dma_wait3A_417 : memref<1000000x32xf32, #tpu.memory_space<hbm>>) dst(%dma_wait3A_411 : memref<70x32xf32, #tpu.memory_space<vmem>>)
      %dma_wait3A_418 = arith.constant 8 : i32
      %dma_wait3A_419 = arith.constant 560 : i32
      %dma_wait3A_420 = arith.constant 0 : i32
      %dma_wait3A_421 = tpu.memref_slice %arg8[%dma_wait3A_419, %dma_wait3A_420] : memref<1120x32xf32, #tpu.memory_space<vmem>> -> memref<70x32xf32, #tpu.memory_space<vmem>>
      %dma_wait3A_422 = arith.constant 0 : i32
      %dma_wait3A_423 = tpu.memref_slice %arg6[%dma_wait3A_418, %dma_wait3A_422] : memref<16x70xi32, #tpu.memory_space<vmem>> -> memref<1x70xi32, #tpu.memory_space<vmem>>
      %dma_wait3A_424 = tpu.memref_squeeze %dma_wait3A_423 : memref<1x70xi32, #tpu.memory_space<vmem>> -> memref<70xi32, #tpu.memory_space<vmem>>
      %dma_wait3A_425 = arith.constant 0 : i32
      %dma_wait3A_426 = arith.constant 0 : i32
      %dma_wait3A_427 = tpu.memref_slice %arg4[%dma_wait3A_425, %dma_wait3A_426] : memref<1000000x32xf32, #tpu.memory_space<hbm>> -> memref<1000000x32xf32, #tpu.memory_space<hbm>>
      tpu.wait_indirect_dma semaphore(%arg13 : memref<!tpu.dma_semaphore, #tpu.memory_space<semaphore_mem>>) src(%dma_wait3A_427 : memref<1000000x32xf32, #tpu.memory_space<hbm>>) dst(%dma_wait3A_421 : memref<70x32xf32, #tpu.memory_space<vmem>>)
      %dma_wait3A_428 = arith.constant 9 : i32
      %dma_wait3A_429 = arith.constant 630 : i32
      %dma_wait3A_430 = arith.constant 0 : i32
      %dma_wait3A_431 = tpu.memref_slice %arg8[%dma_wait3A_429, %dma_wait3A_430] : memref<1120x32xf32, #tpu.memory_space<vmem>> -> memref<70x32xf32, #tpu.memory_space<vmem>>
      %dma_wait3A_432 = arith.constant 0 : i32
      %dma_wait3A_433 = tpu.memref_slice %arg6[%dma_wait3A_428, %dma_wait3A_432] : memref<16x70xi32, #tpu.memory_space<vmem>> -> memref<1x70xi32, #tpu.memory_space<vmem>>
      %dma_wait3A_434 = tpu.memref_squeeze %dma_wait3A_433 : memref<1x70xi32, #tpu.memory_space<vmem>> -> memref<70xi32, #tpu.memory_space<vmem>>
      %dma_wait3A_435 = arith.constant 0 : i32
      %dma_wait3A_436 = arith.constant 0 : i32
      %dma_wait3A_437 = tpu.memref_slice %arg4[%dma_wait3A_435, %dma_wait3A_436] : memref<1000000x32xf32, #tpu.memory_space<hbm>> -> memref<1000000x32xf32, #tpu.memory_space<hbm>>
      tpu.wait_indirect_dma semaphore(%arg13 : memref<!tpu.dma_semaphore, #tpu.memory_space<semaphore_mem>>) src(%dma_wait3A_437 : memref<1000000x32xf32, #tpu.memory_space<hbm>>) dst(%dma_wait3A_431 : memref<70x32xf32, #tpu.memory_space<vmem>>)
      %dma_wait3A_438 = arith.constant 10 : i32
      %dma_wait3A_439 = arith.constant 700 : i32
      %dma_wait3A_440 = arith.constant 0 : i32
      %dma_wait3A_441 = tpu.memref_slice %arg8[%dma_wait3A_439, %dma_wait3A_440] : memref<1120x32xf32, #tpu.memory_space<vmem>> -> memref<70x32xf32, #tpu.memory_space<vmem>>
      %dma_wait3A_442 = arith.constant 0 : i32
      %dma_wait3A_443 = tpu.memref_slice %arg6[%dma_wait3A_438, %dma_wait3A_442] : memref<16x70xi32, #tpu.memory_space<vmem>> -> memref<1x70xi32, #tpu.memory_space<vmem>>
      %dma_wait3A_444 = tpu.memref_squeeze %dma_wait3A_443 : memref<1x70xi32, #tpu.memory_space<vmem>> -> memref<70xi32, #tpu.memory_space<vmem>>
      %dma_wait3A_445 = arith.constant 0 : i32
      %dma_wait3A_446 = arith.constant 0 : i32
      %dma_wait3A_447 = tpu.memref_slice %arg4[%dma_wait3A_445, %dma_wait3A_446] : memref<1000000x32xf32, #tpu.memory_space<hbm>> -> memref<1000000x32xf32, #tpu.memory_space<hbm>>
      tpu.wait_indirect_dma semaphore(%arg13 : memref<!tpu.dma_semaphore, #tpu.memory_space<semaphore_mem>>) src(%dma_wait3A_447 : memref<1000000x32xf32, #tpu.memory_space<hbm>>) dst(%dma_wait3A_441 : memref<70x32xf32, #tpu.memory_space<vmem>>)
      %dma_wait3A_448 = arith.constant 11 : i32
      %dma_wait3A_449 = arith.constant 770 : i32
      %dma_wait3A_450 = arith.constant 0 : i32
      %dma_wait3A_451 = tpu.memref_slice %arg8[%dma_wait3A_449, %dma_wait3A_450] : memref<1120x32xf32, #tpu.memory_space<vmem>> -> memref<70x32xf32, #tpu.memory_space<vmem>>
      %dma_wait3A_452 = arith.constant 0 : i32
      %dma_wait3A_453 = tpu.memref_slice %arg6[%dma_wait3A_448, %dma_wait3A_452] : memref<16x70xi32, #tpu.memory_space<vmem>> -> memref<1x70xi32, #tpu.memory_space<vmem>>
      %dma_wait3A_454 = tpu.memref_squeeze %dma_wait3A_453 : memref<1x70xi32, #tpu.memory_space<vmem>> -> memref<70xi32, #tpu.memory_space<vmem>>
      %dma_wait3A_455 = arith.constant 0 : i32
      %dma_wait3A_456 = arith.constant 0 : i32
      %dma_wait3A_457 = tpu.memref_slice %arg4[%dma_wait3A_455, %dma_wait3A_456] : memref<1000000x32xf32, #tpu.memory_space<hbm>> -> memref<1000000x32xf32, #tpu.memory_space<hbm>>
      tpu.wait_indirect_dma semaphore(%arg13 : memref<!tpu.dma_semaphore, #tpu.memory_space<semaphore_mem>>) src(%dma_wait3A_457 : memref<1000000x32xf32, #tpu.memory_space<hbm>>) dst(%dma_wait3A_451 : memref<70x32xf32, #tpu.memory_space<vmem>>)
      %dma_wait3A_458 = arith.constant 12 : i32
      %dma_wait3A_459 = arith.constant 840 : i32
      %dma_wait3A_460 = arith.constant 0 : i32
      %dma_wait3A_461 = tpu.memref_slice %arg8[%dma_wait3A_459, %dma_wait3A_460] : memref<1120x32xf32, #tpu.memory_space<vmem>> -> memref<70x32xf32, #tpu.memory_space<vmem>>
      %dma_wait3A_462 = arith.constant 0 : i32
      %dma_wait3A_463 = tpu.memref_slice %arg6[%dma_wait3A_458, %dma_wait3A_462] : memref<16x70xi32, #tpu.memory_space<vmem>> -> memref<1x70xi32, #tpu.memory_space<vmem>>
      %dma_wait3A_464 = tpu.memref_squeeze %dma_wait3A_463 : memref<1x70xi32, #tpu.memory_space<vmem>> -> memref<70xi32, #tpu.memory_space<vmem>>
      %dma_wait3A_465 = arith.constant 0 : i32
      %dma_wait3A_466 = arith.constant 0 : i32
      %dma_wait3A_467 = tpu.memref_slice %arg4[%dma_wait3A_465, %dma_wait3A_466] : memref<1000000x32xf32, #tpu.memory_space<hbm>> -> memref<1000000x32xf32, #tpu.memory_space<hbm>>
      tpu.wait_indirect_dma semaphore(%arg13 : memref<!tpu.dma_semaphore, #tpu.memory_space<semaphore_mem>>) src(%dma_wait3A_467 : memref<1000000x32xf32, #tpu.memory_space<hbm>>) dst(%dma_wait3A_461 : memref<70x32xf32, #tpu.memory_space<vmem>>)
      %dma_wait3A_468 = arith.constant 13 : i32
      %dma_wait3A_469 = arith.constant 910 : i32
      %dma_wait3A_470 = arith.constant 0 : i32
      %dma_wait3A_471 = tpu.memref_slice %arg8[%dma_wait3A_469, %dma_wait3A_470] : memref<1120x32xf32, #tpu.memory_space<vmem>> -> memref<70x32xf32, #tpu.memory_space<vmem>>
      %dma_wait3A_472 = arith.constant 0 : i32
      %dma_wait3A_473 = tpu.memref_slice %arg6[%dma_wait3A_468, %dma_wait3A_472] : memref<16x70xi32, #tpu.memory_space<vmem>> -> memref<1x70xi32, #tpu.memory_space<vmem>>
      %dma_wait3A_474 = tpu.memref_squeeze %dma_wait3A_473 : memref<1x70xi32, #tpu.memory_space<vmem>> -> memref<70xi32, #tpu.memory_space<vmem>>
      %dma_wait3A_475 = arith.constant 0 : i32
      %dma_wait3A_476 = arith.constant 0 : i32
      %dma_wait3A_477 = tpu.memref_slice %arg4[%dma_wait3A_475, %dma_wait3A_476] : memref<1000000x32xf32, #tpu.memory_space<hbm>> -> memref<1000000x32xf32, #tpu.memory_space<hbm>>
      tpu.wait_indirect_dma semaphore(%arg13 : memref<!tpu.dma_semaphore, #tpu.memory_space<semaphore_mem>>) src(%dma_wait3A_477 : memref<1000000x32xf32, #tpu.memory_space<hbm>>) dst(%dma_wait3A_471 : memref<70x32xf32, #tpu.memory_space<vmem>>)
      %dma_wait3A_478 = arith.constant 14 : i32
      %dma_wait3A_479 = arith.constant 980 : i32
      %dma_wait3A_480 = arith.constant 0 : i32
      %dma_wait3A_481 = tpu.memref_slice %arg8[%dma_wait3A_479, %dma_wait3A_480] : memref<1120x32xf32, #tpu.memory_space<vmem>> -> memref<70x32xf32, #tpu.memory_space<vmem>>
      %dma_wait3A_482 = arith.constant 0 : i32
      %dma_wait3A_483 = tpu.memref_slice %arg6[%dma_wait3A_478, %dma_wait3A_482] : memref<16x70xi32, #tpu.memory_space<vmem>> -> memref<1x70xi32, #tpu.memory_space<vmem>>
      %dma_wait3A_484 = tpu.memref_squeeze %dma_wait3A_483 : memref<1x70xi32, #tpu.memory_space<vmem>> -> memref<70xi32, #tpu.memory_space<vmem>>
      %dma_wait3A_485 = arith.constant 0 : i32
      %dma_wait3A_486 = arith.constant 0 : i32
      %dma_wait3A_487 = tpu.memref_slice %arg4[%dma_wait3A_485, %dma_wait3A_486] : memref<1000000x32xf32, #tpu.memory_space<hbm>> -> memref<1000000x32xf32, #tpu.memory_space<hbm>>
      tpu.wait_indirect_dma semaphore(%arg13 : memref<!tpu.dma_semaphore, #tpu.memory_space<semaphore_mem>>) src(%dma_wait3A_487 : memref<1000000x32xf32, #tpu.memory_space<hbm>>) dst(%dma_wait3A_481 : memref<70x32xf32, #tpu.memory_space<vmem>>)
      %dma_wait3A_488 = arith.constant 15 : i32
      %dma_wait3A_489 = arith.constant 1050 : i32
      %dma_wait3A_490 = arith.constant 0 : i32
      %dma_wait3A_491 = tpu.memref_slice %arg8[%dma_wait3A_489, %dma_wait3A_490] : memref<1120x32xf32, #tpu.memory_space<vmem>> -> memref<70x32xf32, #tpu.memory_space<vmem>>
      %dma_wait3A_492 = arith.constant 0 : i32
      %dma_wait3A_493 = tpu.memref_slice %arg6[%dma_wait3A_488, %dma_wait3A_492] : memref<16x70xi32, #tpu.memory_space<vmem>> -> memref<1x70xi32, #tpu.memory_space<vmem>>
      %dma_wait3A_494 = tpu.memref_squeeze %dma_wait3A_493 : memref<1x70xi32, #tpu.memory_space<vmem>> -> memref<70xi32, #tpu.memory_space<vmem>>
      %dma_wait3A_495 = arith.constant 0 : i32
      %dma_wait3A_496 = arith.constant 0 : i32
      %dma_wait3A_497 = tpu.memref_slice %arg4[%dma_wait3A_495, %dma_wait3A_496] : memref<1000000x32xf32, #tpu.memory_space<hbm>> -> memref<1000000x32xf32, #tpu.memory_space<hbm>>
      tpu.wait_indirect_dma semaphore(%arg13 : memref<!tpu.dma_semaphore, #tpu.memory_space<semaphore_mem>>) src(%dma_wait3A_497 : memref<1000000x32xf32, #tpu.memory_space<hbm>>) dst(%dma_wait3A_491 : memref<70x32xf32, #tpu.memory_space<vmem>>)
      %iota3A = tpu.iota {dimensions = array<i32: 0>} : vector<16xi32>
      %broadcast_in_dim3A = arith.constant 0.000000e+00 : f32
      %broadcast_in_dim3A_498 = vector.broadcast %broadcast_in_dim3A : f32 to vector<16xf32>
      %scan3A_499 = arith.constant 0 : i32
      %scan3A_500 = arith.constant 16 : i32
      %scan3A_501 = arith.addi %scan3A_499, %scan3A_500 : i32
      %scan3A_502 = arith.constant 1 : i32
      %scan3A_503 = scf.for %scan3A_692 = %scan3A_499 to %scan3A_501 step %scan3A_502 iter_args(%scan3A_693 = %broadcast_in_dim3A_498) -> (vector<16xf32>)  : i32 {
        %mul3A_694 = arith.constant 70 : i32
        %mul3A_695 = arith.muli %scan3A_692, %mul3A_694 : i32
        %broadcast_in_dim3A_696 = arith.constant 0.000000e+00 : f32
        %broadcast_in_dim3A_697 = vector.broadcast %broadcast_in_dim3A_696 : f32 to vector<16xf32>
        %get3A = arith.index_cast %scan3A_692 : i32 to index
        %get3A_698 = arith.constant 0 : index
        %get3A_699 = tpu.vector_load %arg7[%get3A, %get3A_698] {strides = array<i32>} : memref<16x64xf32, #tpu.memory_space<vmem>>, vector<1x16xf32>,
        %get3A_700 = vector.shape_cast %get3A_699 : vector<1x16xf32> to vector<16xf32>
        %slice3A = vector.extract_strided_slice %get3A_700 {offsets = [0], sizes = [1], strides = [1]} : vector<16xf32> to vector<1xf32>
        %squeeze3A = vector.extract %slice3A[0] : f32 from vector<1xf32>
        %add3A_701 = arith.constant 0 : i32
        %add3A_702 = arith.addi %mul3A_695, %add3A_701 : i32
        %get3A_703 = arith.index_cast %add3A_702 : i32 to index
        %get3A_704 = arith.constant 0 : index
        %get3A_705 = tpu.vector_load %arg8[%get3A_703, %get3A_704] {strides = array<i32>} : memref<1120x32xf32, #tpu.memory_space<vmem>>, vector<1x16xf32>,
        %get3A_706 = vector.shape_cast %get3A_705 : vector<1x16xf32> to vector<16xf32>
        %mul3A_707 = vector.broadcast %squeeze3A : f32 to vector<16xf32>
        %mul3A_708 = arith.mulf %get3A_706, %mul3A_707 : vector<16xf32>
        %add3A_709 = arith.addf %broadcast_in_dim3A_697, %mul3A_708 : vector<16xf32>
        %add3A_710 = arith.constant 0 : i32
        %add3A_711 = arith.addi %mul3A_695, %add3A_710 : i32
        %get3A_712 = arith.index_cast %add3A_711 : i32 to index
        %get3A_713 = arith.constant 16 : index
        %get3A_714 = tpu.vector_load %arg8[%get3A_712, %get3A_713] {strides = array<i32>} : memref<1120x32xf32, #tpu.memory_space<vmem>>, vector<1x16xf32>,
        %get3A_715 = vector.shape_cast %get3A_714 : vector<1x16xf32> to vector<16xf32>
        %mul3A_716 = vector.broadcast %squeeze3A : f32 to vector<16xf32>
        %mul3A_717 = arith.mulf %get3A_715, %mul3A_716 : vector<16xf32>
        %add3A_718 = arith.addf %broadcast_in_dim3A_697, %mul3A_717 : vector<16xf32>
        %slice3A_719 = vector.extract_strided_slice %get3A_700 {offsets = [1], sizes = [1], strides = [1]} : vector<16xf32> to vector<1xf32>
        %squeeze3A_720 = vector.extract %slice3A_719[0] : f32 from vector<1xf32>
        %add3A_721 = arith.constant 1 : i32
        %add3A_722 = arith.addi %mul3A_695, %add3A_721 : i32
        %get3A_723 = arith.index_cast %add3A_722 : i32 to index
        %get3A_724 = arith.constant 0 : index
        %get3A_725 = tpu.vector_load %arg8[%get3A_723, %get3A_724] {strides = array<i32>} : memref<1120x32xf32, #tpu.memory_space<vmem>>, vector<1x16xf32>,
        %get3A_726 = vector.shape_cast %get3A_725 : vector<1x16xf32> to vector<16xf32>
        %mul3A_727 = vector.broadcast %squeeze3A_720 : f32 to vector<16xf32>
        %mul3A_728 = arith.mulf %get3A_726, %mul3A_727 : vector<16xf32>
        %add3A_729 = arith.addf %add3A_709, %mul3A_728 : vector<16xf32>
        %add3A_730 = arith.constant 1 : i32
        %add3A_731 = arith.addi %mul3A_695, %add3A_730 : i32
        %get3A_732 = arith.index_cast %add3A_731 : i32 to index
        %get3A_733 = arith.constant 16 : index
        %get3A_734 = tpu.vector_load %arg8[%get3A_732, %get3A_733] {strides = array<i32>} : memref<1120x32xf32, #tpu.memory_space<vmem>>, vector<1x16xf32>,
        %get3A_735 = vector.shape_cast %get3A_734 : vector<1x16xf32> to vector<16xf32>
        %mul3A_736 = vector.broadcast %squeeze3A_720 : f32 to vector<16xf32>
        %mul3A_737 = arith.mulf %get3A_735, %mul3A_736 : vector<16xf32>
        %add3A_738 = arith.addf %add3A_718, %mul3A_737 : vector<16xf32>
        %slice3A_739 = vector.extract_strided_slice %get3A_700 {offsets = [2], sizes = [1], strides = [1]} : vector<16xf32> to vector<1xf32>
        %squeeze3A_740 = vector.extract %slice3A_739[0] : f32 from vector<1xf32>
        %add3A_741 = arith.constant 2 : i32
        %add3A_742 = arith.addi %mul3A_695, %add3A_741 : i32
        %get3A_743 = arith.index_cast %add3A_742 : i32 to index
        %get3A_744 = arith.constant 0 : index
        %get3A_745 = tpu.vector_load %arg8[%get3A_743, %get3A_744] {strides = array<i32>} : memref<1120x32xf32, #tpu.memory_space<vmem>>, vector<1x16xf32>,
        %get3A_746 = vector.shape_cast %get3A_745 : vector<1x16xf32> to vector<16xf32>
        %mul3A_747 = vector.broadcast %squeeze3A_740 : f32 to vector<16xf32>
        %mul3A_748 = arith.mulf %get3A_746, %mul3A_747 : vector<16xf32>
        %add3A_749 = arith.addf %add3A_729, %mul3A_748 : vector<16xf32>
        %add3A_750 = arith.constant 2 : i32
        %add3A_751 = arith.addi %mul3A_695, %add3A_750 : i32
        %get3A_752 = arith.index_cast %add3A_751 : i32 to index
        %get3A_753 = arith.constant 16 : index
        %get3A_754 = tpu.vector_load %arg8[%get3A_752, %get3A_753] {strides = array<i32>} : memref<1120x32xf32, #tpu.memory_space<vmem>>, vector<1x16xf32>,
        %get3A_755 = vector.shape_cast %get3A_754 : vector<1x16xf32> to vector<16xf32>
        %mul3A_756 = vector.broadcast %squeeze3A_740 : f32 to vector<16xf32>
        %mul3A_757 = arith.mulf %get3A_755, %mul3A_756 : vector<16xf32>
        %add3A_758 = arith.addf %add3A_738, %mul3A_757 : vector<16xf32>
        %slice3A_759 = vector.extract_strided_slice %get3A_700 {offsets = [3], sizes = [1], strides = [1]} : vector<16xf32> to vector<1xf32>
        %squeeze3A_760 = vector.extract %slice3A_759[0] : f32 from vector<1xf32>
        %add3A_761 = arith.constant 3 : i32
        %add3A_762 = arith.addi %mul3A_695, %add3A_761 : i32
        %get3A_763 = arith.index_cast %add3A_762 : i32 to index
        %get3A_764 = arith.constant 0 : index
        %get3A_765 = tpu.vector_load %arg8[%get3A_763, %get3A_764] {strides = array<i32>} : memref<1120x32xf32, #tpu.memory_space<vmem>>, vector<1x16xf32>,
        %get3A_766 = vector.shape_cast %get3A_765 : vector<1x16xf32> to vector<16xf32>
        %mul3A_767 = vector.broadcast %squeeze3A_760 : f32 to vector<16xf32>
        %mul3A_768 = arith.mulf %get3A_766, %mul3A_767 : vector<16xf32>
        %add3A_769 = arith.addf %add3A_749, %mul3A_768 : vector<16xf32>
        %add3A_770 = arith.constant 3 : i32
        %add3A_771 = arith.addi %mul3A_695, %add3A_770 : i32
        %get3A_772 = arith.index_cast %add3A_771 : i32 to index
        %get3A_773 = arith.constant 16 : index
        %get3A_774 = tpu.vector_load %arg8[%get3A_772, %get3A_773] {strides = array<i32>} : memref<1120x32xf32, #tpu.memory_space<vmem>>, vector<1x16xf32>,
        %get3A_775 = vector.shape_cast %get3A_774 : vector<1x16xf32> to vector<16xf32>
        %mul3A_776 = vector.broadcast %squeeze3A_760 : f32 to vector<16xf32>
        %mul3A_777 = arith.mulf %get3A_775, %mul3A_776 : vector<16xf32>
        %add3A_778 = arith.addf %add3A_758, %mul3A_777 : vector<16xf32>
        %slice3A_779 = vector.extract_strided_slice %get3A_700 {offsets = [4], sizes = [1], strides = [1]} : vector<16xf32> to vector<1xf32>
        %squeeze3A_780 = vector.extract %slice3A_779[0] : f32 from vector<1xf32>
        %add3A_781 = arith.constant 4 : i32
        %add3A_782 = arith.addi %mul3A_695, %add3A_781 : i32
        %get3A_783 = arith.index_cast %add3A_782 : i32 to index
        %get3A_784 = arith.constant 0 : index
        %get3A_785 = tpu.vector_load %arg8[%get3A_783, %get3A_784] {strides = array<i32>} : memref<1120x32xf32, #tpu.memory_space<vmem>>, vector<1x16xf32>,
        %get3A_786 = vector.shape_cast %get3A_785 : vector<1x16xf32> to vector<16xf32>
        %mul3A_787 = vector.broadcast %squeeze3A_780 : f32 to vector<16xf32>
        %mul3A_788 = arith.mulf %get3A_786, %mul3A_787 : vector<16xf32>
        %add3A_789 = arith.addf %add3A_769, %mul3A_788 : vector<16xf32>
        %add3A_790 = arith.constant 4 : i32
        %add3A_791 = arith.addi %mul3A_695, %add3A_790 : i32
        %get3A_792 = arith.index_cast %add3A_791 : i32 to index
        %get3A_793 = arith.constant 16 : index
        %get3A_794 = tpu.vector_load %arg8[%get3A_792, %get3A_793] {strides = array<i32>} : memref<1120x32xf32, #tpu.memory_space<vmem>>, vector<1x16xf32>,
        %get3A_795 = vector.shape_cast %get3A_794 : vector<1x16xf32> to vector<16xf32>
        %mul3A_796 = vector.broadcast %squeeze3A_780 : f32 to vector<16xf32>
        %mul3A_797 = arith.mulf %get3A_795, %mul3A_796 : vector<16xf32>
        %add3A_798 = arith.addf %add3A_778, %mul3A_797 : vector<16xf32>
        %slice3A_799 = vector.extract_strided_slice %get3A_700 {offsets = [5], sizes = [1], strides = [1]} : vector<16xf32> to vector<1xf32>
        %squeeze3A_800 = vector.extract %slice3A_799[0] : f32 from vector<1xf32>
        %add3A_801 = arith.constant 5 : i32
        %add3A_802 = arith.addi %mul3A_695, %add3A_801 : i32
        %get3A_803 = arith.index_cast %add3A_802 : i32 to index
        %get3A_804 = arith.constant 0 : index
        %get3A_805 = tpu.vector_load %arg8[%get3A_803, %get3A_804] {strides = array<i32>} : memref<1120x32xf32, #tpu.memory_space<vmem>>, vector<1x16xf32>,
        %get3A_806 = vector.shape_cast %get3A_805 : vector<1x16xf32> to vector<16xf32>
        %mul3A_807 = vector.broadcast %squeeze3A_800 : f32 to vector<16xf32>
        %mul3A_808 = arith.mulf %get3A_806, %mul3A_807 : vector<16xf32>
        %add3A_809 = arith.addf %add3A_789, %mul3A_808 : vector<16xf32>
        %add3A_810 = arith.constant 5 : i32
        %add3A_811 = arith.addi %mul3A_695, %add3A_810 : i32
        %get3A_812 = arith.index_cast %add3A_811 : i32 to index
        %get3A_813 = arith.constant 16 : index
        %get3A_814 = tpu.vector_load %arg8[%get3A_812, %get3A_813] {strides = array<i32>} : memref<1120x32xf32, #tpu.memory_space<vmem>>, vector<1x16xf32>,
        %get3A_815 = vector.shape_cast %get3A_814 : vector<1x16xf32> to vector<16xf32>
        %mul3A_816 = vector.broadcast %squeeze3A_800 : f32 to vector<16xf32>
        %mul3A_817 = arith.mulf %get3A_815, %mul3A_816 : vector<16xf32>
        %add3A_818 = arith.addf %add3A_798, %mul3A_817 : vector<16xf32>
        %slice3A_819 = vector.extract_strided_slice %get3A_700 {offsets = [6], sizes = [1], strides = [1]} : vector<16xf32> to vector<1xf32>
        %squeeze3A_820 = vector.extract %slice3A_819[0] : f32 from vector<1xf32>
        %add3A_821 = arith.constant 6 : i32
        %add3A_822 = arith.addi %mul3A_695, %add3A_821 : i32
        %get3A_823 = arith.index_cast %add3A_822 : i32 to index
        %get3A_824 = arith.constant 0 : index
        %get3A_825 = tpu.vector_load %arg8[%get3A_823, %get3A_824] {strides = array<i32>} : memref<1120x32xf32, #tpu.memory_space<vmem>>, vector<1x16xf32>,
        %get3A_826 = vector.shape_cast %get3A_825 : vector<1x16xf32> to vector<16xf32>
        %mul3A_827 = vector.broadcast %squeeze3A_820 : f32 to vector<16xf32>
        %mul3A_828 = arith.mulf %get3A_826, %mul3A_827 : vector<16xf32>
        %add3A_829 = arith.addf %add3A_809, %mul3A_828 : vector<16xf32>
        %add3A_830 = arith.constant 6 : i32
        %add3A_831 = arith.addi %mul3A_695, %add3A_830 : i32
        %get3A_832 = arith.index_cast %add3A_831 : i32 to index
        %get3A_833 = arith.constant 16 : index
        %get3A_834 = tpu.vector_load %arg8[%get3A_832, %get3A_833] {strides = array<i32>} : memref<1120x32xf32, #tpu.memory_space<vmem>>, vector<1x16xf32>,
        %get3A_835 = vector.shape_cast %get3A_834 : vector<1x16xf32> to vector<16xf32>
        %mul3A_836 = vector.broadcast %squeeze3A_820 : f32 to vector<16xf32>
        %mul3A_837 = arith.mulf %get3A_835, %mul3A_836 : vector<16xf32>
        %add3A_838 = arith.addf %add3A_818, %mul3A_837 : vector<16xf32>
        %slice3A_839 = vector.extract_strided_slice %get3A_700 {offsets = [7], sizes = [1], strides = [1]} : vector<16xf32> to vector<1xf32>
        %squeeze3A_840 = vector.extract %slice3A_839[0] : f32 from vector<1xf32>
        %add3A_841 = arith.constant 7 : i32
        %add3A_842 = arith.addi %mul3A_695, %add3A_841 : i32
        %get3A_843 = arith.index_cast %add3A_842 : i32 to index
        %get3A_844 = arith.constant 0 : index
        %get3A_845 = tpu.vector_load %arg8[%get3A_843, %get3A_844] {strides = array<i32>} : memref<1120x32xf32, #tpu.memory_space<vmem>>, vector<1x16xf32>,
        %get3A_846 = vector.shape_cast %get3A_845 : vector<1x16xf32> to vector<16xf32>
        %mul3A_847 = vector.broadcast %squeeze3A_840 : f32 to vector<16xf32>
        %mul3A_848 = arith.mulf %get3A_846, %mul3A_847 : vector<16xf32>
        %add3A_849 = arith.addf %add3A_829, %mul3A_848 : vector<16xf32>
        %add3A_850 = arith.constant 7 : i32
        %add3A_851 = arith.addi %mul3A_695, %add3A_850 : i32
        %get3A_852 = arith.index_cast %add3A_851 : i32 to index
        %get3A_853 = arith.constant 16 : index
        %get3A_854 = tpu.vector_load %arg8[%get3A_852, %get3A_853] {strides = array<i32>} : memref<1120x32xf32, #tpu.memory_space<vmem>>, vector<1x16xf32>,
        %get3A_855 = vector.shape_cast %get3A_854 : vector<1x16xf32> to vector<16xf32>
        %mul3A_856 = vector.broadcast %squeeze3A_840 : f32 to vector<16xf32>
        %mul3A_857 = arith.mulf %get3A_855, %mul3A_856 : vector<16xf32>
        %add3A_858 = arith.addf %add3A_838, %mul3A_857 : vector<16xf32>
        %slice3A_859 = vector.extract_strided_slice %get3A_700 {offsets = [8], sizes = [1], strides = [1]} : vector<16xf32> to vector<1xf32>
        %squeeze3A_860 = vector.extract %slice3A_859[0] : f32 from vector<1xf32>
        %add3A_861 = arith.constant 8 : i32
        %add3A_862 = arith.addi %mul3A_695, %add3A_861 : i32
        %get3A_863 = arith.index_cast %add3A_862 : i32 to index
        %get3A_864 = arith.constant 0 : index
        %get3A_865 = tpu.vector_load %arg8[%get3A_863, %get3A_864] {strides = array<i32>} : memref<1120x32xf32, #tpu.memory_space<vmem>>, vector<1x16xf32>,
        %get3A_866 = vector.shape_cast %get3A_865 : vector<1x16xf32> to vector<16xf32>
        %mul3A_867 = vector.broadcast %squeeze3A_860 : f32 to vector<16xf32>
        %mul3A_868 = arith.mulf %get3A_866, %mul3A_867 : vector<16xf32>
        %add3A_869 = arith.addf %add3A_849, %mul3A_868 : vector<16xf32>
        %add3A_870 = arith.constant 8 : i32
        %add3A_871 = arith.addi %mul3A_695, %add3A_870 : i32
        %get3A_872 = arith.index_cast %add3A_871 : i32 to index
        %get3A_873 = arith.constant 16 : index
        %get3A_874 = tpu.vector_load %arg8[%get3A_872, %get3A_873] {strides = array<i32>} : memref<1120x32xf32, #tpu.memory_space<vmem>>, vector<1x16xf32>,
        %get3A_875 = vector.shape_cast %get3A_874 : vector<1x16xf32> to vector<16xf32>
        %mul3A_876 = vector.broadcast %squeeze3A_860 : f32 to vector<16xf32>
        %mul3A_877 = arith.mulf %get3A_875, %mul3A_876 : vector<16xf32>
        %add3A_878 = arith.addf %add3A_858, %mul3A_877 : vector<16xf32>
        %slice3A_879 = vector.extract_strided_slice %get3A_700 {offsets = [9], sizes = [1], strides = [1]} : vector<16xf32> to vector<1xf32>
        %squeeze3A_880 = vector.extract %slice3A_879[0] : f32 from vector<1xf32>
        %add3A_881 = arith.constant 9 : i32
        %add3A_882 = arith.addi %mul3A_695, %add3A_881 : i32
        %get3A_883 = arith.index_cast %add3A_882 : i32 to index
        %get3A_884 = arith.constant 0 : index
        %get3A_885 = tpu.vector_load %arg8[%get3A_883, %get3A_884] {strides = array<i32>} : memref<1120x32xf32, #tpu.memory_space<vmem>>, vector<1x16xf32>,
        %get3A_886 = vector.shape_cast %get3A_885 : vector<1x16xf32> to vector<16xf32>
        %mul3A_887 = vector.broadcast %squeeze3A_880 : f32 to vector<16xf32>
        %mul3A_888 = arith.mulf %get3A_886, %mul3A_887 : vector<16xf32>
        %add3A_889 = arith.addf %add3A_869, %mul3A_888 : vector<16xf32>
        %add3A_890 = arith.constant 9 : i32
        %add3A_891 = arith.addi %mul3A_695, %add3A_890 : i32
        %get3A_892 = arith.index_cast %add3A_891 : i32 to index
        %get3A_893 = arith.constant 16 : index
        %get3A_894 = tpu.vector_load %arg8[%get3A_892, %get3A_893] {strides = array<i32>} : memref<1120x32xf32, #tpu.memory_space<vmem>>, vector<1x16xf32>,
        %get3A_895 = vector.shape_cast %get3A_894 : vector<1x16xf32> to vector<16xf32>
        %mul3A_896 = vector.broadcast %squeeze3A_880 : f32 to vector<16xf32>
        %mul3A_897 = arith.mulf %get3A_895, %mul3A_896 : vector<16xf32>
        %add3A_898 = arith.addf %add3A_878, %mul3A_897 : vector<16xf32>
        %slice3A_899 = vector.extract_strided_slice %get3A_700 {offsets = [10], sizes = [1], strides = [1]} : vector<16xf32> to vector<1xf32>
        %squeeze3A_900 = vector.extract %slice3A_899[0] : f32 from vector<1xf32>
        %add3A_901 = arith.constant 10 : i32
        %add3A_902 = arith.addi %mul3A_695, %add3A_901 : i32
        %get3A_903 = arith.index_cast %add3A_902 : i32 to index
        %get3A_904 = arith.constant 0 : index
        %get3A_905 = tpu.vector_load %arg8[%get3A_903, %get3A_904] {strides = array<i32>} : memref<1120x32xf32, #tpu.memory_space<vmem>>, vector<1x16xf32>,
        %get3A_906 = vector.shape_cast %get3A_905 : vector<1x16xf32> to vector<16xf32>
        %mul3A_907 = vector.broadcast %squeeze3A_900 : f32 to vector<16xf32>
        %mul3A_908 = arith.mulf %get3A_906, %mul3A_907 : vector<16xf32>
        %add3A_909 = arith.addf %add3A_889, %mul3A_908 : vector<16xf32>
        %add3A_910 = arith.constant 10 : i32
        %add3A_911 = arith.addi %mul3A_695, %add3A_910 : i32
        %get3A_912 = arith.index_cast %add3A_911 : i32 to index
        %get3A_913 = arith.constant 16 : index
        %get3A_914 = tpu.vector_load %arg8[%get3A_912, %get3A_913] {strides = array<i32>} : memref<1120x32xf32, #tpu.memory_space<vmem>>, vector<1x16xf32>,
        %get3A_915 = vector.shape_cast %get3A_914 : vector<1x16xf32> to vector<16xf32>
        %mul3A_916 = vector.broadcast %squeeze3A_900 : f32 to vector<16xf32>
        %mul3A_917 = arith.mulf %get3A_915, %mul3A_916 : vector<16xf32>
        %add3A_918 = arith.addf %add3A_898, %mul3A_917 : vector<16xf32>
        %slice3A_919 = vector.extract_strided_slice %get3A_700 {offsets = [11], sizes = [1], strides = [1]} : vector<16xf32> to vector<1xf32>
        %squeeze3A_920 = vector.extract %slice3A_919[0] : f32 from vector<1xf32>
        %add3A_921 = arith.constant 11 : i32
        %add3A_922 = arith.addi %mul3A_695, %add3A_921 : i32
        %get3A_923 = arith.index_cast %add3A_922 : i32 to index
        %get3A_924 = arith.constant 0 : index
        %get3A_925 = tpu.vector_load %arg8[%get3A_923, %get3A_924] {strides = array<i32>} : memref<1120x32xf32, #tpu.memory_space<vmem>>, vector<1x16xf32>,
        %get3A_926 = vector.shape_cast %get3A_925 : vector<1x16xf32> to vector<16xf32>
        %mul3A_927 = vector.broadcast %squeeze3A_920 : f32 to vector<16xf32>
        %mul3A_928 = arith.mulf %get3A_926, %mul3A_927 : vector<16xf32>
        %add3A_929 = arith.addf %add3A_909, %mul3A_928 : vector<16xf32>
        %add3A_930 = arith.constant 11 : i32
        %add3A_931 = arith.addi %mul3A_695, %add3A_930 : i32
        %get3A_932 = arith.index_cast %add3A_931 : i32 to index
        %get3A_933 = arith.constant 16 : index
        %get3A_934 = tpu.vector_load %arg8[%get3A_932, %get3A_933] {strides = array<i32>} : memref<1120x32xf32, #tpu.memory_space<vmem>>, vector<1x16xf32>,
        %get3A_935 = vector.shape_cast %get3A_934 : vector<1x16xf32> to vector<16xf32>
        %mul3A_936 = vector.broadcast %squeeze3A_920 : f32 to vector<16xf32>
        %mul3A_937 = arith.mulf %get3A_935, %mul3A_936 : vector<16xf32>
        %add3A_938 = arith.addf %add3A_918, %mul3A_937 : vector<16xf32>
        %slice3A_939 = vector.extract_strided_slice %get3A_700 {offsets = [12], sizes = [1], strides = [1]} : vector<16xf32> to vector<1xf32>
        %squeeze3A_940 = vector.extract %slice3A_939[0] : f32 from vector<1xf32>
        %add3A_941 = arith.constant 12 : i32
        %add3A_942 = arith.addi %mul3A_695, %add3A_941 : i32
        %get3A_943 = arith.index_cast %add3A_942 : i32 to index
        %get3A_944 = arith.constant 0 : index
        %get3A_945 = tpu.vector_load %arg8[%get3A_943, %get3A_944] {strides = array<i32>} : memref<1120x32xf32, #tpu.memory_space<vmem>>, vector<1x16xf32>,
        %get3A_946 = vector.shape_cast %get3A_945 : vector<1x16xf32> to vector<16xf32>
        %mul3A_947 = vector.broadcast %squeeze3A_940 : f32 to vector<16xf32>
        %mul3A_948 = arith.mulf %get3A_946, %mul3A_947 : vector<16xf32>
        %add3A_949 = arith.addf %add3A_929, %mul3A_948 : vector<16xf32>
        %add3A_950 = arith.constant 12 : i32
        %add3A_951 = arith.addi %mul3A_695, %add3A_950 : i32
        %get3A_952 = arith.index_cast %add3A_951 : i32 to index
        %get3A_953 = arith.constant 16 : index
        %get3A_954 = tpu.vector_load %arg8[%get3A_952, %get3A_953] {strides = array<i32>} : memref<1120x32xf32, #tpu.memory_space<vmem>>, vector<1x16xf32>,
        %get3A_955 = vector.shape_cast %get3A_954 : vector<1x16xf32> to vector<16xf32>
        %mul3A_956 = vector.broadcast %squeeze3A_940 : f32 to vector<16xf32>
        %mul3A_957 = arith.mulf %get3A_955, %mul3A_956 : vector<16xf32>
        %add3A_958 = arith.addf %add3A_938, %mul3A_957 : vector<16xf32>
        %slice3A_959 = vector.extract_strided_slice %get3A_700 {offsets = [13], sizes = [1], strides = [1]} : vector<16xf32> to vector<1xf32>
        %squeeze3A_960 = vector.extract %slice3A_959[0] : f32 from vector<1xf32>
        %add3A_961 = arith.constant 13 : i32
        %add3A_962 = arith.addi %mul3A_695, %add3A_961 : i32
        %get3A_963 = arith.index_cast %add3A_962 : i32 to index
        %get3A_964 = arith.constant 0 : index
        %get3A_965 = tpu.vector_load %arg8[%get3A_963, %get3A_964] {strides = array<i32>} : memref<1120x32xf32, #tpu.memory_space<vmem>>, vector<1x16xf32>,
        %get3A_966 = vector.shape_cast %get3A_965 : vector<1x16xf32> to vector<16xf32>
        %mul3A_967 = vector.broadcast %squeeze3A_960 : f32 to vector<16xf32>
        %mul3A_968 = arith.mulf %get3A_966, %mul3A_967 : vector<16xf32>
        %add3A_969 = arith.addf %add3A_949, %mul3A_968 : vector<16xf32>
        %add3A_970 = arith.constant 13 : i32
        %add3A_971 = arith.addi %mul3A_695, %add3A_970 : i32
        %get3A_972 = arith.index_cast %add3A_971 : i32 to index
        %get3A_973 = arith.constant 16 : index
        %get3A_974 = tpu.vector_load %arg8[%get3A_972, %get3A_973] {strides = array<i32>} : memref<1120x32xf32, #tpu.memory_space<vmem>>, vector<1x16xf32>,
        %get3A_975 = vector.shape_cast %get3A_974 : vector<1x16xf32> to vector<16xf32>
        %mul3A_976 = vector.broadcast %squeeze3A_960 : f32 to vector<16xf32>
        %mul3A_977 = arith.mulf %get3A_975, %mul3A_976 : vector<16xf32>
        %add3A_978 = arith.addf %add3A_958, %mul3A_977 : vector<16xf32>
        %slice3A_979 = vector.extract_strided_slice %get3A_700 {offsets = [14], sizes = [1], strides = [1]} : vector<16xf32> to vector<1xf32>
        %squeeze3A_980 = vector.extract %slice3A_979[0] : f32 from vector<1xf32>
        %add3A_981 = arith.constant 14 : i32
        %add3A_982 = arith.addi %mul3A_695, %add3A_981 : i32
        %get3A_983 = arith.index_cast %add3A_982 : i32 to index
        %get3A_984 = arith.constant 0 : index
        %get3A_985 = tpu.vector_load %arg8[%get3A_983, %get3A_984] {strides = array<i32>} : memref<1120x32xf32, #tpu.memory_space<vmem>>, vector<1x16xf32>,
        %get3A_986 = vector.shape_cast %get3A_985 : vector<1x16xf32> to vector<16xf32>
        %mul3A_987 = vector.broadcast %squeeze3A_980 : f32 to vector<16xf32>
        %mul3A_988 = arith.mulf %get3A_986, %mul3A_987 : vector<16xf32>
        %add3A_989 = arith.addf %add3A_969, %mul3A_988 : vector<16xf32>
        %add3A_990 = arith.constant 14 : i32
        %add3A_991 = arith.addi %mul3A_695, %add3A_990 : i32
        %get3A_992 = arith.index_cast %add3A_991 : i32 to index
        %get3A_993 = arith.constant 16 : index
        %get3A_994 = tpu.vector_load %arg8[%get3A_992, %get3A_993] {strides = array<i32>} : memref<1120x32xf32, #tpu.memory_space<vmem>>, vector<1x16xf32>,
        %get3A_995 = vector.shape_cast %get3A_994 : vector<1x16xf32> to vector<16xf32>
        %mul3A_996 = vector.broadcast %squeeze3A_980 : f32 to vector<16xf32>
        %mul3A_997 = arith.mulf %get3A_995, %mul3A_996 : vector<16xf32>
        %add3A_998 = arith.addf %add3A_978, %mul3A_997 : vector<16xf32>
        %slice3A_999 = vector.extract_strided_slice %get3A_700 {offsets = [15], sizes = [1], strides = [1]} : vector<16xf32> to vector<1xf32>
        %squeeze3A_1000 = vector.extract %slice3A_999[0] : f32 from vector<1xf32>
        %add3A_1001 = arith.constant 15 : i32
        %add3A_1002 = arith.addi %mul3A_695, %add3A_1001 : i32
        %get3A_1003 = arith.index_cast %add3A_1002 : i32 to index
        %get3A_1004 = arith.constant 0 : index
        %get3A_1005 = tpu.vector_load %arg8[%get3A_1003, %get3A_1004] {strides = array<i32>} : memref<1120x32xf32, #tpu.memory_space<vmem>>, vector<1x16xf32>,
        %get3A_1006 = vector.shape_cast %get3A_1005 : vector<1x16xf32> to vector<16xf32>
        %mul3A_1007 = vector.broadcast %squeeze3A_1000 : f32 to vector<16xf32>
        %mul3A_1008 = arith.mulf %get3A_1006, %mul3A_1007 : vector<16xf32>
        %add3A_1009 = arith.addf %add3A_989, %mul3A_1008 : vector<16xf32>
        %add3A_1010 = arith.constant 15 : i32
        %add3A_1011 = arith.addi %mul3A_695, %add3A_1010 : i32
        %get3A_1012 = arith.index_cast %add3A_1011 : i32 to index
        %get3A_1013 = arith.constant 16 : index
        %get3A_1014 = tpu.vector_load %arg8[%get3A_1012, %get3A_1013] {strides = array<i32>} : memref<1120x32xf32, #tpu.memory_space<vmem>>, vector<1x16xf32>,
        %get3A_1015 = vector.shape_cast %get3A_1014 : vector<1x16xf32> to vector<16xf32>
        %mul3A_1016 = vector.broadcast %squeeze3A_1000 : f32 to vector<16xf32>
        %mul3A_1017 = arith.mulf %get3A_1015, %mul3A_1016 : vector<16xf32>
        %add3A_1018 = arith.addf %add3A_998, %mul3A_1017 : vector<16xf32>
        %get3A_1019 = arith.index_cast %scan3A_692 : i32 to index
        %get3A_1020 = arith.constant 16 : index
        %get3A_1021 = tpu.vector_load %arg7[%get3A_1019, %get3A_1020] {strides = array<i32>} : memref<16x64xf32, #tpu.memory_space<vmem>>, vector<1x16xf32>,
        %get3A_1022 = vector.shape_cast %get3A_1021 : vector<1x16xf32> to vector<16xf32>
        %slice3A_1023 = vector.extract_strided_slice %get3A_1022 {offsets = [0], sizes = [1], strides = [1]} : vector<16xf32> to vector<1xf32>
        %squeeze3A_1024 = vector.extract %slice3A_1023[0] : f32 from vector<1xf32>
        %add3A_1025 = arith.constant 16 : i32
        %add3A_1026 = arith.addi %mul3A_695, %add3A_1025 : i32
        %get3A_1027 = arith.index_cast %add3A_1026 : i32 to index
        %get3A_1028 = arith.constant 0 : index
        %get3A_1029 = tpu.vector_load %arg8[%get3A_1027, %get3A_1028] {strides = array<i32>} : memref<1120x32xf32, #tpu.memory_space<vmem>>, vector<1x16xf32>,
        %get3A_1030 = vector.shape_cast %get3A_1029 : vector<1x16xf32> to vector<16xf32>
        %mul3A_1031 = vector.broadcast %squeeze3A_1024 : f32 to vector<16xf32>
        %mul3A_1032 = arith.mulf %get3A_1030, %mul3A_1031 : vector<16xf32>
        %add3A_1033 = arith.addf %add3A_1009, %mul3A_1032 : vector<16xf32>
        %add3A_1034 = arith.constant 16 : i32
        %add3A_1035 = arith.addi %mul3A_695, %add3A_1034 : i32
        %get3A_1036 = arith.index_cast %add3A_1035 : i32 to index
        %get3A_1037 = arith.constant 16 : index
        %get3A_1038 = tpu.vector_load %arg8[%get3A_1036, %get3A_1037] {strides = array<i32>} : memref<1120x32xf32, #tpu.memory_space<vmem>>, vector<1x16xf32>,
        %get3A_1039 = vector.shape_cast %get3A_1038 : vector<1x16xf32> to vector<16xf32>
        %mul3A_1040 = vector.broadcast %squeeze3A_1024 : f32 to vector<16xf32>
        %mul3A_1041 = arith.mulf %get3A_1039, %mul3A_1040 : vector<16xf32>
        %add3A_1042 = arith.addf %add3A_1018, %mul3A_1041 : vector<16xf32>
        %slice3A_1043 = vector.extract_strided_slice %get3A_1022 {offsets = [1], sizes = [1], strides = [1]} : vector<16xf32> to vector<1xf32>
        %squeeze3A_1044 = vector.extract %slice3A_1043[0] : f32 from vector<1xf32>
        %add3A_1045 = arith.constant 17 : i32
        %add3A_1046 = arith.addi %mul3A_695, %add3A_1045 : i32
        %get3A_1047 = arith.index_cast %add3A_1046 : i32 to index
        %get3A_1048 = arith.constant 0 : index
        %get3A_1049 = tpu.vector_load %arg8[%get3A_1047, %get3A_1048] {strides = array<i32>} : memref<1120x32xf32, #tpu.memory_space<vmem>>, vector<1x16xf32>,
        %get3A_1050 = vector.shape_cast %get3A_1049 : vector<1x16xf32> to vector<16xf32>
        %mul3A_1051 = vector.broadcast %squeeze3A_1044 : f32 to vector<16xf32>
        %mul3A_1052 = arith.mulf %get3A_1050, %mul3A_1051 : vector<16xf32>
        %add3A_1053 = arith.addf %add3A_1033, %mul3A_1052 : vector<16xf32>
        %add3A_1054 = arith.constant 17 : i32
        %add3A_1055 = arith.addi %mul3A_695, %add3A_1054 : i32
        %get3A_1056 = arith.index_cast %add3A_1055 : i32 to index
        %get3A_1057 = arith.constant 16 : index
        %get3A_1058 = tpu.vector_load %arg8[%get3A_1056, %get3A_1057] {strides = array<i32>} : memref<1120x32xf32, #tpu.memory_space<vmem>>, vector<1x16xf32>,
        %get3A_1059 = vector.shape_cast %get3A_1058 : vector<1x16xf32> to vector<16xf32>
        %mul3A_1060 = vector.broadcast %squeeze3A_1044 : f32 to vector<16xf32>
        %mul3A_1061 = arith.mulf %get3A_1059, %mul3A_1060 : vector<16xf32>
        %add3A_1062 = arith.addf %add3A_1042, %mul3A_1061 : vector<16xf32>
        %slice3A_1063 = vector.extract_strided_slice %get3A_1022 {offsets = [2], sizes = [1], strides = [1]} : vector<16xf32> to vector<1xf32>
        %squeeze3A_1064 = vector.extract %slice3A_1063[0] : f32 from vector<1xf32>
        %add3A_1065 = arith.constant 18 : i32
        %add3A_1066 = arith.addi %mul3A_695, %add3A_1065 : i32
        %get3A_1067 = arith.index_cast %add3A_1066 : i32 to index
        %get3A_1068 = arith.constant 0 : index
        %get3A_1069 = tpu.vector_load %arg8[%get3A_1067, %get3A_1068] {strides = array<i32>} : memref<1120x32xf32, #tpu.memory_space<vmem>>, vector<1x16xf32>,
        %get3A_1070 = vector.shape_cast %get3A_1069 : vector<1x16xf32> to vector<16xf32>
        %mul3A_1071 = vector.broadcast %squeeze3A_1064 : f32 to vector<16xf32>
        %mul3A_1072 = arith.mulf %get3A_1070, %mul3A_1071 : vector<16xf32>
        %add3A_1073 = arith.addf %add3A_1053, %mul3A_1072 : vector<16xf32>
        %add3A_1074 = arith.constant 18 : i32
        %add3A_1075 = arith.addi %mul3A_695, %add3A_1074 : i32
        %get3A_1076 = arith.index_cast %add3A_1075 : i32 to index
        %get3A_1077 = arith.constant 16 : index
        %get3A_1078 = tpu.vector_load %arg8[%get3A_1076, %get3A_1077] {strides = array<i32>} : memref<1120x32xf32, #tpu.memory_space<vmem>>, vector<1x16xf32>,
        %get3A_1079 = vector.shape_cast %get3A_1078 : vector<1x16xf32> to vector<16xf32>
        %mul3A_1080 = vector.broadcast %squeeze3A_1064 : f32 to vector<16xf32>
        %mul3A_1081 = arith.mulf %get3A_1079, %mul3A_1080 : vector<16xf32>
        %add3A_1082 = arith.addf %add3A_1062, %mul3A_1081 : vector<16xf32>
        %slice3A_1083 = vector.extract_strided_slice %get3A_1022 {offsets = [3], sizes = [1], strides = [1]} : vector<16xf32> to vector<1xf32>
        %squeeze3A_1084 = vector.extract %slice3A_1083[0] : f32 from vector<1xf32>
        %add3A_1085 = arith.constant 19 : i32
        %add3A_1086 = arith.addi %mul3A_695, %add3A_1085 : i32
        %get3A_1087 = arith.index_cast %add3A_1086 : i32 to index
        %get3A_1088 = arith.constant 0 : index
        %get3A_1089 = tpu.vector_load %arg8[%get3A_1087, %get3A_1088] {strides = array<i32>} : memref<1120x32xf32, #tpu.memory_space<vmem>>, vector<1x16xf32>,
        %get3A_1090 = vector.shape_cast %get3A_1089 : vector<1x16xf32> to vector<16xf32>
        %mul3A_1091 = vector.broadcast %squeeze3A_1084 : f32 to vector<16xf32>
        %mul3A_1092 = arith.mulf %get3A_1090, %mul3A_1091 : vector<16xf32>
        %add3A_1093 = arith.addf %add3A_1073, %mul3A_1092 : vector<16xf32>
        %add3A_1094 = arith.constant 19 : i32
        %add3A_1095 = arith.addi %mul3A_695, %add3A_1094 : i32
        %get3A_1096 = arith.index_cast %add3A_1095 : i32 to index
        %get3A_1097 = arith.constant 16 : index
        %get3A_1098 = tpu.vector_load %arg8[%get3A_1096, %get3A_1097] {strides = array<i32>} : memref<1120x32xf32, #tpu.memory_space<vmem>>, vector<1x16xf32>,
        %get3A_1099 = vector.shape_cast %get3A_1098 : vector<1x16xf32> to vector<16xf32>
        %mul3A_1100 = vector.broadcast %squeeze3A_1084 : f32 to vector<16xf32>
        %mul3A_1101 = arith.mulf %get3A_1099, %mul3A_1100 : vector<16xf32>
        %add3A_1102 = arith.addf %add3A_1082, %mul3A_1101 : vector<16xf32>
        %slice3A_1103 = vector.extract_strided_slice %get3A_1022 {offsets = [4], sizes = [1], strides = [1]} : vector<16xf32> to vector<1xf32>
        %squeeze3A_1104 = vector.extract %slice3A_1103[0] : f32 from vector<1xf32>
        %add3A_1105 = arith.constant 20 : i32
        %add3A_1106 = arith.addi %mul3A_695, %add3A_1105 : i32
        %get3A_1107 = arith.index_cast %add3A_1106 : i32 to index
        %get3A_1108 = arith.constant 0 : index
        %get3A_1109 = tpu.vector_load %arg8[%get3A_1107, %get3A_1108] {strides = array<i32>} : memref<1120x32xf32, #tpu.memory_space<vmem>>, vector<1x16xf32>,
        %get3A_1110 = vector.shape_cast %get3A_1109 : vector<1x16xf32> to vector<16xf32>
        %mul3A_1111 = vector.broadcast %squeeze3A_1104 : f32 to vector<16xf32>
        %mul3A_1112 = arith.mulf %get3A_1110, %mul3A_1111 : vector<16xf32>
        %add3A_1113 = arith.addf %add3A_1093, %mul3A_1112 : vector<16xf32>
        %add3A_1114 = arith.constant 20 : i32
        %add3A_1115 = arith.addi %mul3A_695, %add3A_1114 : i32
        %get3A_1116 = arith.index_cast %add3A_1115 : i32 to index
        %get3A_1117 = arith.constant 16 : index
        %get3A_1118 = tpu.vector_load %arg8[%get3A_1116, %get3A_1117] {strides = array<i32>} : memref<1120x32xf32, #tpu.memory_space<vmem>>, vector<1x16xf32>,
        %get3A_1119 = vector.shape_cast %get3A_1118 : vector<1x16xf32> to vector<16xf32>
        %mul3A_1120 = vector.broadcast %squeeze3A_1104 : f32 to vector<16xf32>
        %mul3A_1121 = arith.mulf %get3A_1119, %mul3A_1120 : vector<16xf32>
        %add3A_1122 = arith.addf %add3A_1102, %mul3A_1121 : vector<16xf32>
        %slice3A_1123 = vector.extract_strided_slice %get3A_1022 {offsets = [5], sizes = [1], strides = [1]} : vector<16xf32> to vector<1xf32>
        %squeeze3A_1124 = vector.extract %slice3A_1123[0] : f32 from vector<1xf32>
        %add3A_1125 = arith.constant 21 : i32
        %add3A_1126 = arith.addi %mul3A_695, %add3A_1125 : i32
        %get3A_1127 = arith.index_cast %add3A_1126 : i32 to index
        %get3A_1128 = arith.constant 0 : index
        %get3A_1129 = tpu.vector_load %arg8[%get3A_1127, %get3A_1128] {strides = array<i32>} : memref<1120x32xf32, #tpu.memory_space<vmem>>, vector<1x16xf32>,
        %get3A_1130 = vector.shape_cast %get3A_1129 : vector<1x16xf32> to vector<16xf32>
        %mul3A_1131 = vector.broadcast %squeeze3A_1124 : f32 to vector<16xf32>
        %mul3A_1132 = arith.mulf %get3A_1130, %mul3A_1131 : vector<16xf32>
        %add3A_1133 = arith.addf %add3A_1113, %mul3A_1132 : vector<16xf32>
        %add3A_1134 = arith.constant 21 : i32
        %add3A_1135 = arith.addi %mul3A_695, %add3A_1134 : i32
        %get3A_1136 = arith.index_cast %add3A_1135 : i32 to index
        %get3A_1137 = arith.constant 16 : index
        %get3A_1138 = tpu.vector_load %arg8[%get3A_1136, %get3A_1137] {strides = array<i32>} : memref<1120x32xf32, #tpu.memory_space<vmem>>, vector<1x16xf32>,
        %get3A_1139 = vector.shape_cast %get3A_1138 : vector<1x16xf32> to vector<16xf32>
        %mul3A_1140 = vector.broadcast %squeeze3A_1124 : f32 to vector<16xf32>
        %mul3A_1141 = arith.mulf %get3A_1139, %mul3A_1140 : vector<16xf32>
        %add3A_1142 = arith.addf %add3A_1122, %mul3A_1141 : vector<16xf32>
        %slice3A_1143 = vector.extract_strided_slice %get3A_1022 {offsets = [6], sizes = [1], strides = [1]} : vector<16xf32> to vector<1xf32>
        %squeeze3A_1144 = vector.extract %slice3A_1143[0] : f32 from vector<1xf32>
        %add3A_1145 = arith.constant 22 : i32
        %add3A_1146 = arith.addi %mul3A_695, %add3A_1145 : i32
        %get3A_1147 = arith.index_cast %add3A_1146 : i32 to index
        %get3A_1148 = arith.constant 0 : index
        %get3A_1149 = tpu.vector_load %arg8[%get3A_1147, %get3A_1148] {strides = array<i32>} : memref<1120x32xf32, #tpu.memory_space<vmem>>, vector<1x16xf32>,
        %get3A_1150 = vector.shape_cast %get3A_1149 : vector<1x16xf32> to vector<16xf32>
        %mul3A_1151 = vector.broadcast %squeeze3A_1144 : f32 to vector<16xf32>
        %mul3A_1152 = arith.mulf %get3A_1150, %mul3A_1151 : vector<16xf32>
        %add3A_1153 = arith.addf %add3A_1133, %mul3A_1152 : vector<16xf32>
        %add3A_1154 = arith.constant 22 : i32
        %add3A_1155 = arith.addi %mul3A_695, %add3A_1154 : i32
        %get3A_1156 = arith.index_cast %add3A_1155 : i32 to index
        %get3A_1157 = arith.constant 16 : index
        %get3A_1158 = tpu.vector_load %arg8[%get3A_1156, %get3A_1157] {strides = array<i32>} : memref<1120x32xf32, #tpu.memory_space<vmem>>, vector<1x16xf32>,
        %get3A_1159 = vector.shape_cast %get3A_1158 : vector<1x16xf32> to vector<16xf32>
        %mul3A_1160 = vector.broadcast %squeeze3A_1144 : f32 to vector<16xf32>
        %mul3A_1161 = arith.mulf %get3A_1159, %mul3A_1160 : vector<16xf32>
        %add3A_1162 = arith.addf %add3A_1142, %mul3A_1161 : vector<16xf32>
        %slice3A_1163 = vector.extract_strided_slice %get3A_1022 {offsets = [7], sizes = [1], strides = [1]} : vector<16xf32> to vector<1xf32>
        %squeeze3A_1164 = vector.extract %slice3A_1163[0] : f32 from vector<1xf32>
        %add3A_1165 = arith.constant 23 : i32
        %add3A_1166 = arith.addi %mul3A_695, %add3A_1165 : i32
        %get3A_1167 = arith.index_cast %add3A_1166 : i32 to index
        %get3A_1168 = arith.constant 0 : index
        %get3A_1169 = tpu.vector_load %arg8[%get3A_1167, %get3A_1168] {strides = array<i32>} : memref<1120x32xf32, #tpu.memory_space<vmem>>, vector<1x16xf32>,
        %get3A_1170 = vector.shape_cast %get3A_1169 : vector<1x16xf32> to vector<16xf32>
        %mul3A_1171 = vector.broadcast %squeeze3A_1164 : f32 to vector<16xf32>
        %mul3A_1172 = arith.mulf %get3A_1170, %mul3A_1171 : vector<16xf32>
        %add3A_1173 = arith.addf %add3A_1153, %mul3A_1172 : vector<16xf32>
        %add3A_1174 = arith.constant 23 : i32
        %add3A_1175 = arith.addi %mul3A_695, %add3A_1174 : i32
        %get3A_1176 = arith.index_cast %add3A_1175 : i32 to index
        %get3A_1177 = arith.constant 16 : index
        %get3A_1178 = tpu.vector_load %arg8[%get3A_1176, %get3A_1177] {strides = array<i32>} : memref<1120x32xf32, #tpu.memory_space<vmem>>, vector<1x16xf32>,
        %get3A_1179 = vector.shape_cast %get3A_1178 : vector<1x16xf32> to vector<16xf32>
        %mul3A_1180 = vector.broadcast %squeeze3A_1164 : f32 to vector<16xf32>
        %mul3A_1181 = arith.mulf %get3A_1179, %mul3A_1180 : vector<16xf32>
        %add3A_1182 = arith.addf %add3A_1162, %mul3A_1181 : vector<16xf32>
        %slice3A_1183 = vector.extract_strided_slice %get3A_1022 {offsets = [8], sizes = [1], strides = [1]} : vector<16xf32> to vector<1xf32>
        %squeeze3A_1184 = vector.extract %slice3A_1183[0] : f32 from vector<1xf32>
        %add3A_1185 = arith.constant 24 : i32
        %add3A_1186 = arith.addi %mul3A_695, %add3A_1185 : i32
        %get3A_1187 = arith.index_cast %add3A_1186 : i32 to index
        %get3A_1188 = arith.constant 0 : index
        %get3A_1189 = tpu.vector_load %arg8[%get3A_1187, %get3A_1188] {strides = array<i32>} : memref<1120x32xf32, #tpu.memory_space<vmem>>, vector<1x16xf32>,
        %get3A_1190 = vector.shape_cast %get3A_1189 : vector<1x16xf32> to vector<16xf32>
        %mul3A_1191 = vector.broadcast %squeeze3A_1184 : f32 to vector<16xf32>
        %mul3A_1192 = arith.mulf %get3A_1190, %mul3A_1191 : vector<16xf32>
        %add3A_1193 = arith.addf %add3A_1173, %mul3A_1192 : vector<16xf32>
        %add3A_1194 = arith.constant 24 : i32
        %add3A_1195 = arith.addi %mul3A_695, %add3A_1194 : i32
        %get3A_1196 = arith.index_cast %add3A_1195 : i32 to index
        %get3A_1197 = arith.constant 16 : index
        %get3A_1198 = tpu.vector_load %arg8[%get3A_1196, %get3A_1197] {strides = array<i32>} : memref<1120x32xf32, #tpu.memory_space<vmem>>, vector<1x16xf32>,
        %get3A_1199 = vector.shape_cast %get3A_1198 : vector<1x16xf32> to vector<16xf32>
        %mul3A_1200 = vector.broadcast %squeeze3A_1184 : f32 to vector<16xf32>
        %mul3A_1201 = arith.mulf %get3A_1199, %mul3A_1200 : vector<16xf32>
        %add3A_1202 = arith.addf %add3A_1182, %mul3A_1201 : vector<16xf32>
        %slice3A_1203 = vector.extract_strided_slice %get3A_1022 {offsets = [9], sizes = [1], strides = [1]} : vector<16xf32> to vector<1xf32>
        %squeeze3A_1204 = vector.extract %slice3A_1203[0] : f32 from vector<1xf32>
        %add3A_1205 = arith.constant 25 : i32
        %add3A_1206 = arith.addi %mul3A_695, %add3A_1205 : i32
        %get3A_1207 = arith.index_cast %add3A_1206 : i32 to index
        %get3A_1208 = arith.constant 0 : index
        %get3A_1209 = tpu.vector_load %arg8[%get3A_1207, %get3A_1208] {strides = array<i32>} : memref<1120x32xf32, #tpu.memory_space<vmem>>, vector<1x16xf32>,
        %get3A_1210 = vector.shape_cast %get3A_1209 : vector<1x16xf32> to vector<16xf32>
        %mul3A_1211 = vector.broadcast %squeeze3A_1204 : f32 to vector<16xf32>
        %mul3A_1212 = arith.mulf %get3A_1210, %mul3A_1211 : vector<16xf32>
        %add3A_1213 = arith.addf %add3A_1193, %mul3A_1212 : vector<16xf32>
        %add3A_1214 = arith.constant 25 : i32
        %add3A_1215 = arith.addi %mul3A_695, %add3A_1214 : i32
        %get3A_1216 = arith.index_cast %add3A_1215 : i32 to index
        %get3A_1217 = arith.constant 16 : index
        %get3A_1218 = tpu.vector_load %arg8[%get3A_1216, %get3A_1217] {strides = array<i32>} : memref<1120x32xf32, #tpu.memory_space<vmem>>, vector<1x16xf32>,
        %get3A_1219 = vector.shape_cast %get3A_1218 : vector<1x16xf32> to vector<16xf32>
        %mul3A_1220 = vector.broadcast %squeeze3A_1204 : f32 to vector<16xf32>
        %mul3A_1221 = arith.mulf %get3A_1219, %mul3A_1220 : vector<16xf32>
        %add3A_1222 = arith.addf %add3A_1202, %mul3A_1221 : vector<16xf32>
        %slice3A_1223 = vector.extract_strided_slice %get3A_1022 {offsets = [10], sizes = [1], strides = [1]} : vector<16xf32> to vector<1xf32>
        %squeeze3A_1224 = vector.extract %slice3A_1223[0] : f32 from vector<1xf32>
        %add3A_1225 = arith.constant 26 : i32
        %add3A_1226 = arith.addi %mul3A_695, %add3A_1225 : i32
        %get3A_1227 = arith.index_cast %add3A_1226 : i32 to index
        %get3A_1228 = arith.constant 0 : index
        %get3A_1229 = tpu.vector_load %arg8[%get3A_1227, %get3A_1228] {strides = array<i32>} : memref<1120x32xf32, #tpu.memory_space<vmem>>, vector<1x16xf32>,
        %get3A_1230 = vector.shape_cast %get3A_1229 : vector<1x16xf32> to vector<16xf32>
        %mul3A_1231 = vector.broadcast %squeeze3A_1224 : f32 to vector<16xf32>
        %mul3A_1232 = arith.mulf %get3A_1230, %mul3A_1231 : vector<16xf32>
        %add3A_1233 = arith.addf %add3A_1213, %mul3A_1232 : vector<16xf32>
        %add3A_1234 = arith.constant 26 : i32
        %add3A_1235 = arith.addi %mul3A_695, %add3A_1234 : i32
        %get3A_1236 = arith.index_cast %add3A_1235 : i32 to index
        %get3A_1237 = arith.constant 16 : index
        %get3A_1238 = tpu.vector_load %arg8[%get3A_1236, %get3A_1237] {strides = array<i32>} : memref<1120x32xf32, #tpu.memory_space<vmem>>, vector<1x16xf32>,
        %get3A_1239 = vector.shape_cast %get3A_1238 : vector<1x16xf32> to vector<16xf32>
        %mul3A_1240 = vector.broadcast %squeeze3A_1224 : f32 to vector<16xf32>
        %mul3A_1241 = arith.mulf %get3A_1239, %mul3A_1240 : vector<16xf32>
        %add3A_1242 = arith.addf %add3A_1222, %mul3A_1241 : vector<16xf32>
        %slice3A_1243 = vector.extract_strided_slice %get3A_1022 {offsets = [11], sizes = [1], strides = [1]} : vector<16xf32> to vector<1xf32>
        %squeeze3A_1244 = vector.extract %slice3A_1243[0] : f32 from vector<1xf32>
        %add3A_1245 = arith.constant 27 : i32
        %add3A_1246 = arith.addi %mul3A_695, %add3A_1245 : i32
        %get3A_1247 = arith.index_cast %add3A_1246 : i32 to index
        %get3A_1248 = arith.constant 0 : index
        %get3A_1249 = tpu.vector_load %arg8[%get3A_1247, %get3A_1248] {strides = array<i32>} : memref<1120x32xf32, #tpu.memory_space<vmem>>, vector<1x16xf32>,
        %get3A_1250 = vector.shape_cast %get3A_1249 : vector<1x16xf32> to vector<16xf32>
        %mul3A_1251 = vector.broadcast %squeeze3A_1244 : f32 to vector<16xf32>
        %mul3A_1252 = arith.mulf %get3A_1250, %mul3A_1251 : vector<16xf32>
        %add3A_1253 = arith.addf %add3A_1233, %mul3A_1252 : vector<16xf32>
        %add3A_1254 = arith.constant 27 : i32
        %add3A_1255 = arith.addi %mul3A_695, %add3A_1254 : i32
        %get3A_1256 = arith.index_cast %add3A_1255 : i32 to index
        %get3A_1257 = arith.constant 16 : index
        %get3A_1258 = tpu.vector_load %arg8[%get3A_1256, %get3A_1257] {strides = array<i32>} : memref<1120x32xf32, #tpu.memory_space<vmem>>, vector<1x16xf32>,
        %get3A_1259 = vector.shape_cast %get3A_1258 : vector<1x16xf32> to vector<16xf32>
        %mul3A_1260 = vector.broadcast %squeeze3A_1244 : f32 to vector<16xf32>
        %mul3A_1261 = arith.mulf %get3A_1259, %mul3A_1260 : vector<16xf32>
        %add3A_1262 = arith.addf %add3A_1242, %mul3A_1261 : vector<16xf32>
        %slice3A_1263 = vector.extract_strided_slice %get3A_1022 {offsets = [12], sizes = [1], strides = [1]} : vector<16xf32> to vector<1xf32>
        %squeeze3A_1264 = vector.extract %slice3A_1263[0] : f32 from vector<1xf32>
        %add3A_1265 = arith.constant 28 : i32
        %add3A_1266 = arith.addi %mul3A_695, %add3A_1265 : i32
        %get3A_1267 = arith.index_cast %add3A_1266 : i32 to index
        %get3A_1268 = arith.constant 0 : index
        %get3A_1269 = tpu.vector_load %arg8[%get3A_1267, %get3A_1268] {strides = array<i32>} : memref<1120x32xf32, #tpu.memory_space<vmem>>, vector<1x16xf32>,
        %get3A_1270 = vector.shape_cast %get3A_1269 : vector<1x16xf32> to vector<16xf32>
        %mul3A_1271 = vector.broadcast %squeeze3A_1264 : f32 to vector<16xf32>
        %mul3A_1272 = arith.mulf %get3A_1270, %mul3A_1271 : vector<16xf32>
        %add3A_1273 = arith.addf %add3A_1253, %mul3A_1272 : vector<16xf32>
        %add3A_1274 = arith.constant 28 : i32
        %add3A_1275 = arith.addi %mul3A_695, %add3A_1274 : i32
        %get3A_1276 = arith.index_cast %add3A_1275 : i32 to index
        %get3A_1277 = arith.constant 16 : index
        %get3A_1278 = tpu.vector_load %arg8[%get3A_1276, %get3A_1277] {strides = array<i32>} : memref<1120x32xf32, #tpu.memory_space<vmem>>, vector<1x16xf32>,
        %get3A_1279 = vector.shape_cast %get3A_1278 : vector<1x16xf32> to vector<16xf32>
        %mul3A_1280 = vector.broadcast %squeeze3A_1264 : f32 to vector<16xf32>
        %mul3A_1281 = arith.mulf %get3A_1279, %mul3A_1280 : vector<16xf32>
        %add3A_1282 = arith.addf %add3A_1262, %mul3A_1281 : vector<16xf32>
        %slice3A_1283 = vector.extract_strided_slice %get3A_1022 {offsets = [13], sizes = [1], strides = [1]} : vector<16xf32> to vector<1xf32>
        %squeeze3A_1284 = vector.extract %slice3A_1283[0] : f32 from vector<1xf32>
        %add3A_1285 = arith.constant 29 : i32
        %add3A_1286 = arith.addi %mul3A_695, %add3A_1285 : i32
        %get3A_1287 = arith.index_cast %add3A_1286 : i32 to index
        %get3A_1288 = arith.constant 0 : index
        %get3A_1289 = tpu.vector_load %arg8[%get3A_1287, %get3A_1288] {strides = array<i32>} : memref<1120x32xf32, #tpu.memory_space<vmem>>, vector<1x16xf32>,
        %get3A_1290 = vector.shape_cast %get3A_1289 : vector<1x16xf32> to vector<16xf32>
        %mul3A_1291 = vector.broadcast %squeeze3A_1284 : f32 to vector<16xf32>
        %mul3A_1292 = arith.mulf %get3A_1290, %mul3A_1291 : vector<16xf32>
        %add3A_1293 = arith.addf %add3A_1273, %mul3A_1292 : vector<16xf32>
        %add3A_1294 = arith.constant 29 : i32
        %add3A_1295 = arith.addi %mul3A_695, %add3A_1294 : i32
        %get3A_1296 = arith.index_cast %add3A_1295 : i32 to index
        %get3A_1297 = arith.constant 16 : index
        %get3A_1298 = tpu.vector_load %arg8[%get3A_1296, %get3A_1297] {strides = array<i32>} : memref<1120x32xf32, #tpu.memory_space<vmem>>, vector<1x16xf32>,
        %get3A_1299 = vector.shape_cast %get3A_1298 : vector<1x16xf32> to vector<16xf32>
        %mul3A_1300 = vector.broadcast %squeeze3A_1284 : f32 to vector<16xf32>
        %mul3A_1301 = arith.mulf %get3A_1299, %mul3A_1300 : vector<16xf32>
        %add3A_1302 = arith.addf %add3A_1282, %mul3A_1301 : vector<16xf32>
        %slice3A_1303 = vector.extract_strided_slice %get3A_1022 {offsets = [14], sizes = [1], strides = [1]} : vector<16xf32> to vector<1xf32>
        %squeeze3A_1304 = vector.extract %slice3A_1303[0] : f32 from vector<1xf32>
        %add3A_1305 = arith.constant 30 : i32
        %add3A_1306 = arith.addi %mul3A_695, %add3A_1305 : i32
        %get3A_1307 = arith.index_cast %add3A_1306 : i32 to index
        %get3A_1308 = arith.constant 0 : index
        %get3A_1309 = tpu.vector_load %arg8[%get3A_1307, %get3A_1308] {strides = array<i32>} : memref<1120x32xf32, #tpu.memory_space<vmem>>, vector<1x16xf32>,
        %get3A_1310 = vector.shape_cast %get3A_1309 : vector<1x16xf32> to vector<16xf32>
        %mul3A_1311 = vector.broadcast %squeeze3A_1304 : f32 to vector<16xf32>
        %mul3A_1312 = arith.mulf %get3A_1310, %mul3A_1311 : vector<16xf32>
        %add3A_1313 = arith.addf %add3A_1293, %mul3A_1312 : vector<16xf32>
        %add3A_1314 = arith.constant 30 : i32
        %add3A_1315 = arith.addi %mul3A_695, %add3A_1314 : i32
        %get3A_1316 = arith.index_cast %add3A_1315 : i32 to index
        %get3A_1317 = arith.constant 16 : index
        %get3A_1318 = tpu.vector_load %arg8[%get3A_1316, %get3A_1317] {strides = array<i32>} : memref<1120x32xf32, #tpu.memory_space<vmem>>, vector<1x16xf32>,
        %get3A_1319 = vector.shape_cast %get3A_1318 : vector<1x16xf32> to vector<16xf32>
        %mul3A_1320 = vector.broadcast %squeeze3A_1304 : f32 to vector<16xf32>
        %mul3A_1321 = arith.mulf %get3A_1319, %mul3A_1320 : vector<16xf32>
        %add3A_1322 = arith.addf %add3A_1302, %mul3A_1321 : vector<16xf32>
        %slice3A_1323 = vector.extract_strided_slice %get3A_1022 {offsets = [15], sizes = [1], strides = [1]} : vector<16xf32> to vector<1xf32>
        %squeeze3A_1324 = vector.extract %slice3A_1323[0] : f32 from vector<1xf32>
        %add3A_1325 = arith.constant 31 : i32
        %add3A_1326 = arith.addi %mul3A_695, %add3A_1325 : i32
        %get3A_1327 = arith.index_cast %add3A_1326 : i32 to index
        %get3A_1328 = arith.constant 0 : index
        %get3A_1329 = tpu.vector_load %arg8[%get3A_1327, %get3A_1328] {strides = array<i32>} : memref<1120x32xf32, #tpu.memory_space<vmem>>, vector<1x16xf32>,
        %get3A_1330 = vector.shape_cast %get3A_1329 : vector<1x16xf32> to vector<16xf32>
        %mul3A_1331 = vector.broadcast %squeeze3A_1324 : f32 to vector<16xf32>
        %mul3A_1332 = arith.mulf %get3A_1330, %mul3A_1331 : vector<16xf32>
        %add3A_1333 = arith.addf %add3A_1313, %mul3A_1332 : vector<16xf32>
        %add3A_1334 = arith.constant 31 : i32
        %add3A_1335 = arith.addi %mul3A_695, %add3A_1334 : i32
        %get3A_1336 = arith.index_cast %add3A_1335 : i32 to index
        %get3A_1337 = arith.constant 16 : index
        %get3A_1338 = tpu.vector_load %arg8[%get3A_1336, %get3A_1337] {strides = array<i32>} : memref<1120x32xf32, #tpu.memory_space<vmem>>, vector<1x16xf32>,
        %get3A_1339 = vector.shape_cast %get3A_1338 : vector<1x16xf32> to vector<16xf32>
        %mul3A_1340 = vector.broadcast %squeeze3A_1324 : f32 to vector<16xf32>
        %mul3A_1341 = arith.mulf %get3A_1339, %mul3A_1340 : vector<16xf32>
        %add3A_1342 = arith.addf %add3A_1322, %mul3A_1341 : vector<16xf32>
        %get3A_1343 = arith.index_cast %scan3A_692 : i32 to index
        %get3A_1344 = arith.constant 32 : index
        %get3A_1345 = tpu.vector_load %arg7[%get3A_1343, %get3A_1344] {strides = array<i32>} : memref<16x64xf32, #tpu.memory_space<vmem>>, vector<1x16xf32>,
        %get3A_1346 = vector.shape_cast %get3A_1345 : vector<1x16xf32> to vector<16xf32>
        %slice3A_1347 = vector.extract_strided_slice %get3A_1346 {offsets = [0], sizes = [1], strides = [1]} : vector<16xf32> to vector<1xf32>
        %squeeze3A_1348 = vector.extract %slice3A_1347[0] : f32 from vector<1xf32>
        %add3A_1349 = arith.constant 32 : i32
        %add3A_1350 = arith.addi %mul3A_695, %add3A_1349 : i32
        %get3A_1351 = arith.index_cast %add3A_1350 : i32 to index
        %get3A_1352 = arith.constant 0 : index
        %get3A_1353 = tpu.vector_load %arg8[%get3A_1351, %get3A_1352] {strides = array<i32>} : memref<1120x32xf32, #tpu.memory_space<vmem>>, vector<1x16xf32>,
        %get3A_1354 = vector.shape_cast %get3A_1353 : vector<1x16xf32> to vector<16xf32>
        %mul3A_1355 = vector.broadcast %squeeze3A_1348 : f32 to vector<16xf32>
        %mul3A_1356 = arith.mulf %get3A_1354, %mul3A_1355 : vector<16xf32>
        %add3A_1357 = arith.addf %add3A_1333, %mul3A_1356 : vector<16xf32>
        %add3A_1358 = arith.constant 32 : i32
        %add3A_1359 = arith.addi %mul3A_695, %add3A_1358 : i32
        %get3A_1360 = arith.index_cast %add3A_1359 : i32 to index
        %get3A_1361 = arith.constant 16 : index
        %get3A_1362 = tpu.vector_load %arg8[%get3A_1360, %get3A_1361] {strides = array<i32>} : memref<1120x32xf32, #tpu.memory_space<vmem>>, vector<1x16xf32>,
        %get3A_1363 = vector.shape_cast %get3A_1362 : vector<1x16xf32> to vector<16xf32>
        %mul3A_1364 = vector.broadcast %squeeze3A_1348 : f32 to vector<16xf32>
        %mul3A_1365 = arith.mulf %get3A_1363, %mul3A_1364 : vector<16xf32>
        %add3A_1366 = arith.addf %add3A_1342, %mul3A_1365 : vector<16xf32>
        %slice3A_1367 = vector.extract_strided_slice %get3A_1346 {offsets = [1], sizes = [1], strides = [1]} : vector<16xf32> to vector<1xf32>
        %squeeze3A_1368 = vector.extract %slice3A_1367[0] : f32 from vector<1xf32>
        %add3A_1369 = arith.constant 33 : i32
        %add3A_1370 = arith.addi %mul3A_695, %add3A_1369 : i32
        %get3A_1371 = arith.index_cast %add3A_1370 : i32 to index
        %get3A_1372 = arith.constant 0 : index
        %get3A_1373 = tpu.vector_load %arg8[%get3A_1371, %get3A_1372] {strides = array<i32>} : memref<1120x32xf32, #tpu.memory_space<vmem>>, vector<1x16xf32>,
        %get3A_1374 = vector.shape_cast %get3A_1373 : vector<1x16xf32> to vector<16xf32>
        %mul3A_1375 = vector.broadcast %squeeze3A_1368 : f32 to vector<16xf32>
        %mul3A_1376 = arith.mulf %get3A_1374, %mul3A_1375 : vector<16xf32>
        %add3A_1377 = arith.addf %add3A_1357, %mul3A_1376 : vector<16xf32>
        %add3A_1378 = arith.constant 33 : i32
        %add3A_1379 = arith.addi %mul3A_695, %add3A_1378 : i32
        %get3A_1380 = arith.index_cast %add3A_1379 : i32 to index
        %get3A_1381 = arith.constant 16 : index
        %get3A_1382 = tpu.vector_load %arg8[%get3A_1380, %get3A_1381] {strides = array<i32>} : memref<1120x32xf32, #tpu.memory_space<vmem>>, vector<1x16xf32>,
        %get3A_1383 = vector.shape_cast %get3A_1382 : vector<1x16xf32> to vector<16xf32>
        %mul3A_1384 = vector.broadcast %squeeze3A_1368 : f32 to vector<16xf32>
        %mul3A_1385 = arith.mulf %get3A_1383, %mul3A_1384 : vector<16xf32>
        %add3A_1386 = arith.addf %add3A_1366, %mul3A_1385 : vector<16xf32>
        %slice3A_1387 = vector.extract_strided_slice %get3A_1346 {offsets = [2], sizes = [1], strides = [1]} : vector<16xf32> to vector<1xf32>
        %squeeze3A_1388 = vector.extract %slice3A_1387[0] : f32 from vector<1xf32>
        %add3A_1389 = arith.constant 34 : i32
        %add3A_1390 = arith.addi %mul3A_695, %add3A_1389 : i32
        %get3A_1391 = arith.index_cast %add3A_1390 : i32 to index
        %get3A_1392 = arith.constant 0 : index
        %get3A_1393 = tpu.vector_load %arg8[%get3A_1391, %get3A_1392] {strides = array<i32>} : memref<1120x32xf32, #tpu.memory_space<vmem>>, vector<1x16xf32>,
        %get3A_1394 = vector.shape_cast %get3A_1393 : vector<1x16xf32> to vector<16xf32>
        %mul3A_1395 = vector.broadcast %squeeze3A_1388 : f32 to vector<16xf32>
        %mul3A_1396 = arith.mulf %get3A_1394, %mul3A_1395 : vector<16xf32>
        %add3A_1397 = arith.addf %add3A_1377, %mul3A_1396 : vector<16xf32>
        %add3A_1398 = arith.constant 34 : i32
        %add3A_1399 = arith.addi %mul3A_695, %add3A_1398 : i32
        %get3A_1400 = arith.index_cast %add3A_1399 : i32 to index
        %get3A_1401 = arith.constant 16 : index
        %get3A_1402 = tpu.vector_load %arg8[%get3A_1400, %get3A_1401] {strides = array<i32>} : memref<1120x32xf32, #tpu.memory_space<vmem>>, vector<1x16xf32>,
        %get3A_1403 = vector.shape_cast %get3A_1402 : vector<1x16xf32> to vector<16xf32>
        %mul3A_1404 = vector.broadcast %squeeze3A_1388 : f32 to vector<16xf32>
        %mul3A_1405 = arith.mulf %get3A_1403, %mul3A_1404 : vector<16xf32>
        %add3A_1406 = arith.addf %add3A_1386, %mul3A_1405 : vector<16xf32>
        %slice3A_1407 = vector.extract_strided_slice %get3A_1346 {offsets = [3], sizes = [1], strides = [1]} : vector<16xf32> to vector<1xf32>
        %squeeze3A_1408 = vector.extract %slice3A_1407[0] : f32 from vector<1xf32>
        %add3A_1409 = arith.constant 35 : i32
        %add3A_1410 = arith.addi %mul3A_695, %add3A_1409 : i32
        %get3A_1411 = arith.index_cast %add3A_1410 : i32 to index
        %get3A_1412 = arith.constant 0 : index
        %get3A_1413 = tpu.vector_load %arg8[%get3A_1411, %get3A_1412] {strides = array<i32>} : memref<1120x32xf32, #tpu.memory_space<vmem>>, vector<1x16xf32>,
        %get3A_1414 = vector.shape_cast %get3A_1413 : vector<1x16xf32> to vector<16xf32>
        %mul3A_1415 = vector.broadcast %squeeze3A_1408 : f32 to vector<16xf32>
        %mul3A_1416 = arith.mulf %get3A_1414, %mul3A_1415 : vector<16xf32>
        %add3A_1417 = arith.addf %add3A_1397, %mul3A_1416 : vector<16xf32>
        %add3A_1418 = arith.constant 35 : i32
        %add3A_1419 = arith.addi %mul3A_695, %add3A_1418 : i32
        %get3A_1420 = arith.index_cast %add3A_1419 : i32 to index
        %get3A_1421 = arith.constant 16 : index
        %get3A_1422 = tpu.vector_load %arg8[%get3A_1420, %get3A_1421] {strides = array<i32>} : memref<1120x32xf32, #tpu.memory_space<vmem>>, vector<1x16xf32>,
        %get3A_1423 = vector.shape_cast %get3A_1422 : vector<1x16xf32> to vector<16xf32>
        %mul3A_1424 = vector.broadcast %squeeze3A_1408 : f32 to vector<16xf32>
        %mul3A_1425 = arith.mulf %get3A_1423, %mul3A_1424 : vector<16xf32>
        %add3A_1426 = arith.addf %add3A_1406, %mul3A_1425 : vector<16xf32>
        %slice3A_1427 = vector.extract_strided_slice %get3A_1346 {offsets = [4], sizes = [1], strides = [1]} : vector<16xf32> to vector<1xf32>
        %squeeze3A_1428 = vector.extract %slice3A_1427[0] : f32 from vector<1xf32>
        %add3A_1429 = arith.constant 36 : i32
        %add3A_1430 = arith.addi %mul3A_695, %add3A_1429 : i32
        %get3A_1431 = arith.index_cast %add3A_1430 : i32 to index
        %get3A_1432 = arith.constant 0 : index
        %get3A_1433 = tpu.vector_load %arg8[%get3A_1431, %get3A_1432] {strides = array<i32>} : memref<1120x32xf32, #tpu.memory_space<vmem>>, vector<1x16xf32>,
        %get3A_1434 = vector.shape_cast %get3A_1433 : vector<1x16xf32> to vector<16xf32>
        %mul3A_1435 = vector.broadcast %squeeze3A_1428 : f32 to vector<16xf32>
        %mul3A_1436 = arith.mulf %get3A_1434, %mul3A_1435 : vector<16xf32>
        %add3A_1437 = arith.addf %add3A_1417, %mul3A_1436 : vector<16xf32>
        %add3A_1438 = arith.constant 36 : i32
        %add3A_1439 = arith.addi %mul3A_695, %add3A_1438 : i32
        %get3A_1440 = arith.index_cast %add3A_1439 : i32 to index
        %get3A_1441 = arith.constant 16 : index
        %get3A_1442 = tpu.vector_load %arg8[%get3A_1440, %get3A_1441] {strides = array<i32>} : memref<1120x32xf32, #tpu.memory_space<vmem>>, vector<1x16xf32>,
        %get3A_1443 = vector.shape_cast %get3A_1442 : vector<1x16xf32> to vector<16xf32>
        %mul3A_1444 = vector.broadcast %squeeze3A_1428 : f32 to vector<16xf32>
        %mul3A_1445 = arith.mulf %get3A_1443, %mul3A_1444 : vector<16xf32>
        %add3A_1446 = arith.addf %add3A_1426, %mul3A_1445 : vector<16xf32>
        %slice3A_1447 = vector.extract_strided_slice %get3A_1346 {offsets = [5], sizes = [1], strides = [1]} : vector<16xf32> to vector<1xf32>
        %squeeze3A_1448 = vector.extract %slice3A_1447[0] : f32 from vector<1xf32>
        %add3A_1449 = arith.constant 37 : i32
        %add3A_1450 = arith.addi %mul3A_695, %add3A_1449 : i32
        %get3A_1451 = arith.index_cast %add3A_1450 : i32 to index
        %get3A_1452 = arith.constant 0 : index
        %get3A_1453 = tpu.vector_load %arg8[%get3A_1451, %get3A_1452] {strides = array<i32>} : memref<1120x32xf32, #tpu.memory_space<vmem>>, vector<1x16xf32>,
        %get3A_1454 = vector.shape_cast %get3A_1453 : vector<1x16xf32> to vector<16xf32>
        %mul3A_1455 = vector.broadcast %squeeze3A_1448 : f32 to vector<16xf32>
        %mul3A_1456 = arith.mulf %get3A_1454, %mul3A_1455 : vector<16xf32>
        %add3A_1457 = arith.addf %add3A_1437, %mul3A_1456 : vector<16xf32>
        %add3A_1458 = arith.constant 37 : i32
        %add3A_1459 = arith.addi %mul3A_695, %add3A_1458 : i32
        %get3A_1460 = arith.index_cast %add3A_1459 : i32 to index
        %get3A_1461 = arith.constant 16 : index
        %get3A_1462 = tpu.vector_load %arg8[%get3A_1460, %get3A_1461] {strides = array<i32>} : memref<1120x32xf32, #tpu.memory_space<vmem>>, vector<1x16xf32>,
        %get3A_1463 = vector.shape_cast %get3A_1462 : vector<1x16xf32> to vector<16xf32>
        %mul3A_1464 = vector.broadcast %squeeze3A_1448 : f32 to vector<16xf32>
        %mul3A_1465 = arith.mulf %get3A_1463, %mul3A_1464 : vector<16xf32>
        %add3A_1466 = arith.addf %add3A_1446, %mul3A_1465 : vector<16xf32>
        %slice3A_1467 = vector.extract_strided_slice %get3A_1346 {offsets = [6], sizes = [1], strides = [1]} : vector<16xf32> to vector<1xf32>
        %squeeze3A_1468 = vector.extract %slice3A_1467[0] : f32 from vector<1xf32>
        %add3A_1469 = arith.constant 38 : i32
        %add3A_1470 = arith.addi %mul3A_695, %add3A_1469 : i32
        %get3A_1471 = arith.index_cast %add3A_1470 : i32 to index
        %get3A_1472 = arith.constant 0 : index
        %get3A_1473 = tpu.vector_load %arg8[%get3A_1471, %get3A_1472] {strides = array<i32>} : memref<1120x32xf32, #tpu.memory_space<vmem>>, vector<1x16xf32>,
        %get3A_1474 = vector.shape_cast %get3A_1473 : vector<1x16xf32> to vector<16xf32>
        %mul3A_1475 = vector.broadcast %squeeze3A_1468 : f32 to vector<16xf32>
        %mul3A_1476 = arith.mulf %get3A_1474, %mul3A_1475 : vector<16xf32>
        %add3A_1477 = arith.addf %add3A_1457, %mul3A_1476 : vector<16xf32>
        %add3A_1478 = arith.constant 38 : i32
        %add3A_1479 = arith.addi %mul3A_695, %add3A_1478 : i32
        %get3A_1480 = arith.index_cast %add3A_1479 : i32 to index
        %get3A_1481 = arith.constant 16 : index
        %get3A_1482 = tpu.vector_load %arg8[%get3A_1480, %get3A_1481] {strides = array<i32>} : memref<1120x32xf32, #tpu.memory_space<vmem>>, vector<1x16xf32>,
        %get3A_1483 = vector.shape_cast %get3A_1482 : vector<1x16xf32> to vector<16xf32>
        %mul3A_1484 = vector.broadcast %squeeze3A_1468 : f32 to vector<16xf32>
        %mul3A_1485 = arith.mulf %get3A_1483, %mul3A_1484 : vector<16xf32>
        %add3A_1486 = arith.addf %add3A_1466, %mul3A_1485 : vector<16xf32>
        %slice3A_1487 = vector.extract_strided_slice %get3A_1346 {offsets = [7], sizes = [1], strides = [1]} : vector<16xf32> to vector<1xf32>
        %squeeze3A_1488 = vector.extract %slice3A_1487[0] : f32 from vector<1xf32>
        %add3A_1489 = arith.constant 39 : i32
        %add3A_1490 = arith.addi %mul3A_695, %add3A_1489 : i32
        %get3A_1491 = arith.index_cast %add3A_1490 : i32 to index
        %get3A_1492 = arith.constant 0 : index
        %get3A_1493 = tpu.vector_load %arg8[%get3A_1491, %get3A_1492] {strides = array<i32>} : memref<1120x32xf32, #tpu.memory_space<vmem>>, vector<1x16xf32>,
        %get3A_1494 = vector.shape_cast %get3A_1493 : vector<1x16xf32> to vector<16xf32>
        %mul3A_1495 = vector.broadcast %squeeze3A_1488 : f32 to vector<16xf32>
        %mul3A_1496 = arith.mulf %get3A_1494, %mul3A_1495 : vector<16xf32>
        %add3A_1497 = arith.addf %add3A_1477, %mul3A_1496 : vector<16xf32>
        %add3A_1498 = arith.constant 39 : i32
        %add3A_1499 = arith.addi %mul3A_695, %add3A_1498 : i32
        %get3A_1500 = arith.index_cast %add3A_1499 : i32 to index
        %get3A_1501 = arith.constant 16 : index
        %get3A_1502 = tpu.vector_load %arg8[%get3A_1500, %get3A_1501] {strides = array<i32>} : memref<1120x32xf32, #tpu.memory_space<vmem>>, vector<1x16xf32>,
        %get3A_1503 = vector.shape_cast %get3A_1502 : vector<1x16xf32> to vector<16xf32>
        %mul3A_1504 = vector.broadcast %squeeze3A_1488 : f32 to vector<16xf32>
        %mul3A_1505 = arith.mulf %get3A_1503, %mul3A_1504 : vector<16xf32>
        %add3A_1506 = arith.addf %add3A_1486, %mul3A_1505 : vector<16xf32>
        %slice3A_1507 = vector.extract_strided_slice %get3A_1346 {offsets = [8], sizes = [1], strides = [1]} : vector<16xf32> to vector<1xf32>
        %squeeze3A_1508 = vector.extract %slice3A_1507[0] : f32 from vector<1xf32>
        %add3A_1509 = arith.constant 40 : i32
        %add3A_1510 = arith.addi %mul3A_695, %add3A_1509 : i32
        %get3A_1511 = arith.index_cast %add3A_1510 : i32 to index
        %get3A_1512 = arith.constant 0 : index
        %get3A_1513 = tpu.vector_load %arg8[%get3A_1511, %get3A_1512] {strides = array<i32>} : memref<1120x32xf32, #tpu.memory_space<vmem>>, vector<1x16xf32>,
        %get3A_1514 = vector.shape_cast %get3A_1513 : vector<1x16xf32> to vector<16xf32>
        %mul3A_1515 = vector.broadcast %squeeze3A_1508 : f32 to vector<16xf32>
        %mul3A_1516 = arith.mulf %get3A_1514, %mul3A_1515 : vector<16xf32>
        %add3A_1517 = arith.addf %add3A_1497, %mul3A_1516 : vector<16xf32>
        %add3A_1518 = arith.constant 40 : i32
        %add3A_1519 = arith.addi %mul3A_695, %add3A_1518 : i32
        %get3A_1520 = arith.index_cast %add3A_1519 : i32 to index
        %get3A_1521 = arith.constant 16 : index
        %get3A_1522 = tpu.vector_load %arg8[%get3A_1520, %get3A_1521] {strides = array<i32>} : memref<1120x32xf32, #tpu.memory_space<vmem>>, vector<1x16xf32>,
        %get3A_1523 = vector.shape_cast %get3A_1522 : vector<1x16xf32> to vector<16xf32>
        %mul3A_1524 = vector.broadcast %squeeze3A_1508 : f32 to vector<16xf32>
        %mul3A_1525 = arith.mulf %get3A_1523, %mul3A_1524 : vector<16xf32>
        %add3A_1526 = arith.addf %add3A_1506, %mul3A_1525 : vector<16xf32>
        %slice3A_1527 = vector.extract_strided_slice %get3A_1346 {offsets = [9], sizes = [1], strides = [1]} : vector<16xf32> to vector<1xf32>
        %squeeze3A_1528 = vector.extract %slice3A_1527[0] : f32 from vector<1xf32>
        %add3A_1529 = arith.constant 41 : i32
        %add3A_1530 = arith.addi %mul3A_695, %add3A_1529 : i32
        %get3A_1531 = arith.index_cast %add3A_1530 : i32 to index
        %get3A_1532 = arith.constant 0 : index
        %get3A_1533 = tpu.vector_load %arg8[%get3A_1531, %get3A_1532] {strides = array<i32>} : memref<1120x32xf32, #tpu.memory_space<vmem>>, vector<1x16xf32>,
        %get3A_1534 = vector.shape_cast %get3A_1533 : vector<1x16xf32> to vector<16xf32>
        %mul3A_1535 = vector.broadcast %squeeze3A_1528 : f32 to vector<16xf32>
        %mul3A_1536 = arith.mulf %get3A_1534, %mul3A_1535 : vector<16xf32>
        %add3A_1537 = arith.addf %add3A_1517, %mul3A_1536 : vector<16xf32>
        %add3A_1538 = arith.constant 41 : i32
        %add3A_1539 = arith.addi %mul3A_695, %add3A_1538 : i32
        %get3A_1540 = arith.index_cast %add3A_1539 : i32 to index
        %get3A_1541 = arith.constant 16 : index
        %get3A_1542 = tpu.vector_load %arg8[%get3A_1540, %get3A_1541] {strides = array<i32>} : memref<1120x32xf32, #tpu.memory_space<vmem>>, vector<1x16xf32>,
        %get3A_1543 = vector.shape_cast %get3A_1542 : vector<1x16xf32> to vector<16xf32>
        %mul3A_1544 = vector.broadcast %squeeze3A_1528 : f32 to vector<16xf32>
        %mul3A_1545 = arith.mulf %get3A_1543, %mul3A_1544 : vector<16xf32>
        %add3A_1546 = arith.addf %add3A_1526, %mul3A_1545 : vector<16xf32>
        %slice3A_1547 = vector.extract_strided_slice %get3A_1346 {offsets = [10], sizes = [1], strides = [1]} : vector<16xf32> to vector<1xf32>
        %squeeze3A_1548 = vector.extract %slice3A_1547[0] : f32 from vector<1xf32>
        %add3A_1549 = arith.constant 42 : i32
        %add3A_1550 = arith.addi %mul3A_695, %add3A_1549 : i32
        %get3A_1551 = arith.index_cast %add3A_1550 : i32 to index
        %get3A_1552 = arith.constant 0 : index
        %get3A_1553 = tpu.vector_load %arg8[%get3A_1551, %get3A_1552] {strides = array<i32>} : memref<1120x32xf32, #tpu.memory_space<vmem>>, vector<1x16xf32>,
        %get3A_1554 = vector.shape_cast %get3A_1553 : vector<1x16xf32> to vector<16xf32>
        %mul3A_1555 = vector.broadcast %squeeze3A_1548 : f32 to vector<16xf32>
        %mul3A_1556 = arith.mulf %get3A_1554, %mul3A_1555 : vector<16xf32>
        %add3A_1557 = arith.addf %add3A_1537, %mul3A_1556 : vector<16xf32>
        %add3A_1558 = arith.constant 42 : i32
        %add3A_1559 = arith.addi %mul3A_695, %add3A_1558 : i32
        %get3A_1560 = arith.index_cast %add3A_1559 : i32 to index
        %get3A_1561 = arith.constant 16 : index
        %get3A_1562 = tpu.vector_load %arg8[%get3A_1560, %get3A_1561] {strides = array<i32>} : memref<1120x32xf32, #tpu.memory_space<vmem>>, vector<1x16xf32>,
        %get3A_1563 = vector.shape_cast %get3A_1562 : vector<1x16xf32> to vector<16xf32>
        %mul3A_1564 = vector.broadcast %squeeze3A_1548 : f32 to vector<16xf32>
        %mul3A_1565 = arith.mulf %get3A_1563, %mul3A_1564 : vector<16xf32>
        %add3A_1566 = arith.addf %add3A_1546, %mul3A_1565 : vector<16xf32>
        %slice3A_1567 = vector.extract_strided_slice %get3A_1346 {offsets = [11], sizes = [1], strides = [1]} : vector<16xf32> to vector<1xf32>
        %squeeze3A_1568 = vector.extract %slice3A_1567[0] : f32 from vector<1xf32>
        %add3A_1569 = arith.constant 43 : i32
        %add3A_1570 = arith.addi %mul3A_695, %add3A_1569 : i32
        %get3A_1571 = arith.index_cast %add3A_1570 : i32 to index
        %get3A_1572 = arith.constant 0 : index
        %get3A_1573 = tpu.vector_load %arg8[%get3A_1571, %get3A_1572] {strides = array<i32>} : memref<1120x32xf32, #tpu.memory_space<vmem>>, vector<1x16xf32>,
        %get3A_1574 = vector.shape_cast %get3A_1573 : vector<1x16xf32> to vector<16xf32>
        %mul3A_1575 = vector.broadcast %squeeze3A_1568 : f32 to vector<16xf32>
        %mul3A_1576 = arith.mulf %get3A_1574, %mul3A_1575 : vector<16xf32>
        %add3A_1577 = arith.addf %add3A_1557, %mul3A_1576 : vector<16xf32>
        %add3A_1578 = arith.constant 43 : i32
        %add3A_1579 = arith.addi %mul3A_695, %add3A_1578 : i32
        %get3A_1580 = arith.index_cast %add3A_1579 : i32 to index
        %get3A_1581 = arith.constant 16 : index
        %get3A_1582 = tpu.vector_load %arg8[%get3A_1580, %get3A_1581] {strides = array<i32>} : memref<1120x32xf32, #tpu.memory_space<vmem>>, vector<1x16xf32>,
        %get3A_1583 = vector.shape_cast %get3A_1582 : vector<1x16xf32> to vector<16xf32>
        %mul3A_1584 = vector.broadcast %squeeze3A_1568 : f32 to vector<16xf32>
        %mul3A_1585 = arith.mulf %get3A_1583, %mul3A_1584 : vector<16xf32>
        %add3A_1586 = arith.addf %add3A_1566, %mul3A_1585 : vector<16xf32>
        %slice3A_1587 = vector.extract_strided_slice %get3A_1346 {offsets = [12], sizes = [1], strides = [1]} : vector<16xf32> to vector<1xf32>
        %squeeze3A_1588 = vector.extract %slice3A_1587[0] : f32 from vector<1xf32>
        %add3A_1589 = arith.constant 44 : i32
        %add3A_1590 = arith.addi %mul3A_695, %add3A_1589 : i32
        %get3A_1591 = arith.index_cast %add3A_1590 : i32 to index
        %get3A_1592 = arith.constant 0 : index
        %get3A_1593 = tpu.vector_load %arg8[%get3A_1591, %get3A_1592] {strides = array<i32>} : memref<1120x32xf32, #tpu.memory_space<vmem>>, vector<1x16xf32>,
        %get3A_1594 = vector.shape_cast %get3A_1593 : vector<1x16xf32> to vector<16xf32>
        %mul3A_1595 = vector.broadcast %squeeze3A_1588 : f32 to vector<16xf32>
        %mul3A_1596 = arith.mulf %get3A_1594, %mul3A_1595 : vector<16xf32>
        %add3A_1597 = arith.addf %add3A_1577, %mul3A_1596 : vector<16xf32>
        %add3A_1598 = arith.constant 44 : i32
        %add3A_1599 = arith.addi %mul3A_695, %add3A_1598 : i32
        %get3A_1600 = arith.index_cast %add3A_1599 : i32 to index
        %get3A_1601 = arith.constant 16 : index
        %get3A_1602 = tpu.vector_load %arg8[%get3A_1600, %get3A_1601] {strides = array<i32>} : memref<1120x32xf32, #tpu.memory_space<vmem>>, vector<1x16xf32>,
        %get3A_1603 = vector.shape_cast %get3A_1602 : vector<1x16xf32> to vector<16xf32>
        %mul3A_1604 = vector.broadcast %squeeze3A_1588 : f32 to vector<16xf32>
        %mul3A_1605 = arith.mulf %get3A_1603, %mul3A_1604 : vector<16xf32>
        %add3A_1606 = arith.addf %add3A_1586, %mul3A_1605 : vector<16xf32>
        %slice3A_1607 = vector.extract_strided_slice %get3A_1346 {offsets = [13], sizes = [1], strides = [1]} : vector<16xf32> to vector<1xf32>
        %squeeze3A_1608 = vector.extract %slice3A_1607[0] : f32 from vector<1xf32>
        %add3A_1609 = arith.constant 45 : i32
        %add3A_1610 = arith.addi %mul3A_695, %add3A_1609 : i32
        %get3A_1611 = arith.index_cast %add3A_1610 : i32 to index
        %get3A_1612 = arith.constant 0 : index
        %get3A_1613 = tpu.vector_load %arg8[%get3A_1611, %get3A_1612] {strides = array<i32>} : memref<1120x32xf32, #tpu.memory_space<vmem>>, vector<1x16xf32>,
        %get3A_1614 = vector.shape_cast %get3A_1613 : vector<1x16xf32> to vector<16xf32>
        %mul3A_1615 = vector.broadcast %squeeze3A_1608 : f32 to vector<16xf32>
        %mul3A_1616 = arith.mulf %get3A_1614, %mul3A_1615 : vector<16xf32>
        %add3A_1617 = arith.addf %add3A_1597, %mul3A_1616 : vector<16xf32>
        %add3A_1618 = arith.constant 45 : i32
        %add3A_1619 = arith.addi %mul3A_695, %add3A_1618 : i32
        %get3A_1620 = arith.index_cast %add3A_1619 : i32 to index
        %get3A_1621 = arith.constant 16 : index
        %get3A_1622 = tpu.vector_load %arg8[%get3A_1620, %get3A_1621] {strides = array<i32>} : memref<1120x32xf32, #tpu.memory_space<vmem>>, vector<1x16xf32>,
        %get3A_1623 = vector.shape_cast %get3A_1622 : vector<1x16xf32> to vector<16xf32>
        %mul3A_1624 = vector.broadcast %squeeze3A_1608 : f32 to vector<16xf32>
        %mul3A_1625 = arith.mulf %get3A_1623, %mul3A_1624 : vector<16xf32>
        %add3A_1626 = arith.addf %add3A_1606, %mul3A_1625 : vector<16xf32>
        %slice3A_1627 = vector.extract_strided_slice %get3A_1346 {offsets = [14], sizes = [1], strides = [1]} : vector<16xf32> to vector<1xf32>
        %squeeze3A_1628 = vector.extract %slice3A_1627[0] : f32 from vector<1xf32>
        %add3A_1629 = arith.constant 46 : i32
        %add3A_1630 = arith.addi %mul3A_695, %add3A_1629 : i32
        %get3A_1631 = arith.index_cast %add3A_1630 : i32 to index
        %get3A_1632 = arith.constant 0 : index
        %get3A_1633 = tpu.vector_load %arg8[%get3A_1631, %get3A_1632] {strides = array<i32>} : memref<1120x32xf32, #tpu.memory_space<vmem>>, vector<1x16xf32>,
        %get3A_1634 = vector.shape_cast %get3A_1633 : vector<1x16xf32> to vector<16xf32>
        %mul3A_1635 = vector.broadcast %squeeze3A_1628 : f32 to vector<16xf32>
        %mul3A_1636 = arith.mulf %get3A_1634, %mul3A_1635 : vector<16xf32>
        %add3A_1637 = arith.addf %add3A_1617, %mul3A_1636 : vector<16xf32>
        %add3A_1638 = arith.constant 46 : i32
        %add3A_1639 = arith.addi %mul3A_695, %add3A_1638 : i32
        %get3A_1640 = arith.index_cast %add3A_1639 : i32 to index
        %get3A_1641 = arith.constant 16 : index
        %get3A_1642 = tpu.vector_load %arg8[%get3A_1640, %get3A_1641] {strides = array<i32>} : memref<1120x32xf32, #tpu.memory_space<vmem>>, vector<1x16xf32>,
        %get3A_1643 = vector.shape_cast %get3A_1642 : vector<1x16xf32> to vector<16xf32>
        %mul3A_1644 = vector.broadcast %squeeze3A_1628 : f32 to vector<16xf32>
        %mul3A_1645 = arith.mulf %get3A_1643, %mul3A_1644 : vector<16xf32>
        %add3A_1646 = arith.addf %add3A_1626, %mul3A_1645 : vector<16xf32>
        %slice3A_1647 = vector.extract_strided_slice %get3A_1346 {offsets = [15], sizes = [1], strides = [1]} : vector<16xf32> to vector<1xf32>
        %squeeze3A_1648 = vector.extract %slice3A_1647[0] : f32 from vector<1xf32>
        %add3A_1649 = arith.constant 47 : i32
        %add3A_1650 = arith.addi %mul3A_695, %add3A_1649 : i32
        %get3A_1651 = arith.index_cast %add3A_1650 : i32 to index
        %get3A_1652 = arith.constant 0 : index
        %get3A_1653 = tpu.vector_load %arg8[%get3A_1651, %get3A_1652] {strides = array<i32>} : memref<1120x32xf32, #tpu.memory_space<vmem>>, vector<1x16xf32>,
        %get3A_1654 = vector.shape_cast %get3A_1653 : vector<1x16xf32> to vector<16xf32>
        %mul3A_1655 = vector.broadcast %squeeze3A_1648 : f32 to vector<16xf32>
        %mul3A_1656 = arith.mulf %get3A_1654, %mul3A_1655 : vector<16xf32>
        %add3A_1657 = arith.addf %add3A_1637, %mul3A_1656 : vector<16xf32>
        %add3A_1658 = arith.constant 47 : i32
        %add3A_1659 = arith.addi %mul3A_695, %add3A_1658 : i32
        %get3A_1660 = arith.index_cast %add3A_1659 : i32 to index
        %get3A_1661 = arith.constant 16 : index
        %get3A_1662 = tpu.vector_load %arg8[%get3A_1660, %get3A_1661] {strides = array<i32>} : memref<1120x32xf32, #tpu.memory_space<vmem>>, vector<1x16xf32>,
        %get3A_1663 = vector.shape_cast %get3A_1662 : vector<1x16xf32> to vector<16xf32>
        %mul3A_1664 = vector.broadcast %squeeze3A_1648 : f32 to vector<16xf32>
        %mul3A_1665 = arith.mulf %get3A_1663, %mul3A_1664 : vector<16xf32>
        %add3A_1666 = arith.addf %add3A_1646, %mul3A_1665 : vector<16xf32>
        %get3A_1667 = arith.index_cast %scan3A_692 : i32 to index
        %get3A_1668 = arith.constant 48 : index
        %get3A_1669 = tpu.vector_load %arg7[%get3A_1667, %get3A_1668] {strides = array<i32>} : memref<16x64xf32, #tpu.memory_space<vmem>>, vector<1x16xf32>,
        %get3A_1670 = vector.shape_cast %get3A_1669 : vector<1x16xf32> to vector<16xf32>
        %slice3A_1671 = vector.extract_strided_slice %get3A_1670 {offsets = [0], sizes = [1], strides = [1]} : vector<16xf32> to vector<1xf32>
        %squeeze3A_1672 = vector.extract %slice3A_1671[0] : f32 from vector<1xf32>
        %add3A_1673 = arith.constant 48 : i32
        %add3A_1674 = arith.addi %mul3A_695, %add3A_1673 : i32
        %get3A_1675 = arith.index_cast %add3A_1674 : i32 to index
        %get3A_1676 = arith.constant 0 : index
        %get3A_1677 = tpu.vector_load %arg8[%get3A_1675, %get3A_1676] {strides = array<i32>} : memref<1120x32xf32, #tpu.memory_space<vmem>>, vector<1x16xf32>,
        %get3A_1678 = vector.shape_cast %get3A_1677 : vector<1x16xf32> to vector<16xf32>
        %mul3A_1679 = vector.broadcast %squeeze3A_1672 : f32 to vector<16xf32>
        %mul3A_1680 = arith.mulf %get3A_1678, %mul3A_1679 : vector<16xf32>
        %add3A_1681 = arith.addf %add3A_1657, %mul3A_1680 : vector<16xf32>
        %add3A_1682 = arith.constant 48 : i32
        %add3A_1683 = arith.addi %mul3A_695, %add3A_1682 : i32
        %get3A_1684 = arith.index_cast %add3A_1683 : i32 to index
        %get3A_1685 = arith.constant 16 : index
        %get3A_1686 = tpu.vector_load %arg8[%get3A_1684, %get3A_1685] {strides = array<i32>} : memref<1120x32xf32, #tpu.memory_space<vmem>>, vector<1x16xf32>,
        %get3A_1687 = vector.shape_cast %get3A_1686 : vector<1x16xf32> to vector<16xf32>
        %mul3A_1688 = vector.broadcast %squeeze3A_1672 : f32 to vector<16xf32>
        %mul3A_1689 = arith.mulf %get3A_1687, %mul3A_1688 : vector<16xf32>
        %add3A_1690 = arith.addf %add3A_1666, %mul3A_1689 : vector<16xf32>
        %slice3A_1691 = vector.extract_strided_slice %get3A_1670 {offsets = [1], sizes = [1], strides = [1]} : vector<16xf32> to vector<1xf32>
        %squeeze3A_1692 = vector.extract %slice3A_1691[0] : f32 from vector<1xf32>
        %add3A_1693 = arith.constant 49 : i32
        %add3A_1694 = arith.addi %mul3A_695, %add3A_1693 : i32
        %get3A_1695 = arith.index_cast %add3A_1694 : i32 to index
        %get3A_1696 = arith.constant 0 : index
        %get3A_1697 = tpu.vector_load %arg8[%get3A_1695, %get3A_1696] {strides = array<i32>} : memref<1120x32xf32, #tpu.memory_space<vmem>>, vector<1x16xf32>,
        %get3A_1698 = vector.shape_cast %get3A_1697 : vector<1x16xf32> to vector<16xf32>
        %mul3A_1699 = vector.broadcast %squeeze3A_1692 : f32 to vector<16xf32>
        %mul3A_1700 = arith.mulf %get3A_1698, %mul3A_1699 : vector<16xf32>
        %add3A_1701 = arith.addf %add3A_1681, %mul3A_1700 : vector<16xf32>
        %add3A_1702 = arith.constant 49 : i32
        %add3A_1703 = arith.addi %mul3A_695, %add3A_1702 : i32
        %get3A_1704 = arith.index_cast %add3A_1703 : i32 to index
        %get3A_1705 = arith.constant 16 : index
        %get3A_1706 = tpu.vector_load %arg8[%get3A_1704, %get3A_1705] {strides = array<i32>} : memref<1120x32xf32, #tpu.memory_space<vmem>>, vector<1x16xf32>,
        %get3A_1707 = vector.shape_cast %get3A_1706 : vector<1x16xf32> to vector<16xf32>
        %mul3A_1708 = vector.broadcast %squeeze3A_1692 : f32 to vector<16xf32>
        %mul3A_1709 = arith.mulf %get3A_1707, %mul3A_1708 : vector<16xf32>
        %add3A_1710 = arith.addf %add3A_1690, %mul3A_1709 : vector<16xf32>
        %add3A_1711 = arith.constant 50 : i32
        %add3A_1712 = arith.addi %mul3A_695, %add3A_1711 : i32
        %add3A_1713 = arith.constant 0 : i32
        %add3A_1714 = arith.addi %add3A_1712, %add3A_1713 : i32
        %get3A_1715 = arith.index_cast %add3A_1714 : i32 to index
        %get3A_1716 = arith.constant 0 : index
        %get3A_1717 = tpu.vector_load %arg8[%get3A_1715, %get3A_1716] {strides = array<i32>} : memref<1120x32xf32, #tpu.memory_space<vmem>>, vector<1x16xf32>,
        %get3A_1718 = vector.shape_cast %get3A_1717 : vector<1x16xf32> to vector<16xf32>
        %add3A_1719 = arith.addf %broadcast_in_dim3A_697, %get3A_1718 : vector<16xf32>
        %get3A_1720 = arith.index_cast %add3A_1714 : i32 to index
        %get3A_1721 = arith.constant 16 : index
        %get3A_1722 = tpu.vector_load %arg8[%get3A_1720, %get3A_1721] {strides = array<i32>} : memref<1120x32xf32, #tpu.memory_space<vmem>>, vector<1x16xf32>,
        %get3A_1723 = vector.shape_cast %get3A_1722 : vector<1x16xf32> to vector<16xf32>
        %add3A_1724 = arith.addf %broadcast_in_dim3A_697, %get3A_1723 : vector<16xf32>
        %add3A_1725 = arith.constant 50 : i32
        %add3A_1726 = arith.addi %mul3A_695, %add3A_1725 : i32
        %add3A_1727 = arith.constant 1 : i32
        %add3A_1728 = arith.addi %add3A_1726, %add3A_1727 : i32
        %get3A_1729 = arith.index_cast %add3A_1728 : i32 to index
        %get3A_1730 = arith.constant 0 : index
        %get3A_1731 = tpu.vector_load %arg8[%get3A_1729, %get3A_1730] {strides = array<i32>} : memref<1120x32xf32, #tpu.memory_space<vmem>>, vector<1x16xf32>,
        %get3A_1732 = vector.shape_cast %get3A_1731 : vector<1x16xf32> to vector<16xf32>
        %add3A_1733 = arith.addf %add3A_1719, %get3A_1732 : vector<16xf32>
        %get3A_1734 = arith.index_cast %add3A_1728 : i32 to index
        %get3A_1735 = arith.constant 16 : index
        %get3A_1736 = tpu.vector_load %arg8[%get3A_1734, %get3A_1735] {strides = array<i32>} : memref<1120x32xf32, #tpu.memory_space<vmem>>, vector<1x16xf32>,
        %get3A_1737 = vector.shape_cast %get3A_1736 : vector<1x16xf32> to vector<16xf32>
        %add3A_1738 = arith.addf %add3A_1724, %get3A_1737 : vector<16xf32>
        %add3A_1739 = arith.constant 50 : i32
        %add3A_1740 = arith.addi %mul3A_695, %add3A_1739 : i32
        %add3A_1741 = arith.constant 2 : i32
        %add3A_1742 = arith.addi %add3A_1740, %add3A_1741 : i32
        %get3A_1743 = arith.index_cast %add3A_1742 : i32 to index
        %get3A_1744 = arith.constant 0 : index
        %get3A_1745 = tpu.vector_load %arg8[%get3A_1743, %get3A_1744] {strides = array<i32>} : memref<1120x32xf32, #tpu.memory_space<vmem>>, vector<1x16xf32>,
        %get3A_1746 = vector.shape_cast %get3A_1745 : vector<1x16xf32> to vector<16xf32>
        %add3A_1747 = arith.addf %add3A_1733, %get3A_1746 : vector<16xf32>
        %get3A_1748 = arith.index_cast %add3A_1742 : i32 to index
        %get3A_1749 = arith.constant 16 : index
        %get3A_1750 = tpu.vector_load %arg8[%get3A_1748, %get3A_1749] {strides = array<i32>} : memref<1120x32xf32, #tpu.memory_space<vmem>>, vector<1x16xf32>,
        %get3A_1751 = vector.shape_cast %get3A_1750 : vector<1x16xf32> to vector<16xf32>
        %add3A_1752 = arith.addf %add3A_1738, %get3A_1751 : vector<16xf32>
        %add3A_1753 = arith.constant 50 : i32
        %add3A_1754 = arith.addi %mul3A_695, %add3A_1753 : i32
        %add3A_1755 = arith.constant 3 : i32
        %add3A_1756 = arith.addi %add3A_1754, %add3A_1755 : i32
        %get3A_1757 = arith.index_cast %add3A_1756 : i32 to index
        %get3A_1758 = arith.constant 0 : index
        %get3A_1759 = tpu.vector_load %arg8[%get3A_1757, %get3A_1758] {strides = array<i32>} : memref<1120x32xf32, #tpu.memory_space<vmem>>, vector<1x16xf32>,
        %get3A_1760 = vector.shape_cast %get3A_1759 : vector<1x16xf32> to vector<16xf32>
        %add3A_1761 = arith.addf %add3A_1747, %get3A_1760 : vector<16xf32>
        %get3A_1762 = arith.index_cast %add3A_1756 : i32 to index
        %get3A_1763 = arith.constant 16 : index
        %get3A_1764 = tpu.vector_load %arg8[%get3A_1762, %get3A_1763] {strides = array<i32>} : memref<1120x32xf32, #tpu.memory_space<vmem>>, vector<1x16xf32>,
        %get3A_1765 = vector.shape_cast %get3A_1764 : vector<1x16xf32> to vector<16xf32>
        %add3A_1766 = arith.addf %add3A_1752, %get3A_1765 : vector<16xf32>
        %add3A_1767 = arith.constant 50 : i32
        %add3A_1768 = arith.addi %mul3A_695, %add3A_1767 : i32
        %add3A_1769 = arith.constant 4 : i32
        %add3A_1770 = arith.addi %add3A_1768, %add3A_1769 : i32
        %get3A_1771 = arith.index_cast %add3A_1770 : i32 to index
        %get3A_1772 = arith.constant 0 : index
        %get3A_1773 = tpu.vector_load %arg8[%get3A_1771, %get3A_1772] {strides = array<i32>} : memref<1120x32xf32, #tpu.memory_space<vmem>>, vector<1x16xf32>,
        %get3A_1774 = vector.shape_cast %get3A_1773 : vector<1x16xf32> to vector<16xf32>
        %add3A_1775 = arith.addf %add3A_1761, %get3A_1774 : vector<16xf32>
        %get3A_1776 = arith.index_cast %add3A_1770 : i32 to index
        %get3A_1777 = arith.constant 16 : index
        %get3A_1778 = tpu.vector_load %arg8[%get3A_1776, %get3A_1777] {strides = array<i32>} : memref<1120x32xf32, #tpu.memory_space<vmem>>, vector<1x16xf32>,
        %get3A_1779 = vector.shape_cast %get3A_1778 : vector<1x16xf32> to vector<16xf32>
        %add3A_1780 = arith.addf %add3A_1766, %get3A_1779 : vector<16xf32>
        %add3A_1781 = arith.constant 50 : i32
        %add3A_1782 = arith.addi %mul3A_695, %add3A_1781 : i32
        %add3A_1783 = arith.constant 5 : i32
        %add3A_1784 = arith.addi %add3A_1782, %add3A_1783 : i32
        %get3A_1785 = arith.index_cast %add3A_1784 : i32 to index
        %get3A_1786 = arith.constant 0 : index
        %get3A_1787 = tpu.vector_load %arg8[%get3A_1785, %get3A_1786] {strides = array<i32>} : memref<1120x32xf32, #tpu.memory_space<vmem>>, vector<1x16xf32>,
        %get3A_1788 = vector.shape_cast %get3A_1787 : vector<1x16xf32> to vector<16xf32>
        %add3A_1789 = arith.addf %add3A_1775, %get3A_1788 : vector<16xf32>
        %get3A_1790 = arith.index_cast %add3A_1784 : i32 to index
        %get3A_1791 = arith.constant 16 : index
        %get3A_1792 = tpu.vector_load %arg8[%get3A_1790, %get3A_1791] {strides = array<i32>} : memref<1120x32xf32, #tpu.memory_space<vmem>>, vector<1x16xf32>,
        %get3A_1793 = vector.shape_cast %get3A_1792 : vector<1x16xf32> to vector<16xf32>
        %add3A_1794 = arith.addf %add3A_1780, %get3A_1793 : vector<16xf32>
        %add3A_1795 = arith.constant 50 : i32
        %add3A_1796 = arith.addi %mul3A_695, %add3A_1795 : i32
        %add3A_1797 = arith.constant 6 : i32
        %add3A_1798 = arith.addi %add3A_1796, %add3A_1797 : i32
        %get3A_1799 = arith.index_cast %add3A_1798 : i32 to index
        %get3A_1800 = arith.constant 0 : index
        %get3A_1801 = tpu.vector_load %arg8[%get3A_1799, %get3A_1800] {strides = array<i32>} : memref<1120x32xf32, #tpu.memory_space<vmem>>, vector<1x16xf32>,
        %get3A_1802 = vector.shape_cast %get3A_1801 : vector<1x16xf32> to vector<16xf32>
        %add3A_1803 = arith.addf %add3A_1789, %get3A_1802 : vector<16xf32>
        %get3A_1804 = arith.index_cast %add3A_1798 : i32 to index
        %get3A_1805 = arith.constant 16 : index
        %get3A_1806 = tpu.vector_load %arg8[%get3A_1804, %get3A_1805] {strides = array<i32>} : memref<1120x32xf32, #tpu.memory_space<vmem>>, vector<1x16xf32>,
        %get3A_1807 = vector.shape_cast %get3A_1806 : vector<1x16xf32> to vector<16xf32>
        %add3A_1808 = arith.addf %add3A_1794, %get3A_1807 : vector<16xf32>
        %add3A_1809 = arith.constant 50 : i32
        %add3A_1810 = arith.addi %mul3A_695, %add3A_1809 : i32
        %add3A_1811 = arith.constant 7 : i32
        %add3A_1812 = arith.addi %add3A_1810, %add3A_1811 : i32
        %get3A_1813 = arith.index_cast %add3A_1812 : i32 to index
        %get3A_1814 = arith.constant 0 : index
        %get3A_1815 = tpu.vector_load %arg8[%get3A_1813, %get3A_1814] {strides = array<i32>} : memref<1120x32xf32, #tpu.memory_space<vmem>>, vector<1x16xf32>,
        %get3A_1816 = vector.shape_cast %get3A_1815 : vector<1x16xf32> to vector<16xf32>
        %add3A_1817 = arith.addf %add3A_1803, %get3A_1816 : vector<16xf32>
        %get3A_1818 = arith.index_cast %add3A_1812 : i32 to index
        %get3A_1819 = arith.constant 16 : index
        %get3A_1820 = tpu.vector_load %arg8[%get3A_1818, %get3A_1819] {strides = array<i32>} : memref<1120x32xf32, #tpu.memory_space<vmem>>, vector<1x16xf32>,
        %get3A_1821 = vector.shape_cast %get3A_1820 : vector<1x16xf32> to vector<16xf32>
        %add3A_1822 = arith.addf %add3A_1808, %get3A_1821 : vector<16xf32>
        %add3A_1823 = arith.constant 50 : i32
        %add3A_1824 = arith.addi %mul3A_695, %add3A_1823 : i32
        %add3A_1825 = arith.constant 8 : i32
        %add3A_1826 = arith.addi %add3A_1824, %add3A_1825 : i32
        %get3A_1827 = arith.index_cast %add3A_1826 : i32 to index
        %get3A_1828 = arith.constant 0 : index
        %get3A_1829 = tpu.vector_load %arg8[%get3A_1827, %get3A_1828] {strides = array<i32>} : memref<1120x32xf32, #tpu.memory_space<vmem>>, vector<1x16xf32>,
        %get3A_1830 = vector.shape_cast %get3A_1829 : vector<1x16xf32> to vector<16xf32>
        %add3A_1831 = arith.addf %add3A_1817, %get3A_1830 : vector<16xf32>
        %get3A_1832 = arith.index_cast %add3A_1826 : i32 to index
        %get3A_1833 = arith.constant 16 : index
        %get3A_1834 = tpu.vector_load %arg8[%get3A_1832, %get3A_1833] {strides = array<i32>} : memref<1120x32xf32, #tpu.memory_space<vmem>>, vector<1x16xf32>,
        %get3A_1835 = vector.shape_cast %get3A_1834 : vector<1x16xf32> to vector<16xf32>
        %add3A_1836 = arith.addf %add3A_1822, %get3A_1835 : vector<16xf32>
        %add3A_1837 = arith.constant 50 : i32
        %add3A_1838 = arith.addi %mul3A_695, %add3A_1837 : i32
        %add3A_1839 = arith.constant 9 : i32
        %add3A_1840 = arith.addi %add3A_1838, %add3A_1839 : i32
        %get3A_1841 = arith.index_cast %add3A_1840 : i32 to index
        %get3A_1842 = arith.constant 0 : index
        %get3A_1843 = tpu.vector_load %arg8[%get3A_1841, %get3A_1842] {strides = array<i32>} : memref<1120x32xf32, #tpu.memory_space<vmem>>, vector<1x16xf32>,
        %get3A_1844 = vector.shape_cast %get3A_1843 : vector<1x16xf32> to vector<16xf32>
        %add3A_1845 = arith.addf %add3A_1831, %get3A_1844 : vector<16xf32>
        %get3A_1846 = arith.index_cast %add3A_1840 : i32 to index
        %get3A_1847 = arith.constant 16 : index
        %get3A_1848 = tpu.vector_load %arg8[%get3A_1846, %get3A_1847] {strides = array<i32>} : memref<1120x32xf32, #tpu.memory_space<vmem>>, vector<1x16xf32>,
        %get3A_1849 = vector.shape_cast %get3A_1848 : vector<1x16xf32> to vector<16xf32>
        %add3A_1850 = arith.addf %add3A_1836, %get3A_1849 : vector<16xf32>
        %add3A_1851 = arith.constant 50 : i32
        %add3A_1852 = arith.addi %mul3A_695, %add3A_1851 : i32
        %add3A_1853 = arith.constant 10 : i32
        %add3A_1854 = arith.addi %add3A_1852, %add3A_1853 : i32
        %get3A_1855 = arith.index_cast %add3A_1854 : i32 to index
        %get3A_1856 = arith.constant 0 : index
        %get3A_1857 = tpu.vector_load %arg8[%get3A_1855, %get3A_1856] {strides = array<i32>} : memref<1120x32xf32, #tpu.memory_space<vmem>>, vector<1x16xf32>,
        %get3A_1858 = vector.shape_cast %get3A_1857 : vector<1x16xf32> to vector<16xf32>
        %add3A_1859 = arith.addf %add3A_1845, %get3A_1858 : vector<16xf32>
        %get3A_1860 = arith.index_cast %add3A_1854 : i32 to index
        %get3A_1861 = arith.constant 16 : index
        %get3A_1862 = tpu.vector_load %arg8[%get3A_1860, %get3A_1861] {strides = array<i32>} : memref<1120x32xf32, #tpu.memory_space<vmem>>, vector<1x16xf32>,
        %get3A_1863 = vector.shape_cast %get3A_1862 : vector<1x16xf32> to vector<16xf32>
        %add3A_1864 = arith.addf %add3A_1850, %get3A_1863 : vector<16xf32>
        %add3A_1865 = arith.constant 50 : i32
        %add3A_1866 = arith.addi %mul3A_695, %add3A_1865 : i32
        %add3A_1867 = arith.constant 11 : i32
        %add3A_1868 = arith.addi %add3A_1866, %add3A_1867 : i32
        %get3A_1869 = arith.index_cast %add3A_1868 : i32 to index
        %get3A_1870 = arith.constant 0 : index
        %get3A_1871 = tpu.vector_load %arg8[%get3A_1869, %get3A_1870] {strides = array<i32>} : memref<1120x32xf32, #tpu.memory_space<vmem>>, vector<1x16xf32>,
        %get3A_1872 = vector.shape_cast %get3A_1871 : vector<1x16xf32> to vector<16xf32>
        %add3A_1873 = arith.addf %add3A_1859, %get3A_1872 : vector<16xf32>
        %get3A_1874 = arith.index_cast %add3A_1868 : i32 to index
        %get3A_1875 = arith.constant 16 : index
        %get3A_1876 = tpu.vector_load %arg8[%get3A_1874, %get3A_1875] {strides = array<i32>} : memref<1120x32xf32, #tpu.memory_space<vmem>>, vector<1x16xf32>,
        %get3A_1877 = vector.shape_cast %get3A_1876 : vector<1x16xf32> to vector<16xf32>
        %add3A_1878 = arith.addf %add3A_1864, %get3A_1877 : vector<16xf32>
        %add3A_1879 = arith.constant 50 : i32
        %add3A_1880 = arith.addi %mul3A_695, %add3A_1879 : i32
        %add3A_1881 = arith.constant 12 : i32
        %add3A_1882 = arith.addi %add3A_1880, %add3A_1881 : i32
        %get3A_1883 = arith.index_cast %add3A_1882 : i32 to index
        %get3A_1884 = arith.constant 0 : index
        %get3A_1885 = tpu.vector_load %arg8[%get3A_1883, %get3A_1884] {strides = array<i32>} : memref<1120x32xf32, #tpu.memory_space<vmem>>, vector<1x16xf32>,
        %get3A_1886 = vector.shape_cast %get3A_1885 : vector<1x16xf32> to vector<16xf32>
        %add3A_1887 = arith.addf %add3A_1873, %get3A_1886 : vector<16xf32>
        %get3A_1888 = arith.index_cast %add3A_1882 : i32 to index
        %get3A_1889 = arith.constant 16 : index
        %get3A_1890 = tpu.vector_load %arg8[%get3A_1888, %get3A_1889] {strides = array<i32>} : memref<1120x32xf32, #tpu.memory_space<vmem>>, vector<1x16xf32>,
        %get3A_1891 = vector.shape_cast %get3A_1890 : vector<1x16xf32> to vector<16xf32>
        %add3A_1892 = arith.addf %add3A_1878, %get3A_1891 : vector<16xf32>
        %add3A_1893 = arith.constant 50 : i32
        %add3A_1894 = arith.addi %mul3A_695, %add3A_1893 : i32
        %add3A_1895 = arith.constant 13 : i32
        %add3A_1896 = arith.addi %add3A_1894, %add3A_1895 : i32
        %get3A_1897 = arith.index_cast %add3A_1896 : i32 to index
        %get3A_1898 = arith.constant 0 : index
        %get3A_1899 = tpu.vector_load %arg8[%get3A_1897, %get3A_1898] {strides = array<i32>} : memref<1120x32xf32, #tpu.memory_space<vmem>>, vector<1x16xf32>,
        %get3A_1900 = vector.shape_cast %get3A_1899 : vector<1x16xf32> to vector<16xf32>
        %add3A_1901 = arith.addf %add3A_1887, %get3A_1900 : vector<16xf32>
        %get3A_1902 = arith.index_cast %add3A_1896 : i32 to index
        %get3A_1903 = arith.constant 16 : index
        %get3A_1904 = tpu.vector_load %arg8[%get3A_1902, %get3A_1903] {strides = array<i32>} : memref<1120x32xf32, #tpu.memory_space<vmem>>, vector<1x16xf32>,
        %get3A_1905 = vector.shape_cast %get3A_1904 : vector<1x16xf32> to vector<16xf32>
        %add3A_1906 = arith.addf %add3A_1892, %get3A_1905 : vector<16xf32>
        %add3A_1907 = arith.constant 50 : i32
        %add3A_1908 = arith.addi %mul3A_695, %add3A_1907 : i32
        %add3A_1909 = arith.constant 14 : i32
        %add3A_1910 = arith.addi %add3A_1908, %add3A_1909 : i32
        %get3A_1911 = arith.index_cast %add3A_1910 : i32 to index
        %get3A_1912 = arith.constant 0 : index
        %get3A_1913 = tpu.vector_load %arg8[%get3A_1911, %get3A_1912] {strides = array<i32>} : memref<1120x32xf32, #tpu.memory_space<vmem>>, vector<1x16xf32>,
        %get3A_1914 = vector.shape_cast %get3A_1913 : vector<1x16xf32> to vector<16xf32>
        %add3A_1915 = arith.addf %add3A_1901, %get3A_1914 : vector<16xf32>
        %get3A_1916 = arith.index_cast %add3A_1910 : i32 to index
        %get3A_1917 = arith.constant 16 : index
        %get3A_1918 = tpu.vector_load %arg8[%get3A_1916, %get3A_1917] {strides = array<i32>} : memref<1120x32xf32, #tpu.memory_space<vmem>>, vector<1x16xf32>,
        %get3A_1919 = vector.shape_cast %get3A_1918 : vector<1x16xf32> to vector<16xf32>
        %add3A_1920 = arith.addf %add3A_1906, %get3A_1919 : vector<16xf32>
        %add3A_1921 = arith.constant 50 : i32
        %add3A_1922 = arith.addi %mul3A_695, %add3A_1921 : i32
        %add3A_1923 = arith.constant 15 : i32
        %add3A_1924 = arith.addi %add3A_1922, %add3A_1923 : i32
        %get3A_1925 = arith.index_cast %add3A_1924 : i32 to index
        %get3A_1926 = arith.constant 0 : index
        %get3A_1927 = tpu.vector_load %arg8[%get3A_1925, %get3A_1926] {strides = array<i32>} : memref<1120x32xf32, #tpu.memory_space<vmem>>, vector<1x16xf32>,
        %get3A_1928 = vector.shape_cast %get3A_1927 : vector<1x16xf32> to vector<16xf32>
        %add3A_1929 = arith.addf %add3A_1915, %get3A_1928 : vector<16xf32>
        %get3A_1930 = arith.index_cast %add3A_1924 : i32 to index
        %get3A_1931 = arith.constant 16 : index
        %get3A_1932 = tpu.vector_load %arg8[%get3A_1930, %get3A_1931] {strides = array<i32>} : memref<1120x32xf32, #tpu.memory_space<vmem>>, vector<1x16xf32>,
        %get3A_1933 = vector.shape_cast %get3A_1932 : vector<1x16xf32> to vector<16xf32>
        %add3A_1934 = arith.addf %add3A_1920, %get3A_1933 : vector<16xf32>
        %add3A_1935 = arith.constant 50 : i32
        %add3A_1936 = arith.addi %mul3A_695, %add3A_1935 : i32
        %add3A_1937 = arith.constant 16 : i32
        %add3A_1938 = arith.addi %add3A_1936, %add3A_1937 : i32
        %get3A_1939 = arith.index_cast %add3A_1938 : i32 to index
        %get3A_1940 = arith.constant 0 : index
        %get3A_1941 = tpu.vector_load %arg8[%get3A_1939, %get3A_1940] {strides = array<i32>} : memref<1120x32xf32, #tpu.memory_space<vmem>>, vector<1x16xf32>,
        %get3A_1942 = vector.shape_cast %get3A_1941 : vector<1x16xf32> to vector<16xf32>
        %add3A_1943 = arith.addf %add3A_1929, %get3A_1942 : vector<16xf32>
        %get3A_1944 = arith.index_cast %add3A_1938 : i32 to index
        %get3A_1945 = arith.constant 16 : index
        %get3A_1946 = tpu.vector_load %arg8[%get3A_1944, %get3A_1945] {strides = array<i32>} : memref<1120x32xf32, #tpu.memory_space<vmem>>, vector<1x16xf32>,
        %get3A_1947 = vector.shape_cast %get3A_1946 : vector<1x16xf32> to vector<16xf32>
        %add3A_1948 = arith.addf %add3A_1934, %get3A_1947 : vector<16xf32>
        %add3A_1949 = arith.constant 50 : i32
        %add3A_1950 = arith.addi %mul3A_695, %add3A_1949 : i32
        %add3A_1951 = arith.constant 17 : i32
        %add3A_1952 = arith.addi %add3A_1950, %add3A_1951 : i32
        %get3A_1953 = arith.index_cast %add3A_1952 : i32 to index
        %get3A_1954 = arith.constant 0 : index
        %get3A_1955 = tpu.vector_load %arg8[%get3A_1953, %get3A_1954] {strides = array<i32>} : memref<1120x32xf32, #tpu.memory_space<vmem>>, vector<1x16xf32>,
        %get3A_1956 = vector.shape_cast %get3A_1955 : vector<1x16xf32> to vector<16xf32>
        %add3A_1957 = arith.addf %add3A_1943, %get3A_1956 : vector<16xf32>
        %get3A_1958 = arith.index_cast %add3A_1952 : i32 to index
        %get3A_1959 = arith.constant 16 : index
        %get3A_1960 = tpu.vector_load %arg8[%get3A_1958, %get3A_1959] {strides = array<i32>} : memref<1120x32xf32, #tpu.memory_space<vmem>>, vector<1x16xf32>,
        %get3A_1961 = vector.shape_cast %get3A_1960 : vector<1x16xf32> to vector<16xf32>
        %add3A_1962 = arith.addf %add3A_1948, %get3A_1961 : vector<16xf32>
        %add3A_1963 = arith.constant 50 : i32
        %add3A_1964 = arith.addi %mul3A_695, %add3A_1963 : i32
        %add3A_1965 = arith.constant 18 : i32
        %add3A_1966 = arith.addi %add3A_1964, %add3A_1965 : i32
        %get3A_1967 = arith.index_cast %add3A_1966 : i32 to index
        %get3A_1968 = arith.constant 0 : index
        %get3A_1969 = tpu.vector_load %arg8[%get3A_1967, %get3A_1968] {strides = array<i32>} : memref<1120x32xf32, #tpu.memory_space<vmem>>, vector<1x16xf32>,
        %get3A_1970 = vector.shape_cast %get3A_1969 : vector<1x16xf32> to vector<16xf32>
        %add3A_1971 = arith.addf %add3A_1957, %get3A_1970 : vector<16xf32>
        %get3A_1972 = arith.index_cast %add3A_1966 : i32 to index
        %get3A_1973 = arith.constant 16 : index
        %get3A_1974 = tpu.vector_load %arg8[%get3A_1972, %get3A_1973] {strides = array<i32>} : memref<1120x32xf32, #tpu.memory_space<vmem>>, vector<1x16xf32>,
        %get3A_1975 = vector.shape_cast %get3A_1974 : vector<1x16xf32> to vector<16xf32>
        %add3A_1976 = arith.addf %add3A_1962, %get3A_1975 : vector<16xf32>
        %add3A_1977 = arith.constant 50 : i32
        %add3A_1978 = arith.addi %mul3A_695, %add3A_1977 : i32
        %add3A_1979 = arith.constant 19 : i32
        %add3A_1980 = arith.addi %add3A_1978, %add3A_1979 : i32
        %get3A_1981 = arith.index_cast %add3A_1980 : i32 to index
        %get3A_1982 = arith.constant 0 : index
        %get3A_1983 = tpu.vector_load %arg8[%get3A_1981, %get3A_1982] {strides = array<i32>} : memref<1120x32xf32, #tpu.memory_space<vmem>>, vector<1x16xf32>,
        %get3A_1984 = vector.shape_cast %get3A_1983 : vector<1x16xf32> to vector<16xf32>
        %add3A_1985 = arith.addf %add3A_1971, %get3A_1984 : vector<16xf32>
        %get3A_1986 = arith.index_cast %add3A_1980 : i32 to index
        %get3A_1987 = arith.constant 16 : index
        %get3A_1988 = tpu.vector_load %arg8[%get3A_1986, %get3A_1987] {strides = array<i32>} : memref<1120x32xf32, #tpu.memory_space<vmem>>, vector<1x16xf32>,
        %get3A_1989 = vector.shape_cast %get3A_1988 : vector<1x16xf32> to vector<16xf32>
        %add3A_1990 = arith.addf %add3A_1976, %get3A_1989 : vector<16xf32>
        %mul3A_1991 = arith.mulf %add3A_1701, %add3A_1985 : vector<16xf32>
        %mul3A_1992 = arith.mulf %add3A_1710, %add3A_1990 : vector<16xf32>
        %add3A_1993 = arith.addf %mul3A_1991, %mul3A_1992 : vector<16xf32>
        %xor3A = arith.constant 8 : i32
        %xor3A_1994 = vector.broadcast %xor3A : i32 to vector<16xi32>
        %xor3A_1995 = arith.xori %iota3A, %xor3A_1994 : vector<16xi32>
        %lt3A_1996 = arith.constant 0 : i32
        %lt3A_1997 = vector.broadcast %lt3A_1996 : i32 to vector<16xi32>
        %lt3A_1998 = arith.cmpi slt, %xor3A_1995, %lt3A_1997 : vector<16xi32>
        %add3A_1999 = arith.constant 16 : i32
        %add3A_2000 = vector.broadcast %add3A_1999 : i32 to vector<16xi32>
        %add3A_2001 = arith.addi %xor3A_1995, %add3A_2000 : vector<16xi32>
        %select_n3A = arith.select %lt3A_1998, %add3A_2001, %xor3A_1995 : vector<16xi1>, vector<16xi32>
        %broadcast_in_dim3A_2002 = vector.shape_cast %select_n3A : vector<16xi32> to vector<16x1xi32>
        %gather3A = vector.shape_cast %broadcast_in_dim3A_2002 : vector<16x1xi32> to vector<16xi32>
        %gather3A_2003 = tpu.dynamic_gather %add3A_1993[%gather3A] in [0] : vector<16xf32>, vector<16xi32> -> vector<16xf32>
        %add3A_2004 = arith.addf %add3A_1993, %gather3A_2003 : vector<16xf32>
        %xor3A_2005 = arith.constant 4 : i32
        %xor3A_2006 = vector.broadcast %xor3A_2005 : i32 to vector<16xi32>
        %xor3A_2007 = arith.xori %iota3A, %xor3A_2006 : vector<16xi32>
        %lt3A_2008 = arith.constant 0 : i32
        %lt3A_2009 = vector.broadcast %lt3A_2008 : i32 to vector<16xi32>
        %lt3A_2010 = arith.cmpi slt, %xor3A_2007, %lt3A_2009 : vector<16xi32>
        %add3A_2011 = arith.constant 16 : i32
        %add3A_2012 = vector.broadcast %add3A_2011 : i32 to vector<16xi32>
        %add3A_2013 = arith.addi %xor3A_2007, %add3A_2012 : vector<16xi32>
        %select_n3A_2014 = arith.select %lt3A_2010, %add3A_2013, %xor3A_2007 : vector<16xi1>, vector<16xi32>
        %broadcast_in_dim3A_2015 = vector.shape_cast %select_n3A_2014 : vector<16xi32> to vector<16x1xi32>
        %gather3A_2016 = vector.shape_cast %broadcast_in_dim3A_2015 : vector<16x1xi32> to vector<16xi32>
        %gather3A_2017 = tpu.dynamic_gather %add3A_2004[%gather3A_2016] in [0] : vector<16xf32>, vector<16xi32> -> vector<16xf32>
        %add3A_2018 = arith.addf %add3A_2004, %gather3A_2017 : vector<16xf32>
        %xor3A_2019 = arith.constant 2 : i32
        %xor3A_2020 = vector.broadcast %xor3A_2019 : i32 to vector<16xi32>
        %xor3A_2021 = arith.xori %iota3A, %xor3A_2020 : vector<16xi32>
        %lt3A_2022 = arith.constant 0 : i32
        %lt3A_2023 = vector.broadcast %lt3A_2022 : i32 to vector<16xi32>
        %lt3A_2024 = arith.cmpi slt, %xor3A_2021, %lt3A_2023 : vector<16xi32>
        %add3A_2025 = arith.constant 16 : i32
        %add3A_2026 = vector.broadcast %add3A_2025 : i32 to vector<16xi32>
        %add3A_2027 = arith.addi %xor3A_2021, %add3A_2026 : vector<16xi32>
        %select_n3A_2028 = arith.select %lt3A_2024, %add3A_2027, %xor3A_2021 : vector<16xi1>, vector<16xi32>
        %broadcast_in_dim3A_2029 = vector.shape_cast %select_n3A_2028 : vector<16xi32> to vector<16x1xi32>
        %gather3A_2030 = vector.shape_cast %broadcast_in_dim3A_2029 : vector<16x1xi32> to vector<16xi32>
        %gather3A_2031 = tpu.dynamic_gather %add3A_2018[%gather3A_2030] in [0] : vector<16xf32>, vector<16xi32> -> vector<16xf32>
        %add3A_2032 = arith.addf %add3A_2018, %gather3A_2031 : vector<16xf32>
        %xor3A_2033 = arith.constant 1 : i32
        %xor3A_2034 = vector.broadcast %xor3A_2033 : i32 to vector<16xi32>
        %xor3A_2035 = arith.xori %iota3A, %xor3A_2034 : vector<16xi32>
        %lt3A_2036 = arith.constant 0 : i32
        %lt3A_2037 = vector.broadcast %lt3A_2036 : i32 to vector<16xi32>
        %lt3A_2038 = arith.cmpi slt, %xor3A_2035, %lt3A_2037 : vector<16xi32>
        %add3A_2039 = arith.constant 16 : i32
        %add3A_2040 = vector.broadcast %add3A_2039 : i32 to vector<16xi32>
        %add3A_2041 = arith.addi %xor3A_2035, %add3A_2040 : vector<16xi32>
        %select_n3A_2042 = arith.select %lt3A_2038, %add3A_2041, %xor3A_2035 : vector<16xi1>, vector<16xi32>
        %broadcast_in_dim3A_2043 = vector.shape_cast %select_n3A_2042 : vector<16xi32> to vector<16x1xi32>
        %gather3A_2044 = vector.shape_cast %broadcast_in_dim3A_2043 : vector<16x1xi32> to vector<16xi32>
        %gather3A_2045 = tpu.dynamic_gather %add3A_2032[%gather3A_2044] in [0] : vector<16xf32>, vector<16xi32> -> vector<16xf32>
        %add3A_2046 = arith.addf %add3A_2032, %gather3A_2045 : vector<16xf32>
        %eq3A = vector.broadcast %scan3A_692 : i32 to vector<16xi32>
        %eq3A_2047 = arith.cmpi eq, %iota3A, %eq3A : vector<16xi32>
        %select_n3A_2048 = arith.select %eq3A_2047, %add3A_2046, %scan3A_693 : vector<16xi1>, vector<16xf32>
        scf.yield %select_n3A_2048 : vector<16xf32>
      }
      %scan3A_504 = arith.constant 16 : i32
      %mul3A_505 = arith.constant 16 : i32
      %mul3A_506 = arith.muli %mul3A_173, %mul3A_505 : i32
      %swap3A = arith.index_cast %mul3A_506 : i32 to index
      %swap3A_507 = tpu.vector_load %arg12[%swap3A] {strides = array<i32>} : memref<512xf32, #tpu.memory_space<vmem>>, vector<16xf32>,
      %swap3A_508 = vector.shape_cast %swap3A_507 : vector<16xf32> to vector<16xf32>
      %swap3A_509 = vector.shape_cast %scan3A_503 : vector<16xf32> to vector<16xf32>
      tpu.vector_store %arg12[%swap3A], %swap3A_509 {strides = array<i32>} : memref<512xf32, #tpu.memory_space<vmem>>, vector<16xf32>,
      %add3A_510 = arith.constant 1 : i32
      %add3A_511 = arith.addi %scan3A_170, %add3A_510 : i32
      %lt3A = arith.constant 16 : i32
      %lt3A_512 = arith.cmpi slt, %add3A_511, %lt3A : i32
      %convert_element_type3A = arith.extui %lt3A_512 : i1 to i32
      %cond3A = arith.constant 0 : i32
      %cond3A_513 = arith.cmpi ne, %convert_element_type3A, %cond3A : i32
      scf.if %cond3A_513 {
        %add3A_692 = arith.constant 2 : i32
        %add3A_693 = arith.addi %mul3A_173, %add3A_692 : i32
        %mul3A_694 = arith.constant 16 : i32
        %mul3A_695 = arith.muli %add3A_693, %mul3A_694 : i32
        %add3A_696 = arith.addi %mul3A_2, %mul3A_695 : i32
        "tpu.region"() ({
          %run_scoped3A = tpu.sem_alloc : memref<!tpu.dma_semaphore, #tpu.memory_space<semaphore_mem>>
          %dma_start3A_857 = arith.constant 0 : i32
          %dma_start3A_858 = tpu.memref_slice %arg2[%add3A_696, %dma_start3A_857] : memref<16384x70xi32, #tpu.memory_space<hbm>> -> memref<16x70xi32, #tpu.memory_space<hbm>>
          %dma_start3A_859 = arith.constant 0 : i32
          %dma_start3A_860 = tpu.memref_slice %arg2[%add3A_696, %dma_start3A_859] : memref<16384x70xi32, #tpu.memory_space<hbm>> -> memref<16x70xi32, #tpu.memory_space<hbm>>
          tpu.enqueue_dma source(%dma_start3A_860 : memref<16x70xi32, #tpu.memory_space<hbm>>) target(%arg6 : memref<16x70xi32, #tpu.memory_space<vmem>>) target_semaphore(%run_scoped3A : memref<!tpu.dma_semaphore, #tpu.memory_space<semaphore_mem>>)
          %dma_wait3A_861 = arith.constant 0 : i32
          %dma_wait3A_862 = tpu.memref_slice %arg2[%add3A_696, %dma_wait3A_861] : memref<16384x70xi32, #tpu.memory_space<hbm>> -> memref<16x70xi32, #tpu.memory_space<hbm>>
          %dma_wait3A_863 = arith.constant 0 : i32
          %dma_wait3A_864 = tpu.memref_slice %arg2[%add3A_696, %dma_wait3A_863] : memref<16384x70xi32, #tpu.memory_space<hbm>> -> memref<16x70xi32, #tpu.memory_space<hbm>>
          tpu.wait_dma2 semaphore(%run_scoped3A : memref<!tpu.dma_semaphore, #tpu.memory_space<semaphore_mem>>) src(%dma_wait3A_864 : memref<16x70xi32, #tpu.memory_space<hbm>>) dst(%arg6 : memref<16x70xi32, #tpu.memory_space<vmem>>)
          tpu.yield
        }) : () -> ()
        "tpu.region"() ({
          %run_scoped3A = tpu.sem_alloc : memref<!tpu.dma_semaphore, #tpu.memory_space<semaphore_mem>>
          %dma_start3A_857 = arith.constant 0 : i32
          %dma_start3A_858 = tpu.memref_slice %arg3[%add3A_696, %dma_start3A_857] : memref<16384x64xf32, #tpu.memory_space<hbm>> -> memref<16x64xf32, #tpu.memory_space<hbm>>
          %dma_start3A_859 = arith.constant 0 : i32
          %dma_start3A_860 = tpu.memref_slice %arg3[%add3A_696, %dma_start3A_859] : memref<16384x64xf32, #tpu.memory_space<hbm>> -> memref<16x64xf32, #tpu.memory_space<hbm>>
          tpu.enqueue_dma source(%dma_start3A_860 : memref<16x64xf32, #tpu.memory_space<hbm>>) target(%arg7 : memref<16x64xf32, #tpu.memory_space<vmem>>) target_semaphore(%run_scoped3A : memref<!tpu.dma_semaphore, #tpu.memory_space<semaphore_mem>>)
          %dma_wait3A_861 = arith.constant 0 : i32
          %dma_wait3A_862 = tpu.memref_slice %arg3[%add3A_696, %dma_wait3A_861] : memref<16384x64xf32, #tpu.memory_space<hbm>> -> memref<16x64xf32, #tpu.memory_space<hbm>>
          %dma_wait3A_863 = arith.constant 0 : i32
          %dma_wait3A_864 = tpu.memref_slice %arg3[%add3A_696, %dma_wait3A_863] : memref<16384x64xf32, #tpu.memory_space<hbm>> -> memref<16x64xf32, #tpu.memory_space<hbm>>
          tpu.wait_dma2 semaphore(%run_scoped3A : memref<!tpu.dma_semaphore, #tpu.memory_space<semaphore_mem>>) src(%dma_wait3A_864 : memref<16x64xf32, #tpu.memory_space<hbm>>) dst(%arg7 : memref<16x64xf32, #tpu.memory_space<vmem>>)
          tpu.yield
        }) : () -> ()
        %dma_start3A_697 = arith.constant 0 : i32
        %dma_start3A_698 = arith.constant 0 : i32
        %dma_start3A_699 = arith.constant 0 : i32
        %dma_start3A_700 = tpu.memref_slice %arg8[%dma_start3A_698, %dma_start3A_699] : memref<1120x32xf32, #tpu.memory_space<vmem>> -> memref<70x32xf32, #tpu.memory_space<vmem>>
        %dma_start3A_701 = arith.constant 0 : i32
        %dma_start3A_702 = tpu.memref_slice %arg6[%dma_start3A_697, %dma_start3A_701] : memref<16x70xi32, #tpu.memory_space<vmem>> -> memref<1x70xi32, #tpu.memory_space<vmem>>
        %dma_start3A_703 = tpu.memref_squeeze %dma_start3A_702 : memref<1x70xi32, #tpu.memory_space<vmem>> -> memref<70xi32, #tpu.memory_space<vmem>>
        %dma_start3A_704 = arith.constant 0 : i32
        %dma_start3A_705 = arith.constant 0 : i32
        %dma_start3A_706 = tpu.memref_slice %arg4[%dma_start3A_704, %dma_start3A_705] : memref<1000000x32xf32, #tpu.memory_space<hbm>> -> memref<1000000x32xf32, #tpu.memory_space<hbm>>
        tpu.enqueue_indirect_dma source(%dma_start3A_706 : memref<1000000x32xf32, #tpu.memory_space<hbm>>) target(%dma_start3A_700 : memref<70x32xf32, #tpu.memory_space<vmem>>) offsets(%dma_start3A_703 : memref<70xi32, #tpu.memory_space<vmem>>) semaphore(%arg13 : memref<!tpu.dma_semaphore, #tpu.memory_space<semaphore_mem>>)
        %dma_start3A_707 = arith.constant 1 : i32
        %dma_start3A_708 = arith.constant 70 : i32
        %dma_start3A_709 = arith.constant 0 : i32
        %dma_start3A_710 = tpu.memref_slice %arg8[%dma_start3A_708, %dma_start3A_709] : memref<1120x32xf32, #tpu.memory_space<vmem>> -> memref<70x32xf32, #tpu.memory_space<vmem>>
        %dma_start3A_711 = arith.constant 0 : i32
        %dma_start3A_712 = tpu.memref_slice %arg6[%dma_start3A_707, %dma_start3A_711] : memref<16x70xi32, #tpu.memory_space<vmem>> -> memref<1x70xi32, #tpu.memory_space<vmem>>
        %dma_start3A_713 = tpu.memref_squeeze %dma_start3A_712 : memref<1x70xi32, #tpu.memory_space<vmem>> -> memref<70xi32, #tpu.memory_space<vmem>>
        %dma_start3A_714 = arith.constant 0 : i32
        %dma_start3A_715 = arith.constant 0 : i32
        %dma_start3A_716 = tpu.memref_slice %arg4[%dma_start3A_714, %dma_start3A_715] : memref<1000000x32xf32, #tpu.memory_space<hbm>> -> memref<1000000x32xf32, #tpu.memory_space<hbm>>
        tpu.enqueue_indirect_dma source(%dma_start3A_716 : memref<1000000x32xf32, #tpu.memory_space<hbm>>) target(%dma_start3A_710 : memref<70x32xf32, #tpu.memory_space<vmem>>) offsets(%dma_start3A_713 : memref<70xi32, #tpu.memory_space<vmem>>) semaphore(%arg13 : memref<!tpu.dma_semaphore, #tpu.memory_space<semaphore_mem>>)
        %dma_start3A_717 = arith.constant 2 : i32
        %dma_start3A_718 = arith.constant 140 : i32
        %dma_start3A_719 = arith.constant 0 : i32
        %dma_start3A_720 = tpu.memref_slice %arg8[%dma_start3A_718, %dma_start3A_719] : memref<1120x32xf32, #tpu.memory_space<vmem>> -> memref<70x32xf32, #tpu.memory_space<vmem>>
        %dma_start3A_721 = arith.constant 0 : i32
        %dma_start3A_722 = tpu.memref_slice %arg6[%dma_start3A_717, %dma_start3A_721] : memref<16x70xi32, #tpu.memory_space<vmem>> -> memref<1x70xi32, #tpu.memory_space<vmem>>
        %dma_start3A_723 = tpu.memref_squeeze %dma_start3A_722 : memref<1x70xi32, #tpu.memory_space<vmem>> -> memref<70xi32, #tpu.memory_space<vmem>>
        %dma_start3A_724 = arith.constant 0 : i32
        %dma_start3A_725 = arith.constant 0 : i32
        %dma_start3A_726 = tpu.memref_slice %arg4[%dma_start3A_724, %dma_start3A_725] : memref<1000000x32xf32, #tpu.memory_space<hbm>> -> memref<1000000x32xf32, #tpu.memory_space<hbm>>
        tpu.enqueue_indirect_dma source(%dma_start3A_726 : memref<1000000x32xf32, #tpu.memory_space<hbm>>) target(%dma_start3A_720 : memref<70x32xf32, #tpu.memory_space<vmem>>) offsets(%dma_start3A_723 : memref<70xi32, #tpu.memory_space<vmem>>) semaphore(%arg13 : memref<!tpu.dma_semaphore, #tpu.memory_space<semaphore_mem>>)
        %dma_start3A_727 = arith.constant 3 : i32
        %dma_start3A_728 = arith.constant 210 : i32
        %dma_start3A_729 = arith.constant 0 : i32
        %dma_start3A_730 = tpu.memref_slice %arg8[%dma_start3A_728, %dma_start3A_729] : memref<1120x32xf32, #tpu.memory_space<vmem>> -> memref<70x32xf32, #tpu.memory_space<vmem>>
        %dma_start3A_731 = arith.constant 0 : i32
        %dma_start3A_732 = tpu.memref_slice %arg6[%dma_start3A_727, %dma_start3A_731] : memref<16x70xi32, #tpu.memory_space<vmem>> -> memref<1x70xi32, #tpu.memory_space<vmem>>
        %dma_start3A_733 = tpu.memref_squeeze %dma_start3A_732 : memref<1x70xi32, #tpu.memory_space<vmem>> -> memref<70xi32, #tpu.memory_space<vmem>>
        %dma_start3A_734 = arith.constant 0 : i32
        %dma_start3A_735 = arith.constant 0 : i32
        %dma_start3A_736 = tpu.memref_slice %arg4[%dma_start3A_734, %dma_start3A_735] : memref<1000000x32xf32, #tpu.memory_space<hbm>> -> memref<1000000x32xf32, #tpu.memory_space<hbm>>
        tpu.enqueue_indirect_dma source(%dma_start3A_736 : memref<1000000x32xf32, #tpu.memory_space<hbm>>) target(%dma_start3A_730 : memref<70x32xf32, #tpu.memory_space<vmem>>) offsets(%dma_start3A_733 : memref<70xi32, #tpu.memory_space<vmem>>) semaphore(%arg13 : memref<!tpu.dma_semaphore, #tpu.memory_space<semaphore_mem>>)
        %dma_start3A_737 = arith.constant 4 : i32
        %dma_start3A_738 = arith.constant 280 : i32
        %dma_start3A_739 = arith.constant 0 : i32
        %dma_start3A_740 = tpu.memref_slice %arg8[%dma_start3A_738, %dma_start3A_739] : memref<1120x32xf32, #tpu.memory_space<vmem>> -> memref<70x32xf32, #tpu.memory_space<vmem>>
        %dma_start3A_741 = arith.constant 0 : i32
        %dma_start3A_742 = tpu.memref_slice %arg6[%dma_start3A_737, %dma_start3A_741] : memref<16x70xi32, #tpu.memory_space<vmem>> -> memref<1x70xi32, #tpu.memory_space<vmem>>
        %dma_start3A_743 = tpu.memref_squeeze %dma_start3A_742 : memref<1x70xi32, #tpu.memory_space<vmem>> -> memref<70xi32, #tpu.memory_space<vmem>>
        %dma_start3A_744 = arith.constant 0 : i32
        %dma_start3A_745 = arith.constant 0 : i32
        %dma_start3A_746 = tpu.memref_slice %arg4[%dma_start3A_744, %dma_start3A_745] : memref<1000000x32xf32, #tpu.memory_space<hbm>> -> memref<1000000x32xf32, #tpu.memory_space<hbm>>
        tpu.enqueue_indirect_dma source(%dma_start3A_746 : memref<1000000x32xf32, #tpu.memory_space<hbm>>) target(%dma_start3A_740 : memref<70x32xf32, #tpu.memory_space<vmem>>) offsets(%dma_start3A_743 : memref<70xi32, #tpu.memory_space<vmem>>) semaphore(%arg13 : memref<!tpu.dma_semaphore, #tpu.memory_space<semaphore_mem>>)
        %dma_start3A_747 = arith.constant 5 : i32
        %dma_start3A_748 = arith.constant 350 : i32
        %dma_start3A_749 = arith.constant 0 : i32
        %dma_start3A_750 = tpu.memref_slice %arg8[%dma_start3A_748, %dma_start3A_749] : memref<1120x32xf32, #tpu.memory_space<vmem>> -> memref<70x32xf32, #tpu.memory_space<vmem>>
        %dma_start3A_751 = arith.constant 0 : i32
        %dma_start3A_752 = tpu.memref_slice %arg6[%dma_start3A_747, %dma_start3A_751] : memref<16x70xi32, #tpu.memory_space<vmem>> -> memref<1x70xi32, #tpu.memory_space<vmem>>
        %dma_start3A_753 = tpu.memref_squeeze %dma_start3A_752 : memref<1x70xi32, #tpu.memory_space<vmem>> -> memref<70xi32, #tpu.memory_space<vmem>>
        %dma_start3A_754 = arith.constant 0 : i32
        %dma_start3A_755 = arith.constant 0 : i32
        %dma_start3A_756 = tpu.memref_slice %arg4[%dma_start3A_754, %dma_start3A_755] : memref<1000000x32xf32, #tpu.memory_space<hbm>> -> memref<1000000x32xf32, #tpu.memory_space<hbm>>
        tpu.enqueue_indirect_dma source(%dma_start3A_756 : memref<1000000x32xf32, #tpu.memory_space<hbm>>) target(%dma_start3A_750 : memref<70x32xf32, #tpu.memory_space<vmem>>) offsets(%dma_start3A_753 : memref<70xi32, #tpu.memory_space<vmem>>) semaphore(%arg13 : memref<!tpu.dma_semaphore, #tpu.memory_space<semaphore_mem>>)
        %dma_start3A_757 = arith.constant 6 : i32
        %dma_start3A_758 = arith.constant 420 : i32
        %dma_start3A_759 = arith.constant 0 : i32
        %dma_start3A_760 = tpu.memref_slice %arg8[%dma_start3A_758, %dma_start3A_759] : memref<1120x32xf32, #tpu.memory_space<vmem>> -> memref<70x32xf32, #tpu.memory_space<vmem>>
        %dma_start3A_761 = arith.constant 0 : i32
        %dma_start3A_762 = tpu.memref_slice %arg6[%dma_start3A_757, %dma_start3A_761] : memref<16x70xi32, #tpu.memory_space<vmem>> -> memref<1x70xi32, #tpu.memory_space<vmem>>
        %dma_start3A_763 = tpu.memref_squeeze %dma_start3A_762 : memref<1x70xi32, #tpu.memory_space<vmem>> -> memref<70xi32, #tpu.memory_space<vmem>>
        %dma_start3A_764 = arith.constant 0 : i32
        %dma_start3A_765 = arith.constant 0 : i32
        %dma_start3A_766 = tpu.memref_slice %arg4[%dma_start3A_764, %dma_start3A_765] : memref<1000000x32xf32, #tpu.memory_space<hbm>> -> memref<1000000x32xf32, #tpu.memory_space<hbm>>
        tpu.enqueue_indirect_dma source(%dma_start3A_766 : memref<1000000x32xf32, #tpu.memory_space<hbm>>) target(%dma_start3A_760 : memref<70x32xf32, #tpu.memory_space<vmem>>) offsets(%dma_start3A_763 : memref<70xi32, #tpu.memory_space<vmem>>) semaphore(%arg13 : memref<!tpu.dma_semaphore, #tpu.memory_space<semaphore_mem>>)
        %dma_start3A_767 = arith.constant 7 : i32
        %dma_start3A_768 = arith.constant 490 : i32
        %dma_start3A_769 = arith.constant 0 : i32
        %dma_start3A_770 = tpu.memref_slice %arg8[%dma_start3A_768, %dma_start3A_769] : memref<1120x32xf32, #tpu.memory_space<vmem>> -> memref<70x32xf32, #tpu.memory_space<vmem>>
        %dma_start3A_771 = arith.constant 0 : i32
        %dma_start3A_772 = tpu.memref_slice %arg6[%dma_start3A_767, %dma_start3A_771] : memref<16x70xi32, #tpu.memory_space<vmem>> -> memref<1x70xi32, #tpu.memory_space<vmem>>
        %dma_start3A_773 = tpu.memref_squeeze %dma_start3A_772 : memref<1x70xi32, #tpu.memory_space<vmem>> -> memref<70xi32, #tpu.memory_space<vmem>>
        %dma_start3A_774 = arith.constant 0 : i32
        %dma_start3A_775 = arith.constant 0 : i32
        %dma_start3A_776 = tpu.memref_slice %arg4[%dma_start3A_774, %dma_start3A_775] : memref<1000000x32xf32, #tpu.memory_space<hbm>> -> memref<1000000x32xf32, #tpu.memory_space<hbm>>
        tpu.enqueue_indirect_dma source(%dma_start3A_776 : memref<1000000x32xf32, #tpu.memory_space<hbm>>) target(%dma_start3A_770 : memref<70x32xf32, #tpu.memory_space<vmem>>) offsets(%dma_start3A_773 : memref<70xi32, #tpu.memory_space<vmem>>) semaphore(%arg13 : memref<!tpu.dma_semaphore, #tpu.memory_space<semaphore_mem>>)
        %dma_start3A_777 = arith.constant 8 : i32
        %dma_start3A_778 = arith.constant 560 : i32
        %dma_start3A_779 = arith.constant 0 : i32
        %dma_start3A_780 = tpu.memref_slice %arg8[%dma_start3A_778, %dma_start3A_779] : memref<1120x32xf32, #tpu.memory_space<vmem>> -> memref<70x32xf32, #tpu.memory_space<vmem>>
        %dma_start3A_781 = arith.constant 0 : i32
        %dma_start3A_782 = tpu.memref_slice %arg6[%dma_start3A_777, %dma_start3A_781] : memref<16x70xi32, #tpu.memory_space<vmem>> -> memref<1x70xi32, #tpu.memory_space<vmem>>
        %dma_start3A_783 = tpu.memref_squeeze %dma_start3A_782 : memref<1x70xi32, #tpu.memory_space<vmem>> -> memref<70xi32, #tpu.memory_space<vmem>>
        %dma_start3A_784 = arith.constant 0 : i32
        %dma_start3A_785 = arith.constant 0 : i32
        %dma_start3A_786 = tpu.memref_slice %arg4[%dma_start3A_784, %dma_start3A_785] : memref<1000000x32xf32, #tpu.memory_space<hbm>> -> memref<1000000x32xf32, #tpu.memory_space<hbm>>
        tpu.enqueue_indirect_dma source(%dma_start3A_786 : memref<1000000x32xf32, #tpu.memory_space<hbm>>) target(%dma_start3A_780 : memref<70x32xf32, #tpu.memory_space<vmem>>) offsets(%dma_start3A_783 : memref<70xi32, #tpu.memory_space<vmem>>) semaphore(%arg13 : memref<!tpu.dma_semaphore, #tpu.memory_space<semaphore_mem>>)
        %dma_start3A_787 = arith.constant 9 : i32
        %dma_start3A_788 = arith.constant 630 : i32
        %dma_start3A_789 = arith.constant 0 : i32
        %dma_start3A_790 = tpu.memref_slice %arg8[%dma_start3A_788, %dma_start3A_789] : memref<1120x32xf32, #tpu.memory_space<vmem>> -> memref<70x32xf32, #tpu.memory_space<vmem>>
        %dma_start3A_791 = arith.constant 0 : i32
        %dma_start3A_792 = tpu.memref_slice %arg6[%dma_start3A_787, %dma_start3A_791] : memref<16x70xi32, #tpu.memory_space<vmem>> -> memref<1x70xi32, #tpu.memory_space<vmem>>
        %dma_start3A_793 = tpu.memref_squeeze %dma_start3A_792 : memref<1x70xi32, #tpu.memory_space<vmem>> -> memref<70xi32, #tpu.memory_space<vmem>>
        %dma_start3A_794 = arith.constant 0 : i32
        %dma_start3A_795 = arith.constant 0 : i32
        %dma_start3A_796 = tpu.memref_slice %arg4[%dma_start3A_794, %dma_start3A_795] : memref<1000000x32xf32, #tpu.memory_space<hbm>> -> memref<1000000x32xf32, #tpu.memory_space<hbm>>
        tpu.enqueue_indirect_dma source(%dma_start3A_796 : memref<1000000x32xf32, #tpu.memory_space<hbm>>) target(%dma_start3A_790 : memref<70x32xf32, #tpu.memory_space<vmem>>) offsets(%dma_start3A_793 : memref<70xi32, #tpu.memory_space<vmem>>) semaphore(%arg13 : memref<!tpu.dma_semaphore, #tpu.memory_space<semaphore_mem>>)
        %dma_start3A_797 = arith.constant 10 : i32
        %dma_start3A_798 = arith.constant 700 : i32
        %dma_start3A_799 = arith.constant 0 : i32
        %dma_start3A_800 = tpu.memref_slice %arg8[%dma_start3A_798, %dma_start3A_799] : memref<1120x32xf32, #tpu.memory_space<vmem>> -> memref<70x32xf32, #tpu.memory_space<vmem>>
        %dma_start3A_801 = arith.constant 0 : i32
        %dma_start3A_802 = tpu.memref_slice %arg6[%dma_start3A_797, %dma_start3A_801] : memref<16x70xi32, #tpu.memory_space<vmem>> -> memref<1x70xi32, #tpu.memory_space<vmem>>
        %dma_start3A_803 = tpu.memref_squeeze %dma_start3A_802 : memref<1x70xi32, #tpu.memory_space<vmem>> -> memref<70xi32, #tpu.memory_space<vmem>>
        %dma_start3A_804 = arith.constant 0 : i32
        %dma_start3A_805 = arith.constant 0 : i32
        %dma_start3A_806 = tpu.memref_slice %arg4[%dma_start3A_804, %dma_start3A_805] : memref<1000000x32xf32, #tpu.memory_space<hbm>> -> memref<1000000x32xf32, #tpu.memory_space<hbm>>
        tpu.enqueue_indirect_dma source(%dma_start3A_806 : memref<1000000x32xf32, #tpu.memory_space<hbm>>) target(%dma_start3A_800 : memref<70x32xf32, #tpu.memory_space<vmem>>) offsets(%dma_start3A_803 : memref<70xi32, #tpu.memory_space<vmem>>) semaphore(%arg13 : memref<!tpu.dma_semaphore, #tpu.memory_space<semaphore_mem>>)
        %dma_start3A_807 = arith.constant 11 : i32
        %dma_start3A_808 = arith.constant 770 : i32
        %dma_start3A_809 = arith.constant 0 : i32
        %dma_start3A_810 = tpu.memref_slice %arg8[%dma_start3A_808, %dma_start3A_809] : memref<1120x32xf32, #tpu.memory_space<vmem>> -> memref<70x32xf32, #tpu.memory_space<vmem>>
        %dma_start3A_811 = arith.constant 0 : i32
        %dma_start3A_812 = tpu.memref_slice %arg6[%dma_start3A_807, %dma_start3A_811] : memref<16x70xi32, #tpu.memory_space<vmem>> -> memref<1x70xi32, #tpu.memory_space<vmem>>
        %dma_start3A_813 = tpu.memref_squeeze %dma_start3A_812 : memref<1x70xi32, #tpu.memory_space<vmem>> -> memref<70xi32, #tpu.memory_space<vmem>>
        %dma_start3A_814 = arith.constant 0 : i32
        %dma_start3A_815 = arith.constant 0 : i32
        %dma_start3A_816 = tpu.memref_slice %arg4[%dma_start3A_814, %dma_start3A_815] : memref<1000000x32xf32, #tpu.memory_space<hbm>> -> memref<1000000x32xf32, #tpu.memory_space<hbm>>
        tpu.enqueue_indirect_dma source(%dma_start3A_816 : memref<1000000x32xf32, #tpu.memory_space<hbm>>) target(%dma_start3A_810 : memref<70x32xf32, #tpu.memory_space<vmem>>) offsets(%dma_start3A_813 : memref<70xi32, #tpu.memory_space<vmem>>) semaphore(%arg13 : memref<!tpu.dma_semaphore, #tpu.memory_space<semaphore_mem>>)
        %dma_start3A_817 = arith.constant 12 : i32
        %dma_start3A_818 = arith.constant 840 : i32
        %dma_start3A_819 = arith.constant 0 : i32
        %dma_start3A_820 = tpu.memref_slice %arg8[%dma_start3A_818, %dma_start3A_819] : memref<1120x32xf32, #tpu.memory_space<vmem>> -> memref<70x32xf32, #tpu.memory_space<vmem>>
        %dma_start3A_821 = arith.constant 0 : i32
        %dma_start3A_822 = tpu.memref_slice %arg6[%dma_start3A_817, %dma_start3A_821] : memref<16x70xi32, #tpu.memory_space<vmem>> -> memref<1x70xi32, #tpu.memory_space<vmem>>
        %dma_start3A_823 = tpu.memref_squeeze %dma_start3A_822 : memref<1x70xi32, #tpu.memory_space<vmem>> -> memref<70xi32, #tpu.memory_space<vmem>>
        %dma_start3A_824 = arith.constant 0 : i32
        %dma_start3A_825 = arith.constant 0 : i32
        %dma_start3A_826 = tpu.memref_slice %arg4[%dma_start3A_824, %dma_start3A_825] : memref<1000000x32xf32, #tpu.memory_space<hbm>> -> memref<1000000x32xf32, #tpu.memory_space<hbm>>
        tpu.enqueue_indirect_dma source(%dma_start3A_826 : memref<1000000x32xf32, #tpu.memory_space<hbm>>) target(%dma_start3A_820 : memref<70x32xf32, #tpu.memory_space<vmem>>) offsets(%dma_start3A_823 : memref<70xi32, #tpu.memory_space<vmem>>) semaphore(%arg13 : memref<!tpu.dma_semaphore, #tpu.memory_space<semaphore_mem>>)
        %dma_start3A_827 = arith.constant 13 : i32
        %dma_start3A_828 = arith.constant 910 : i32
        %dma_start3A_829 = arith.constant 0 : i32
        %dma_start3A_830 = tpu.memref_slice %arg8[%dma_start3A_828, %dma_start3A_829] : memref<1120x32xf32, #tpu.memory_space<vmem>> -> memref<70x32xf32, #tpu.memory_space<vmem>>
        %dma_start3A_831 = arith.constant 0 : i32
        %dma_start3A_832 = tpu.memref_slice %arg6[%dma_start3A_827, %dma_start3A_831] : memref<16x70xi32, #tpu.memory_space<vmem>> -> memref<1x70xi32, #tpu.memory_space<vmem>>
        %dma_start3A_833 = tpu.memref_squeeze %dma_start3A_832 : memref<1x70xi32, #tpu.memory_space<vmem>> -> memref<70xi32, #tpu.memory_space<vmem>>
        %dma_start3A_834 = arith.constant 0 : i32
        %dma_start3A_835 = arith.constant 0 : i32
        %dma_start3A_836 = tpu.memref_slice %arg4[%dma_start3A_834, %dma_start3A_835] : memref<1000000x32xf32, #tpu.memory_space<hbm>> -> memref<1000000x32xf32, #tpu.memory_space<hbm>>
        tpu.enqueue_indirect_dma source(%dma_start3A_836 : memref<1000000x32xf32, #tpu.memory_space<hbm>>) target(%dma_start3A_830 : memref<70x32xf32, #tpu.memory_space<vmem>>) offsets(%dma_start3A_833 : memref<70xi32, #tpu.memory_space<vmem>>) semaphore(%arg13 : memref<!tpu.dma_semaphore, #tpu.memory_space<semaphore_mem>>)
        %dma_start3A_837 = arith.constant 14 : i32
        %dma_start3A_838 = arith.constant 980 : i32
        %dma_start3A_839 = arith.constant 0 : i32
        %dma_start3A_840 = tpu.memref_slice %arg8[%dma_start3A_838, %dma_start3A_839] : memref<1120x32xf32, #tpu.memory_space<vmem>> -> memref<70x32xf32, #tpu.memory_space<vmem>>
        %dma_start3A_841 = arith.constant 0 : i32
        %dma_start3A_842 = tpu.memref_slice %arg6[%dma_start3A_837, %dma_start3A_841] : memref<16x70xi32, #tpu.memory_space<vmem>> -> memref<1x70xi32, #tpu.memory_space<vmem>>
        %dma_start3A_843 = tpu.memref_squeeze %dma_start3A_842 : memref<1x70xi32, #tpu.memory_space<vmem>> -> memref<70xi32, #tpu.memory_space<vmem>>
        %dma_start3A_844 = arith.constant 0 : i32
        %dma_start3A_845 = arith.constant 0 : i32
        %dma_start3A_846 = tpu.memref_slice %arg4[%dma_start3A_844, %dma_start3A_845] : memref<1000000x32xf32, #tpu.memory_space<hbm>> -> memref<1000000x32xf32, #tpu.memory_space<hbm>>
        tpu.enqueue_indirect_dma source(%dma_start3A_846 : memref<1000000x32xf32, #tpu.memory_space<hbm>>) target(%dma_start3A_840 : memref<70x32xf32, #tpu.memory_space<vmem>>) offsets(%dma_start3A_843 : memref<70xi32, #tpu.memory_space<vmem>>) semaphore(%arg13 : memref<!tpu.dma_semaphore, #tpu.memory_space<semaphore_mem>>)
        %dma_start3A_847 = arith.constant 15 : i32
        %dma_start3A_848 = arith.constant 1050 : i32
        %dma_start3A_849 = arith.constant 0 : i32
        %dma_start3A_850 = tpu.memref_slice %arg8[%dma_start3A_848, %dma_start3A_849] : memref<1120x32xf32, #tpu.memory_space<vmem>> -> memref<70x32xf32, #tpu.memory_space<vmem>>
        %dma_start3A_851 = arith.constant 0 : i32
        %dma_start3A_852 = tpu.memref_slice %arg6[%dma_start3A_847, %dma_start3A_851] : memref<16x70xi32, #tpu.memory_space<vmem>> -> memref<1x70xi32, #tpu.memory_space<vmem>>
        %dma_start3A_853 = tpu.memref_squeeze %dma_start3A_852 : memref<1x70xi32, #tpu.memory_space<vmem>> -> memref<70xi32, #tpu.memory_space<vmem>>
        %dma_start3A_854 = arith.constant 0 : i32
        %dma_start3A_855 = arith.constant 0 : i32
        %dma_start3A_856 = tpu.memref_slice %arg4[%dma_start3A_854, %dma_start3A_855] : memref<1000000x32xf32, #tpu.memory_space<hbm>> -> memref<1000000x32xf32, #tpu.memory_space<hbm>>
        tpu.enqueue_indirect_dma source(%dma_start3A_856 : memref<1000000x32xf32, #tpu.memory_space<hbm>>) target(%dma_start3A_850 : memref<70x32xf32, #tpu.memory_space<vmem>>) offsets(%dma_start3A_853 : memref<70xi32, #tpu.memory_space<vmem>>) semaphore(%arg13 : memref<!tpu.dma_semaphore, #tpu.memory_space<semaphore_mem>>)
      } else {
      }
      %dma_wait3A_514 = arith.constant 0 : i32
      %dma_wait3A_515 = arith.constant 0 : i32
      %dma_wait3A_516 = arith.constant 0 : i32
      %dma_wait3A_517 = tpu.memref_slice %arg11[%dma_wait3A_515, %dma_wait3A_516] : memref<1120x32xf32, #tpu.memory_space<vmem>> -> memref<70x32xf32, #tpu.memory_space<vmem>>
      %dma_wait3A_518 = arith.constant 0 : i32
      %dma_wait3A_519 = tpu.memref_slice %arg9[%dma_wait3A_514, %dma_wait3A_518] : memref<16x70xi32, #tpu.memory_space<vmem>> -> memref<1x70xi32, #tpu.memory_space<vmem>>
      %dma_wait3A_520 = tpu.memref_squeeze %dma_wait3A_519 : memref<1x70xi32, #tpu.memory_space<vmem>> -> memref<70xi32, #tpu.memory_space<vmem>>
      %dma_wait3A_521 = arith.constant 0 : i32
      %dma_wait3A_522 = arith.constant 0 : i32
      %dma_wait3A_523 = tpu.memref_slice %arg4[%dma_wait3A_521, %dma_wait3A_522] : memref<1000000x32xf32, #tpu.memory_space<hbm>> -> memref<1000000x32xf32, #tpu.memory_space<hbm>>
      tpu.wait_indirect_dma semaphore(%arg14 : memref<!tpu.dma_semaphore, #tpu.memory_space<semaphore_mem>>) src(%dma_wait3A_523 : memref<1000000x32xf32, #tpu.memory_space<hbm>>) dst(%dma_wait3A_517 : memref<70x32xf32, #tpu.memory_space<vmem>>)
      %dma_wait3A_524 = arith.constant 1 : i32
      %dma_wait3A_525 = arith.constant 70 : i32
      %dma_wait3A_526 = arith.constant 0 : i32
      %dma_wait3A_527 = tpu.memref_slice %arg11[%dma_wait3A_525, %dma_wait3A_526] : memref<1120x32xf32, #tpu.memory_space<vmem>> -> memref<70x32xf32, #tpu.memory_space<vmem>>
      %dma_wait3A_528 = arith.constant 0 : i32
      %dma_wait3A_529 = tpu.memref_slice %arg9[%dma_wait3A_524, %dma_wait3A_528] : memref<16x70xi32, #tpu.memory_space<vmem>> -> memref<1x70xi32, #tpu.memory_space<vmem>>
      %dma_wait3A_530 = tpu.memref_squeeze %dma_wait3A_529 : memref<1x70xi32, #tpu.memory_space<vmem>> -> memref<70xi32, #tpu.memory_space<vmem>>
      %dma_wait3A_531 = arith.constant 0 : i32
      %dma_wait3A_532 = arith.constant 0 : i32
      %dma_wait3A_533 = tpu.memref_slice %arg4[%dma_wait3A_531, %dma_wait3A_532] : memref<1000000x32xf32, #tpu.memory_space<hbm>> -> memref<1000000x32xf32, #tpu.memory_space<hbm>>
      tpu.wait_indirect_dma semaphore(%arg14 : memref<!tpu.dma_semaphore, #tpu.memory_space<semaphore_mem>>) src(%dma_wait3A_533 : memref<1000000x32xf32, #tpu.memory_space<hbm>>) dst(%dma_wait3A_527 : memref<70x32xf32, #tpu.memory_space<vmem>>)
      %dma_wait3A_534 = arith.constant 2 : i32
      %dma_wait3A_535 = arith.constant 140 : i32
      %dma_wait3A_536 = arith.constant 0 : i32
      %dma_wait3A_537 = tpu.memref_slice %arg11[%dma_wait3A_535, %dma_wait3A_536] : memref<1120x32xf32, #tpu.memory_space<vmem>> -> memref<70x32xf32, #tpu.memory_space<vmem>>
      %dma_wait3A_538 = arith.constant 0 : i32
      %dma_wait3A_539 = tpu.memref_slice %arg9[%dma_wait3A_534, %dma_wait3A_538] : memref<16x70xi32, #tpu.memory_space<vmem>> -> memref<1x70xi32, #tpu.memory_space<vmem>>
      %dma_wait3A_540 = tpu.memref_squeeze %dma_wait3A_539 : memref<1x70xi32, #tpu.memory_space<vmem>> -> memref<70xi32, #tpu.memory_space<vmem>>
      %dma_wait3A_541 = arith.constant 0 : i32
      %dma_wait3A_542 = arith.constant 0 : i32
      %dma_wait3A_543 = tpu.memref_slice %arg4[%dma_wait3A_541, %dma_wait3A_542] : memref<1000000x32xf32, #tpu.memory_space<hbm>> -> memref<1000000x32xf32, #tpu.memory_space<hbm>>
      tpu.wait_indirect_dma semaphore(%arg14 : memref<!tpu.dma_semaphore, #tpu.memory_space<semaphore_mem>>) src(%dma_wait3A_543 : memref<1000000x32xf32, #tpu.memory_space<hbm>>) dst(%dma_wait3A_537 : memref<70x32xf32, #tpu.memory_space<vmem>>)
      %dma_wait3A_544 = arith.constant 3 : i32
      %dma_wait3A_545 = arith.constant 210 : i32
      %dma_wait3A_546 = arith.constant 0 : i32
      %dma_wait3A_547 = tpu.memref_slice %arg11[%dma_wait3A_545, %dma_wait3A_546] : memref<1120x32xf32, #tpu.memory_space<vmem>> -> memref<70x32xf32, #tpu.memory_space<vmem>>
      %dma_wait3A_548 = arith.constant 0 : i32
      %dma_wait3A_549 = tpu.memref_slice %arg9[%dma_wait3A_544, %dma_wait3A_548] : memref<16x70xi32, #tpu.memory_space<vmem>> -> memref<1x70xi32, #tpu.memory_space<vmem>>
      %dma_wait3A_550 = tpu.memref_squeeze %dma_wait3A_549 : memref<1x70xi32, #tpu.memory_space<vmem>> -> memref<70xi32, #tpu.memory_space<vmem>>
      %dma_wait3A_551 = arith.constant 0 : i32
      %dma_wait3A_552 = arith.constant 0 : i32
      %dma_wait3A_553 = tpu.memref_slice %arg4[%dma_wait3A_551, %dma_wait3A_552] : memref<1000000x32xf32, #tpu.memory_space<hbm>> -> memref<1000000x32xf32, #tpu.memory_space<hbm>>
      tpu.wait_indirect_dma semaphore(%arg14 : memref<!tpu.dma_semaphore, #tpu.memory_space<semaphore_mem>>) src(%dma_wait3A_553 : memref<1000000x32xf32, #tpu.memory_space<hbm>>) dst(%dma_wait3A_547 : memref<70x32xf32, #tpu.memory_space<vmem>>)
      %dma_wait3A_554 = arith.constant 4 : i32
      %dma_wait3A_555 = arith.constant 280 : i32
      %dma_wait3A_556 = arith.constant 0 : i32
      %dma_wait3A_557 = tpu.memref_slice %arg11[%dma_wait3A_555, %dma_wait3A_556] : memref<1120x32xf32, #tpu.memory_space<vmem>> -> memref<70x32xf32, #tpu.memory_space<vmem>>
      %dma_wait3A_558 = arith.constant 0 : i32
      %dma_wait3A_559 = tpu.memref_slice %arg9[%dma_wait3A_554, %dma_wait3A_558] : memref<16x70xi32, #tpu.memory_space<vmem>> -> memref<1x70xi32, #tpu.memory_space<vmem>>
      %dma_wait3A_560 = tpu.memref_squeeze %dma_wait3A_559 : memref<1x70xi32, #tpu.memory_space<vmem>> -> memref<70xi32, #tpu.memory_space<vmem>>
      %dma_wait3A_561 = arith.constant 0 : i32
      %dma_wait3A_562 = arith.constant 0 : i32
      %dma_wait3A_563 = tpu.memref_slice %arg4[%dma_wait3A_561, %dma_wait3A_562] : memref<1000000x32xf32, #tpu.memory_space<hbm>> -> memref<1000000x32xf32, #tpu.memory_space<hbm>>
      tpu.wait_indirect_dma semaphore(%arg14 : memref<!tpu.dma_semaphore, #tpu.memory_space<semaphore_mem>>) src(%dma_wait3A_563 : memref<1000000x32xf32, #tpu.memory_space<hbm>>) dst(%dma_wait3A_557 : memref<70x32xf32, #tpu.memory_space<vmem>>)
      %dma_wait3A_564 = arith.constant 5 : i32
      %dma_wait3A_565 = arith.constant 350 : i32
      %dma_wait3A_566 = arith.constant 0 : i32
      %dma_wait3A_567 = tpu.memref_slice %arg11[%dma_wait3A_565, %dma_wait3A_566] : memref<1120x32xf32, #tpu.memory_space<vmem>> -> memref<70x32xf32, #tpu.memory_space<vmem>>
      %dma_wait3A_568 = arith.constant 0 : i32
      %dma_wait3A_569 = tpu.memref_slice %arg9[%dma_wait3A_564, %dma_wait3A_568] : memref<16x70xi32, #tpu.memory_space<vmem>> -> memref<1x70xi32, #tpu.memory_space<vmem>>
      %dma_wait3A_570 = tpu.memref_squeeze %dma_wait3A_569 : memref<1x70xi32, #tpu.memory_space<vmem>> -> memref<70xi32, #tpu.memory_space<vmem>>
      %dma_wait3A_571 = arith.constant 0 : i32
      %dma_wait3A_572 = arith.constant 0 : i32
      %dma_wait3A_573 = tpu.memref_slice %arg4[%dma_wait3A_571, %dma_wait3A_572] : memref<1000000x32xf32, #tpu.memory_space<hbm>> -> memref<1000000x32xf32, #tpu.memory_space<hbm>>
      tpu.wait_indirect_dma semaphore(%arg14 : memref<!tpu.dma_semaphore, #tpu.memory_space<semaphore_mem>>) src(%dma_wait3A_573 : memref<1000000x32xf32, #tpu.memory_space<hbm>>) dst(%dma_wait3A_567 : memref<70x32xf32, #tpu.memory_space<vmem>>)
      %dma_wait3A_574 = arith.constant 6 : i32
      %dma_wait3A_575 = arith.constant 420 : i32
      %dma_wait3A_576 = arith.constant 0 : i32
      %dma_wait3A_577 = tpu.memref_slice %arg11[%dma_wait3A_575, %dma_wait3A_576] : memref<1120x32xf32, #tpu.memory_space<vmem>> -> memref<70x32xf32, #tpu.memory_space<vmem>>
      %dma_wait3A_578 = arith.constant 0 : i32
      %dma_wait3A_579 = tpu.memref_slice %arg9[%dma_wait3A_574, %dma_wait3A_578] : memref<16x70xi32, #tpu.memory_space<vmem>> -> memref<1x70xi32, #tpu.memory_space<vmem>>
      %dma_wait3A_580 = tpu.memref_squeeze %dma_wait3A_579 : memref<1x70xi32, #tpu.memory_space<vmem>> -> memref<70xi32, #tpu.memory_space<vmem>>
      %dma_wait3A_581 = arith.constant 0 : i32
      %dma_wait3A_582 = arith.constant 0 : i32
      %dma_wait3A_583 = tpu.memref_slice %arg4[%dma_wait3A_581, %dma_wait3A_582] : memref<1000000x32xf32, #tpu.memory_space<hbm>> -> memref<1000000x32xf32, #tpu.memory_space<hbm>>
      tpu.wait_indirect_dma semaphore(%arg14 : memref<!tpu.dma_semaphore, #tpu.memory_space<semaphore_mem>>) src(%dma_wait3A_583 : memref<1000000x32xf32, #tpu.memory_space<hbm>>) dst(%dma_wait3A_577 : memref<70x32xf32, #tpu.memory_space<vmem>>)
      %dma_wait3A_584 = arith.constant 7 : i32
      %dma_wait3A_585 = arith.constant 490 : i32
      %dma_wait3A_586 = arith.constant 0 : i32
      %dma_wait3A_587 = tpu.memref_slice %arg11[%dma_wait3A_585, %dma_wait3A_586] : memref<1120x32xf32, #tpu.memory_space<vmem>> -> memref<70x32xf32, #tpu.memory_space<vmem>>
      %dma_wait3A_588 = arith.constant 0 : i32
      %dma_wait3A_589 = tpu.memref_slice %arg9[%dma_wait3A_584, %dma_wait3A_588] : memref<16x70xi32, #tpu.memory_space<vmem>> -> memref<1x70xi32, #tpu.memory_space<vmem>>
      %dma_wait3A_590 = tpu.memref_squeeze %dma_wait3A_589 : memref<1x70xi32, #tpu.memory_space<vmem>> -> memref<70xi32, #tpu.memory_space<vmem>>
      %dma_wait3A_591 = arith.constant 0 : i32
      %dma_wait3A_592 = arith.constant 0 : i32
      %dma_wait3A_593 = tpu.memref_slice %arg4[%dma_wait3A_591, %dma_wait3A_592] : memref<1000000x32xf32, #tpu.memory_space<hbm>> -> memref<1000000x32xf32, #tpu.memory_space<hbm>>
      tpu.wait_indirect_dma semaphore(%arg14 : memref<!tpu.dma_semaphore, #tpu.memory_space<semaphore_mem>>) src(%dma_wait3A_593 : memref<1000000x32xf32, #tpu.memory_space<hbm>>) dst(%dma_wait3A_587 : memref<70x32xf32, #tpu.memory_space<vmem>>)
      %dma_wait3A_594 = arith.constant 8 : i32
      %dma_wait3A_595 = arith.constant 560 : i32
      %dma_wait3A_596 = arith.constant 0 : i32
      %dma_wait3A_597 = tpu.memref_slice %arg11[%dma_wait3A_595, %dma_wait3A_596] : memref<1120x32xf32, #tpu.memory_space<vmem>> -> memref<70x32xf32, #tpu.memory_space<vmem>>
      %dma_wait3A_598 = arith.constant 0 : i32
      %dma_wait3A_599 = tpu.memref_slice %arg9[%dma_wait3A_594, %dma_wait3A_598] : memref<16x70xi32, #tpu.memory_space<vmem>> -> memref<1x70xi32, #tpu.memory_space<vmem>>
      %dma_wait3A_600 = tpu.memref_squeeze %dma_wait3A_599 : memref<1x70xi32, #tpu.memory_space<vmem>> -> memref<70xi32, #tpu.memory_space<vmem>>
      %dma_wait3A_601 = arith.constant 0 : i32
      %dma_wait3A_602 = arith.constant 0 : i32
      %dma_wait3A_603 = tpu.memref_slice %arg4[%dma_wait3A_601, %dma_wait3A_602] : memref<1000000x32xf32, #tpu.memory_space<hbm>> -> memref<1000000x32xf32, #tpu.memory_space<hbm>>
      tpu.wait_indirect_dma semaphore(%arg14 : memref<!tpu.dma_semaphore, #tpu.memory_space<semaphore_mem>>) src(%dma_wait3A_603 : memref<1000000x32xf32, #tpu.memory_space<hbm>>) dst(%dma_wait3A_597 : memref<70x32xf32, #tpu.memory_space<vmem>>)
      %dma_wait3A_604 = arith.constant 9 : i32
      %dma_wait3A_605 = arith.constant 630 : i32
      %dma_wait3A_606 = arith.constant 0 : i32
      %dma_wait3A_607 = tpu.memref_slice %arg11[%dma_wait3A_605, %dma_wait3A_606] : memref<1120x32xf32, #tpu.memory_space<vmem>> -> memref<70x32xf32, #tpu.memory_space<vmem>>
      %dma_wait3A_608 = arith.constant 0 : i32
      %dma_wait3A_609 = tpu.memref_slice %arg9[%dma_wait3A_604, %dma_wait3A_608] : memref<16x70xi32, #tpu.memory_space<vmem>> -> memref<1x70xi32, #tpu.memory_space<vmem>>
      %dma_wait3A_610 = tpu.memref_squeeze %dma_wait3A_609 : memref<1x70xi32, #tpu.memory_space<vmem>> -> memref<70xi32, #tpu.memory_space<vmem>>
      %dma_wait3A_611 = arith.constant 0 : i32
      %dma_wait3A_612 = arith.constant 0 : i32
      %dma_wait3A_613 = tpu.memref_slice %arg4[%dma_wait3A_611, %dma_wait3A_612] : memref<1000000x32xf32, #tpu.memory_space<hbm>> -> memref<1000000x32xf32, #tpu.memory_space<hbm>>
      tpu.wait_indirect_dma semaphore(%arg14 : memref<!tpu.dma_semaphore, #tpu.memory_space<semaphore_mem>>) src(%dma_wait3A_613 : memref<1000000x32xf32, #tpu.memory_space<hbm>>) dst(%dma_wait3A_607 : memref<70x32xf32, #tpu.memory_space<vmem>>)
      %dma_wait3A_614 = arith.constant 10 : i32
      %dma_wait3A_615 = arith.constant 700 : i32
      %dma_wait3A_616 = arith.constant 0 : i32
      %dma_wait3A_617 = tpu.memref_slice %arg11[%dma_wait3A_615, %dma_wait3A_616] : memref<1120x32xf32, #tpu.memory_space<vmem>> -> memref<70x32xf32, #tpu.memory_space<vmem>>
      %dma_wait3A_618 = arith.constant 0 : i32
      %dma_wait3A_619 = tpu.memref_slice %arg9[%dma_wait3A_614, %dma_wait3A_618] : memref<16x70xi32, #tpu.memory_space<vmem>> -> memref<1x70xi32, #tpu.memory_space<vmem>>
      %dma_wait3A_620 = tpu.memref_squeeze %dma_wait3A_619 : memref<1x70xi32, #tpu.memory_space<vmem>> -> memref<70xi32, #tpu.memory_space<vmem>>
      %dma_wait3A_621 = arith.constant 0 : i32
      %dma_wait3A_622 = arith.constant 0 : i32
      %dma_wait3A_623 = tpu.memref_slice %arg4[%dma_wait3A_621, %dma_wait3A_622] : memref<1000000x32xf32, #tpu.memory_space<hbm>> -> memref<1000000x32xf32, #tpu.memory_space<hbm>>
      tpu.wait_indirect_dma semaphore(%arg14 : memref<!tpu.dma_semaphore, #tpu.memory_space<semaphore_mem>>) src(%dma_wait3A_623 : memref<1000000x32xf32, #tpu.memory_space<hbm>>) dst(%dma_wait3A_617 : memref<70x32xf32, #tpu.memory_space<vmem>>)
      %dma_wait3A_624 = arith.constant 11 : i32
      %dma_wait3A_625 = arith.constant 770 : i32
      %dma_wait3A_626 = arith.constant 0 : i32
      %dma_wait3A_627 = tpu.memref_slice %arg11[%dma_wait3A_625, %dma_wait3A_626] : memref<1120x32xf32, #tpu.memory_space<vmem>> -> memref<70x32xf32, #tpu.memory_space<vmem>>
      %dma_wait3A_628 = arith.constant 0 : i32
      %dma_wait3A_629 = tpu.memref_slice %arg9[%dma_wait3A_624, %dma_wait3A_628] : memref<16x70xi32, #tpu.memory_space<vmem>> -> memref<1x70xi32, #tpu.memory_space<vmem>>
      %dma_wait3A_630 = tpu.memref_squeeze %dma_wait3A_629 : memref<1x70xi32, #tpu.memory_space<vmem>> -> memref<70xi32, #tpu.memory_space<vmem>>
      %dma_wait3A_631 = arith.constant 0 : i32
      %dma_wait3A_632 = arith.constant 0 : i32
      %dma_wait3A_633 = tpu.memref_slice %arg4[%dma_wait3A_631, %dma_wait3A_632] : memref<1000000x32xf32, #tpu.memory_space<hbm>> -> memref<1000000x32xf32, #tpu.memory_space<hbm>>
      tpu.wait_indirect_dma semaphore(%arg14 : memref<!tpu.dma_semaphore, #tpu.memory_space<semaphore_mem>>) src(%dma_wait3A_633 : memref<1000000x32xf32, #tpu.memory_space<hbm>>) dst(%dma_wait3A_627 : memref<70x32xf32, #tpu.memory_space<vmem>>)
      %dma_wait3A_634 = arith.constant 12 : i32
      %dma_wait3A_635 = arith.constant 840 : i32
      %dma_wait3A_636 = arith.constant 0 : i32
      %dma_wait3A_637 = tpu.memref_slice %arg11[%dma_wait3A_635, %dma_wait3A_636] : memref<1120x32xf32, #tpu.memory_space<vmem>> -> memref<70x32xf32, #tpu.memory_space<vmem>>
      %dma_wait3A_638 = arith.constant 0 : i32
      %dma_wait3A_639 = tpu.memref_slice %arg9[%dma_wait3A_634, %dma_wait3A_638] : memref<16x70xi32, #tpu.memory_space<vmem>> -> memref<1x70xi32, #tpu.memory_space<vmem>>
      %dma_wait3A_640 = tpu.memref_squeeze %dma_wait3A_639 : memref<1x70xi32, #tpu.memory_space<vmem>> -> memref<70xi32, #tpu.memory_space<vmem>>
      %dma_wait3A_641 = arith.constant 0 : i32
      %dma_wait3A_642 = arith.constant 0 : i32
      %dma_wait3A_643 = tpu.memref_slice %arg4[%dma_wait3A_641, %dma_wait3A_642] : memref<1000000x32xf32, #tpu.memory_space<hbm>> -> memref<1000000x32xf32, #tpu.memory_space<hbm>>
      tpu.wait_indirect_dma semaphore(%arg14 : memref<!tpu.dma_semaphore, #tpu.memory_space<semaphore_mem>>) src(%dma_wait3A_643 : memref<1000000x32xf32, #tpu.memory_space<hbm>>) dst(%dma_wait3A_637 : memref<70x32xf32, #tpu.memory_space<vmem>>)
      %dma_wait3A_644 = arith.constant 13 : i32
      %dma_wait3A_645 = arith.constant 910 : i32
      %dma_wait3A_646 = arith.constant 0 : i32
      %dma_wait3A_647 = tpu.memref_slice %arg11[%dma_wait3A_645, %dma_wait3A_646] : memref<1120x32xf32, #tpu.memory_space<vmem>> -> memref<70x32xf32, #tpu.memory_space<vmem>>
      %dma_wait3A_648 = arith.constant 0 : i32
      %dma_wait3A_649 = tpu.memref_slice %arg9[%dma_wait3A_644, %dma_wait3A_648] : memref<16x70xi32, #tpu.memory_space<vmem>> -> memref<1x70xi32, #tpu.memory_space<vmem>>
      %dma_wait3A_650 = tpu.memref_squeeze %dma_wait3A_649 : memref<1x70xi32, #tpu.memory_space<vmem>> -> memref<70xi32, #tpu.memory_space<vmem>>
      %dma_wait3A_651 = arith.constant 0 : i32
      %dma_wait3A_652 = arith.constant 0 : i32
      %dma_wait3A_653 = tpu.memref_slice %arg4[%dma_wait3A_651, %dma_wait3A_652] : memref<1000000x32xf32, #tpu.memory_space<hbm>> -> memref<1000000x32xf32, #tpu.memory_space<hbm>>
      tpu.wait_indirect_dma semaphore(%arg14 : memref<!tpu.dma_semaphore, #tpu.memory_space<semaphore_mem>>) src(%dma_wait3A_653 : memref<1000000x32xf32, #tpu.memory_space<hbm>>) dst(%dma_wait3A_647 : memref<70x32xf32, #tpu.memory_space<vmem>>)
      %dma_wait3A_654 = arith.constant 14 : i32
      %dma_wait3A_655 = arith.constant 980 : i32
      %dma_wait3A_656 = arith.constant 0 : i32
      %dma_wait3A_657 = tpu.memref_slice %arg11[%dma_wait3A_655, %dma_wait3A_656] : memref<1120x32xf32, #tpu.memory_space<vmem>> -> memref<70x32xf32, #tpu.memory_space<vmem>>
      %dma_wait3A_658 = arith.constant 0 : i32
      %dma_wait3A_659 = tpu.memref_slice %arg9[%dma_wait3A_654, %dma_wait3A_658] : memref<16x70xi32, #tpu.memory_space<vmem>> -> memref<1x70xi32, #tpu.memory_space<vmem>>
      %dma_wait3A_660 = tpu.memref_squeeze %dma_wait3A_659 : memref<1x70xi32, #tpu.memory_space<vmem>> -> memref<70xi32, #tpu.memory_space<vmem>>
      %dma_wait3A_661 = arith.constant 0 : i32
      %dma_wait3A_662 = arith.constant 0 : i32
      %dma_wait3A_663 = tpu.memref_slice %arg4[%dma_wait3A_661, %dma_wait3A_662] : memref<1000000x32xf32, #tpu.memory_space<hbm>> -> memref<1000000x32xf32, #tpu.memory_space<hbm>>
      tpu.wait_indirect_dma semaphore(%arg14 : memref<!tpu.dma_semaphore, #tpu.memory_space<semaphore_mem>>) src(%dma_wait3A_663 : memref<1000000x32xf32, #tpu.memory_space<hbm>>) dst(%dma_wait3A_657 : memref<70x32xf32, #tpu.memory_space<vmem>>)
      %dma_wait3A_664 = arith.constant 15 : i32
      %dma_wait3A_665 = arith.constant 1050 : i32
      %dma_wait3A_666 = arith.constant 0 : i32
      %dma_wait3A_667 = tpu.memref_slice %arg11[%dma_wait3A_665, %dma_wait3A_666] : memref<1120x32xf32, #tpu.memory_space<vmem>> -> memref<70x32xf32, #tpu.memory_space<vmem>>
      %dma_wait3A_668 = arith.constant 0 : i32
      %dma_wait3A_669 = tpu.memref_slice %arg9[%dma_wait3A_664, %dma_wait3A_668] : memref<16x70xi32, #tpu.memory_space<vmem>> -> memref<1x70xi32, #tpu.memory_space<vmem>>
      %dma_wait3A_670 = tpu.memref_squeeze %dma_wait3A_669 : memref<1x70xi32, #tpu.memory_space<vmem>> -> memref<70xi32, #tpu.memory_space<vmem>>
      %dma_wait3A_671 = arith.constant 0 : i32
      %dma_wait3A_672 = arith.constant 0 : i32
      %dma_wait3A_673 = tpu.memref_slice %arg4[%dma_wait3A_671, %dma_wait3A_672] : memref<1000000x32xf32, #tpu.memory_space<hbm>> -> memref<1000000x32xf32, #tpu.memory_space<hbm>>
      tpu.wait_indirect_dma semaphore(%arg14 : memref<!tpu.dma_semaphore, #tpu.memory_space<semaphore_mem>>) src(%dma_wait3A_673 : memref<1000000x32xf32, #tpu.memory_space<hbm>>) dst(%dma_wait3A_667 : memref<70x32xf32, #tpu.memory_space<vmem>>)
      %add3A_674 = arith.constant 1 : i32
      %add3A_675 = arith.addi %mul3A_173, %add3A_674 : i32
      %iota3A_676 = tpu.iota {dimensions = array<i32: 0>} : vector<16xi32>
      %broadcast_in_dim3A_677 = arith.constant 0.000000e+00 : f32
      %broadcast_in_dim3A_678 = vector.broadcast %broadcast_in_dim3A_677 : f32 to vector<16xf32>
      %scan3A_679 = arith.constant 0 : i32
      %scan3A_680 = arith.constant 16 : i32
      %scan3A_681 = arith.addi %scan3A_679, %scan3A_680 : i32
      %scan3A_682 = arith.constant 1 : i32
      %scan3A_683 = scf.for %scan3A_692 = %scan3A_679 to %scan3A_681 step %scan3A_682 iter_args(%scan3A_693 = %broadcast_in_dim3A_678) -> (vector<16xf32>)  : i32 {
        %mul3A_694 = arith.constant 70 : i32
        %mul3A_695 = arith.muli %scan3A_692, %mul3A_694 : i32
        %broadcast_in_dim3A_696 = arith.constant 0.000000e+00 : f32
        %broadcast_in_dim3A_697 = vector.broadcast %broadcast_in_dim3A_696 : f32 to vector<16xf32>
        %get3A = arith.index_cast %scan3A_692 : i32 to index
        %get3A_698 = arith.constant 0 : index
        %get3A_699 = tpu.vector_load %arg10[%get3A, %get3A_698] {strides = array<i32>} : memref<16x64xf32, #tpu.memory_space<vmem>>, vector<1x16xf32>,
        %get3A_700 = vector.shape_cast %get3A_699 : vector<1x16xf32> to vector<16xf32>
        %slice3A = vector.extract_strided_slice %get3A_700 {offsets = [0], sizes = [1], strides = [1]} : vector<16xf32> to vector<1xf32>
        %squeeze3A = vector.extract %slice3A[0] : f32 from vector<1xf32>
        %add3A_701 = arith.constant 0 : i32
        %add3A_702 = arith.addi %mul3A_695, %add3A_701 : i32
        %get3A_703 = arith.index_cast %add3A_702 : i32 to index
        %get3A_704 = arith.constant 0 : index
        %get3A_705 = tpu.vector_load %arg11[%get3A_703, %get3A_704] {strides = array<i32>} : memref<1120x32xf32, #tpu.memory_space<vmem>>, vector<1x16xf32>,
        %get3A_706 = vector.shape_cast %get3A_705 : vector<1x16xf32> to vector<16xf32>
        %mul3A_707 = vector.broadcast %squeeze3A : f32 to vector<16xf32>
        %mul3A_708 = arith.mulf %get3A_706, %mul3A_707 : vector<16xf32>
        %add3A_709 = arith.addf %broadcast_in_dim3A_697, %mul3A_708 : vector<16xf32>
        %add3A_710 = arith.constant 0 : i32
        %add3A_711 = arith.addi %mul3A_695, %add3A_710 : i32
        %get3A_712 = arith.index_cast %add3A_711 : i32 to index
        %get3A_713 = arith.constant 16 : index
        %get3A_714 = tpu.vector_load %arg11[%get3A_712, %get3A_713] {strides = array<i32>} : memref<1120x32xf32, #tpu.memory_space<vmem>>, vector<1x16xf32>,
        %get3A_715 = vector.shape_cast %get3A_714 : vector<1x16xf32> to vector<16xf32>
        %mul3A_716 = vector.broadcast %squeeze3A : f32 to vector<16xf32>
        %mul3A_717 = arith.mulf %get3A_715, %mul3A_716 : vector<16xf32>
        %add3A_718 = arith.addf %broadcast_in_dim3A_697, %mul3A_717 : vector<16xf32>
        %slice3A_719 = vector.extract_strided_slice %get3A_700 {offsets = [1], sizes = [1], strides = [1]} : vector<16xf32> to vector<1xf32>
        %squeeze3A_720 = vector.extract %slice3A_719[0] : f32 from vector<1xf32>
        %add3A_721 = arith.constant 1 : i32
        %add3A_722 = arith.addi %mul3A_695, %add3A_721 : i32
        %get3A_723 = arith.index_cast %add3A_722 : i32 to index
        %get3A_724 = arith.constant 0 : index
        %get3A_725 = tpu.vector_load %arg11[%get3A_723, %get3A_724] {strides = array<i32>} : memref<1120x32xf32, #tpu.memory_space<vmem>>, vector<1x16xf32>,
        %get3A_726 = vector.shape_cast %get3A_725 : vector<1x16xf32> to vector<16xf32>
        %mul3A_727 = vector.broadcast %squeeze3A_720 : f32 to vector<16xf32>
        %mul3A_728 = arith.mulf %get3A_726, %mul3A_727 : vector<16xf32>
        %add3A_729 = arith.addf %add3A_709, %mul3A_728 : vector<16xf32>
        %add3A_730 = arith.constant 1 : i32
        %add3A_731 = arith.addi %mul3A_695, %add3A_730 : i32
        %get3A_732 = arith.index_cast %add3A_731 : i32 to index
        %get3A_733 = arith.constant 16 : index
        %get3A_734 = tpu.vector_load %arg11[%get3A_732, %get3A_733] {strides = array<i32>} : memref<1120x32xf32, #tpu.memory_space<vmem>>, vector<1x16xf32>,
        %get3A_735 = vector.shape_cast %get3A_734 : vector<1x16xf32> to vector<16xf32>
        %mul3A_736 = vector.broadcast %squeeze3A_720 : f32 to vector<16xf32>
        %mul3A_737 = arith.mulf %get3A_735, %mul3A_736 : vector<16xf32>
        %add3A_738 = arith.addf %add3A_718, %mul3A_737 : vector<16xf32>
        %slice3A_739 = vector.extract_strided_slice %get3A_700 {offsets = [2], sizes = [1], strides = [1]} : vector<16xf32> to vector<1xf32>
        %squeeze3A_740 = vector.extract %slice3A_739[0] : f32 from vector<1xf32>
        %add3A_741 = arith.constant 2 : i32
        %add3A_742 = arith.addi %mul3A_695, %add3A_741 : i32
        %get3A_743 = arith.index_cast %add3A_742 : i32 to index
        %get3A_744 = arith.constant 0 : index
        %get3A_745 = tpu.vector_load %arg11[%get3A_743, %get3A_744] {strides = array<i32>} : memref<1120x32xf32, #tpu.memory_space<vmem>>, vector<1x16xf32>,
        %get3A_746 = vector.shape_cast %get3A_745 : vector<1x16xf32> to vector<16xf32>
        %mul3A_747 = vector.broadcast %squeeze3A_740 : f32 to vector<16xf32>
        %mul3A_748 = arith.mulf %get3A_746, %mul3A_747 : vector<16xf32>
        %add3A_749 = arith.addf %add3A_729, %mul3A_748 : vector<16xf32>
        %add3A_750 = arith.constant 2 : i32
        %add3A_751 = arith.addi %mul3A_695, %add3A_750 : i32
        %get3A_752 = arith.index_cast %add3A_751 : i32 to index
        %get3A_753 = arith.constant 16 : index
        %get3A_754 = tpu.vector_load %arg11[%get3A_752, %get3A_753] {strides = array<i32>} : memref<1120x32xf32, #tpu.memory_space<vmem>>, vector<1x16xf32>,
        %get3A_755 = vector.shape_cast %get3A_754 : vector<1x16xf32> to vector<16xf32>
        %mul3A_756 = vector.broadcast %squeeze3A_740 : f32 to vector<16xf32>
        %mul3A_757 = arith.mulf %get3A_755, %mul3A_756 : vector<16xf32>
        %add3A_758 = arith.addf %add3A_738, %mul3A_757 : vector<16xf32>
        %slice3A_759 = vector.extract_strided_slice %get3A_700 {offsets = [3], sizes = [1], strides = [1]} : vector<16xf32> to vector<1xf32>
        %squeeze3A_760 = vector.extract %slice3A_759[0] : f32 from vector<1xf32>
        %add3A_761 = arith.constant 3 : i32
        %add3A_762 = arith.addi %mul3A_695, %add3A_761 : i32
        %get3A_763 = arith.index_cast %add3A_762 : i32 to index
        %get3A_764 = arith.constant 0 : index
        %get3A_765 = tpu.vector_load %arg11[%get3A_763, %get3A_764] {strides = array<i32>} : memref<1120x32xf32, #tpu.memory_space<vmem>>, vector<1x16xf32>,
        %get3A_766 = vector.shape_cast %get3A_765 : vector<1x16xf32> to vector<16xf32>
        %mul3A_767 = vector.broadcast %squeeze3A_760 : f32 to vector<16xf32>
        %mul3A_768 = arith.mulf %get3A_766, %mul3A_767 : vector<16xf32>
        %add3A_769 = arith.addf %add3A_749, %mul3A_768 : vector<16xf32>
        %add3A_770 = arith.constant 3 : i32
        %add3A_771 = arith.addi %mul3A_695, %add3A_770 : i32
        %get3A_772 = arith.index_cast %add3A_771 : i32 to index
        %get3A_773 = arith.constant 16 : index
        %get3A_774 = tpu.vector_load %arg11[%get3A_772, %get3A_773] {strides = array<i32>} : memref<1120x32xf32, #tpu.memory_space<vmem>>, vector<1x16xf32>,
        %get3A_775 = vector.shape_cast %get3A_774 : vector<1x16xf32> to vector<16xf32>
        %mul3A_776 = vector.broadcast %squeeze3A_760 : f32 to vector<16xf32>
        %mul3A_777 = arith.mulf %get3A_775, %mul3A_776 : vector<16xf32>
        %add3A_778 = arith.addf %add3A_758, %mul3A_777 : vector<16xf32>
        %slice3A_779 = vector.extract_strided_slice %get3A_700 {offsets = [4], sizes = [1], strides = [1]} : vector<16xf32> to vector<1xf32>
        %squeeze3A_780 = vector.extract %slice3A_779[0] : f32 from vector<1xf32>
        %add3A_781 = arith.constant 4 : i32
        %add3A_782 = arith.addi %mul3A_695, %add3A_781 : i32
        %get3A_783 = arith.index_cast %add3A_782 : i32 to index
        %get3A_784 = arith.constant 0 : index
        %get3A_785 = tpu.vector_load %arg11[%get3A_783, %get3A_784] {strides = array<i32>} : memref<1120x32xf32, #tpu.memory_space<vmem>>, vector<1x16xf32>,
        %get3A_786 = vector.shape_cast %get3A_785 : vector<1x16xf32> to vector<16xf32>
        %mul3A_787 = vector.broadcast %squeeze3A_780 : f32 to vector<16xf32>
        %mul3A_788 = arith.mulf %get3A_786, %mul3A_787 : vector<16xf32>
        %add3A_789 = arith.addf %add3A_769, %mul3A_788 : vector<16xf32>
        %add3A_790 = arith.constant 4 : i32
        %add3A_791 = arith.addi %mul3A_695, %add3A_790 : i32
        %get3A_792 = arith.index_cast %add3A_791 : i32 to index
        %get3A_793 = arith.constant 16 : index
        %get3A_794 = tpu.vector_load %arg11[%get3A_792, %get3A_793] {strides = array<i32>} : memref<1120x32xf32, #tpu.memory_space<vmem>>, vector<1x16xf32>,
        %get3A_795 = vector.shape_cast %get3A_794 : vector<1x16xf32> to vector<16xf32>
        %mul3A_796 = vector.broadcast %squeeze3A_780 : f32 to vector<16xf32>
        %mul3A_797 = arith.mulf %get3A_795, %mul3A_796 : vector<16xf32>
        %add3A_798 = arith.addf %add3A_778, %mul3A_797 : vector<16xf32>
        %slice3A_799 = vector.extract_strided_slice %get3A_700 {offsets = [5], sizes = [1], strides = [1]} : vector<16xf32> to vector<1xf32>
        %squeeze3A_800 = vector.extract %slice3A_799[0] : f32 from vector<1xf32>
        %add3A_801 = arith.constant 5 : i32
        %add3A_802 = arith.addi %mul3A_695, %add3A_801 : i32
        %get3A_803 = arith.index_cast %add3A_802 : i32 to index
        %get3A_804 = arith.constant 0 : index
        %get3A_805 = tpu.vector_load %arg11[%get3A_803, %get3A_804] {strides = array<i32>} : memref<1120x32xf32, #tpu.memory_space<vmem>>, vector<1x16xf32>,
        %get3A_806 = vector.shape_cast %get3A_805 : vector<1x16xf32> to vector<16xf32>
        %mul3A_807 = vector.broadcast %squeeze3A_800 : f32 to vector<16xf32>
        %mul3A_808 = arith.mulf %get3A_806, %mul3A_807 : vector<16xf32>
        %add3A_809 = arith.addf %add3A_789, %mul3A_808 : vector<16xf32>
        %add3A_810 = arith.constant 5 : i32
        %add3A_811 = arith.addi %mul3A_695, %add3A_810 : i32
        %get3A_812 = arith.index_cast %add3A_811 : i32 to index
        %get3A_813 = arith.constant 16 : index
        %get3A_814 = tpu.vector_load %arg11[%get3A_812, %get3A_813] {strides = array<i32>} : memref<1120x32xf32, #tpu.memory_space<vmem>>, vector<1x16xf32>,
        %get3A_815 = vector.shape_cast %get3A_814 : vector<1x16xf32> to vector<16xf32>
        %mul3A_816 = vector.broadcast %squeeze3A_800 : f32 to vector<16xf32>
        %mul3A_817 = arith.mulf %get3A_815, %mul3A_816 : vector<16xf32>
        %add3A_818 = arith.addf %add3A_798, %mul3A_817 : vector<16xf32>
        %slice3A_819 = vector.extract_strided_slice %get3A_700 {offsets = [6], sizes = [1], strides = [1]} : vector<16xf32> to vector<1xf32>
        %squeeze3A_820 = vector.extract %slice3A_819[0] : f32 from vector<1xf32>
        %add3A_821 = arith.constant 6 : i32
        %add3A_822 = arith.addi %mul3A_695, %add3A_821 : i32
        %get3A_823 = arith.index_cast %add3A_822 : i32 to index
        %get3A_824 = arith.constant 0 : index
        %get3A_825 = tpu.vector_load %arg11[%get3A_823, %get3A_824] {strides = array<i32>} : memref<1120x32xf32, #tpu.memory_space<vmem>>, vector<1x16xf32>,
        %get3A_826 = vector.shape_cast %get3A_825 : vector<1x16xf32> to vector<16xf32>
        %mul3A_827 = vector.broadcast %squeeze3A_820 : f32 to vector<16xf32>
        %mul3A_828 = arith.mulf %get3A_826, %mul3A_827 : vector<16xf32>
        %add3A_829 = arith.addf %add3A_809, %mul3A_828 : vector<16xf32>
        %add3A_830 = arith.constant 6 : i32
        %add3A_831 = arith.addi %mul3A_695, %add3A_830 : i32
        %get3A_832 = arith.index_cast %add3A_831 : i32 to index
        %get3A_833 = arith.constant 16 : index
        %get3A_834 = tpu.vector_load %arg11[%get3A_832, %get3A_833] {strides = array<i32>} : memref<1120x32xf32, #tpu.memory_space<vmem>>, vector<1x16xf32>,
        %get3A_835 = vector.shape_cast %get3A_834 : vector<1x16xf32> to vector<16xf32>
        %mul3A_836 = vector.broadcast %squeeze3A_820 : f32 to vector<16xf32>
        %mul3A_837 = arith.mulf %get3A_835, %mul3A_836 : vector<16xf32>
        %add3A_838 = arith.addf %add3A_818, %mul3A_837 : vector<16xf32>
        %slice3A_839 = vector.extract_strided_slice %get3A_700 {offsets = [7], sizes = [1], strides = [1]} : vector<16xf32> to vector<1xf32>
        %squeeze3A_840 = vector.extract %slice3A_839[0] : f32 from vector<1xf32>
        %add3A_841 = arith.constant 7 : i32
        %add3A_842 = arith.addi %mul3A_695, %add3A_841 : i32
        %get3A_843 = arith.index_cast %add3A_842 : i32 to index
        %get3A_844 = arith.constant 0 : index
        %get3A_845 = tpu.vector_load %arg11[%get3A_843, %get3A_844] {strides = array<i32>} : memref<1120x32xf32, #tpu.memory_space<vmem>>, vector<1x16xf32>,
        %get3A_846 = vector.shape_cast %get3A_845 : vector<1x16xf32> to vector<16xf32>
        %mul3A_847 = vector.broadcast %squeeze3A_840 : f32 to vector<16xf32>
        %mul3A_848 = arith.mulf %get3A_846, %mul3A_847 : vector<16xf32>
        %add3A_849 = arith.addf %add3A_829, %mul3A_848 : vector<16xf32>
        %add3A_850 = arith.constant 7 : i32
        %add3A_851 = arith.addi %mul3A_695, %add3A_850 : i32
        %get3A_852 = arith.index_cast %add3A_851 : i32 to index
        %get3A_853 = arith.constant 16 : index
        %get3A_854 = tpu.vector_load %arg11[%get3A_852, %get3A_853] {strides = array<i32>} : memref<1120x32xf32, #tpu.memory_space<vmem>>, vector<1x16xf32>,
        %get3A_855 = vector.shape_cast %get3A_854 : vector<1x16xf32> to vector<16xf32>
        %mul3A_856 = vector.broadcast %squeeze3A_840 : f32 to vector<16xf32>
        %mul3A_857 = arith.mulf %get3A_855, %mul3A_856 : vector<16xf32>
        %add3A_858 = arith.addf %add3A_838, %mul3A_857 : vector<16xf32>
        %slice3A_859 = vector.extract_strided_slice %get3A_700 {offsets = [8], sizes = [1], strides = [1]} : vector<16xf32> to vector<1xf32>
        %squeeze3A_860 = vector.extract %slice3A_859[0] : f32 from vector<1xf32>
        %add3A_861 = arith.constant 8 : i32
        %add3A_862 = arith.addi %mul3A_695, %add3A_861 : i32
        %get3A_863 = arith.index_cast %add3A_862 : i32 to index
        %get3A_864 = arith.constant 0 : index
        %get3A_865 = tpu.vector_load %arg11[%get3A_863, %get3A_864] {strides = array<i32>} : memref<1120x32xf32, #tpu.memory_space<vmem>>, vector<1x16xf32>,
        %get3A_866 = vector.shape_cast %get3A_865 : vector<1x16xf32> to vector<16xf32>
        %mul3A_867 = vector.broadcast %squeeze3A_860 : f32 to vector<16xf32>
        %mul3A_868 = arith.mulf %get3A_866, %mul3A_867 : vector<16xf32>
        %add3A_869 = arith.addf %add3A_849, %mul3A_868 : vector<16xf32>
        %add3A_870 = arith.constant 8 : i32
        %add3A_871 = arith.addi %mul3A_695, %add3A_870 : i32
        %get3A_872 = arith.index_cast %add3A_871 : i32 to index
        %get3A_873 = arith.constant 16 : index
        %get3A_874 = tpu.vector_load %arg11[%get3A_872, %get3A_873] {strides = array<i32>} : memref<1120x32xf32, #tpu.memory_space<vmem>>, vector<1x16xf32>,
        %get3A_875 = vector.shape_cast %get3A_874 : vector<1x16xf32> to vector<16xf32>
        %mul3A_876 = vector.broadcast %squeeze3A_860 : f32 to vector<16xf32>
        %mul3A_877 = arith.mulf %get3A_875, %mul3A_876 : vector<16xf32>
        %add3A_878 = arith.addf %add3A_858, %mul3A_877 : vector<16xf32>
        %slice3A_879 = vector.extract_strided_slice %get3A_700 {offsets = [9], sizes = [1], strides = [1]} : vector<16xf32> to vector<1xf32>
        %squeeze3A_880 = vector.extract %slice3A_879[0] : f32 from vector<1xf32>
        %add3A_881 = arith.constant 9 : i32
        %add3A_882 = arith.addi %mul3A_695, %add3A_881 : i32
        %get3A_883 = arith.index_cast %add3A_882 : i32 to index
        %get3A_884 = arith.constant 0 : index
        %get3A_885 = tpu.vector_load %arg11[%get3A_883, %get3A_884] {strides = array<i32>} : memref<1120x32xf32, #tpu.memory_space<vmem>>, vector<1x16xf32>,
        %get3A_886 = vector.shape_cast %get3A_885 : vector<1x16xf32> to vector<16xf32>
        %mul3A_887 = vector.broadcast %squeeze3A_880 : f32 to vector<16xf32>
        %mul3A_888 = arith.mulf %get3A_886, %mul3A_887 : vector<16xf32>
        %add3A_889 = arith.addf %add3A_869, %mul3A_888 : vector<16xf32>
        %add3A_890 = arith.constant 9 : i32
        %add3A_891 = arith.addi %mul3A_695, %add3A_890 : i32
        %get3A_892 = arith.index_cast %add3A_891 : i32 to index
        %get3A_893 = arith.constant 16 : index
        %get3A_894 = tpu.vector_load %arg11[%get3A_892, %get3A_893] {strides = array<i32>} : memref<1120x32xf32, #tpu.memory_space<vmem>>, vector<1x16xf32>,
        %get3A_895 = vector.shape_cast %get3A_894 : vector<1x16xf32> to vector<16xf32>
        %mul3A_896 = vector.broadcast %squeeze3A_880 : f32 to vector<16xf32>
        %mul3A_897 = arith.mulf %get3A_895, %mul3A_896 : vector<16xf32>
        %add3A_898 = arith.addf %add3A_878, %mul3A_897 : vector<16xf32>
        %slice3A_899 = vector.extract_strided_slice %get3A_700 {offsets = [10], sizes = [1], strides = [1]} : vector<16xf32> to vector<1xf32>
        %squeeze3A_900 = vector.extract %slice3A_899[0] : f32 from vector<1xf32>
        %add3A_901 = arith.constant 10 : i32
        %add3A_902 = arith.addi %mul3A_695, %add3A_901 : i32
        %get3A_903 = arith.index_cast %add3A_902 : i32 to index
        %get3A_904 = arith.constant 0 : index
        %get3A_905 = tpu.vector_load %arg11[%get3A_903, %get3A_904] {strides = array<i32>} : memref<1120x32xf32, #tpu.memory_space<vmem>>, vector<1x16xf32>,
        %get3A_906 = vector.shape_cast %get3A_905 : vector<1x16xf32> to vector<16xf32>
        %mul3A_907 = vector.broadcast %squeeze3A_900 : f32 to vector<16xf32>
        %mul3A_908 = arith.mulf %get3A_906, %mul3A_907 : vector<16xf32>
        %add3A_909 = arith.addf %add3A_889, %mul3A_908 : vector<16xf32>
        %add3A_910 = arith.constant 10 : i32
        %add3A_911 = arith.addi %mul3A_695, %add3A_910 : i32
        %get3A_912 = arith.index_cast %add3A_911 : i32 to index
        %get3A_913 = arith.constant 16 : index
        %get3A_914 = tpu.vector_load %arg11[%get3A_912, %get3A_913] {strides = array<i32>} : memref<1120x32xf32, #tpu.memory_space<vmem>>, vector<1x16xf32>,
        %get3A_915 = vector.shape_cast %get3A_914 : vector<1x16xf32> to vector<16xf32>
        %mul3A_916 = vector.broadcast %squeeze3A_900 : f32 to vector<16xf32>
        %mul3A_917 = arith.mulf %get3A_915, %mul3A_916 : vector<16xf32>
        %add3A_918 = arith.addf %add3A_898, %mul3A_917 : vector<16xf32>
        %slice3A_919 = vector.extract_strided_slice %get3A_700 {offsets = [11], sizes = [1], strides = [1]} : vector<16xf32> to vector<1xf32>
        %squeeze3A_920 = vector.extract %slice3A_919[0] : f32 from vector<1xf32>
        %add3A_921 = arith.constant 11 : i32
        %add3A_922 = arith.addi %mul3A_695, %add3A_921 : i32
        %get3A_923 = arith.index_cast %add3A_922 : i32 to index
        %get3A_924 = arith.constant 0 : index
        %get3A_925 = tpu.vector_load %arg11[%get3A_923, %get3A_924] {strides = array<i32>} : memref<1120x32xf32, #tpu.memory_space<vmem>>, vector<1x16xf32>,
        %get3A_926 = vector.shape_cast %get3A_925 : vector<1x16xf32> to vector<16xf32>
        %mul3A_927 = vector.broadcast %squeeze3A_920 : f32 to vector<16xf32>
        %mul3A_928 = arith.mulf %get3A_926, %mul3A_927 : vector<16xf32>
        %add3A_929 = arith.addf %add3A_909, %mul3A_928 : vector<16xf32>
        %add3A_930 = arith.constant 11 : i32
        %add3A_931 = arith.addi %mul3A_695, %add3A_930 : i32
        %get3A_932 = arith.index_cast %add3A_931 : i32 to index
        %get3A_933 = arith.constant 16 : index
        %get3A_934 = tpu.vector_load %arg11[%get3A_932, %get3A_933] {strides = array<i32>} : memref<1120x32xf32, #tpu.memory_space<vmem>>, vector<1x16xf32>,
        %get3A_935 = vector.shape_cast %get3A_934 : vector<1x16xf32> to vector<16xf32>
        %mul3A_936 = vector.broadcast %squeeze3A_920 : f32 to vector<16xf32>
        %mul3A_937 = arith.mulf %get3A_935, %mul3A_936 : vector<16xf32>
        %add3A_938 = arith.addf %add3A_918, %mul3A_937 : vector<16xf32>
        %slice3A_939 = vector.extract_strided_slice %get3A_700 {offsets = [12], sizes = [1], strides = [1]} : vector<16xf32> to vector<1xf32>
        %squeeze3A_940 = vector.extract %slice3A_939[0] : f32 from vector<1xf32>
        %add3A_941 = arith.constant 12 : i32
        %add3A_942 = arith.addi %mul3A_695, %add3A_941 : i32
        %get3A_943 = arith.index_cast %add3A_942 : i32 to index
        %get3A_944 = arith.constant 0 : index
        %get3A_945 = tpu.vector_load %arg11[%get3A_943, %get3A_944] {strides = array<i32>} : memref<1120x32xf32, #tpu.memory_space<vmem>>, vector<1x16xf32>,
        %get3A_946 = vector.shape_cast %get3A_945 : vector<1x16xf32> to vector<16xf32>
        %mul3A_947 = vector.broadcast %squeeze3A_940 : f32 to vector<16xf32>
        %mul3A_948 = arith.mulf %get3A_946, %mul3A_947 : vector<16xf32>
        %add3A_949 = arith.addf %add3A_929, %mul3A_948 : vector<16xf32>
        %add3A_950 = arith.constant 12 : i32
        %add3A_951 = arith.addi %mul3A_695, %add3A_950 : i32
        %get3A_952 = arith.index_cast %add3A_951 : i32 to index
        %get3A_953 = arith.constant 16 : index
        %get3A_954 = tpu.vector_load %arg11[%get3A_952, %get3A_953] {strides = array<i32>} : memref<1120x32xf32, #tpu.memory_space<vmem>>, vector<1x16xf32>,
        %get3A_955 = vector.shape_cast %get3A_954 : vector<1x16xf32> to vector<16xf32>
        %mul3A_956 = vector.broadcast %squeeze3A_940 : f32 to vector<16xf32>
        %mul3A_957 = arith.mulf %get3A_955, %mul3A_956 : vector<16xf32>
        %add3A_958 = arith.addf %add3A_938, %mul3A_957 : vector<16xf32>
        %slice3A_959 = vector.extract_strided_slice %get3A_700 {offsets = [13], sizes = [1], strides = [1]} : vector<16xf32> to vector<1xf32>
        %squeeze3A_960 = vector.extract %slice3A_959[0] : f32 from vector<1xf32>
        %add3A_961 = arith.constant 13 : i32
        %add3A_962 = arith.addi %mul3A_695, %add3A_961 : i32
        %get3A_963 = arith.index_cast %add3A_962 : i32 to index
        %get3A_964 = arith.constant 0 : index
        %get3A_965 = tpu.vector_load %arg11[%get3A_963, %get3A_964] {strides = array<i32>} : memref<1120x32xf32, #tpu.memory_space<vmem>>, vector<1x16xf32>,
        %get3A_966 = vector.shape_cast %get3A_965 : vector<1x16xf32> to vector<16xf32>
        %mul3A_967 = vector.broadcast %squeeze3A_960 : f32 to vector<16xf32>
        %mul3A_968 = arith.mulf %get3A_966, %mul3A_967 : vector<16xf32>
        %add3A_969 = arith.addf %add3A_949, %mul3A_968 : vector<16xf32>
        %add3A_970 = arith.constant 13 : i32
        %add3A_971 = arith.addi %mul3A_695, %add3A_970 : i32
        %get3A_972 = arith.index_cast %add3A_971 : i32 to index
        %get3A_973 = arith.constant 16 : index
        %get3A_974 = tpu.vector_load %arg11[%get3A_972, %get3A_973] {strides = array<i32>} : memref<1120x32xf32, #tpu.memory_space<vmem>>, vector<1x16xf32>,
        %get3A_975 = vector.shape_cast %get3A_974 : vector<1x16xf32> to vector<16xf32>
        %mul3A_976 = vector.broadcast %squeeze3A_960 : f32 to vector<16xf32>
        %mul3A_977 = arith.mulf %get3A_975, %mul3A_976 : vector<16xf32>
        %add3A_978 = arith.addf %add3A_958, %mul3A_977 : vector<16xf32>
        %slice3A_979 = vector.extract_strided_slice %get3A_700 {offsets = [14], sizes = [1], strides = [1]} : vector<16xf32> to vector<1xf32>
        %squeeze3A_980 = vector.extract %slice3A_979[0] : f32 from vector<1xf32>
        %add3A_981 = arith.constant 14 : i32
        %add3A_982 = arith.addi %mul3A_695, %add3A_981 : i32
        %get3A_983 = arith.index_cast %add3A_982 : i32 to index
        %get3A_984 = arith.constant 0 : index
        %get3A_985 = tpu.vector_load %arg11[%get3A_983, %get3A_984] {strides = array<i32>} : memref<1120x32xf32, #tpu.memory_space<vmem>>, vector<1x16xf32>,
        %get3A_986 = vector.shape_cast %get3A_985 : vector<1x16xf32> to vector<16xf32>
        %mul3A_987 = vector.broadcast %squeeze3A_980 : f32 to vector<16xf32>
        %mul3A_988 = arith.mulf %get3A_986, %mul3A_987 : vector<16xf32>
        %add3A_989 = arith.addf %add3A_969, %mul3A_988 : vector<16xf32>
        %add3A_990 = arith.constant 14 : i32
        %add3A_991 = arith.addi %mul3A_695, %add3A_990 : i32
        %get3A_992 = arith.index_cast %add3A_991 : i32 to index
        %get3A_993 = arith.constant 16 : index
        %get3A_994 = tpu.vector_load %arg11[%get3A_992, %get3A_993] {strides = array<i32>} : memref<1120x32xf32, #tpu.memory_space<vmem>>, vector<1x16xf32>,
        %get3A_995 = vector.shape_cast %get3A_994 : vector<1x16xf32> to vector<16xf32>
        %mul3A_996 = vector.broadcast %squeeze3A_980 : f32 to vector<16xf32>
        %mul3A_997 = arith.mulf %get3A_995, %mul3A_996 : vector<16xf32>
        %add3A_998 = arith.addf %add3A_978, %mul3A_997 : vector<16xf32>
        %slice3A_999 = vector.extract_strided_slice %get3A_700 {offsets = [15], sizes = [1], strides = [1]} : vector<16xf32> to vector<1xf32>
        %squeeze3A_1000 = vector.extract %slice3A_999[0] : f32 from vector<1xf32>
        %add3A_1001 = arith.constant 15 : i32
        %add3A_1002 = arith.addi %mul3A_695, %add3A_1001 : i32
        %get3A_1003 = arith.index_cast %add3A_1002 : i32 to index
        %get3A_1004 = arith.constant 0 : index
        %get3A_1005 = tpu.vector_load %arg11[%get3A_1003, %get3A_1004] {strides = array<i32>} : memref<1120x32xf32, #tpu.memory_space<vmem>>, vector<1x16xf32>,
        %get3A_1006 = vector.shape_cast %get3A_1005 : vector<1x16xf32> to vector<16xf32>
        %mul3A_1007 = vector.broadcast %squeeze3A_1000 : f32 to vector<16xf32>
        %mul3A_1008 = arith.mulf %get3A_1006, %mul3A_1007 : vector<16xf32>
        %add3A_1009 = arith.addf %add3A_989, %mul3A_1008 : vector<16xf32>
        %add3A_1010 = arith.constant 15 : i32
        %add3A_1011 = arith.addi %mul3A_695, %add3A_1010 : i32
        %get3A_1012 = arith.index_cast %add3A_1011 : i32 to index
        %get3A_1013 = arith.constant 16 : index
        %get3A_1014 = tpu.vector_load %arg11[%get3A_1012, %get3A_1013] {strides = array<i32>} : memref<1120x32xf32, #tpu.memory_space<vmem>>, vector<1x16xf32>,
        %get3A_1015 = vector.shape_cast %get3A_1014 : vector<1x16xf32> to vector<16xf32>
        %mul3A_1016 = vector.broadcast %squeeze3A_1000 : f32 to vector<16xf32>
        %mul3A_1017 = arith.mulf %get3A_1015, %mul3A_1016 : vector<16xf32>
        %add3A_1018 = arith.addf %add3A_998, %mul3A_1017 : vector<16xf32>
        %get3A_1019 = arith.index_cast %scan3A_692 : i32 to index
        %get3A_1020 = arith.constant 16 : index
        %get3A_1021 = tpu.vector_load %arg10[%get3A_1019, %get3A_1020] {strides = array<i32>} : memref<16x64xf32, #tpu.memory_space<vmem>>, vector<1x16xf32>,
        %get3A_1022 = vector.shape_cast %get3A_1021 : vector<1x16xf32> to vector<16xf32>
        %slice3A_1023 = vector.extract_strided_slice %get3A_1022 {offsets = [0], sizes = [1], strides = [1]} : vector<16xf32> to vector<1xf32>
        %squeeze3A_1024 = vector.extract %slice3A_1023[0] : f32 from vector<1xf32>
        %add3A_1025 = arith.constant 16 : i32
        %add3A_1026 = arith.addi %mul3A_695, %add3A_1025 : i32
        %get3A_1027 = arith.index_cast %add3A_1026 : i32 to index
        %get3A_1028 = arith.constant 0 : index
        %get3A_1029 = tpu.vector_load %arg11[%get3A_1027, %get3A_1028] {strides = array<i32>} : memref<1120x32xf32, #tpu.memory_space<vmem>>, vector<1x16xf32>,
        %get3A_1030 = vector.shape_cast %get3A_1029 : vector<1x16xf32> to vector<16xf32>
        %mul3A_1031 = vector.broadcast %squeeze3A_1024 : f32 to vector<16xf32>
        %mul3A_1032 = arith.mulf %get3A_1030, %mul3A_1031 : vector<16xf32>
        %add3A_1033 = arith.addf %add3A_1009, %mul3A_1032 : vector<16xf32>
        %add3A_1034 = arith.constant 16 : i32
        %add3A_1035 = arith.addi %mul3A_695, %add3A_1034 : i32
        %get3A_1036 = arith.index_cast %add3A_1035 : i32 to index
        %get3A_1037 = arith.constant 16 : index
        %get3A_1038 = tpu.vector_load %arg11[%get3A_1036, %get3A_1037] {strides = array<i32>} : memref<1120x32xf32, #tpu.memory_space<vmem>>, vector<1x16xf32>,
        %get3A_1039 = vector.shape_cast %get3A_1038 : vector<1x16xf32> to vector<16xf32>
        %mul3A_1040 = vector.broadcast %squeeze3A_1024 : f32 to vector<16xf32>
        %mul3A_1041 = arith.mulf %get3A_1039, %mul3A_1040 : vector<16xf32>
        %add3A_1042 = arith.addf %add3A_1018, %mul3A_1041 : vector<16xf32>
        %slice3A_1043 = vector.extract_strided_slice %get3A_1022 {offsets = [1], sizes = [1], strides = [1]} : vector<16xf32> to vector<1xf32>
        %squeeze3A_1044 = vector.extract %slice3A_1043[0] : f32 from vector<1xf32>
        %add3A_1045 = arith.constant 17 : i32
        %add3A_1046 = arith.addi %mul3A_695, %add3A_1045 : i32
        %get3A_1047 = arith.index_cast %add3A_1046 : i32 to index
        %get3A_1048 = arith.constant 0 : index
        %get3A_1049 = tpu.vector_load %arg11[%get3A_1047, %get3A_1048] {strides = array<i32>} : memref<1120x32xf32, #tpu.memory_space<vmem>>, vector<1x16xf32>,
        %get3A_1050 = vector.shape_cast %get3A_1049 : vector<1x16xf32> to vector<16xf32>
        %mul3A_1051 = vector.broadcast %squeeze3A_1044 : f32 to vector<16xf32>
        %mul3A_1052 = arith.mulf %get3A_1050, %mul3A_1051 : vector<16xf32>
        %add3A_1053 = arith.addf %add3A_1033, %mul3A_1052 : vector<16xf32>
        %add3A_1054 = arith.constant 17 : i32
        %add3A_1055 = arith.addi %mul3A_695, %add3A_1054 : i32
        %get3A_1056 = arith.index_cast %add3A_1055 : i32 to index
        %get3A_1057 = arith.constant 16 : index
        %get3A_1058 = tpu.vector_load %arg11[%get3A_1056, %get3A_1057] {strides = array<i32>} : memref<1120x32xf32, #tpu.memory_space<vmem>>, vector<1x16xf32>,
        %get3A_1059 = vector.shape_cast %get3A_1058 : vector<1x16xf32> to vector<16xf32>
        %mul3A_1060 = vector.broadcast %squeeze3A_1044 : f32 to vector<16xf32>
        %mul3A_1061 = arith.mulf %get3A_1059, %mul3A_1060 : vector<16xf32>
        %add3A_1062 = arith.addf %add3A_1042, %mul3A_1061 : vector<16xf32>
        %slice3A_1063 = vector.extract_strided_slice %get3A_1022 {offsets = [2], sizes = [1], strides = [1]} : vector<16xf32> to vector<1xf32>
        %squeeze3A_1064 = vector.extract %slice3A_1063[0] : f32 from vector<1xf32>
        %add3A_1065 = arith.constant 18 : i32
        %add3A_1066 = arith.addi %mul3A_695, %add3A_1065 : i32
        %get3A_1067 = arith.index_cast %add3A_1066 : i32 to index
        %get3A_1068 = arith.constant 0 : index
        %get3A_1069 = tpu.vector_load %arg11[%get3A_1067, %get3A_1068] {strides = array<i32>} : memref<1120x32xf32, #tpu.memory_space<vmem>>, vector<1x16xf32>,
        %get3A_1070 = vector.shape_cast %get3A_1069 : vector<1x16xf32> to vector<16xf32>
        %mul3A_1071 = vector.broadcast %squeeze3A_1064 : f32 to vector<16xf32>
        %mul3A_1072 = arith.mulf %get3A_1070, %mul3A_1071 : vector<16xf32>
        %add3A_1073 = arith.addf %add3A_1053, %mul3A_1072 : vector<16xf32>
        %add3A_1074 = arith.constant 18 : i32
        %add3A_1075 = arith.addi %mul3A_695, %add3A_1074 : i32
        %get3A_1076 = arith.index_cast %add3A_1075 : i32 to index
        %get3A_1077 = arith.constant 16 : index
        %get3A_1078 = tpu.vector_load %arg11[%get3A_1076, %get3A_1077] {strides = array<i32>} : memref<1120x32xf32, #tpu.memory_space<vmem>>, vector<1x16xf32>,
        %get3A_1079 = vector.shape_cast %get3A_1078 : vector<1x16xf32> to vector<16xf32>
        %mul3A_1080 = vector.broadcast %squeeze3A_1064 : f32 to vector<16xf32>
        %mul3A_1081 = arith.mulf %get3A_1079, %mul3A_1080 : vector<16xf32>
        %add3A_1082 = arith.addf %add3A_1062, %mul3A_1081 : vector<16xf32>
        %slice3A_1083 = vector.extract_strided_slice %get3A_1022 {offsets = [3], sizes = [1], strides = [1]} : vector<16xf32> to vector<1xf32>
        %squeeze3A_1084 = vector.extract %slice3A_1083[0] : f32 from vector<1xf32>
        %add3A_1085 = arith.constant 19 : i32
        %add3A_1086 = arith.addi %mul3A_695, %add3A_1085 : i32
        %get3A_1087 = arith.index_cast %add3A_1086 : i32 to index
        %get3A_1088 = arith.constant 0 : index
        %get3A_1089 = tpu.vector_load %arg11[%get3A_1087, %get3A_1088] {strides = array<i32>} : memref<1120x32xf32, #tpu.memory_space<vmem>>, vector<1x16xf32>,
        %get3A_1090 = vector.shape_cast %get3A_1089 : vector<1x16xf32> to vector<16xf32>
        %mul3A_1091 = vector.broadcast %squeeze3A_1084 : f32 to vector<16xf32>
        %mul3A_1092 = arith.mulf %get3A_1090, %mul3A_1091 : vector<16xf32>
        %add3A_1093 = arith.addf %add3A_1073, %mul3A_1092 : vector<16xf32>
        %add3A_1094 = arith.constant 19 : i32
        %add3A_1095 = arith.addi %mul3A_695, %add3A_1094 : i32
        %get3A_1096 = arith.index_cast %add3A_1095 : i32 to index
        %get3A_1097 = arith.constant 16 : index
        %get3A_1098 = tpu.vector_load %arg11[%get3A_1096, %get3A_1097] {strides = array<i32>} : memref<1120x32xf32, #tpu.memory_space<vmem>>, vector<1x16xf32>,
        %get3A_1099 = vector.shape_cast %get3A_1098 : vector<1x16xf32> to vector<16xf32>
        %mul3A_1100 = vector.broadcast %squeeze3A_1084 : f32 to vector<16xf32>
        %mul3A_1101 = arith.mulf %get3A_1099, %mul3A_1100 : vector<16xf32>
        %add3A_1102 = arith.addf %add3A_1082, %mul3A_1101 : vector<16xf32>
        %slice3A_1103 = vector.extract_strided_slice %get3A_1022 {offsets = [4], sizes = [1], strides = [1]} : vector<16xf32> to vector<1xf32>
        %squeeze3A_1104 = vector.extract %slice3A_1103[0] : f32 from vector<1xf32>
        %add3A_1105 = arith.constant 20 : i32
        %add3A_1106 = arith.addi %mul3A_695, %add3A_1105 : i32
        %get3A_1107 = arith.index_cast %add3A_1106 : i32 to index
        %get3A_1108 = arith.constant 0 : index
        %get3A_1109 = tpu.vector_load %arg11[%get3A_1107, %get3A_1108] {strides = array<i32>} : memref<1120x32xf32, #tpu.memory_space<vmem>>, vector<1x16xf32>,
        %get3A_1110 = vector.shape_cast %get3A_1109 : vector<1x16xf32> to vector<16xf32>
        %mul3A_1111 = vector.broadcast %squeeze3A_1104 : f32 to vector<16xf32>
        %mul3A_1112 = arith.mulf %get3A_1110, %mul3A_1111 : vector<16xf32>
        %add3A_1113 = arith.addf %add3A_1093, %mul3A_1112 : vector<16xf32>
        %add3A_1114 = arith.constant 20 : i32
        %add3A_1115 = arith.addi %mul3A_695, %add3A_1114 : i32
        %get3A_1116 = arith.index_cast %add3A_1115 : i32 to index
        %get3A_1117 = arith.constant 16 : index
        %get3A_1118 = tpu.vector_load %arg11[%get3A_1116, %get3A_1117] {strides = array<i32>} : memref<1120x32xf32, #tpu.memory_space<vmem>>, vector<1x16xf32>,
        %get3A_1119 = vector.shape_cast %get3A_1118 : vector<1x16xf32> to vector<16xf32>
        %mul3A_1120 = vector.broadcast %squeeze3A_1104 : f32 to vector<16xf32>
        %mul3A_1121 = arith.mulf %get3A_1119, %mul3A_1120 : vector<16xf32>
        %add3A_1122 = arith.addf %add3A_1102, %mul3A_1121 : vector<16xf32>
        %slice3A_1123 = vector.extract_strided_slice %get3A_1022 {offsets = [5], sizes = [1], strides = [1]} : vector<16xf32> to vector<1xf32>
        %squeeze3A_1124 = vector.extract %slice3A_1123[0] : f32 from vector<1xf32>
        %add3A_1125 = arith.constant 21 : i32
        %add3A_1126 = arith.addi %mul3A_695, %add3A_1125 : i32
        %get3A_1127 = arith.index_cast %add3A_1126 : i32 to index
        %get3A_1128 = arith.constant 0 : index
        %get3A_1129 = tpu.vector_load %arg11[%get3A_1127, %get3A_1128] {strides = array<i32>} : memref<1120x32xf32, #tpu.memory_space<vmem>>, vector<1x16xf32>,
        %get3A_1130 = vector.shape_cast %get3A_1129 : vector<1x16xf32> to vector<16xf32>
        %mul3A_1131 = vector.broadcast %squeeze3A_1124 : f32 to vector<16xf32>
        %mul3A_1132 = arith.mulf %get3A_1130, %mul3A_1131 : vector<16xf32>
        %add3A_1133 = arith.addf %add3A_1113, %mul3A_1132 : vector<16xf32>
        %add3A_1134 = arith.constant 21 : i32
        %add3A_1135 = arith.addi %mul3A_695, %add3A_1134 : i32
        %get3A_1136 = arith.index_cast %add3A_1135 : i32 to index
        %get3A_1137 = arith.constant 16 : index
        %get3A_1138 = tpu.vector_load %arg11[%get3A_1136, %get3A_1137] {strides = array<i32>} : memref<1120x32xf32, #tpu.memory_space<vmem>>, vector<1x16xf32>,
        %get3A_1139 = vector.shape_cast %get3A_1138 : vector<1x16xf32> to vector<16xf32>
        %mul3A_1140 = vector.broadcast %squeeze3A_1124 : f32 to vector<16xf32>
        %mul3A_1141 = arith.mulf %get3A_1139, %mul3A_1140 : vector<16xf32>
        %add3A_1142 = arith.addf %add3A_1122, %mul3A_1141 : vector<16xf32>
        %slice3A_1143 = vector.extract_strided_slice %get3A_1022 {offsets = [6], sizes = [1], strides = [1]} : vector<16xf32> to vector<1xf32>
        %squeeze3A_1144 = vector.extract %slice3A_1143[0] : f32 from vector<1xf32>
        %add3A_1145 = arith.constant 22 : i32
        %add3A_1146 = arith.addi %mul3A_695, %add3A_1145 : i32
        %get3A_1147 = arith.index_cast %add3A_1146 : i32 to index
        %get3A_1148 = arith.constant 0 : index
        %get3A_1149 = tpu.vector_load %arg11[%get3A_1147, %get3A_1148] {strides = array<i32>} : memref<1120x32xf32, #tpu.memory_space<vmem>>, vector<1x16xf32>,
        %get3A_1150 = vector.shape_cast %get3A_1149 : vector<1x16xf32> to vector<16xf32>
        %mul3A_1151 = vector.broadcast %squeeze3A_1144 : f32 to vector<16xf32>
        %mul3A_1152 = arith.mulf %get3A_1150, %mul3A_1151 : vector<16xf32>
        %add3A_1153 = arith.addf %add3A_1133, %mul3A_1152 : vector<16xf32>
        %add3A_1154 = arith.constant 22 : i32
        %add3A_1155 = arith.addi %mul3A_695, %add3A_1154 : i32
        %get3A_1156 = arith.index_cast %add3A_1155 : i32 to index
        %get3A_1157 = arith.constant 16 : index
        %get3A_1158 = tpu.vector_load %arg11[%get3A_1156, %get3A_1157] {strides = array<i32>} : memref<1120x32xf32, #tpu.memory_space<vmem>>, vector<1x16xf32>,
        %get3A_1159 = vector.shape_cast %get3A_1158 : vector<1x16xf32> to vector<16xf32>
        %mul3A_1160 = vector.broadcast %squeeze3A_1144 : f32 to vector<16xf32>
        %mul3A_1161 = arith.mulf %get3A_1159, %mul3A_1160 : vector<16xf32>
        %add3A_1162 = arith.addf %add3A_1142, %mul3A_1161 : vector<16xf32>
        %slice3A_1163 = vector.extract_strided_slice %get3A_1022 {offsets = [7], sizes = [1], strides = [1]} : vector<16xf32> to vector<1xf32>
        %squeeze3A_1164 = vector.extract %slice3A_1163[0] : f32 from vector<1xf32>
        %add3A_1165 = arith.constant 23 : i32
        %add3A_1166 = arith.addi %mul3A_695, %add3A_1165 : i32
        %get3A_1167 = arith.index_cast %add3A_1166 : i32 to index
        %get3A_1168 = arith.constant 0 : index
        %get3A_1169 = tpu.vector_load %arg11[%get3A_1167, %get3A_1168] {strides = array<i32>} : memref<1120x32xf32, #tpu.memory_space<vmem>>, vector<1x16xf32>,
        %get3A_1170 = vector.shape_cast %get3A_1169 : vector<1x16xf32> to vector<16xf32>
        %mul3A_1171 = vector.broadcast %squeeze3A_1164 : f32 to vector<16xf32>
        %mul3A_1172 = arith.mulf %get3A_1170, %mul3A_1171 : vector<16xf32>
        %add3A_1173 = arith.addf %add3A_1153, %mul3A_1172 : vector<16xf32>
        %add3A_1174 = arith.constant 23 : i32
        %add3A_1175 = arith.addi %mul3A_695, %add3A_1174 : i32
        %get3A_1176 = arith.index_cast %add3A_1175 : i32 to index
        %get3A_1177 = arith.constant 16 : index
        %get3A_1178 = tpu.vector_load %arg11[%get3A_1176, %get3A_1177] {strides = array<i32>} : memref<1120x32xf32, #tpu.memory_space<vmem>>, vector<1x16xf32>,
        %get3A_1179 = vector.shape_cast %get3A_1178 : vector<1x16xf32> to vector<16xf32>
        %mul3A_1180 = vector.broadcast %squeeze3A_1164 : f32 to vector<16xf32>
        %mul3A_1181 = arith.mulf %get3A_1179, %mul3A_1180 : vector<16xf32>
        %add3A_1182 = arith.addf %add3A_1162, %mul3A_1181 : vector<16xf32>
        %slice3A_1183 = vector.extract_strided_slice %get3A_1022 {offsets = [8], sizes = [1], strides = [1]} : vector<16xf32> to vector<1xf32>
        %squeeze3A_1184 = vector.extract %slice3A_1183[0] : f32 from vector<1xf32>
        %add3A_1185 = arith.constant 24 : i32
        %add3A_1186 = arith.addi %mul3A_695, %add3A_1185 : i32
        %get3A_1187 = arith.index_cast %add3A_1186 : i32 to index
        %get3A_1188 = arith.constant 0 : index
        %get3A_1189 = tpu.vector_load %arg11[%get3A_1187, %get3A_1188] {strides = array<i32>} : memref<1120x32xf32, #tpu.memory_space<vmem>>, vector<1x16xf32>,
        %get3A_1190 = vector.shape_cast %get3A_1189 : vector<1x16xf32> to vector<16xf32>
        %mul3A_1191 = vector.broadcast %squeeze3A_1184 : f32 to vector<16xf32>
        %mul3A_1192 = arith.mulf %get3A_1190, %mul3A_1191 : vector<16xf32>
        %add3A_1193 = arith.addf %add3A_1173, %mul3A_1192 : vector<16xf32>
        %add3A_1194 = arith.constant 24 : i32
        %add3A_1195 = arith.addi %mul3A_695, %add3A_1194 : i32
        %get3A_1196 = arith.index_cast %add3A_1195 : i32 to index
        %get3A_1197 = arith.constant 16 : index
        %get3A_1198 = tpu.vector_load %arg11[%get3A_1196, %get3A_1197] {strides = array<i32>} : memref<1120x32xf32, #tpu.memory_space<vmem>>, vector<1x16xf32>,
        %get3A_1199 = vector.shape_cast %get3A_1198 : vector<1x16xf32> to vector<16xf32>
        %mul3A_1200 = vector.broadcast %squeeze3A_1184 : f32 to vector<16xf32>
        %mul3A_1201 = arith.mulf %get3A_1199, %mul3A_1200 : vector<16xf32>
        %add3A_1202 = arith.addf %add3A_1182, %mul3A_1201 : vector<16xf32>
        %slice3A_1203 = vector.extract_strided_slice %get3A_1022 {offsets = [9], sizes = [1], strides = [1]} : vector<16xf32> to vector<1xf32>
        %squeeze3A_1204 = vector.extract %slice3A_1203[0] : f32 from vector<1xf32>
        %add3A_1205 = arith.constant 25 : i32
        %add3A_1206 = arith.addi %mul3A_695, %add3A_1205 : i32
        %get3A_1207 = arith.index_cast %add3A_1206 : i32 to index
        %get3A_1208 = arith.constant 0 : index
        %get3A_1209 = tpu.vector_load %arg11[%get3A_1207, %get3A_1208] {strides = array<i32>} : memref<1120x32xf32, #tpu.memory_space<vmem>>, vector<1x16xf32>,
        %get3A_1210 = vector.shape_cast %get3A_1209 : vector<1x16xf32> to vector<16xf32>
        %mul3A_1211 = vector.broadcast %squeeze3A_1204 : f32 to vector<16xf32>
        %mul3A_1212 = arith.mulf %get3A_1210, %mul3A_1211 : vector<16xf32>
        %add3A_1213 = arith.addf %add3A_1193, %mul3A_1212 : vector<16xf32>
        %add3A_1214 = arith.constant 25 : i32
        %add3A_1215 = arith.addi %mul3A_695, %add3A_1214 : i32
        %get3A_1216 = arith.index_cast %add3A_1215 : i32 to index
        %get3A_1217 = arith.constant 16 : index
        %get3A_1218 = tpu.vector_load %arg11[%get3A_1216, %get3A_1217] {strides = array<i32>} : memref<1120x32xf32, #tpu.memory_space<vmem>>, vector<1x16xf32>,
        %get3A_1219 = vector.shape_cast %get3A_1218 : vector<1x16xf32> to vector<16xf32>
        %mul3A_1220 = vector.broadcast %squeeze3A_1204 : f32 to vector<16xf32>
        %mul3A_1221 = arith.mulf %get3A_1219, %mul3A_1220 : vector<16xf32>
        %add3A_1222 = arith.addf %add3A_1202, %mul3A_1221 : vector<16xf32>
        %slice3A_1223 = vector.extract_strided_slice %get3A_1022 {offsets = [10], sizes = [1], strides = [1]} : vector<16xf32> to vector<1xf32>
        %squeeze3A_1224 = vector.extract %slice3A_1223[0] : f32 from vector<1xf32>
        %add3A_1225 = arith.constant 26 : i32
        %add3A_1226 = arith.addi %mul3A_695, %add3A_1225 : i32
        %get3A_1227 = arith.index_cast %add3A_1226 : i32 to index
        %get3A_1228 = arith.constant 0 : index
        %get3A_1229 = tpu.vector_load %arg11[%get3A_1227, %get3A_1228] {strides = array<i32>} : memref<1120x32xf32, #tpu.memory_space<vmem>>, vector<1x16xf32>,
        %get3A_1230 = vector.shape_cast %get3A_1229 : vector<1x16xf32> to vector<16xf32>
        %mul3A_1231 = vector.broadcast %squeeze3A_1224 : f32 to vector<16xf32>
        %mul3A_1232 = arith.mulf %get3A_1230, %mul3A_1231 : vector<16xf32>
        %add3A_1233 = arith.addf %add3A_1213, %mul3A_1232 : vector<16xf32>
        %add3A_1234 = arith.constant 26 : i32
        %add3A_1235 = arith.addi %mul3A_695, %add3A_1234 : i32
        %get3A_1236 = arith.index_cast %add3A_1235 : i32 to index
        %get3A_1237 = arith.constant 16 : index
        %get3A_1238 = tpu.vector_load %arg11[%get3A_1236, %get3A_1237] {strides = array<i32>} : memref<1120x32xf32, #tpu.memory_space<vmem>>, vector<1x16xf32>,
        %get3A_1239 = vector.shape_cast %get3A_1238 : vector<1x16xf32> to vector<16xf32>
        %mul3A_1240 = vector.broadcast %squeeze3A_1224 : f32 to vector<16xf32>
        %mul3A_1241 = arith.mulf %get3A_1239, %mul3A_1240 : vector<16xf32>
        %add3A_1242 = arith.addf %add3A_1222, %mul3A_1241 : vector<16xf32>
        %slice3A_1243 = vector.extract_strided_slice %get3A_1022 {offsets = [11], sizes = [1], strides = [1]} : vector<16xf32> to vector<1xf32>
        %squeeze3A_1244 = vector.extract %slice3A_1243[0] : f32 from vector<1xf32>
        %add3A_1245 = arith.constant 27 : i32
        %add3A_1246 = arith.addi %mul3A_695, %add3A_1245 : i32
        %get3A_1247 = arith.index_cast %add3A_1246 : i32 to index
        %get3A_1248 = arith.constant 0 : index
        %get3A_1249 = tpu.vector_load %arg11[%get3A_1247, %get3A_1248] {strides = array<i32>} : memref<1120x32xf32, #tpu.memory_space<vmem>>, vector<1x16xf32>,
        %get3A_1250 = vector.shape_cast %get3A_1249 : vector<1x16xf32> to vector<16xf32>
        %mul3A_1251 = vector.broadcast %squeeze3A_1244 : f32 to vector<16xf32>
        %mul3A_1252 = arith.mulf %get3A_1250, %mul3A_1251 : vector<16xf32>
        %add3A_1253 = arith.addf %add3A_1233, %mul3A_1252 : vector<16xf32>
        %add3A_1254 = arith.constant 27 : i32
        %add3A_1255 = arith.addi %mul3A_695, %add3A_1254 : i32
        %get3A_1256 = arith.index_cast %add3A_1255 : i32 to index
        %get3A_1257 = arith.constant 16 : index
        %get3A_1258 = tpu.vector_load %arg11[%get3A_1256, %get3A_1257] {strides = array<i32>} : memref<1120x32xf32, #tpu.memory_space<vmem>>, vector<1x16xf32>,
        %get3A_1259 = vector.shape_cast %get3A_1258 : vector<1x16xf32> to vector<16xf32>
        %mul3A_1260 = vector.broadcast %squeeze3A_1244 : f32 to vector<16xf32>
        %mul3A_1261 = arith.mulf %get3A_1259, %mul3A_1260 : vector<16xf32>
        %add3A_1262 = arith.addf %add3A_1242, %mul3A_1261 : vector<16xf32>
        %slice3A_1263 = vector.extract_strided_slice %get3A_1022 {offsets = [12], sizes = [1], strides = [1]} : vector<16xf32> to vector<1xf32>
        %squeeze3A_1264 = vector.extract %slice3A_1263[0] : f32 from vector<1xf32>
        %add3A_1265 = arith.constant 28 : i32
        %add3A_1266 = arith.addi %mul3A_695, %add3A_1265 : i32
        %get3A_1267 = arith.index_cast %add3A_1266 : i32 to index
        %get3A_1268 = arith.constant 0 : index
        %get3A_1269 = tpu.vector_load %arg11[%get3A_1267, %get3A_1268] {strides = array<i32>} : memref<1120x32xf32, #tpu.memory_space<vmem>>, vector<1x16xf32>,
        %get3A_1270 = vector.shape_cast %get3A_1269 : vector<1x16xf32> to vector<16xf32>
        %mul3A_1271 = vector.broadcast %squeeze3A_1264 : f32 to vector<16xf32>
        %mul3A_1272 = arith.mulf %get3A_1270, %mul3A_1271 : vector<16xf32>
        %add3A_1273 = arith.addf %add3A_1253, %mul3A_1272 : vector<16xf32>
        %add3A_1274 = arith.constant 28 : i32
        %add3A_1275 = arith.addi %mul3A_695, %add3A_1274 : i32
        %get3A_1276 = arith.index_cast %add3A_1275 : i32 to index
        %get3A_1277 = arith.constant 16 : index
        %get3A_1278 = tpu.vector_load %arg11[%get3A_1276, %get3A_1277] {strides = array<i32>} : memref<1120x32xf32, #tpu.memory_space<vmem>>, vector<1x16xf32>,
        %get3A_1279 = vector.shape_cast %get3A_1278 : vector<1x16xf32> to vector<16xf32>
        %mul3A_1280 = vector.broadcast %squeeze3A_1264 : f32 to vector<16xf32>
        %mul3A_1281 = arith.mulf %get3A_1279, %mul3A_1280 : vector<16xf32>
        %add3A_1282 = arith.addf %add3A_1262, %mul3A_1281 : vector<16xf32>
        %slice3A_1283 = vector.extract_strided_slice %get3A_1022 {offsets = [13], sizes = [1], strides = [1]} : vector<16xf32> to vector<1xf32>
        %squeeze3A_1284 = vector.extract %slice3A_1283[0] : f32 from vector<1xf32>
        %add3A_1285 = arith.constant 29 : i32
        %add3A_1286 = arith.addi %mul3A_695, %add3A_1285 : i32
        %get3A_1287 = arith.index_cast %add3A_1286 : i32 to index
        %get3A_1288 = arith.constant 0 : index
        %get3A_1289 = tpu.vector_load %arg11[%get3A_1287, %get3A_1288] {strides = array<i32>} : memref<1120x32xf32, #tpu.memory_space<vmem>>, vector<1x16xf32>,
        %get3A_1290 = vector.shape_cast %get3A_1289 : vector<1x16xf32> to vector<16xf32>
        %mul3A_1291 = vector.broadcast %squeeze3A_1284 : f32 to vector<16xf32>
        %mul3A_1292 = arith.mulf %get3A_1290, %mul3A_1291 : vector<16xf32>
        %add3A_1293 = arith.addf %add3A_1273, %mul3A_1292 : vector<16xf32>
        %add3A_1294 = arith.constant 29 : i32
        %add3A_1295 = arith.addi %mul3A_695, %add3A_1294 : i32
        %get3A_1296 = arith.index_cast %add3A_1295 : i32 to index
        %get3A_1297 = arith.constant 16 : index
        %get3A_1298 = tpu.vector_load %arg11[%get3A_1296, %get3A_1297] {strides = array<i32>} : memref<1120x32xf32, #tpu.memory_space<vmem>>, vector<1x16xf32>,
        %get3A_1299 = vector.shape_cast %get3A_1298 : vector<1x16xf32> to vector<16xf32>
        %mul3A_1300 = vector.broadcast %squeeze3A_1284 : f32 to vector<16xf32>
        %mul3A_1301 = arith.mulf %get3A_1299, %mul3A_1300 : vector<16xf32>
        %add3A_1302 = arith.addf %add3A_1282, %mul3A_1301 : vector<16xf32>
        %slice3A_1303 = vector.extract_strided_slice %get3A_1022 {offsets = [14], sizes = [1], strides = [1]} : vector<16xf32> to vector<1xf32>
        %squeeze3A_1304 = vector.extract %slice3A_1303[0] : f32 from vector<1xf32>
        %add3A_1305 = arith.constant 30 : i32
        %add3A_1306 = arith.addi %mul3A_695, %add3A_1305 : i32
        %get3A_1307 = arith.index_cast %add3A_1306 : i32 to index
        %get3A_1308 = arith.constant 0 : index
        %get3A_1309 = tpu.vector_load %arg11[%get3A_1307, %get3A_1308] {strides = array<i32>} : memref<1120x32xf32, #tpu.memory_space<vmem>>, vector<1x16xf32>,
        %get3A_1310 = vector.shape_cast %get3A_1309 : vector<1x16xf32> to vector<16xf32>
        %mul3A_1311 = vector.broadcast %squeeze3A_1304 : f32 to vector<16xf32>
        %mul3A_1312 = arith.mulf %get3A_1310, %mul3A_1311 : vector<16xf32>
        %add3A_1313 = arith.addf %add3A_1293, %mul3A_1312 : vector<16xf32>
        %add3A_1314 = arith.constant 30 : i32
        %add3A_1315 = arith.addi %mul3A_695, %add3A_1314 : i32
        %get3A_1316 = arith.index_cast %add3A_1315 : i32 to index
        %get3A_1317 = arith.constant 16 : index
        %get3A_1318 = tpu.vector_load %arg11[%get3A_1316, %get3A_1317] {strides = array<i32>} : memref<1120x32xf32, #tpu.memory_space<vmem>>, vector<1x16xf32>,
        %get3A_1319 = vector.shape_cast %get3A_1318 : vector<1x16xf32> to vector<16xf32>
        %mul3A_1320 = vector.broadcast %squeeze3A_1304 : f32 to vector<16xf32>
        %mul3A_1321 = arith.mulf %get3A_1319, %mul3A_1320 : vector<16xf32>
        %add3A_1322 = arith.addf %add3A_1302, %mul3A_1321 : vector<16xf32>
        %slice3A_1323 = vector.extract_strided_slice %get3A_1022 {offsets = [15], sizes = [1], strides = [1]} : vector<16xf32> to vector<1xf32>
        %squeeze3A_1324 = vector.extract %slice3A_1323[0] : f32 from vector<1xf32>
        %add3A_1325 = arith.constant 31 : i32
        %add3A_1326 = arith.addi %mul3A_695, %add3A_1325 : i32
        %get3A_1327 = arith.index_cast %add3A_1326 : i32 to index
        %get3A_1328 = arith.constant 0 : index
        %get3A_1329 = tpu.vector_load %arg11[%get3A_1327, %get3A_1328] {strides = array<i32>} : memref<1120x32xf32, #tpu.memory_space<vmem>>, vector<1x16xf32>,
        %get3A_1330 = vector.shape_cast %get3A_1329 : vector<1x16xf32> to vector<16xf32>
        %mul3A_1331 = vector.broadcast %squeeze3A_1324 : f32 to vector<16xf32>
        %mul3A_1332 = arith.mulf %get3A_1330, %mul3A_1331 : vector<16xf32>
        %add3A_1333 = arith.addf %add3A_1313, %mul3A_1332 : vector<16xf32>
        %add3A_1334 = arith.constant 31 : i32
        %add3A_1335 = arith.addi %mul3A_695, %add3A_1334 : i32
        %get3A_1336 = arith.index_cast %add3A_1335 : i32 to index
        %get3A_1337 = arith.constant 16 : index
        %get3A_1338 = tpu.vector_load %arg11[%get3A_1336, %get3A_1337] {strides = array<i32>} : memref<1120x32xf32, #tpu.memory_space<vmem>>, vector<1x16xf32>,
        %get3A_1339 = vector.shape_cast %get3A_1338 : vector<1x16xf32> to vector<16xf32>
        %mul3A_1340 = vector.broadcast %squeeze3A_1324 : f32 to vector<16xf32>
        %mul3A_1341 = arith.mulf %get3A_1339, %mul3A_1340 : vector<16xf32>
        %add3A_1342 = arith.addf %add3A_1322, %mul3A_1341 : vector<16xf32>
        %get3A_1343 = arith.index_cast %scan3A_692 : i32 to index
        %get3A_1344 = arith.constant 32 : index
        %get3A_1345 = tpu.vector_load %arg10[%get3A_1343, %get3A_1344] {strides = array<i32>} : memref<16x64xf32, #tpu.memory_space<vmem>>, vector<1x16xf32>,
        %get3A_1346 = vector.shape_cast %get3A_1345 : vector<1x16xf32> to vector<16xf32>
        %slice3A_1347 = vector.extract_strided_slice %get3A_1346 {offsets = [0], sizes = [1], strides = [1]} : vector<16xf32> to vector<1xf32>
        %squeeze3A_1348 = vector.extract %slice3A_1347[0] : f32 from vector<1xf32>
        %add3A_1349 = arith.constant 32 : i32
        %add3A_1350 = arith.addi %mul3A_695, %add3A_1349 : i32
        %get3A_1351 = arith.index_cast %add3A_1350 : i32 to index
        %get3A_1352 = arith.constant 0 : index
        %get3A_1353 = tpu.vector_load %arg11[%get3A_1351, %get3A_1352] {strides = array<i32>} : memref<1120x32xf32, #tpu.memory_space<vmem>>, vector<1x16xf32>,
        %get3A_1354 = vector.shape_cast %get3A_1353 : vector<1x16xf32> to vector<16xf32>
        %mul3A_1355 = vector.broadcast %squeeze3A_1348 : f32 to vector<16xf32>
        %mul3A_1356 = arith.mulf %get3A_1354, %mul3A_1355 : vector<16xf32>
        %add3A_1357 = arith.addf %add3A_1333, %mul3A_1356 : vector<16xf32>
        %add3A_1358 = arith.constant 32 : i32
        %add3A_1359 = arith.addi %mul3A_695, %add3A_1358 : i32
        %get3A_1360 = arith.index_cast %add3A_1359 : i32 to index
        %get3A_1361 = arith.constant 16 : index
        %get3A_1362 = tpu.vector_load %arg11[%get3A_1360, %get3A_1361] {strides = array<i32>} : memref<1120x32xf32, #tpu.memory_space<vmem>>, vector<1x16xf32>,
        %get3A_1363 = vector.shape_cast %get3A_1362 : vector<1x16xf32> to vector<16xf32>
        %mul3A_1364 = vector.broadcast %squeeze3A_1348 : f32 to vector<16xf32>
        %mul3A_1365 = arith.mulf %get3A_1363, %mul3A_1364 : vector<16xf32>
        %add3A_1366 = arith.addf %add3A_1342, %mul3A_1365 : vector<16xf32>
        %slice3A_1367 = vector.extract_strided_slice %get3A_1346 {offsets = [1], sizes = [1], strides = [1]} : vector<16xf32> to vector<1xf32>
        %squeeze3A_1368 = vector.extract %slice3A_1367[0] : f32 from vector<1xf32>
        %add3A_1369 = arith.constant 33 : i32
        %add3A_1370 = arith.addi %mul3A_695, %add3A_1369 : i32
        %get3A_1371 = arith.index_cast %add3A_1370 : i32 to index
        %get3A_1372 = arith.constant 0 : index
        %get3A_1373 = tpu.vector_load %arg11[%get3A_1371, %get3A_1372] {strides = array<i32>} : memref<1120x32xf32, #tpu.memory_space<vmem>>, vector<1x16xf32>,
        %get3A_1374 = vector.shape_cast %get3A_1373 : vector<1x16xf32> to vector<16xf32>
        %mul3A_1375 = vector.broadcast %squeeze3A_1368 : f32 to vector<16xf32>
        %mul3A_1376 = arith.mulf %get3A_1374, %mul3A_1375 : vector<16xf32>
        %add3A_1377 = arith.addf %add3A_1357, %mul3A_1376 : vector<16xf32>
        %add3A_1378 = arith.constant 33 : i32
        %add3A_1379 = arith.addi %mul3A_695, %add3A_1378 : i32
        %get3A_1380 = arith.index_cast %add3A_1379 : i32 to index
        %get3A_1381 = arith.constant 16 : index
        %get3A_1382 = tpu.vector_load %arg11[%get3A_1380, %get3A_1381] {strides = array<i32>} : memref<1120x32xf32, #tpu.memory_space<vmem>>, vector<1x16xf32>,
        %get3A_1383 = vector.shape_cast %get3A_1382 : vector<1x16xf32> to vector<16xf32>
        %mul3A_1384 = vector.broadcast %squeeze3A_1368 : f32 to vector<16xf32>
        %mul3A_1385 = arith.mulf %get3A_1383, %mul3A_1384 : vector<16xf32>
        %add3A_1386 = arith.addf %add3A_1366, %mul3A_1385 : vector<16xf32>
        %slice3A_1387 = vector.extract_strided_slice %get3A_1346 {offsets = [2], sizes = [1], strides = [1]} : vector<16xf32> to vector<1xf32>
        %squeeze3A_1388 = vector.extract %slice3A_1387[0] : f32 from vector<1xf32>
        %add3A_1389 = arith.constant 34 : i32
        %add3A_1390 = arith.addi %mul3A_695, %add3A_1389 : i32
        %get3A_1391 = arith.index_cast %add3A_1390 : i32 to index
        %get3A_1392 = arith.constant 0 : index
        %get3A_1393 = tpu.vector_load %arg11[%get3A_1391, %get3A_1392] {strides = array<i32>} : memref<1120x32xf32, #tpu.memory_space<vmem>>, vector<1x16xf32>,
        %get3A_1394 = vector.shape_cast %get3A_1393 : vector<1x16xf32> to vector<16xf32>
        %mul3A_1395 = vector.broadcast %squeeze3A_1388 : f32 to vector<16xf32>
        %mul3A_1396 = arith.mulf %get3A_1394, %mul3A_1395 : vector<16xf32>
        %add3A_1397 = arith.addf %add3A_1377, %mul3A_1396 : vector<16xf32>
        %add3A_1398 = arith.constant 34 : i32
        %add3A_1399 = arith.addi %mul3A_695, %add3A_1398 : i32
        %get3A_1400 = arith.index_cast %add3A_1399 : i32 to index
        %get3A_1401 = arith.constant 16 : index
        %get3A_1402 = tpu.vector_load %arg11[%get3A_1400, %get3A_1401] {strides = array<i32>} : memref<1120x32xf32, #tpu.memory_space<vmem>>, vector<1x16xf32>,
        %get3A_1403 = vector.shape_cast %get3A_1402 : vector<1x16xf32> to vector<16xf32>
        %mul3A_1404 = vector.broadcast %squeeze3A_1388 : f32 to vector<16xf32>
        %mul3A_1405 = arith.mulf %get3A_1403, %mul3A_1404 : vector<16xf32>
        %add3A_1406 = arith.addf %add3A_1386, %mul3A_1405 : vector<16xf32>
        %slice3A_1407 = vector.extract_strided_slice %get3A_1346 {offsets = [3], sizes = [1], strides = [1]} : vector<16xf32> to vector<1xf32>
        %squeeze3A_1408 = vector.extract %slice3A_1407[0] : f32 from vector<1xf32>
        %add3A_1409 = arith.constant 35 : i32
        %add3A_1410 = arith.addi %mul3A_695, %add3A_1409 : i32
        %get3A_1411 = arith.index_cast %add3A_1410 : i32 to index
        %get3A_1412 = arith.constant 0 : index
        %get3A_1413 = tpu.vector_load %arg11[%get3A_1411, %get3A_1412] {strides = array<i32>} : memref<1120x32xf32, #tpu.memory_space<vmem>>, vector<1x16xf32>,
        %get3A_1414 = vector.shape_cast %get3A_1413 : vector<1x16xf32> to vector<16xf32>
        %mul3A_1415 = vector.broadcast %squeeze3A_1408 : f32 to vector<16xf32>
        %mul3A_1416 = arith.mulf %get3A_1414, %mul3A_1415 : vector<16xf32>
        %add3A_1417 = arith.addf %add3A_1397, %mul3A_1416 : vector<16xf32>
        %add3A_1418 = arith.constant 35 : i32
        %add3A_1419 = arith.addi %mul3A_695, %add3A_1418 : i32
        %get3A_1420 = arith.index_cast %add3A_1419 : i32 to index
        %get3A_1421 = arith.constant 16 : index
        %get3A_1422 = tpu.vector_load %arg11[%get3A_1420, %get3A_1421] {strides = array<i32>} : memref<1120x32xf32, #tpu.memory_space<vmem>>, vector<1x16xf32>,
        %get3A_1423 = vector.shape_cast %get3A_1422 : vector<1x16xf32> to vector<16xf32>
        %mul3A_1424 = vector.broadcast %squeeze3A_1408 : f32 to vector<16xf32>
        %mul3A_1425 = arith.mulf %get3A_1423, %mul3A_1424 : vector<16xf32>
        %add3A_1426 = arith.addf %add3A_1406, %mul3A_1425 : vector<16xf32>
        %slice3A_1427 = vector.extract_strided_slice %get3A_1346 {offsets = [4], sizes = [1], strides = [1]} : vector<16xf32> to vector<1xf32>
        %squeeze3A_1428 = vector.extract %slice3A_1427[0] : f32 from vector<1xf32>
        %add3A_1429 = arith.constant 36 : i32
        %add3A_1430 = arith.addi %mul3A_695, %add3A_1429 : i32
        %get3A_1431 = arith.index_cast %add3A_1430 : i32 to index
        %get3A_1432 = arith.constant 0 : index
        %get3A_1433 = tpu.vector_load %arg11[%get3A_1431, %get3A_1432] {strides = array<i32>} : memref<1120x32xf32, #tpu.memory_space<vmem>>, vector<1x16xf32>,
        %get3A_1434 = vector.shape_cast %get3A_1433 : vector<1x16xf32> to vector<16xf32>
        %mul3A_1435 = vector.broadcast %squeeze3A_1428 : f32 to vector<16xf32>
        %mul3A_1436 = arith.mulf %get3A_1434, %mul3A_1435 : vector<16xf32>
        %add3A_1437 = arith.addf %add3A_1417, %mul3A_1436 : vector<16xf32>
        %add3A_1438 = arith.constant 36 : i32
        %add3A_1439 = arith.addi %mul3A_695, %add3A_1438 : i32
        %get3A_1440 = arith.index_cast %add3A_1439 : i32 to index
        %get3A_1441 = arith.constant 16 : index
        %get3A_1442 = tpu.vector_load %arg11[%get3A_1440, %get3A_1441] {strides = array<i32>} : memref<1120x32xf32, #tpu.memory_space<vmem>>, vector<1x16xf32>,
        %get3A_1443 = vector.shape_cast %get3A_1442 : vector<1x16xf32> to vector<16xf32>
        %mul3A_1444 = vector.broadcast %squeeze3A_1428 : f32 to vector<16xf32>
        %mul3A_1445 = arith.mulf %get3A_1443, %mul3A_1444 : vector<16xf32>
        %add3A_1446 = arith.addf %add3A_1426, %mul3A_1445 : vector<16xf32>
        %slice3A_1447 = vector.extract_strided_slice %get3A_1346 {offsets = [5], sizes = [1], strides = [1]} : vector<16xf32> to vector<1xf32>
        %squeeze3A_1448 = vector.extract %slice3A_1447[0] : f32 from vector<1xf32>
        %add3A_1449 = arith.constant 37 : i32
        %add3A_1450 = arith.addi %mul3A_695, %add3A_1449 : i32
        %get3A_1451 = arith.index_cast %add3A_1450 : i32 to index
        %get3A_1452 = arith.constant 0 : index
        %get3A_1453 = tpu.vector_load %arg11[%get3A_1451, %get3A_1452] {strides = array<i32>} : memref<1120x32xf32, #tpu.memory_space<vmem>>, vector<1x16xf32>,
        %get3A_1454 = vector.shape_cast %get3A_1453 : vector<1x16xf32> to vector<16xf32>
        %mul3A_1455 = vector.broadcast %squeeze3A_1448 : f32 to vector<16xf32>
        %mul3A_1456 = arith.mulf %get3A_1454, %mul3A_1455 : vector<16xf32>
        %add3A_1457 = arith.addf %add3A_1437, %mul3A_1456 : vector<16xf32>
        %add3A_1458 = arith.constant 37 : i32
        %add3A_1459 = arith.addi %mul3A_695, %add3A_1458 : i32
        %get3A_1460 = arith.index_cast %add3A_1459 : i32 to index
        %get3A_1461 = arith.constant 16 : index
        %get3A_1462 = tpu.vector_load %arg11[%get3A_1460, %get3A_1461] {strides = array<i32>} : memref<1120x32xf32, #tpu.memory_space<vmem>>, vector<1x16xf32>,
        %get3A_1463 = vector.shape_cast %get3A_1462 : vector<1x16xf32> to vector<16xf32>
        %mul3A_1464 = vector.broadcast %squeeze3A_1448 : f32 to vector<16xf32>
        %mul3A_1465 = arith.mulf %get3A_1463, %mul3A_1464 : vector<16xf32>
        %add3A_1466 = arith.addf %add3A_1446, %mul3A_1465 : vector<16xf32>
        %slice3A_1467 = vector.extract_strided_slice %get3A_1346 {offsets = [6], sizes = [1], strides = [1]} : vector<16xf32> to vector<1xf32>
        %squeeze3A_1468 = vector.extract %slice3A_1467[0] : f32 from vector<1xf32>
        %add3A_1469 = arith.constant 38 : i32
        %add3A_1470 = arith.addi %mul3A_695, %add3A_1469 : i32
        %get3A_1471 = arith.index_cast %add3A_1470 : i32 to index
        %get3A_1472 = arith.constant 0 : index
        %get3A_1473 = tpu.vector_load %arg11[%get3A_1471, %get3A_1472] {strides = array<i32>} : memref<1120x32xf32, #tpu.memory_space<vmem>>, vector<1x16xf32>,
        %get3A_1474 = vector.shape_cast %get3A_1473 : vector<1x16xf32> to vector<16xf32>
        %mul3A_1475 = vector.broadcast %squeeze3A_1468 : f32 to vector<16xf32>
        %mul3A_1476 = arith.mulf %get3A_1474, %mul3A_1475 : vector<16xf32>
        %add3A_1477 = arith.addf %add3A_1457, %mul3A_1476 : vector<16xf32>
        %add3A_1478 = arith.constant 38 : i32
        %add3A_1479 = arith.addi %mul3A_695, %add3A_1478 : i32
        %get3A_1480 = arith.index_cast %add3A_1479 : i32 to index
        %get3A_1481 = arith.constant 16 : index
        %get3A_1482 = tpu.vector_load %arg11[%get3A_1480, %get3A_1481] {strides = array<i32>} : memref<1120x32xf32, #tpu.memory_space<vmem>>, vector<1x16xf32>,
        %get3A_1483 = vector.shape_cast %get3A_1482 : vector<1x16xf32> to vector<16xf32>
        %mul3A_1484 = vector.broadcast %squeeze3A_1468 : f32 to vector<16xf32>
        %mul3A_1485 = arith.mulf %get3A_1483, %mul3A_1484 : vector<16xf32>
        %add3A_1486 = arith.addf %add3A_1466, %mul3A_1485 : vector<16xf32>
        %slice3A_1487 = vector.extract_strided_slice %get3A_1346 {offsets = [7], sizes = [1], strides = [1]} : vector<16xf32> to vector<1xf32>
        %squeeze3A_1488 = vector.extract %slice3A_1487[0] : f32 from vector<1xf32>
        %add3A_1489 = arith.constant 39 : i32
        %add3A_1490 = arith.addi %mul3A_695, %add3A_1489 : i32
        %get3A_1491 = arith.index_cast %add3A_1490 : i32 to index
        %get3A_1492 = arith.constant 0 : index
        %get3A_1493 = tpu.vector_load %arg11[%get3A_1491, %get3A_1492] {strides = array<i32>} : memref<1120x32xf32, #tpu.memory_space<vmem>>, vector<1x16xf32>,
        %get3A_1494 = vector.shape_cast %get3A_1493 : vector<1x16xf32> to vector<16xf32>
        %mul3A_1495 = vector.broadcast %squeeze3A_1488 : f32 to vector<16xf32>
        %mul3A_1496 = arith.mulf %get3A_1494, %mul3A_1495 : vector<16xf32>
        %add3A_1497 = arith.addf %add3A_1477, %mul3A_1496 : vector<16xf32>
        %add3A_1498 = arith.constant 39 : i32
        %add3A_1499 = arith.addi %mul3A_695, %add3A_1498 : i32
        %get3A_1500 = arith.index_cast %add3A_1499 : i32 to index
        %get3A_1501 = arith.constant 16 : index
        %get3A_1502 = tpu.vector_load %arg11[%get3A_1500, %get3A_1501] {strides = array<i32>} : memref<1120x32xf32, #tpu.memory_space<vmem>>, vector<1x16xf32>,
        %get3A_1503 = vector.shape_cast %get3A_1502 : vector<1x16xf32> to vector<16xf32>
        %mul3A_1504 = vector.broadcast %squeeze3A_1488 : f32 to vector<16xf32>
        %mul3A_1505 = arith.mulf %get3A_1503, %mul3A_1504 : vector<16xf32>
        %add3A_1506 = arith.addf %add3A_1486, %mul3A_1505 : vector<16xf32>
        %slice3A_1507 = vector.extract_strided_slice %get3A_1346 {offsets = [8], sizes = [1], strides = [1]} : vector<16xf32> to vector<1xf32>
        %squeeze3A_1508 = vector.extract %slice3A_1507[0] : f32 from vector<1xf32>
        %add3A_1509 = arith.constant 40 : i32
        %add3A_1510 = arith.addi %mul3A_695, %add3A_1509 : i32
        %get3A_1511 = arith.index_cast %add3A_1510 : i32 to index
        %get3A_1512 = arith.constant 0 : index
        %get3A_1513 = tpu.vector_load %arg11[%get3A_1511, %get3A_1512] {strides = array<i32>} : memref<1120x32xf32, #tpu.memory_space<vmem>>, vector<1x16xf32>,
        %get3A_1514 = vector.shape_cast %get3A_1513 : vector<1x16xf32> to vector<16xf32>
        %mul3A_1515 = vector.broadcast %squeeze3A_1508 : f32 to vector<16xf32>
        %mul3A_1516 = arith.mulf %get3A_1514, %mul3A_1515 : vector<16xf32>
        %add3A_1517 = arith.addf %add3A_1497, %mul3A_1516 : vector<16xf32>
        %add3A_1518 = arith.constant 40 : i32
        %add3A_1519 = arith.addi %mul3A_695, %add3A_1518 : i32
        %get3A_1520 = arith.index_cast %add3A_1519 : i32 to index
        %get3A_1521 = arith.constant 16 : index
        %get3A_1522 = tpu.vector_load %arg11[%get3A_1520, %get3A_1521] {strides = array<i32>} : memref<1120x32xf32, #tpu.memory_space<vmem>>, vector<1x16xf32>,
        %get3A_1523 = vector.shape_cast %get3A_1522 : vector<1x16xf32> to vector<16xf32>
        %mul3A_1524 = vector.broadcast %squeeze3A_1508 : f32 to vector<16xf32>
        %mul3A_1525 = arith.mulf %get3A_1523, %mul3A_1524 : vector<16xf32>
        %add3A_1526 = arith.addf %add3A_1506, %mul3A_1525 : vector<16xf32>
        %slice3A_1527 = vector.extract_strided_slice %get3A_1346 {offsets = [9], sizes = [1], strides = [1]} : vector<16xf32> to vector<1xf32>
        %squeeze3A_1528 = vector.extract %slice3A_1527[0] : f32 from vector<1xf32>
        %add3A_1529 = arith.constant 41 : i32
        %add3A_1530 = arith.addi %mul3A_695, %add3A_1529 : i32
        %get3A_1531 = arith.index_cast %add3A_1530 : i32 to index
        %get3A_1532 = arith.constant 0 : index
        %get3A_1533 = tpu.vector_load %arg11[%get3A_1531, %get3A_1532] {strides = array<i32>} : memref<1120x32xf32, #tpu.memory_space<vmem>>, vector<1x16xf32>,
        %get3A_1534 = vector.shape_cast %get3A_1533 : vector<1x16xf32> to vector<16xf32>
        %mul3A_1535 = vector.broadcast %squeeze3A_1528 : f32 to vector<16xf32>
        %mul3A_1536 = arith.mulf %get3A_1534, %mul3A_1535 : vector<16xf32>
        %add3A_1537 = arith.addf %add3A_1517, %mul3A_1536 : vector<16xf32>
        %add3A_1538 = arith.constant 41 : i32
        %add3A_1539 = arith.addi %mul3A_695, %add3A_1538 : i32
        %get3A_1540 = arith.index_cast %add3A_1539 : i32 to index
        %get3A_1541 = arith.constant 16 : index
        %get3A_1542 = tpu.vector_load %arg11[%get3A_1540, %get3A_1541] {strides = array<i32>} : memref<1120x32xf32, #tpu.memory_space<vmem>>, vector<1x16xf32>,
        %get3A_1543 = vector.shape_cast %get3A_1542 : vector<1x16xf32> to vector<16xf32>
        %mul3A_1544 = vector.broadcast %squeeze3A_1528 : f32 to vector<16xf32>
        %mul3A_1545 = arith.mulf %get3A_1543, %mul3A_1544 : vector<16xf32>
        %add3A_1546 = arith.addf %add3A_1526, %mul3A_1545 : vector<16xf32>
        %slice3A_1547 = vector.extract_strided_slice %get3A_1346 {offsets = [10], sizes = [1], strides = [1]} : vector<16xf32> to vector<1xf32>
        %squeeze3A_1548 = vector.extract %slice3A_1547[0] : f32 from vector<1xf32>
        %add3A_1549 = arith.constant 42 : i32
        %add3A_1550 = arith.addi %mul3A_695, %add3A_1549 : i32
        %get3A_1551 = arith.index_cast %add3A_1550 : i32 to index
        %get3A_1552 = arith.constant 0 : index
        %get3A_1553 = tpu.vector_load %arg11[%get3A_1551, %get3A_1552] {strides = array<i32>} : memref<1120x32xf32, #tpu.memory_space<vmem>>, vector<1x16xf32>,
        %get3A_1554 = vector.shape_cast %get3A_1553 : vector<1x16xf32> to vector<16xf32>
        %mul3A_1555 = vector.broadcast %squeeze3A_1548 : f32 to vector<16xf32>
        %mul3A_1556 = arith.mulf %get3A_1554, %mul3A_1555 : vector<16xf32>
        %add3A_1557 = arith.addf %add3A_1537, %mul3A_1556 : vector<16xf32>
        %add3A_1558 = arith.constant 42 : i32
        %add3A_1559 = arith.addi %mul3A_695, %add3A_1558 : i32
        %get3A_1560 = arith.index_cast %add3A_1559 : i32 to index
        %get3A_1561 = arith.constant 16 : index
        %get3A_1562 = tpu.vector_load %arg11[%get3A_1560, %get3A_1561] {strides = array<i32>} : memref<1120x32xf32, #tpu.memory_space<vmem>>, vector<1x16xf32>,
        %get3A_1563 = vector.shape_cast %get3A_1562 : vector<1x16xf32> to vector<16xf32>
        %mul3A_1564 = vector.broadcast %squeeze3A_1548 : f32 to vector<16xf32>
        %mul3A_1565 = arith.mulf %get3A_1563, %mul3A_1564 : vector<16xf32>
        %add3A_1566 = arith.addf %add3A_1546, %mul3A_1565 : vector<16xf32>
        %slice3A_1567 = vector.extract_strided_slice %get3A_1346 {offsets = [11], sizes = [1], strides = [1]} : vector<16xf32> to vector<1xf32>
        %squeeze3A_1568 = vector.extract %slice3A_1567[0] : f32 from vector<1xf32>
        %add3A_1569 = arith.constant 43 : i32
        %add3A_1570 = arith.addi %mul3A_695, %add3A_1569 : i32
        %get3A_1571 = arith.index_cast %add3A_1570 : i32 to index
        %get3A_1572 = arith.constant 0 : index
        %get3A_1573 = tpu.vector_load %arg11[%get3A_1571, %get3A_1572] {strides = array<i32>} : memref<1120x32xf32, #tpu.memory_space<vmem>>, vector<1x16xf32>,
        %get3A_1574 = vector.shape_cast %get3A_1573 : vector<1x16xf32> to vector<16xf32>
        %mul3A_1575 = vector.broadcast %squeeze3A_1568 : f32 to vector<16xf32>
        %mul3A_1576 = arith.mulf %get3A_1574, %mul3A_1575 : vector<16xf32>
        %add3A_1577 = arith.addf %add3A_1557, %mul3A_1576 : vector<16xf32>
        %add3A_1578 = arith.constant 43 : i32
        %add3A_1579 = arith.addi %mul3A_695, %add3A_1578 : i32
        %get3A_1580 = arith.index_cast %add3A_1579 : i32 to index
        %get3A_1581 = arith.constant 16 : index
        %get3A_1582 = tpu.vector_load %arg11[%get3A_1580, %get3A_1581] {strides = array<i32>} : memref<1120x32xf32, #tpu.memory_space<vmem>>, vector<1x16xf32>,
        %get3A_1583 = vector.shape_cast %get3A_1582 : vector<1x16xf32> to vector<16xf32>
        %mul3A_1584 = vector.broadcast %squeeze3A_1568 : f32 to vector<16xf32>
        %mul3A_1585 = arith.mulf %get3A_1583, %mul3A_1584 : vector<16xf32>
        %add3A_1586 = arith.addf %add3A_1566, %mul3A_1585 : vector<16xf32>
        %slice3A_1587 = vector.extract_strided_slice %get3A_1346 {offsets = [12], sizes = [1], strides = [1]} : vector<16xf32> to vector<1xf32>
        %squeeze3A_1588 = vector.extract %slice3A_1587[0] : f32 from vector<1xf32>
        %add3A_1589 = arith.constant 44 : i32
        %add3A_1590 = arith.addi %mul3A_695, %add3A_1589 : i32
        %get3A_1591 = arith.index_cast %add3A_1590 : i32 to index
        %get3A_1592 = arith.constant 0 : index
        %get3A_1593 = tpu.vector_load %arg11[%get3A_1591, %get3A_1592] {strides = array<i32>} : memref<1120x32xf32, #tpu.memory_space<vmem>>, vector<1x16xf32>,
        %get3A_1594 = vector.shape_cast %get3A_1593 : vector<1x16xf32> to vector<16xf32>
        %mul3A_1595 = vector.broadcast %squeeze3A_1588 : f32 to vector<16xf32>
        %mul3A_1596 = arith.mulf %get3A_1594, %mul3A_1595 : vector<16xf32>
        %add3A_1597 = arith.addf %add3A_1577, %mul3A_1596 : vector<16xf32>
        %add3A_1598 = arith.constant 44 : i32
        %add3A_1599 = arith.addi %mul3A_695, %add3A_1598 : i32
        %get3A_1600 = arith.index_cast %add3A_1599 : i32 to index
        %get3A_1601 = arith.constant 16 : index
        %get3A_1602 = tpu.vector_load %arg11[%get3A_1600, %get3A_1601] {strides = array<i32>} : memref<1120x32xf32, #tpu.memory_space<vmem>>, vector<1x16xf32>,
        %get3A_1603 = vector.shape_cast %get3A_1602 : vector<1x16xf32> to vector<16xf32>
        %mul3A_1604 = vector.broadcast %squeeze3A_1588 : f32 to vector<16xf32>
        %mul3A_1605 = arith.mulf %get3A_1603, %mul3A_1604 : vector<16xf32>
        %add3A_1606 = arith.addf %add3A_1586, %mul3A_1605 : vector<16xf32>
        %slice3A_1607 = vector.extract_strided_slice %get3A_1346 {offsets = [13], sizes = [1], strides = [1]} : vector<16xf32> to vector<1xf32>
        %squeeze3A_1608 = vector.extract %slice3A_1607[0] : f32 from vector<1xf32>
        %add3A_1609 = arith.constant 45 : i32
        %add3A_1610 = arith.addi %mul3A_695, %add3A_1609 : i32
        %get3A_1611 = arith.index_cast %add3A_1610 : i32 to index
        %get3A_1612 = arith.constant 0 : index
        %get3A_1613 = tpu.vector_load %arg11[%get3A_1611, %get3A_1612] {strides = array<i32>} : memref<1120x32xf32, #tpu.memory_space<vmem>>, vector<1x16xf32>,
        %get3A_1614 = vector.shape_cast %get3A_1613 : vector<1x16xf32> to vector<16xf32>
        %mul3A_1615 = vector.broadcast %squeeze3A_1608 : f32 to vector<16xf32>
        %mul3A_1616 = arith.mulf %get3A_1614, %mul3A_1615 : vector<16xf32>
        %add3A_1617 = arith.addf %add3A_1597, %mul3A_1616 : vector<16xf32>
        %add3A_1618 = arith.constant 45 : i32
        %add3A_1619 = arith.addi %mul3A_695, %add3A_1618 : i32
        %get3A_1620 = arith.index_cast %add3A_1619 : i32 to index
        %get3A_1621 = arith.constant 16 : index
        %get3A_1622 = tpu.vector_load %arg11[%get3A_1620, %get3A_1621] {strides = array<i32>} : memref<1120x32xf32, #tpu.memory_space<vmem>>, vector<1x16xf32>,
        %get3A_1623 = vector.shape_cast %get3A_1622 : vector<1x16xf32> to vector<16xf32>
        %mul3A_1624 = vector.broadcast %squeeze3A_1608 : f32 to vector<16xf32>
        %mul3A_1625 = arith.mulf %get3A_1623, %mul3A_1624 : vector<16xf32>
        %add3A_1626 = arith.addf %add3A_1606, %mul3A_1625 : vector<16xf32>
        %slice3A_1627 = vector.extract_strided_slice %get3A_1346 {offsets = [14], sizes = [1], strides = [1]} : vector<16xf32> to vector<1xf32>
        %squeeze3A_1628 = vector.extract %slice3A_1627[0] : f32 from vector<1xf32>
        %add3A_1629 = arith.constant 46 : i32
        %add3A_1630 = arith.addi %mul3A_695, %add3A_1629 : i32
        %get3A_1631 = arith.index_cast %add3A_1630 : i32 to index
        %get3A_1632 = arith.constant 0 : index
        %get3A_1633 = tpu.vector_load %arg11[%get3A_1631, %get3A_1632] {strides = array<i32>} : memref<1120x32xf32, #tpu.memory_space<vmem>>, vector<1x16xf32>,
        %get3A_1634 = vector.shape_cast %get3A_1633 : vector<1x16xf32> to vector<16xf32>
        %mul3A_1635 = vector.broadcast %squeeze3A_1628 : f32 to vector<16xf32>
        %mul3A_1636 = arith.mulf %get3A_1634, %mul3A_1635 : vector<16xf32>
        %add3A_1637 = arith.addf %add3A_1617, %mul3A_1636 : vector<16xf32>
        %add3A_1638 = arith.constant 46 : i32
        %add3A_1639 = arith.addi %mul3A_695, %add3A_1638 : i32
        %get3A_1640 = arith.index_cast %add3A_1639 : i32 to index
        %get3A_1641 = arith.constant 16 : index
        %get3A_1642 = tpu.vector_load %arg11[%get3A_1640, %get3A_1641] {strides = array<i32>} : memref<1120x32xf32, #tpu.memory_space<vmem>>, vector<1x16xf32>,
        %get3A_1643 = vector.shape_cast %get3A_1642 : vector<1x16xf32> to vector<16xf32>
        %mul3A_1644 = vector.broadcast %squeeze3A_1628 : f32 to vector<16xf32>
        %mul3A_1645 = arith.mulf %get3A_1643, %mul3A_1644 : vector<16xf32>
        %add3A_1646 = arith.addf %add3A_1626, %mul3A_1645 : vector<16xf32>
        %slice3A_1647 = vector.extract_strided_slice %get3A_1346 {offsets = [15], sizes = [1], strides = [1]} : vector<16xf32> to vector<1xf32>
        %squeeze3A_1648 = vector.extract %slice3A_1647[0] : f32 from vector<1xf32>
        %add3A_1649 = arith.constant 47 : i32
        %add3A_1650 = arith.addi %mul3A_695, %add3A_1649 : i32
        %get3A_1651 = arith.index_cast %add3A_1650 : i32 to index
        %get3A_1652 = arith.constant 0 : index
        %get3A_1653 = tpu.vector_load %arg11[%get3A_1651, %get3A_1652] {strides = array<i32>} : memref<1120x32xf32, #tpu.memory_space<vmem>>, vector<1x16xf32>,
        %get3A_1654 = vector.shape_cast %get3A_1653 : vector<1x16xf32> to vector<16xf32>
        %mul3A_1655 = vector.broadcast %squeeze3A_1648 : f32 to vector<16xf32>
        %mul3A_1656 = arith.mulf %get3A_1654, %mul3A_1655 : vector<16xf32>
        %add3A_1657 = arith.addf %add3A_1637, %mul3A_1656 : vector<16xf32>
        %add3A_1658 = arith.constant 47 : i32
        %add3A_1659 = arith.addi %mul3A_695, %add3A_1658 : i32
        %get3A_1660 = arith.index_cast %add3A_1659 : i32 to index
        %get3A_1661 = arith.constant 16 : index
        %get3A_1662 = tpu.vector_load %arg11[%get3A_1660, %get3A_1661] {strides = array<i32>} : memref<1120x32xf32, #tpu.memory_space<vmem>>, vector<1x16xf32>,
        %get3A_1663 = vector.shape_cast %get3A_1662 : vector<1x16xf32> to vector<16xf32>
        %mul3A_1664 = vector.broadcast %squeeze3A_1648 : f32 to vector<16xf32>
        %mul3A_1665 = arith.mulf %get3A_1663, %mul3A_1664 : vector<16xf32>
        %add3A_1666 = arith.addf %add3A_1646, %mul3A_1665 : vector<16xf32>
        %get3A_1667 = arith.index_cast %scan3A_692 : i32 to index
        %get3A_1668 = arith.constant 48 : index
        %get3A_1669 = tpu.vector_load %arg10[%get3A_1667, %get3A_1668] {strides = array<i32>} : memref<16x64xf32, #tpu.memory_space<vmem>>, vector<1x16xf32>,
        %get3A_1670 = vector.shape_cast %get3A_1669 : vector<1x16xf32> to vector<16xf32>
        %slice3A_1671 = vector.extract_strided_slice %get3A_1670 {offsets = [0], sizes = [1], strides = [1]} : vector<16xf32> to vector<1xf32>
        %squeeze3A_1672 = vector.extract %slice3A_1671[0] : f32 from vector<1xf32>
        %add3A_1673 = arith.constant 48 : i32
        %add3A_1674 = arith.addi %mul3A_695, %add3A_1673 : i32
        %get3A_1675 = arith.index_cast %add3A_1674 : i32 to index
        %get3A_1676 = arith.constant 0 : index
        %get3A_1677 = tpu.vector_load %arg11[%get3A_1675, %get3A_1676] {strides = array<i32>} : memref<1120x32xf32, #tpu.memory_space<vmem>>, vector<1x16xf32>,
        %get3A_1678 = vector.shape_cast %get3A_1677 : vector<1x16xf32> to vector<16xf32>
        %mul3A_1679 = vector.broadcast %squeeze3A_1672 : f32 to vector<16xf32>
        %mul3A_1680 = arith.mulf %get3A_1678, %mul3A_1679 : vector<16xf32>
        %add3A_1681 = arith.addf %add3A_1657, %mul3A_1680 : vector<16xf32>
        %add3A_1682 = arith.constant 48 : i32
        %add3A_1683 = arith.addi %mul3A_695, %add3A_1682 : i32
        %get3A_1684 = arith.index_cast %add3A_1683 : i32 to index
        %get3A_1685 = arith.constant 16 : index
        %get3A_1686 = tpu.vector_load %arg11[%get3A_1684, %get3A_1685] {strides = array<i32>} : memref<1120x32xf32, #tpu.memory_space<vmem>>, vector<1x16xf32>,
        %get3A_1687 = vector.shape_cast %get3A_1686 : vector<1x16xf32> to vector<16xf32>
        %mul3A_1688 = vector.broadcast %squeeze3A_1672 : f32 to vector<16xf32>
        %mul3A_1689 = arith.mulf %get3A_1687, %mul3A_1688 : vector<16xf32>
        %add3A_1690 = arith.addf %add3A_1666, %mul3A_1689 : vector<16xf32>
        %slice3A_1691 = vector.extract_strided_slice %get3A_1670 {offsets = [1], sizes = [1], strides = [1]} : vector<16xf32> to vector<1xf32>
        %squeeze3A_1692 = vector.extract %slice3A_1691[0] : f32 from vector<1xf32>
        %add3A_1693 = arith.constant 49 : i32
        %add3A_1694 = arith.addi %mul3A_695, %add3A_1693 : i32
        %get3A_1695 = arith.index_cast %add3A_1694 : i32 to index
        %get3A_1696 = arith.constant 0 : index
        %get3A_1697 = tpu.vector_load %arg11[%get3A_1695, %get3A_1696] {strides = array<i32>} : memref<1120x32xf32, #tpu.memory_space<vmem>>, vector<1x16xf32>,
        %get3A_1698 = vector.shape_cast %get3A_1697 : vector<1x16xf32> to vector<16xf32>
        %mul3A_1699 = vector.broadcast %squeeze3A_1692 : f32 to vector<16xf32>
        %mul3A_1700 = arith.mulf %get3A_1698, %mul3A_1699 : vector<16xf32>
        %add3A_1701 = arith.addf %add3A_1681, %mul3A_1700 : vector<16xf32>
        %add3A_1702 = arith.constant 49 : i32
        %add3A_1703 = arith.addi %mul3A_695, %add3A_1702 : i32
        %get3A_1704 = arith.index_cast %add3A_1703 : i32 to index
        %get3A_1705 = arith.constant 16 : index
        %get3A_1706 = tpu.vector_load %arg11[%get3A_1704, %get3A_1705] {strides = array<i32>} : memref<1120x32xf32, #tpu.memory_space<vmem>>, vector<1x16xf32>,
        %get3A_1707 = vector.shape_cast %get3A_1706 : vector<1x16xf32> to vector<16xf32>
        %mul3A_1708 = vector.broadcast %squeeze3A_1692 : f32 to vector<16xf32>
        %mul3A_1709 = arith.mulf %get3A_1707, %mul3A_1708 : vector<16xf32>
        %add3A_1710 = arith.addf %add3A_1690, %mul3A_1709 : vector<16xf32>
        %add3A_1711 = arith.constant 50 : i32
        %add3A_1712 = arith.addi %mul3A_695, %add3A_1711 : i32
        %add3A_1713 = arith.constant 0 : i32
        %add3A_1714 = arith.addi %add3A_1712, %add3A_1713 : i32
        %get3A_1715 = arith.index_cast %add3A_1714 : i32 to index
        %get3A_1716 = arith.constant 0 : index
        %get3A_1717 = tpu.vector_load %arg11[%get3A_1715, %get3A_1716] {strides = array<i32>} : memref<1120x32xf32, #tpu.memory_space<vmem>>, vector<1x16xf32>,
        %get3A_1718 = vector.shape_cast %get3A_1717 : vector<1x16xf32> to vector<16xf32>
        %add3A_1719 = arith.addf %broadcast_in_dim3A_697, %get3A_1718 : vector<16xf32>
        %get3A_1720 = arith.index_cast %add3A_1714 : i32 to index
        %get3A_1721 = arith.constant 16 : index
        %get3A_1722 = tpu.vector_load %arg11[%get3A_1720, %get3A_1721] {strides = array<i32>} : memref<1120x32xf32, #tpu.memory_space<vmem>>, vector<1x16xf32>,
        %get3A_1723 = vector.shape_cast %get3A_1722 : vector<1x16xf32> to vector<16xf32>
        %add3A_1724 = arith.addf %broadcast_in_dim3A_697, %get3A_1723 : vector<16xf32>
        %add3A_1725 = arith.constant 50 : i32
        %add3A_1726 = arith.addi %mul3A_695, %add3A_1725 : i32
        %add3A_1727 = arith.constant 1 : i32
        %add3A_1728 = arith.addi %add3A_1726, %add3A_1727 : i32
        %get3A_1729 = arith.index_cast %add3A_1728 : i32 to index
        %get3A_1730 = arith.constant 0 : index
        %get3A_1731 = tpu.vector_load %arg11[%get3A_1729, %get3A_1730] {strides = array<i32>} : memref<1120x32xf32, #tpu.memory_space<vmem>>, vector<1x16xf32>,
        %get3A_1732 = vector.shape_cast %get3A_1731 : vector<1x16xf32> to vector<16xf32>
        %add3A_1733 = arith.addf %add3A_1719, %get3A_1732 : vector<16xf32>
        %get3A_1734 = arith.index_cast %add3A_1728 : i32 to index
        %get3A_1735 = arith.constant 16 : index
        %get3A_1736 = tpu.vector_load %arg11[%get3A_1734, %get3A_1735] {strides = array<i32>} : memref<1120x32xf32, #tpu.memory_space<vmem>>, vector<1x16xf32>,
        %get3A_1737 = vector.shape_cast %get3A_1736 : vector<1x16xf32> to vector<16xf32>
        %add3A_1738 = arith.addf %add3A_1724, %get3A_1737 : vector<16xf32>
        %add3A_1739 = arith.constant 50 : i32
        %add3A_1740 = arith.addi %mul3A_695, %add3A_1739 : i32
        %add3A_1741 = arith.constant 2 : i32
        %add3A_1742 = arith.addi %add3A_1740, %add3A_1741 : i32
        %get3A_1743 = arith.index_cast %add3A_1742 : i32 to index
        %get3A_1744 = arith.constant 0 : index
        %get3A_1745 = tpu.vector_load %arg11[%get3A_1743, %get3A_1744] {strides = array<i32>} : memref<1120x32xf32, #tpu.memory_space<vmem>>, vector<1x16xf32>,
        %get3A_1746 = vector.shape_cast %get3A_1745 : vector<1x16xf32> to vector<16xf32>
        %add3A_1747 = arith.addf %add3A_1733, %get3A_1746 : vector<16xf32>
        %get3A_1748 = arith.index_cast %add3A_1742 : i32 to index
        %get3A_1749 = arith.constant 16 : index
        %get3A_1750 = tpu.vector_load %arg11[%get3A_1748, %get3A_1749] {strides = array<i32>} : memref<1120x32xf32, #tpu.memory_space<vmem>>, vector<1x16xf32>,
        %get3A_1751 = vector.shape_cast %get3A_1750 : vector<1x16xf32> to vector<16xf32>
        %add3A_1752 = arith.addf %add3A_1738, %get3A_1751 : vector<16xf32>
        %add3A_1753 = arith.constant 50 : i32
        %add3A_1754 = arith.addi %mul3A_695, %add3A_1753 : i32
        %add3A_1755 = arith.constant 3 : i32
        %add3A_1756 = arith.addi %add3A_1754, %add3A_1755 : i32
        %get3A_1757 = arith.index_cast %add3A_1756 : i32 to index
        %get3A_1758 = arith.constant 0 : index
        %get3A_1759 = tpu.vector_load %arg11[%get3A_1757, %get3A_1758] {strides = array<i32>} : memref<1120x32xf32, #tpu.memory_space<vmem>>, vector<1x16xf32>,
        %get3A_1760 = vector.shape_cast %get3A_1759 : vector<1x16xf32> to vector<16xf32>
        %add3A_1761 = arith.addf %add3A_1747, %get3A_1760 : vector<16xf32>
        %get3A_1762 = arith.index_cast %add3A_1756 : i32 to index
        %get3A_1763 = arith.constant 16 : index
        %get3A_1764 = tpu.vector_load %arg11[%get3A_1762, %get3A_1763] {strides = array<i32>} : memref<1120x32xf32, #tpu.memory_space<vmem>>, vector<1x16xf32>,
        %get3A_1765 = vector.shape_cast %get3A_1764 : vector<1x16xf32> to vector<16xf32>
        %add3A_1766 = arith.addf %add3A_1752, %get3A_1765 : vector<16xf32>
        %add3A_1767 = arith.constant 50 : i32
        %add3A_1768 = arith.addi %mul3A_695, %add3A_1767 : i32
        %add3A_1769 = arith.constant 4 : i32
        %add3A_1770 = arith.addi %add3A_1768, %add3A_1769 : i32
        %get3A_1771 = arith.index_cast %add3A_1770 : i32 to index
        %get3A_1772 = arith.constant 0 : index
        %get3A_1773 = tpu.vector_load %arg11[%get3A_1771, %get3A_1772] {strides = array<i32>} : memref<1120x32xf32, #tpu.memory_space<vmem>>, vector<1x16xf32>,
        %get3A_1774 = vector.shape_cast %get3A_1773 : vector<1x16xf32> to vector<16xf32>
        %add3A_1775 = arith.addf %add3A_1761, %get3A_1774 : vector<16xf32>
        %get3A_1776 = arith.index_cast %add3A_1770 : i32 to index
        %get3A_1777 = arith.constant 16 : index
        %get3A_1778 = tpu.vector_load %arg11[%get3A_1776, %get3A_1777] {strides = array<i32>} : memref<1120x32xf32, #tpu.memory_space<vmem>>, vector<1x16xf32>,
        %get3A_1779 = vector.shape_cast %get3A_1778 : vector<1x16xf32> to vector<16xf32>
        %add3A_1780 = arith.addf %add3A_1766, %get3A_1779 : vector<16xf32>
        %add3A_1781 = arith.constant 50 : i32
        %add3A_1782 = arith.addi %mul3A_695, %add3A_1781 : i32
        %add3A_1783 = arith.constant 5 : i32
        %add3A_1784 = arith.addi %add3A_1782, %add3A_1783 : i32
        %get3A_1785 = arith.index_cast %add3A_1784 : i32 to index
        %get3A_1786 = arith.constant 0 : index
        %get3A_1787 = tpu.vector_load %arg11[%get3A_1785, %get3A_1786] {strides = array<i32>} : memref<1120x32xf32, #tpu.memory_space<vmem>>, vector<1x16xf32>,
        %get3A_1788 = vector.shape_cast %get3A_1787 : vector<1x16xf32> to vector<16xf32>
        %add3A_1789 = arith.addf %add3A_1775, %get3A_1788 : vector<16xf32>
        %get3A_1790 = arith.index_cast %add3A_1784 : i32 to index
        %get3A_1791 = arith.constant 16 : index
        %get3A_1792 = tpu.vector_load %arg11[%get3A_1790, %get3A_1791] {strides = array<i32>} : memref<1120x32xf32, #tpu.memory_space<vmem>>, vector<1x16xf32>,
        %get3A_1793 = vector.shape_cast %get3A_1792 : vector<1x16xf32> to vector<16xf32>
        %add3A_1794 = arith.addf %add3A_1780, %get3A_1793 : vector<16xf32>
        %add3A_1795 = arith.constant 50 : i32
        %add3A_1796 = arith.addi %mul3A_695, %add3A_1795 : i32
        %add3A_1797 = arith.constant 6 : i32
        %add3A_1798 = arith.addi %add3A_1796, %add3A_1797 : i32
        %get3A_1799 = arith.index_cast %add3A_1798 : i32 to index
        %get3A_1800 = arith.constant 0 : index
        %get3A_1801 = tpu.vector_load %arg11[%get3A_1799, %get3A_1800] {strides = array<i32>} : memref<1120x32xf32, #tpu.memory_space<vmem>>, vector<1x16xf32>,
        %get3A_1802 = vector.shape_cast %get3A_1801 : vector<1x16xf32> to vector<16xf32>
        %add3A_1803 = arith.addf %add3A_1789, %get3A_1802 : vector<16xf32>
        %get3A_1804 = arith.index_cast %add3A_1798 : i32 to index
        %get3A_1805 = arith.constant 16 : index
        %get3A_1806 = tpu.vector_load %arg11[%get3A_1804, %get3A_1805] {strides = array<i32>} : memref<1120x32xf32, #tpu.memory_space<vmem>>, vector<1x16xf32>,
        %get3A_1807 = vector.shape_cast %get3A_1806 : vector<1x16xf32> to vector<16xf32>
        %add3A_1808 = arith.addf %add3A_1794, %get3A_1807 : vector<16xf32>
        %add3A_1809 = arith.constant 50 : i32
        %add3A_1810 = arith.addi %mul3A_695, %add3A_1809 : i32
        %add3A_1811 = arith.constant 7 : i32
        %add3A_1812 = arith.addi %add3A_1810, %add3A_1811 : i32
        %get3A_1813 = arith.index_cast %add3A_1812 : i32 to index
        %get3A_1814 = arith.constant 0 : index
        %get3A_1815 = tpu.vector_load %arg11[%get3A_1813, %get3A_1814] {strides = array<i32>} : memref<1120x32xf32, #tpu.memory_space<vmem>>, vector<1x16xf32>,
        %get3A_1816 = vector.shape_cast %get3A_1815 : vector<1x16xf32> to vector<16xf32>
        %add3A_1817 = arith.addf %add3A_1803, %get3A_1816 : vector<16xf32>
        %get3A_1818 = arith.index_cast %add3A_1812 : i32 to index
        %get3A_1819 = arith.constant 16 : index
        %get3A_1820 = tpu.vector_load %arg11[%get3A_1818, %get3A_1819] {strides = array<i32>} : memref<1120x32xf32, #tpu.memory_space<vmem>>, vector<1x16xf32>,
        %get3A_1821 = vector.shape_cast %get3A_1820 : vector<1x16xf32> to vector<16xf32>
        %add3A_1822 = arith.addf %add3A_1808, %get3A_1821 : vector<16xf32>
        %add3A_1823 = arith.constant 50 : i32
        %add3A_1824 = arith.addi %mul3A_695, %add3A_1823 : i32
        %add3A_1825 = arith.constant 8 : i32
        %add3A_1826 = arith.addi %add3A_1824, %add3A_1825 : i32
        %get3A_1827 = arith.index_cast %add3A_1826 : i32 to index
        %get3A_1828 = arith.constant 0 : index
        %get3A_1829 = tpu.vector_load %arg11[%get3A_1827, %get3A_1828] {strides = array<i32>} : memref<1120x32xf32, #tpu.memory_space<vmem>>, vector<1x16xf32>,
        %get3A_1830 = vector.shape_cast %get3A_1829 : vector<1x16xf32> to vector<16xf32>
        %add3A_1831 = arith.addf %add3A_1817, %get3A_1830 : vector<16xf32>
        %get3A_1832 = arith.index_cast %add3A_1826 : i32 to index
        %get3A_1833 = arith.constant 16 : index
        %get3A_1834 = tpu.vector_load %arg11[%get3A_1832, %get3A_1833] {strides = array<i32>} : memref<1120x32xf32, #tpu.memory_space<vmem>>, vector<1x16xf32>,
        %get3A_1835 = vector.shape_cast %get3A_1834 : vector<1x16xf32> to vector<16xf32>
        %add3A_1836 = arith.addf %add3A_1822, %get3A_1835 : vector<16xf32>
        %add3A_1837 = arith.constant 50 : i32
        %add3A_1838 = arith.addi %mul3A_695, %add3A_1837 : i32
        %add3A_1839 = arith.constant 9 : i32
        %add3A_1840 = arith.addi %add3A_1838, %add3A_1839 : i32
        %get3A_1841 = arith.index_cast %add3A_1840 : i32 to index
        %get3A_1842 = arith.constant 0 : index
        %get3A_1843 = tpu.vector_load %arg11[%get3A_1841, %get3A_1842] {strides = array<i32>} : memref<1120x32xf32, #tpu.memory_space<vmem>>, vector<1x16xf32>,
        %get3A_1844 = vector.shape_cast %get3A_1843 : vector<1x16xf32> to vector<16xf32>
        %add3A_1845 = arith.addf %add3A_1831, %get3A_1844 : vector<16xf32>
        %get3A_1846 = arith.index_cast %add3A_1840 : i32 to index
        %get3A_1847 = arith.constant 16 : index
        %get3A_1848 = tpu.vector_load %arg11[%get3A_1846, %get3A_1847] {strides = array<i32>} : memref<1120x32xf32, #tpu.memory_space<vmem>>, vector<1x16xf32>,
        %get3A_1849 = vector.shape_cast %get3A_1848 : vector<1x16xf32> to vector<16xf32>
        %add3A_1850 = arith.addf %add3A_1836, %get3A_1849 : vector<16xf32>
        %add3A_1851 = arith.constant 50 : i32
        %add3A_1852 = arith.addi %mul3A_695, %add3A_1851 : i32
        %add3A_1853 = arith.constant 10 : i32
        %add3A_1854 = arith.addi %add3A_1852, %add3A_1853 : i32
        %get3A_1855 = arith.index_cast %add3A_1854 : i32 to index
        %get3A_1856 = arith.constant 0 : index
        %get3A_1857 = tpu.vector_load %arg11[%get3A_1855, %get3A_1856] {strides = array<i32>} : memref<1120x32xf32, #tpu.memory_space<vmem>>, vector<1x16xf32>,
        %get3A_1858 = vector.shape_cast %get3A_1857 : vector<1x16xf32> to vector<16xf32>
        %add3A_1859 = arith.addf %add3A_1845, %get3A_1858 : vector<16xf32>
        %get3A_1860 = arith.index_cast %add3A_1854 : i32 to index
        %get3A_1861 = arith.constant 16 : index
        %get3A_1862 = tpu.vector_load %arg11[%get3A_1860, %get3A_1861] {strides = array<i32>} : memref<1120x32xf32, #tpu.memory_space<vmem>>, vector<1x16xf32>,
        %get3A_1863 = vector.shape_cast %get3A_1862 : vector<1x16xf32> to vector<16xf32>
        %add3A_1864 = arith.addf %add3A_1850, %get3A_1863 : vector<16xf32>
        %add3A_1865 = arith.constant 50 : i32
        %add3A_1866 = arith.addi %mul3A_695, %add3A_1865 : i32
        %add3A_1867 = arith.constant 11 : i32
        %add3A_1868 = arith.addi %add3A_1866, %add3A_1867 : i32
        %get3A_1869 = arith.index_cast %add3A_1868 : i32 to index
        %get3A_1870 = arith.constant 0 : index
        %get3A_1871 = tpu.vector_load %arg11[%get3A_1869, %get3A_1870] {strides = array<i32>} : memref<1120x32xf32, #tpu.memory_space<vmem>>, vector<1x16xf32>,
        %get3A_1872 = vector.shape_cast %get3A_1871 : vector<1x16xf32> to vector<16xf32>
        %add3A_1873 = arith.addf %add3A_1859, %get3A_1872 : vector<16xf32>
        %get3A_1874 = arith.index_cast %add3A_1868 : i32 to index
        %get3A_1875 = arith.constant 16 : index
        %get3A_1876 = tpu.vector_load %arg11[%get3A_1874, %get3A_1875] {strides = array<i32>} : memref<1120x32xf32, #tpu.memory_space<vmem>>, vector<1x16xf32>,
        %get3A_1877 = vector.shape_cast %get3A_1876 : vector<1x16xf32> to vector<16xf32>
        %add3A_1878 = arith.addf %add3A_1864, %get3A_1877 : vector<16xf32>
        %add3A_1879 = arith.constant 50 : i32
        %add3A_1880 = arith.addi %mul3A_695, %add3A_1879 : i32
        %add3A_1881 = arith.constant 12 : i32
        %add3A_1882 = arith.addi %add3A_1880, %add3A_1881 : i32
        %get3A_1883 = arith.index_cast %add3A_1882 : i32 to index
        %get3A_1884 = arith.constant 0 : index
        %get3A_1885 = tpu.vector_load %arg11[%get3A_1883, %get3A_1884] {strides = array<i32>} : memref<1120x32xf32, #tpu.memory_space<vmem>>, vector<1x16xf32>,
        %get3A_1886 = vector.shape_cast %get3A_1885 : vector<1x16xf32> to vector<16xf32>
        %add3A_1887 = arith.addf %add3A_1873, %get3A_1886 : vector<16xf32>
        %get3A_1888 = arith.index_cast %add3A_1882 : i32 to index
        %get3A_1889 = arith.constant 16 : index
        %get3A_1890 = tpu.vector_load %arg11[%get3A_1888, %get3A_1889] {strides = array<i32>} : memref<1120x32xf32, #tpu.memory_space<vmem>>, vector<1x16xf32>,
        %get3A_1891 = vector.shape_cast %get3A_1890 : vector<1x16xf32> to vector<16xf32>
        %add3A_1892 = arith.addf %add3A_1878, %get3A_1891 : vector<16xf32>
        %add3A_1893 = arith.constant 50 : i32
        %add3A_1894 = arith.addi %mul3A_695, %add3A_1893 : i32
        %add3A_1895 = arith.constant 13 : i32
        %add3A_1896 = arith.addi %add3A_1894, %add3A_1895 : i32
        %get3A_1897 = arith.index_cast %add3A_1896 : i32 to index
        %get3A_1898 = arith.constant 0 : index
        %get3A_1899 = tpu.vector_load %arg11[%get3A_1897, %get3A_1898] {strides = array<i32>} : memref<1120x32xf32, #tpu.memory_space<vmem>>, vector<1x16xf32>,
        %get3A_1900 = vector.shape_cast %get3A_1899 : vector<1x16xf32> to vector<16xf32>
        %add3A_1901 = arith.addf %add3A_1887, %get3A_1900 : vector<16xf32>
        %get3A_1902 = arith.index_cast %add3A_1896 : i32 to index
        %get3A_1903 = arith.constant 16 : index
        %get3A_1904 = tpu.vector_load %arg11[%get3A_1902, %get3A_1903] {strides = array<i32>} : memref<1120x32xf32, #tpu.memory_space<vmem>>, vector<1x16xf32>,
        %get3A_1905 = vector.shape_cast %get3A_1904 : vector<1x16xf32> to vector<16xf32>
        %add3A_1906 = arith.addf %add3A_1892, %get3A_1905 : vector<16xf32>
        %add3A_1907 = arith.constant 50 : i32
        %add3A_1908 = arith.addi %mul3A_695, %add3A_1907 : i32
        %add3A_1909 = arith.constant 14 : i32
        %add3A_1910 = arith.addi %add3A_1908, %add3A_1909 : i32
        %get3A_1911 = arith.index_cast %add3A_1910 : i32 to index
        %get3A_1912 = arith.constant 0 : index
        %get3A_1913 = tpu.vector_load %arg11[%get3A_1911, %get3A_1912] {strides = array<i32>} : memref<1120x32xf32, #tpu.memory_space<vmem>>, vector<1x16xf32>,
        %get3A_1914 = vector.shape_cast %get3A_1913 : vector<1x16xf32> to vector<16xf32>
        %add3A_1915 = arith.addf %add3A_1901, %get3A_1914 : vector<16xf32>
        %get3A_1916 = arith.index_cast %add3A_1910 : i32 to index
        %get3A_1917 = arith.constant 16 : index
        %get3A_1918 = tpu.vector_load %arg11[%get3A_1916, %get3A_1917] {strides = array<i32>} : memref<1120x32xf32, #tpu.memory_space<vmem>>, vector<1x16xf32>,
        %get3A_1919 = vector.shape_cast %get3A_1918 : vector<1x16xf32> to vector<16xf32>
        %add3A_1920 = arith.addf %add3A_1906, %get3A_1919 : vector<16xf32>
        %add3A_1921 = arith.constant 50 : i32
        %add3A_1922 = arith.addi %mul3A_695, %add3A_1921 : i32
        %add3A_1923 = arith.constant 15 : i32
        %add3A_1924 = arith.addi %add3A_1922, %add3A_1923 : i32
        %get3A_1925 = arith.index_cast %add3A_1924 : i32 to index
        %get3A_1926 = arith.constant 0 : index
        %get3A_1927 = tpu.vector_load %arg11[%get3A_1925, %get3A_1926] {strides = array<i32>} : memref<1120x32xf32, #tpu.memory_space<vmem>>, vector<1x16xf32>,
        %get3A_1928 = vector.shape_cast %get3A_1927 : vector<1x16xf32> to vector<16xf32>
        %add3A_1929 = arith.addf %add3A_1915, %get3A_1928 : vector<16xf32>
        %get3A_1930 = arith.index_cast %add3A_1924 : i32 to index
        %get3A_1931 = arith.constant 16 : index
        %get3A_1932 = tpu.vector_load %arg11[%get3A_1930, %get3A_1931] {strides = array<i32>} : memref<1120x32xf32, #tpu.memory_space<vmem>>, vector<1x16xf32>,
        %get3A_1933 = vector.shape_cast %get3A_1932 : vector<1x16xf32> to vector<16xf32>
        %add3A_1934 = arith.addf %add3A_1920, %get3A_1933 : vector<16xf32>
        %add3A_1935 = arith.constant 50 : i32
        %add3A_1936 = arith.addi %mul3A_695, %add3A_1935 : i32
        %add3A_1937 = arith.constant 16 : i32
        %add3A_1938 = arith.addi %add3A_1936, %add3A_1937 : i32
        %get3A_1939 = arith.index_cast %add3A_1938 : i32 to index
        %get3A_1940 = arith.constant 0 : index
        %get3A_1941 = tpu.vector_load %arg11[%get3A_1939, %get3A_1940] {strides = array<i32>} : memref<1120x32xf32, #tpu.memory_space<vmem>>, vector<1x16xf32>,
        %get3A_1942 = vector.shape_cast %get3A_1941 : vector<1x16xf32> to vector<16xf32>
        %add3A_1943 = arith.addf %add3A_1929, %get3A_1942 : vector<16xf32>
        %get3A_1944 = arith.index_cast %add3A_1938 : i32 to index
        %get3A_1945 = arith.constant 16 : index
        %get3A_1946 = tpu.vector_load %arg11[%get3A_1944, %get3A_1945] {strides = array<i32>} : memref<1120x32xf32, #tpu.memory_space<vmem>>, vector<1x16xf32>,
        %get3A_1947 = vector.shape_cast %get3A_1946 : vector<1x16xf32> to vector<16xf32>
        %add3A_1948 = arith.addf %add3A_1934, %get3A_1947 : vector<16xf32>
        %add3A_1949 = arith.constant 50 : i32
        %add3A_1950 = arith.addi %mul3A_695, %add3A_1949 : i32
        %add3A_1951 = arith.constant 17 : i32
        %add3A_1952 = arith.addi %add3A_1950, %add3A_1951 : i32
        %get3A_1953 = arith.index_cast %add3A_1952 : i32 to index
        %get3A_1954 = arith.constant 0 : index
        %get3A_1955 = tpu.vector_load %arg11[%get3A_1953, %get3A_1954] {strides = array<i32>} : memref<1120x32xf32, #tpu.memory_space<vmem>>, vector<1x16xf32>,
        %get3A_1956 = vector.shape_cast %get3A_1955 : vector<1x16xf32> to vector<16xf32>
        %add3A_1957 = arith.addf %add3A_1943, %get3A_1956 : vector<16xf32>
        %get3A_1958 = arith.index_cast %add3A_1952 : i32 to index
        %get3A_1959 = arith.constant 16 : index
        %get3A_1960 = tpu.vector_load %arg11[%get3A_1958, %get3A_1959] {strides = array<i32>} : memref<1120x32xf32, #tpu.memory_space<vmem>>, vector<1x16xf32>,
        %get3A_1961 = vector.shape_cast %get3A_1960 : vector<1x16xf32> to vector<16xf32>
        %add3A_1962 = arith.addf %add3A_1948, %get3A_1961 : vector<16xf32>
        %add3A_1963 = arith.constant 50 : i32
        %add3A_1964 = arith.addi %mul3A_695, %add3A_1963 : i32
        %add3A_1965 = arith.constant 18 : i32
        %add3A_1966 = arith.addi %add3A_1964, %add3A_1965 : i32
        %get3A_1967 = arith.index_cast %add3A_1966 : i32 to index
        %get3A_1968 = arith.constant 0 : index
        %get3A_1969 = tpu.vector_load %arg11[%get3A_1967, %get3A_1968] {strides = array<i32>} : memref<1120x32xf32, #tpu.memory_space<vmem>>, vector<1x16xf32>,
        %get3A_1970 = vector.shape_cast %get3A_1969 : vector<1x16xf32> to vector<16xf32>
        %add3A_1971 = arith.addf %add3A_1957, %get3A_1970 : vector<16xf32>
        %get3A_1972 = arith.index_cast %add3A_1966 : i32 to index
        %get3A_1973 = arith.constant 16 : index
        %get3A_1974 = tpu.vector_load %arg11[%get3A_1972, %get3A_1973] {strides = array<i32>} : memref<1120x32xf32, #tpu.memory_space<vmem>>, vector<1x16xf32>,
        %get3A_1975 = vector.shape_cast %get3A_1974 : vector<1x16xf32> to vector<16xf32>
        %add3A_1976 = arith.addf %add3A_1962, %get3A_1975 : vector<16xf32>
        %add3A_1977 = arith.constant 50 : i32
        %add3A_1978 = arith.addi %mul3A_695, %add3A_1977 : i32
        %add3A_1979 = arith.constant 19 : i32
        %add3A_1980 = arith.addi %add3A_1978, %add3A_1979 : i32
        %get3A_1981 = arith.index_cast %add3A_1980 : i32 to index
        %get3A_1982 = arith.constant 0 : index
        %get3A_1983 = tpu.vector_load %arg11[%get3A_1981, %get3A_1982] {strides = array<i32>} : memref<1120x32xf32, #tpu.memory_space<vmem>>, vector<1x16xf32>,
        %get3A_1984 = vector.shape_cast %get3A_1983 : vector<1x16xf32> to vector<16xf32>
        %add3A_1985 = arith.addf %add3A_1971, %get3A_1984 : vector<16xf32>
        %get3A_1986 = arith.index_cast %add3A_1980 : i32 to index
        %get3A_1987 = arith.constant 16 : index
        %get3A_1988 = tpu.vector_load %arg11[%get3A_1986, %get3A_1987] {strides = array<i32>} : memref<1120x32xf32, #tpu.memory_space<vmem>>, vector<1x16xf32>,
        %get3A_1989 = vector.shape_cast %get3A_1988 : vector<1x16xf32> to vector<16xf32>
        %add3A_1990 = arith.addf %add3A_1976, %get3A_1989 : vector<16xf32>
        %mul3A_1991 = arith.mulf %add3A_1701, %add3A_1985 : vector<16xf32>
        %mul3A_1992 = arith.mulf %add3A_1710, %add3A_1990 : vector<16xf32>
        %add3A_1993 = arith.addf %mul3A_1991, %mul3A_1992 : vector<16xf32>
        %xor3A = arith.constant 8 : i32
        %xor3A_1994 = vector.broadcast %xor3A : i32 to vector<16xi32>
        %xor3A_1995 = arith.xori %iota3A_676, %xor3A_1994 : vector<16xi32>
        %lt3A_1996 = arith.constant 0 : i32
        %lt3A_1997 = vector.broadcast %lt3A_1996 : i32 to vector<16xi32>
        %lt3A_1998 = arith.cmpi slt, %xor3A_1995, %lt3A_1997 : vector<16xi32>
        %add3A_1999 = arith.constant 16 : i32
        %add3A_2000 = vector.broadcast %add3A_1999 : i32 to vector<16xi32>
        %add3A_2001 = arith.addi %xor3A_1995, %add3A_2000 : vector<16xi32>
        %select_n3A = arith.select %lt3A_1998, %add3A_2001, %xor3A_1995 : vector<16xi1>, vector<16xi32>
        %broadcast_in_dim3A_2002 = vector.shape_cast %select_n3A : vector<16xi32> to vector<16x1xi32>
        %gather3A = vector.shape_cast %broadcast_in_dim3A_2002 : vector<16x1xi32> to vector<16xi32>
        %gather3A_2003 = tpu.dynamic_gather %add3A_1993[%gather3A] in [0] : vector<16xf32>, vector<16xi32> -> vector<16xf32>
        %add3A_2004 = arith.addf %add3A_1993, %gather3A_2003 : vector<16xf32>
        %xor3A_2005 = arith.constant 4 : i32
        %xor3A_2006 = vector.broadcast %xor3A_2005 : i32 to vector<16xi32>
        %xor3A_2007 = arith.xori %iota3A_676, %xor3A_2006 : vector<16xi32>
        %lt3A_2008 = arith.constant 0 : i32
        %lt3A_2009 = vector.broadcast %lt3A_2008 : i32 to vector<16xi32>
        %lt3A_2010 = arith.cmpi slt, %xor3A_2007, %lt3A_2009 : vector<16xi32>
        %add3A_2011 = arith.constant 16 : i32
        %add3A_2012 = vector.broadcast %add3A_2011 : i32 to vector<16xi32>
        %add3A_2013 = arith.addi %xor3A_2007, %add3A_2012 : vector<16xi32>
        %select_n3A_2014 = arith.select %lt3A_2010, %add3A_2013, %xor3A_2007 : vector<16xi1>, vector<16xi32>
        %broadcast_in_dim3A_2015 = vector.shape_cast %select_n3A_2014 : vector<16xi32> to vector<16x1xi32>
        %gather3A_2016 = vector.shape_cast %broadcast_in_dim3A_2015 : vector<16x1xi32> to vector<16xi32>
        %gather3A_2017 = tpu.dynamic_gather %add3A_2004[%gather3A_2016] in [0] : vector<16xf32>, vector<16xi32> -> vector<16xf32>
        %add3A_2018 = arith.addf %add3A_2004, %gather3A_2017 : vector<16xf32>
        %xor3A_2019 = arith.constant 2 : i32
        %xor3A_2020 = vector.broadcast %xor3A_2019 : i32 to vector<16xi32>
        %xor3A_2021 = arith.xori %iota3A_676, %xor3A_2020 : vector<16xi32>
        %lt3A_2022 = arith.constant 0 : i32
        %lt3A_2023 = vector.broadcast %lt3A_2022 : i32 to vector<16xi32>
        %lt3A_2024 = arith.cmpi slt, %xor3A_2021, %lt3A_2023 : vector<16xi32>
        %add3A_2025 = arith.constant 16 : i32
        %add3A_2026 = vector.broadcast %add3A_2025 : i32 to vector<16xi32>
        %add3A_2027 = arith.addi %xor3A_2021, %add3A_2026 : vector<16xi32>
        %select_n3A_2028 = arith.select %lt3A_2024, %add3A_2027, %xor3A_2021 : vector<16xi1>, vector<16xi32>
        %broadcast_in_dim3A_2029 = vector.shape_cast %select_n3A_2028 : vector<16xi32> to vector<16x1xi32>
        %gather3A_2030 = vector.shape_cast %broadcast_in_dim3A_2029 : vector<16x1xi32> to vector<16xi32>
        %gather3A_2031 = tpu.dynamic_gather %add3A_2018[%gather3A_2030] in [0] : vector<16xf32>, vector<16xi32> -> vector<16xf32>
        %add3A_2032 = arith.addf %add3A_2018, %gather3A_2031 : vector<16xf32>
        %xor3A_2033 = arith.constant 1 : i32
        %xor3A_2034 = vector.broadcast %xor3A_2033 : i32 to vector<16xi32>
        %xor3A_2035 = arith.xori %iota3A_676, %xor3A_2034 : vector<16xi32>
        %lt3A_2036 = arith.constant 0 : i32
        %lt3A_2037 = vector.broadcast %lt3A_2036 : i32 to vector<16xi32>
        %lt3A_2038 = arith.cmpi slt, %xor3A_2035, %lt3A_2037 : vector<16xi32>
        %add3A_2039 = arith.constant 16 : i32
        %add3A_2040 = vector.broadcast %add3A_2039 : i32 to vector<16xi32>
        %add3A_2041 = arith.addi %xor3A_2035, %add3A_2040 : vector<16xi32>
        %select_n3A_2042 = arith.select %lt3A_2038, %add3A_2041, %xor3A_2035 : vector<16xi1>, vector<16xi32>
        %broadcast_in_dim3A_2043 = vector.shape_cast %select_n3A_2042 : vector<16xi32> to vector<16x1xi32>
        %gather3A_2044 = vector.shape_cast %broadcast_in_dim3A_2043 : vector<16x1xi32> to vector<16xi32>
        %gather3A_2045 = tpu.dynamic_gather %add3A_2032[%gather3A_2044] in [0] : vector<16xf32>, vector<16xi32> -> vector<16xf32>
        %add3A_2046 = arith.addf %add3A_2032, %gather3A_2045 : vector<16xf32>
        %eq3A = vector.broadcast %scan3A_692 : i32 to vector<16xi32>
        %eq3A_2047 = arith.cmpi eq, %iota3A_676, %eq3A : vector<16xi32>
        %select_n3A_2048 = arith.select %eq3A_2047, %add3A_2046, %scan3A_693 : vector<16xi1>, vector<16xf32>
        scf.yield %select_n3A_2048 : vector<16xf32>
      }
      %scan3A_684 = arith.constant 16 : i32
      %mul3A_685 = arith.constant 16 : i32
      %mul3A_686 = arith.muli %add3A_675, %mul3A_685 : i32
      %swap3A_687 = arith.index_cast %mul3A_686 : i32 to index
      %swap3A_688 = tpu.vector_load %arg12[%swap3A_687] {strides = array<i32>} : memref<512xf32, #tpu.memory_space<vmem>>, vector<16xf32>,
      %swap3A_689 = vector.shape_cast %swap3A_688 : vector<16xf32> to vector<16xf32>
      %swap3A_690 = vector.shape_cast %scan3A_683 : vector<16xf32> to vector<16xf32>
      tpu.vector_store %arg12[%swap3A_687], %swap3A_690 {strides = array<i32>} : memref<512xf32, #tpu.memory_space<vmem>>, vector<16xf32>,
      %scan3A_691 = arith.constant 0 : i32
      scf.yield %scan3A_691 : i32
    }
    %scan3A_169 = arith.constant 16 : i32
    "tpu.region"() ({
      %run_scoped3A = tpu.sem_alloc : memref<!tpu.dma_semaphore, #tpu.memory_space<semaphore_mem>>
      %dma_start3A_170 = tpu.memref_slice %arg5[%mul3A_2] : memref<16384xf32, #tpu.memory_space<hbm>> -> memref<512xf32, #tpu.memory_space<hbm>>
      %dma_start3A_171 = tpu.memref_slice %arg5[%mul3A_2] : memref<16384xf32, #tpu.memory_space<hbm>> -> memref<512xf32, #tpu.memory_space<hbm>>
      tpu.enqueue_dma source(%arg12 : memref<512xf32, #tpu.memory_space<vmem>>) target(%dma_start3A_171 : memref<512xf32, #tpu.memory_space<hbm>>) target_semaphore(%run_scoped3A : memref<!tpu.dma_semaphore, #tpu.memory_space<semaphore_mem>>)
      %dma_wait3A = tpu.memref_slice %arg5[%mul3A_2] : memref<16384xf32, #tpu.memory_space<hbm>> -> memref<512xf32, #tpu.memory_space<hbm>>
      %dma_wait3A_172 = tpu.memref_slice %arg5[%mul3A_2] : memref<16384xf32, #tpu.memory_space<hbm>> -> memref<512xf32, #tpu.memory_space<hbm>>
      tpu.wait_dma2 semaphore(%run_scoped3A : memref<!tpu.dma_semaphore, #tpu.memory_space<semaphore_mem>>) src(%arg12 : memref<512xf32, #tpu.memory_space<vmem>>) dst(%dma_wait3A_172 : memref<512xf32, #tpu.memory_space<hbm>>)
      tpu.yield
    }) : () -> ()
    return
  }
}

</mosaic_0001>

<sc_bundles>
// kernel: kernel.3.cloned.1.call-start
scs
__scs_entry_jumppad:
0x0: {  	(pc) =	sbr.rel $0x88, $3  }
0x1: {  	(tag) =	ssettag $0x0;
	lr =	simm.s32 $0x1  }
0x2: {  	[smem:$0x3F9D] =	sst lr;
	_ =	strace $0xD0000000  }
0x3: {  	_ = 	snop  }
0x4: {  	_ = 	snop  }
0x5: {  	_ = 	snop  }
0x6: {  	_ = 	snop  }
0x7: {  	_ = 	snop  }
__scs_overlays_trampoline_lowered:
0x8: {  	[smem:$0x3FAC] =	sst s0  }
0x9: {  	[smem:$0x3FAD] =	sst s1  }
0xa: {  	[smem:$0x3FAE] =	sst s2  }
0xb: {  	[smem:$0x3FAF] =	sst s3  }
0xc: {  	[smem:$0x3FB0] =	sst s4  }
0xd: {  	[smem:$0x3FB1] =	sst s5  }
0xe: {  	[smem:$0x3FB2] =	sst s6  }
0xf: {  	[smem:$0x3FB3] =	sst s7  }
0x10: {  	[smem:$0x3FB4] =	sst s8  }
0x11: {  	[smem:$0x3FB5] =	sst s9;
	s0 =	simm.s32 @!p0 $0x0  }
0x12: {  	s1 =	sld [smem:$0x3F9B];
	s0 =	simm.s32 @p0 $0x1  }
0x13: {  	[smem:$0x3FB6] =	sst s0;
	s0 =	simm.s32 @!p1 $0x0  }
0x14: {  	s2 =	sld [smem:$0x3F9A];
	s0 =	simm.s32 @p1 $0x1  }
0x15: {  	[smem:$0x3FB7] =	sst s0;
	s0 =	simm.s32 @!p2 $0x0  }
0x16: {  	s3 =	sld [smem:$0x3FDB];
	s0 =	simm.s32 @p2 $0x1  }
0x17: {  	s4 =	simm.s32 $0x1BF5;
	[smem:$0x3FB9] =	sst s0  }
0x18: {  	s0 =	sld [smem:$0x3F9C];
	_ =	swait.ge [sflag:s4], $0x0  }
0x19: {  	s7 =	sld [smem:$0x3F9D]  }
0x1a: {  	s8 =	sadd.s32 $0xFFFFE003, lr  }
0x1b: {  	s9 =	sadd.s32 $0xFFFFFEF7, lr;
	s5 =	simm.s32 $0xFFFFFFFF;
	p2 =	slt.u32 s8, $0xFFFFF086  }
0x1c: {  	p1 =	slt.u32 s9, $0xF7A;
	s5 =	simm.s32 @!p2 $0x0  }
0x1d: {  	s5 =	simm.s32 @p1 $0x1;
	p0 =	seq.s32 s7, s2  }
0x1e: {  	s7 =	smul.u32 @!p0 $0xF7A, s2;
	p2 =	seq.s32 @!p0 s5, $0x0  }
0x1f: {  	s9 =	smul.u32 $0xF7A, s1;
	s8 =	simm.s32 @!p0 $0x1BF5;
	p2 =	por !p2, p0  }
0x20: {  	[sflag:s8] =	ssyncset.s32 @!p0 $0xFFFFF086;
	s6 =	sadd.s32 @!p0 s3, s7;
	s7 =	simm.s32 @!p0 $0x108  }
0x21: {  	s3 =	sadd.s32 s3, s9;
	s6 =	sadd.s32 @!p0 $0x88, s6;
	s7 =	simm.s32 @p2 $0x1082  }
0x22: {  	[simem:s7], [sflag:s8] =	dma.local @!p0 [hbm:s6], $0xF7A  }
0x23: {  	s9 =	sor.u32 $0xD0000000, s2;
	s6 =	simm.s32 $0x108;
	_ =	swait.ge @!p0 [sflag:s8], $0x0  }
0x24: {  	s3 =	sadd.s32 $0x88, s3;
	s6 =	simm.s32 @!p1 $0x1082;
	[sflag:s4] =	ssyncset.s32 $0xFFFFF086  }
0x25: {  	[simem:s6], [sflag:s4] =	dma.local [hbm:s3], $0xF7A  }
0x26: {  	[smem:$0x3F9D] =	sst s1;
	(tag) =	ssettag s2;
	_ =	strace s9  }
0x27: {  	s1 =	sld [smem:$0x3FAD]  }
0x28: {  	s2 =	sld [smem:$0x3FAE]  }
0x29: {  	s4 =	sld [smem:$0x3FB0]  }
0x2a: {  	p0 =	seq.s32 s5, $0x0;
	s5 =	sld [smem:$0x3FB1]  }
0x2b: {  	s6 =	sld [smem:$0x3FB2]  }
0x2c: {  	s7 =	sld [smem:$0x3FB3]  }
0x2d: {  	s3 =	simm.s32 $0x108;
	s8 =	sld [smem:$0x3FB4]  }
0x2e: {  	s3 =	simm.s32 @!p0 $0x1082;
	s9 =	sld [smem:$0x3FB5]  }
0x2f: {  	lr =	sadd.s32 s0, s3;
	s0 =	sld [smem:$0x3FAC]  }
0x30: {  	s3 =	sld [smem:$0x3FAF]  }
0x31: {  	[smem:$0x3FB8] =	sst s10  }
0x32: {  	s10 =	sld [smem:$0x3FB6];
	_ =	sdelay $0x3  }
0x33: {  	p0 =	seq.s32 s10, $0x1;
	s10 =	sld [smem:$0x3FB8];
	_ =	sdelay $0x3  }
0x34: {  	[smem:$0x3FB8] =	sst s10  }
0x35: {  	s10 =	sld [smem:$0x3FB7];
	_ =	sdelay $0x3  }
0x36: {  	p1 =	seq.s32 s10, $0x1;
	s10 =	sld [smem:$0x3FB8];
	_ =	sdelay $0x3  }
0x37: {  	[smem:$0x3FB8] =	sst s10  }
0x38: {  	s10 =	sld [smem:$0x3FB9]  }
0x39: {  	_ = 	snop;
	(pc) =	sbr.ind lr, $3  }
0x3a: {  	_ = 	snop  }
0x3b: {  	_ = 	snop  }
0x3c: {  	p2 =	seq.s32 s10, $0x1;
	s10 =	sld [smem:$0x3FB8]  }
0x3d: {  	_ =	shalt  }
0x3e: {  	_ =	shalt  }
0x3f: {  	_ =	shalt  }
0x40: {  	_ =	shalt  }
0x41: {  	_ =	shalt  }
0x42: {  	_ =	shalt  }
0x43: {  	_ =	shalt  }
0x44: {  	_ =	shalt  }
0x45: {  	_ =	shalt  }
0x46: {  	_ =	shalt  }
0x47: {  	_ =	shalt  }
0x48: {  	_ =	shalt  }
0x49: {  	_ =	shalt  }
0x4a: {  	_ =	shalt  }
0x4b: {  	_ =	shalt  }
0x4c: {  	_ =	shalt  }
0x4d: {  	_ =	shalt  }
0x4e: {  	_ =	shalt  }
0x4f: {  	_ =	shalt  }
0x50: {  	_ =	shalt  }
0x51: {  	_ =	shalt  }
0x52: {  	_ =	shalt  }
0x53: {  	_ =	shalt  }
0x54: {  	_ =	shalt  }
0x55: {  	_ =	shalt  }
0x56: {  	_ =	shalt  }
0x57: {  	_ =	shalt  }
0x58: {  	_ =	shalt  }
0x59: {  	_ =	shalt  }
0x5a: {  	_ =	shalt  }
0x5b: {  	_ =	shalt  }
0x5c: {  	_ =	shalt  }
0x5d: {  	_ =	shalt  }
0x5e: {  	_ =	shalt  }
0x5f: {  	_ =	shalt  }
0x60: {  	_ =	shalt  }
0x61: {  	_ =	shalt  }
0x62: {  	_ =	shalt  }
0x63: {  	_ =	shalt  }
0x64: {  	_ =	shalt  }
0x65: {  	_ =	shalt  }
0x66: {  	_ =	shalt  }
0x67: {  	_ =	shalt  }
0x68: {  	_ =	shalt  }
0x69: {  	_ =	shalt  }
0x6a: {  	_ =	shalt  }
0x6b: {  	_ =	shalt  }
0x6c: {  	_ =	shalt  }
0x6d: {  	_ =	shalt  }
0x6e: {  	_ =	shalt  }
0x6f: {  	_ =	shalt  }
0x70: {  	_ =	shalt  }
0x71: {  	_ =	shalt  }
0x72: {  	_ =	shalt  }
0x73: {  	_ =	shalt  }
0x74: {  	_ =	shalt  }
0x75: {  	_ =	shalt  }
0x76: {  	_ =	shalt  }
0x77: {  	_ =	shalt  }
0x78: {  	_ =	shalt  }
0x79: {  	_ =	shalt  }
0x7a: {  	_ =	shalt  }
0x7b: {  	_ =	shalt  }
0x7c: {  	_ =	shalt  }
0x7d: {  	_ =	shalt  }
0x7e: {  	_ =	shalt  }
0x7f: {  	_ =	shalt  }
0x80: {  	_ =	shalt  }
0x81: {  	_ =	shalt  }
0x82: {  	_ =	shalt  }
0x83: {  	_ =	shalt  }
0x84: {  	_ =	shalt  }
0x85: {  	_ =	shalt  }
0x86: {  	_ =	shalt  }
0x87: {  	_ =	shalt  }
.Lfunc_end0:
.L_simem_size_0:
called_computation_lowered:
.L_overlay_start_0:
0x88: {  	s2 =	sld [smem:$0x3FD9]  }
0x89: {  	s3 =	sld [smem:$0x3FFE];
	_ =	sdelay $0x1  }
0x8a: {  	s1 =	srdreg.scid  }
0x8b: {  	s0 =	sand.u32 $0x1, s1  }
0x8c: {  	s17 =	sshll.u32 s0, $0xA;
	s2 =	sadd.s32 s3, s2  }
0x8d: {  	s2 =	sadd.s32 s2, s17  }
0x8e: {  	[smem:$0x3FC4] =	sst s2  }
0x8f: {  	_ = 	snop  }
0x90: {  	s2 =	sld [smem:$0x3FD0];
	(tm) =	ssettm $0x1  }
0x91: {  	s18 =	sld [smem:$0x3FFB];
	_ =	sdelay $0x3  }
0x92: {  	_ =	strace s18  }
0x93: {  	s3 =	sld [smem:$0x3FFC];
	_ =	sdelay $0x3  }
0x94: {  	_ =	strace s3  }
0x95: {  	s3 =	sld [smem:$0x3FFD];
	_ =	sdelay $0x3  }
0x96: {  	_ =	strace s3  }
0x97: {  	_ =	strace $0x8FFFFFFF  }
0x98: {  	s19 =	sld [smem:$0x3FDB];
	_ =	sdelay $0x1  }
0x99: {  	s4 =	simm.s32 $_scs_section_size  }
0x9a: {  	s5 =	simm.s32 $_size__tile_overlayer_lowered;
	s6 =	simm.s32 $_tile_overlayer_lowered  }
0x9b: {  	s22 =	simm.s32 $0x1BFF;
	s21 =	sshll.u32 s6, $0x1;
	s3 =	sadd.s32 s4, s19  }
0x9c: {  	s7 =	simm.s32 $0x0;
	s20 =	sshll.u32 s5, $0x1;
	s5 =	sadd.s32 s21, s3  }
0x9d: {  	[timem:s7], [sflag:s22] =	dma.local [hbm:s5], s20  }
0x9e: {  	_ =	swait.ge [sflag:s22], s20  }
0x9f: {  	s4 =	ssub.s32 $0x0, s20;
	[sflag:s22] =	ssyncset.done $0x0  }
0xa0: {  	[sflag:s22] =	ssyncadd.s32 s4;
	_ =	sdelay $0x1  }
0xa1: {  	s23 =	simm.s32 $0x1B8B  }
0xa2: {  	_ =	swait.ge [sflag:s23], $0x1  }
0xa3: {  	[sflag:s23] =	ssyncset.done $0x0  }
0xa4: {  	s25 =	simm.s32 $0x1B8E;
	s24 =	sld [smem:$0x3FFE];
	[sflag:s23] =	ssyncadd.s32 $0xFFFFFFFF  }
0xa5: {  	s26 =	simm.s32 $execute0_lowered;
	[smem:$0x3FD2] =	sst s25  }
0xa6: {  	s5 =	sshll.u32 s26, $0x1;
	_ =	strace $0x80000046;
	[dreg:$0x1] =	wrdreg $0xFFFFFFFF  }
0xa7: {  	s28 =	simm.s32 $_size_execute0_lowered;
	s3 =	sadd.s32 s3, s5;
	[dreg:$0x0] =	wrdreg $0x0  }
0xa8: {  	s5 =	sshll.u32 s28, $0x1;
	[dreg:$0x2] =	wrdreg s3  }
0xa9: {  	[dreg:$0x3] =	wrdreg s5  }
0xaa: {  	[dreg:$0x4] =	wrdreg $0xC0  }
0xab: {  	_ =	task [dreg:s7], $0x5FFFF  }
0xac: {  	[dreg:$0x1] =	wrdreg $0xFFFFFFFF  }
0xad: {  	[dreg:$0x0] =	wrdreg $0x60  }
0xae: {  	[dreg:$0x2] =	wrdreg s24  }
0xaf: {  	[dreg:$0x3] =	wrdreg s2  }
0xb0: {  	[dreg:$0x4] =	wrdreg $0x9  }
0xb1: {  	_ =	task.clear_ibuf [dreg:s7], $0x5FFFF;
	_ =	strace $0x90000046  }
0xb2: {  	s29 =	simm.s32 $0x9;
	_ =	strace $0x80000048  }
0xb3: {  	_ =	swait.ge [sflag:s29], $0x1  }
0xb4: {  	[sflag:s29] =	ssyncadd.s32 $0xFFFFFFFF  }
0xb5: {  	_ =	strace $0x90000048  }
0xb6: {  	_ =	sfence  }
0xb7: {  	s30 =	sld [smem:$0x0];
	_ =	sdelay $0x2  }
0xb8: {  	s31 =	sshll.u32 s1, $0xD;
	s1 =	sshrl.u32 s1, $0x2  }
0xb9: {  	s3 =	sand.u32 $0x4000, s31;
	s1 =	sadd.s32 s1, s30  }
0xba: {  	s0 =	sor.u32 s3, s0;
	s1 =	sshll.u32 s1, $0x11  }
0xbb: {  	s0 =	sor.u32 s1, s0  }
0xbc: {  	s0 =	sadd.s32 $0x8F2B, s0  }
0xbd: {  	[sflag:s0] =	ssyncadd.remote.s32 $0x1  }
0xbe: {  	_ =	sfence.sel $0xFFFF  }
0xbf: {  	[dreg:$0x0] =	wrdreg $0xFFFFFFFF;
	(pc) =	sbr.abs _section_cstart, $3  }
0xc0: {  	[dreg:$0x1] =	wrdreg $0xFFFFFFFF  }
0xc1: {  	_ =	task.clear_ibuf [dreg:s7], $0x2FFFF;
	_ =	strace $0x9FFFFFFF  }
0xc2: {  	(tm) =	ssettm $0x7FFFFFFF  }
0xc3: {  	_ =	shalt  }
tec
execute0_lowered:
.L_overlay_start_1:
0x0: {  	(tag) =	ssettag $0x1  }
0x1: {  	s0 =	rddreg [dreg:$0x0]  }
0x2: {  	s1 =	rddreg [dreg:$0x1];
	s2 =	srdreg.scid;
	s20 =	simm.s32 $0x0  }
0x3: {  	s3 =	stileid.u32;
	s14 =	simm.s32 $0x46;
	v0 =	vimm.s32 $0x76543210;
	s28 =	simm.s32 $0x9480;
	v1 =	vimm.s32 $0xFEDCBA98  }
0x4: {  	s12 =	simm.s32 $0x3;
	v2 =	vimm.s32 $0xBA98FEDC;
	v3 =	vimm.s32 $0x32107654;
	s10 =	simm.s32 $0x9750;
	s11 =	simm.s32 $0xF480  }
0x5: {  	v4 =	vimm.s32 $0xDCFE98BA;
	s29 =	simm.s32 $0xFD40;
	s30 =	simm.s32 $0x97E0;
	s31 =	simm.s32 $0x10600  }
0x6: {  	v5 =	vimm.s32 $0x54761032;
	s13 =	simm.s32 $0x9870;
	s15 =	simm.s32 $0x11780;
	s16 =	simm.s32 $0x98B8  }
0x7: {  	v6 =	vimm.s32 $0xEFCDAB89;
	v7 =	vimm.s32 $0x67452301;
	s17 =	simm.s32 $0x12040;
	s18 =	simm.s32 $0x1;
	s19 =	simm.s32 $0x2;
	v1 =	vunpack.c.l.s4.s8 v1  }
0x8: {  	s22 =	simm.s32 $0x0;
	s2 =	sand.u32 $0x1, s2;
	[smem:$0x7FF] =	sst s20;
	v0 =	vunpack.c.l.s4.s8 v0;
	v2 =	vunpack.c.l.s4.s8 v2;
	v3 =	vunpack.c.l.s4.s8 v3  }
0x9: {  	s3 =	sshll.u32 s3, $0xA;
	s5 =	sadd.s32 $0x24A00, s0;
	s6 =	sadd.s32 $0xF42E00, s0;
	v4 =	vunpack.c.l.s4.s8 v4;
	v5 =	vunpack.c.l.s4.s8 v5;
	v6 =	vunpack.c.l.s4.s8 v6  }
0xa: {  	v7 =	vunpack.c.l.s4.s8 v7;
	s4 =	sshll.u32 s2, $0x9;
	_ =	strace $0x80000047;
	s2 =	ssub.s32 $0x2, s2;
	v2 =	vunpack.c.0.s8.s32 v2;
	v3 =	vunpack.c.0.s8.s32 v3  }
0xb: {  	s3 =	sor.u32 s4, s3;
	s4 =	sadd.s32 $0xA00, s0;
	s7 =	sshrl.u32 s2, $0x1;
	v1 =	vunpack.c.0.s8.s32 v1;
	v4 =	vunpack.c.0.s8.s32 v4;
	v5 =	vunpack.c.0.s8.s32 v5  }
0xc: {  	v6 =	vunpack.c.0.s8.s32 v6;
	v7 =	vunpack.c.0.s8.s32 v7;
	s8 =	smul.u32 $0x9, s3;
	s23 =	ssub.s32 s2, s7;
	s25 =	sshll.u32 s3, $0x3;
	v54 =	vcombine.low v3, v2  }
0xd: {  	v0 =	vunpack.c.0.s8.s32 v0;
	s26 =	sshrl.u32 s3, $0x3;
	s9 =	sor.u32 $0x20, s3;
	s2 =	sadd.s32 s5, s25;
	v55 =	vcombine.low v5, v4  }
0xe: {  	s7 =	simm.s32 $0x9708;
	s1 =	sadd.s32 s1, s26;
	v1 =	vand.u32 $0xF, v1;
	v57 =	vcombine.low v7, v6;
	[dreg:$0x4] =	wrdreg s2;
	[tilespmem:$0x1FFD0] =	vst v54  }
0xf: {  	s0 =	smax.u32 s23, $0x1;
	s24 =	sadd.s32 s4, s8;
	[dreg:$0x5] =	wrdreg s1;
	v53 =	vcombine.low v1, v0;
	[tilespmem:$0x1FFE0] =	vst v55  }
0x10: {  	[dreg:$0x6] =	wrdreg s0;
	s8 =	simm.s32 $0xEBC0;
	s2 =	simm.s32 $0x9798;
	[tilespmem:$0x1FFF0] =	vst v57  }
0x11: {  	s0 =	simm.s32 $0x9828;
	s1 =	simm.s32 $0x10EC0;
	[dreg:$0x3] =	wrdreg s24;
	[tilespmem:$0x1FFC0] =	vst v53  }
.LBB2_1:
0x12: {  	[dreg:$0x7] =	wrdreg s22  }
0x13: {  	s21 =	rddreg [dreg:$0x3]  }
0x14: {  	[tilespmem:s20], [sflag:$0x3] =	stream.linear.gather [hbm4b:s21+s20], $0x480, $0x38;
	[tilespmem:$0x12B00] =	vst v63  }
0x15: {  	_ =	swait.ge [sflag:s12], $0x480  }
0x16: {  	[sflag:s12] =	ssyncset.done $0x0  }
0x17: {  	s25 =	simm.s32 $0x480;
	s24 =	rddreg [dreg:$0x4];
	[sflag:s12] =	ssyncadd.s32 $0xFFFFFB80  }
0x18: {  	[tilespmem:s25], [sflag:$0x3] =	stream.linear.gather [hbm4b:s24+s20], $0x400, $0x38;
	[tilespmem:$0x12B00] =	vst v63  }
0x19: {  	_ =	swait.ge [sflag:s12], $0x400  }
0x1a: {  	[sflag:s12] =	ssyncset.done $0x0  }
0x1b: {  	s26 =	simm.s32 $0x880;
	[sflag:s12] =	ssyncadd.s32 $0xFFFFFC00  }
0x1c: {  	[tilespmem:s26], [sflag:$0x1] =	stream.indirect.gather [hbm4b:s6+s14], $0x20, s20, s14, $0xb8;
	[tilespmem:$0x12B00] =	vst v63  }
0x1d: {  	s22 =	simm.s32 $0x1140;
	s21 =	simm.s32 $0x48  }
0x1e: {  	[tilespmem:s22], [sflag:$0x1] =	stream.indirect.gather [hbm4b:s6+s14], $0x20, s21, s14, $0xb8;
	[tilespmem:$0x12B00] =	vst v63  }
0x1f: {  	s23 =	simm.s32 $0x90;
	s24 =	simm.s32 $0x1A00  }
0x20: {  	[tilespmem:s24], [sflag:$0x1] =	stream.indirect.gather [hbm4b:s6+s14], $0x20, s23, s14, $0xb8;
	[tilespmem:$0x12B00] =	vst v63  }
0x21: {  	s25 =	simm.s32 $0xD8;
	s26 =	simm.s32 $0x22C0  }
0x22: {  	[tilespmem:s26], [sflag:$0x1] =	stream.indirect.gather [hbm4b:s6+s14], $0x20, s25, s14, $0xb8;
	[tilespmem:$0x12B00] =	vst v63  }
0x23: {  	s21 =	simm.s32 $0x120;
	s22 =	simm.s32 $0x2B80  }
0x24: {  	[tilespmem:s22], [sflag:$0x1] =	stream.indirect.gather [hbm4b:s6+s14], $0x20, s21, s14, $0xb8;
	[tilespmem:$0x12B00] =	vst v63  }
0x25: {  	s23 =	simm.s32 $0x168;
	s24 =	simm.s32 $0x3440  }
0x26: {  	[tilespmem:s24], [sflag:$0x1] =	stream.indirect.gather [hbm4b:s6+s14], $0x20, s23, s14, $0xb8;
	[tilespmem:$0x12B00] =	vst v63  }
0x27: {  	s25 =	simm.s32 $0x1B0;
	s26 =	simm.s32 $0x3D00  }
0x28: {  	[tilespmem:s26], [sflag:$0x1] =	stream.indirect.gather [hbm4b:s6+s14], $0x20, s25, s14, $0xb8;
	[tilespmem:$0x12B00] =	vst v63  }
0x29: {  	s21 =	simm.s32 $0x1F8;
	s22 =	simm.s32 $0x45C0  }
0x2a: {  	[tilespmem:s22], [sflag:$0x1] =	stream.indirect.gather [hbm4b:s6+s14], $0x20, s21, s14, $0xb8;
	[tilespmem:$0x12B00] =	vst v63  }
0x2b: {  	s23 =	simm.s32 $0x240;
	s24 =	simm.s32 $0x4E80  }
0x2c: {  	[tilespmem:s24], [sflag:$0x1] =	stream.indirect.gather [hbm4b:s6+s14], $0x20, s23, s14, $0xb8;
	[tilespmem:$0x12B00] =	vst v63  }
0x2d: {  	s25 =	simm.s32 $0x288;
	s26 =	simm.s32 $0x5740  }
0x2e: {  	[tilespmem:s26], [sflag:$0x1] =	stream.indirect.gather [hbm4b:s6+s14], $0x20, s25, s14, $0xb8;
	[tilespmem:$0x12B00] =	vst v63  }
0x2f: {  	s21 =	simm.s32 $0x2D0;
	s22 =	simm.s32 $0x6000  }
0x30: {  	[tilespmem:s22], [sflag:$0x1] =	stream.indirect.gather [hbm4b:s6+s14], $0x20, s21, s14, $0xb8;
	[tilespmem:$0x12B00] =	vst v63  }
0x31: {  	s23 =	simm.s32 $0x318;
	s24 =	simm.s32 $0x68C0  }
0x32: {  	[tilespmem:s24], [sflag:$0x1] =	stream.indirect.gather [hbm4b:s6+s14], $0x20, s23, s14, $0xb8;
	[tilespmem:$0x12B00] =	vst v63  }
0x33: {  	s25 =	simm.s32 $0x360;
	s26 =	simm.s32 $0x7180  }
0x34: {  	[tilespmem:s26], [sflag:$0x1] =	stream.indirect.gather [hbm4b:s6+s14], $0x20, s25, s14, $0xb8;
	[tilespmem:$0x12B00] =	vst v63  }
0x35: {  	s21 =	simm.s32 $0x3A8;
	s22 =	simm.s32 $0x7A40  }
0x36: {  	[tilespmem:s22], [sflag:$0x1] =	stream.indirect.gather [hbm4b:s6+s14], $0x20, s21, s14, $0xb8;
	[tilespmem:$0x12B00] =	vst v63  }
0x37: {  	s23 =	simm.s32 $0x3F0;
	s24 =	simm.s32 $0x8300  }
0x38: {  	[tilespmem:s24], [sflag:$0x1] =	stream.indirect.gather [hbm4b:s6+s14], $0x20, s23, s14, $0xb8;
	[tilespmem:$0x12B00] =	vst v63  }
0x39: {  	s25 =	simm.s32 $0x438;
	s26 =	simm.s32 $0x8BC0;
	s21 =	simm.s32 $0x0  }
0x3a: {  	[tilespmem:s26], [sflag:$0x1] =	stream.indirect.gather [hbm4b:s6+s14], $0x20, s25, s14, $0xb8;
	[tilespmem:$0x12B00] =	vst v63  }
.LBB2_2:
0x3b: {  	s22 =	sshll.u32 s21, $0x5  }
0x3c: {  	s20 =	sor.u32 $0x10, s22  }
0x3d: {  	s24 =	sor.u32 s3, s20  }
0x3e: {  	s23 =	smul.u32 $0x9, s24;
	_ =	sdelay $0x1  }
0x3f: {  	s25 =	sadd.s32 s4, s23;
	s23 =	simm.s32 $0x0  }
0x40: {  	[tilespmem:s28], [sflag:$0x3] =	stream.linear.gather [hbm4b:s25+s23], $0x480, $0x38;
	[tilespmem:$0x12B00] =	vst v63  }
0x41: {  	_ =	swait.ge [sflag:s12], $0x480  }
0x42: {  	s24 =	sshll.u32 s24, $0x3;
	[sflag:s12] =	ssyncset.done $0x0  }
0x43: {  	s26 =	simm.s32 $0x9900;
	s24 =	sadd.s32 s5, s24;
	[sflag:s12] =	ssyncadd.s32 $0xFFFFFB80  }
0x44: {  	[tilespmem:s26], [sflag:$0x3] =	stream.linear.gather [hbm4b:s24+s23], $0x400, $0x38;
	[tilespmem:$0x12B00] =	vst v63  }
0x45: {  	_ =	swait.ge [sflag:s12], $0x400  }
0x46: {  	[sflag:s12] =	ssyncset.done $0x0  }
0x47: {  	s26 =	simm.s32 $0x9D00;
	[sflag:s12] =	ssyncadd.s32 $0xFFFFFC00  }
0x48: {  	[tilespmem:s26], [sflag:$0x2] =	stream.indirect.gather [hbm4b:s6+s14], $0x20, s28, s14, $0xb8;
	[tilespmem:$0x12B00] =	vst v63  }
0x49: {  	s25 =	simm.s32 $0x94C8;
	s26 =	simm.s32 $0xA5C0  }
0x4a: {  	[tilespmem:s26], [sflag:$0x2] =	stream.indirect.gather [hbm4b:s6+s14], $0x20, s25, s14, $0xb8;
	[tilespmem:$0x12B00] =	vst v63  }
0x4b: {  	s25 =	simm.s32 $0x9510;
	s26 =	simm.s32 $0xAE80  }
0x4c: {  	[tilespmem:s26], [sflag:$0x2] =	stream.indirect.gather [hbm4b:s6+s14], $0x20, s25, s14, $0xb8;
	[tilespmem:$0x12B00] =	vst v63  }
0x4d: {  	s25 =	simm.s32 $0x9558;
	s26 =	simm.s32 $0xB740  }
0x4e: {  	[tilespmem:s26], [sflag:$0x2] =	stream.indirect.gather [hbm4b:s6+s14], $0x20, s25, s14, $0xb8;
	[tilespmem:$0x12B00] =	vst v63  }
0x4f: {  	s25 =	simm.s32 $0x95A0;
	s26 =	simm.s32 $0xC000  }
0x50: {  	[tilespmem:s26], [sflag:$0x2] =	stream.indirect.gather [hbm4b:s6+s14], $0x20, s25, s14, $0xb8;
	[tilespmem:$0x12B00] =	vst v63  }
0x51: {  	s25 =	simm.s32 $0x95E8;
	s26 =	simm.s32 $0xC8C0  }
0x52: {  	[tilespmem:s26], [sflag:$0x2] =	stream.indirect.gather [hbm4b:s6+s14], $0x20, s25, s14, $0xb8;
	[tilespmem:$0x12B00] =	vst v63  }
0x53: {  	s25 =	simm.s32 $0x9630;
	s26 =	simm.s32 $0xD180  }
0x54: {  	[tilespmem:s26], [sflag:$0x2] =	stream.indirect.gather [hbm4b:s6+s14], $0x20, s25, s14, $0xb8;
	[tilespmem:$0x12B00] =	vst v63  }
0x55: {  	s25 =	simm.s32 $0x9678;
	s26 =	simm.s32 $0xDA40  }
0x56: {  	[tilespmem:s26], [sflag:$0x2] =	stream.indirect.gather [hbm4b:s6+s14], $0x20, s25, s14, $0xb8;
	[tilespmem:$0x12B00] =	vst v63  }
0x57: {  	s25 =	simm.s32 $0x96C0;
	s26 =	simm.s32 $0xE300  }
0x58: {  	[tilespmem:s26], [sflag:$0x2] =	stream.indirect.gather [hbm4b:s6+s14], $0x20, s25, s14, $0xb8;
	[tilespmem:$0x12B00] =	vst v63  }
0x59: {  	_ = 	snop  }
0x5a: {  	[tilespmem:s8], [sflag:$0x2] =	stream.indirect.gather [hbm4b:s6+s14], $0x20, s7, s14, $0xb8;
	[tilespmem:$0x12B00] =	vst v63  }
0x5b: {  	_ = 	snop  }
0x5c: {  	[tilespmem:s11], [sflag:$0x2] =	stream.indirect.gather [hbm4b:s6+s14], $0x20, s10, s14, $0xb8;
	[tilespmem:$0x12B00] =	vst v63  }
0x5d: {  	_ = 	snop  }
0x5e: {  	[tilespmem:s29], [sflag:$0x2] =	stream.indirect.gather [hbm4b:s6+s14], $0x20, s2, s14, $0xb8;
	[tilespmem:$0x12B00] =	vst v63  }
0x5f: {  	_ = 	snop  }
0x60: {  	[tilespmem:s31], [sflag:$0x2] =	stream.indirect.gather [hbm4b:s6+s14], $0x20, s30, s14, $0xb8;
	[tilespmem:$0x12B00] =	vst v63  }
0x61: {  	_ = 	snop  }
0x62: {  	[tilespmem:s1], [sflag:$0x2] =	stream.indirect.gather [hbm4b:s6+s14], $0x20, s0, s14, $0xb8;
	[tilespmem:$0x12B00] =	vst v63  }
0x63: {  	_ = 	snop  }
0x64: {  	[tilespmem:s15], [sflag:$0x2] =	stream.indirect.gather [hbm4b:s6+s14], $0x20, s13, s14, $0xb8;
	[tilespmem:$0x12B00] =	vst v63  }
0x65: {  	_ = 	snop  }
0x66: {  	[tilespmem:s17], [sflag:$0x2] =	stream.indirect.gather [hbm4b:s6+s14], $0x20, s16, s14, $0xb8;
	[tilespmem:$0x12B00] =	vst v63  }
0x67: {  	_ =	swait.ge [sflag:s18], $0x8C0  }
0x68: {  	[sflag:s18] =	ssyncset.done $0x0  }
0x69: {  	[sflag:s18] =	ssyncadd.s32 $0xFFFFF740  }
0x6a: {  	_ =	swait.ge [sflag:s18], $0x8C0  }
0x6b: {  	[sflag:s18] =	ssyncset.done $0x0  }
0x6c: {  	[sflag:s18] =	ssyncadd.s32 $0xFFFFF740  }
0x6d: {  	_ =	swait.ge [sflag:s18], $0x8C0  }
0x6e: {  	[sflag:s18] =	ssyncset.done $0x0  }
0x6f: {  	[sflag:s18] =	ssyncadd.s32 $0xFFFFF740  }
0x70: {  	_ =	swait.ge [sflag:s18], $0x8C0  }
0x71: {  	[sflag:s18] =	ssyncset.done $0x0  }
0x72: {  	[sflag:s18] =	ssyncadd.s32 $0xFFFFF740  }
0x73: {  	_ =	swait.ge [sflag:s18], $0x8C0  }
0x74: {  	[sflag:s18] =	ssyncset.done $0x0  }
0x75: {  	[sflag:s18] =	ssyncadd.s32 $0xFFFFF740  }
0x76: {  	_ =	swait.ge [sflag:s18], $0x8C0  }
0x77: {  	[sflag:s18] =	ssyncset.done $0x0  }
0x78: {  	[sflag:s18] =	ssyncadd.s32 $0xFFFFF740  }
0x79: {  	_ =	swait.ge [sflag:s18], $0x8C0  }
0x7a: {  	[sflag:s18] =	ssyncset.done $0x0  }
0x7b: {  	[sflag:s18] =	ssyncadd.s32 $0xFFFFF740  }
0x7c: {  	_ =	swait.ge [sflag:s18], $0x8C0  }
0x7d: {  	[sflag:s18] =	ssyncset.done $0x0  }
0x7e: {  	[sflag:s18] =	ssyncadd.s32 $0xFFFFF740  }
0x7f: {  	_ =	swait.ge [sflag:s18], $0x8C0  }
0x80: {  	[sflag:s18] =	ssyncset.done $0x0  }
0x81: {  	[sflag:s18] =	ssyncadd.s32 $0xFFFFF740  }
0x82: {  	_ =	swait.ge [sflag:s18], $0x8C0  }
0x83: {  	[sflag:s18] =	ssyncset.done $0x0  }
0x84: {  	[sflag:s18] =	ssyncadd.s32 $0xFFFFF740  }
0x85: {  	_ =	swait.ge [sflag:s18], $0x8C0  }
0x86: {  	[sflag:s18] =	ssyncset.done $0x0  }
0x87: {  	[sflag:s18] =	ssyncadd.s32 $0xFFFFF740  }
0x88: {  	_ =	swait.ge [sflag:s18], $0x8C0  }
0x89: {  	[sflag:s18] =	ssyncset.done $0x0  }
0x8a: {  	[sflag:s18] =	ssyncadd.s32 $0xFFFFF740  }
0x8b: {  	_ =	swait.ge [sflag:s18], $0x8C0  }
0x8c: {  	[sflag:s18] =	ssyncset.done $0x0  }
0x8d: {  	[sflag:s18] =	ssyncadd.s32 $0xFFFFF740  }
0x8e: {  	_ =	swait.ge [sflag:s18], $0x8C0  }
0x8f: {  	[sflag:s18] =	ssyncset.done $0x0  }
0x90: {  	[sflag:s18] =	ssyncadd.s32 $0xFFFFF740  }
0x91: {  	_ =	swait.ge [sflag:s18], $0x8C0  }
0x92: {  	[sflag:s18] =	ssyncset.done $0x0  }
0x93: {  	[sflag:s18] =	ssyncadd.s32 $0xFFFFF740  }
0x94: {  	_ =	swait.ge [sflag:s18], $0x8C0  }
0x95: {  	[sflag:s18] =	ssyncset.done $0x0  }
0x96: {  	s24 =	simm.s32 $0xCE0;
	[sflag:s18] =	ssyncadd.s32 $0xFFFFF740  }
0x97: {  	v56 =	vld [tilespmem:s24+$0x440]  }
0x98: {  	v61 =	vld [tilespmem:s24+$0x1C0]  }
0x99: {  	v60 =	vld [tilespmem:s24+$0x420]  }
0x9a: {  	v62 =	vld [tilespmem:s24+$0x1A0]  }
0x9b: {  	v14 =	vld [tilespmem:s24+$0x400]  }
0x9c: {  	s25 =	simm.s32 $0x4A0;
	v0 =	vld [tilespmem:s24+$0x180]  }
0x9d: {  	v55 =	vld [tilespmem:s25+$0x10]  }
0x9e: {  	v1 =	vld [tilespmem:s24+$0x3E0]  }
0x9f: {  	v59 =	vld [tilespmem:s24+$0x160]  }
0xa0: {  	v63 =	vld [tilespmem:s24+$0x3C0]  }
0xa1: {  	v16 =	vld [tilespmem:s24+$0x140]  }
0xa2: {  	v15 =	vld [tilespmem:s24+$0x3A0]  }
0xa3: {  	v19 =	vld [tilespmem:s24+$0x120]  }
0xa4: {  	v18 =	vld [tilespmem:s24+$0x380]  }
0xa5: {  	v22 =	vld [tilespmem:s24+$0x100]  }
0xa6: {  	v21 =	vld [tilespmem:s24+$0x360]  }
0xa7: {  	v25 =	vld [tilespmem:s24+$0xE0]  }
0xa8: {  	v24 =	vld [tilespmem:s24+$0x340]  }
0xa9: {  	v28 =	vld [tilespmem:s24+$0xC0]  }
0xaa: {  	v27 =	vld [tilespmem:s24+$0x320]  }
0xab: {  	v32 =	vld [tilespmem:s24+$0xA0]  }
0xac: {  	v31 =	vld [tilespmem:s24+$0x300]  }
0xad: {  	v35 =	vld [tilespmem:s24+$0x80]  }
0xae: {  	v34 =	vld [tilespmem:s24+$0x2E0]  }
0xaf: {  	v38 =	vld [tilespmem:s24+$0x60]  }
0xb0: {  	v37 =	vld [tilespmem:s24+$0x2C0]  }
0xb1: {  	v39 =	vld [tilespmem:s24+$0x40]  }
0xb2: {  	v40 =	vld [tilespmem:s24+$0x2A0]  }
0xb3: {  	v41 =	vld [tilespmem:s24+$0x20]  }
0xb4: {  	v42 =	vld [tilespmem:s24+$0x280]  }
0xb5: {  	v43 =	vld [tilespmem:s24+$0x0]  }
0xb6: {  	v44 =	vld [tilespmem:s24+$0x260]  }
0xb7: {  	v45 =	vld [tilespmem:s24+$0xFFFFFFE0]  }
0xb8: {  	v46 =	vld [tilespmem:s24+$0x240]  }
0xb9: {  	v47 =	vld [tilespmem:s24+$0xFFFFFFC0]  }
0xba: {  	v58 =	vld [tilespmem:s25+$0x0]  }
0xbb: {  	v48 =	vld [tilespmem:s24+$0x220]  }
0xbc: {  	v49 =	vld [tilespmem:s24+$0xFFFFFFA0]  }
0xbd: {  	v50 =	vld [tilespmem:s24+$0x200]  }
0xbe: {  	v51 =	vld [tilespmem:s24+$0xFFFFFF80];
	[tilespmem:$0x1FF80] =	vst v0;
	v20 =	vbroadcast v55, $0x0;
	v17 =	vbroadcast v55, $0x1  }
0xbf: {  	v52 =	vld [tilespmem:s24+$0x1E0];
	[tilespmem:$0x1FF90] =	vst v1;
	v26 =	vbroadcast v58, $0xE;
	v23 =	vbroadcast v58, $0xF  }
0xc0: {  	v4 =	vld [tilespmem:s25+$0xFFFFFFE0];
	[tilespmem:$0x1FFA0] =	vst v59;
	v30 =	vbroadcast v58, $0xC;
	v29 =	vbroadcast v58, $0xD  }
0xc1: {  	v9 =	vimm.f32 $0.0e+00;
	s26 =	simm.s32 $0x1;
	[tilespmem:$0x1FFB0] =	vst v63;
	v63 =	vld [tilespmem:s24+$0xFFFFFD80];
	v36 =	vbroadcast v58, $0xA;
	v33 =	vbroadcast v58, $0xB  }
.LBB2_3:
0xc2: {  	v0 =	vld [tilespmem:s24+$0xFFFFFBA0]  }
0xc3: {  	v1 =	vld [tilespmem:s24+$0xFFFFFBB0]  }
0xc4: {  	v2 =	vld [tilespmem:s24+$0xFFFFFBC0]  }
0xc5: {  	v3 =	vld [tilespmem:s24+$0xFFFFFBD0]  }
0xc6: {  	v6 =	vld [tilespmem:s24+$0xFFFFFBE0];
	v5 =	vbroadcast v4, $0x0  }
0xc7: {  	v8 =	vld [tilespmem:s24+$0xFFFFFBF0];
	v7 =	vbroadcast v4, $0x1  }
0xc8: {  	v11 =	vld [tilespmem:s24+$0xFFFFFC10];
	v0 =	vmul.f32 v5, v0;
	v1 =	vmul.f32 v1, v5  }
0xc9: {  	v10 =	vbroadcast v4, $0x2;
	v5 =	vld [tilespmem:s24+$0xFFFFFC00];
	v2 =	vmul.f32 v2, v7  }
0xca: {  	v13 =	vld [tilespmem:s24+$0xFFFFFC30];
	v3 =	vmul.f32 v3, v7;
	v0 =	vadd.f32 $0.0e+00, v0;
	v1 =	vadd.f32 $0.0e+00, v1  }
0xcb: {  	v12 =	vbroadcast v4, $0x3;
	v7 =	vld [tilespmem:s24+$0xFFFFFC20]  }
0xcc: {  	v6 =	vmul.f32 v6, v10;
	v0 =	vadd.f32 v2, v0;
	v1 =	vadd.f32 v3, v1;
	v3 =	vld [tilespmem:s24+$0xFFFFFC40]  }
0xcd: {  	v2 =	vmul.f32 v8, v10;
	v10 =	vld [tilespmem:s24+$0xFFFFFC50]  }
0xce: {  	v8 =	vbroadcast v4, $0x4;
	v5 =	vmul.f32 v5, v12;
	v0 =	vadd.f32 v6, v0;
	v6 =	vld [tilespmem:s24+$0xFFFFFC60]  }
0xcf: {  	v1 =	vadd.f32 v2, v1;
	v2 =	vmul.f32 v11, v12;
	v12 =	vld [tilespmem:s24+$0xFFFFFC70]  }
0xd0: {  	v7 =	vmul.f32 v7, v8;
	v11 =	vbroadcast v4, $0x5;
	v0 =	vadd.f32 v5, v0;
	v5 =	vld [tilespmem:s24+$0xFFFFFC80]  }
0xd1: {  	v1 =	vadd.f32 v2, v1;
	v2 =	vmul.f32 v13, v8;
	v13 =	vld [tilespmem:s24+$0xFFFFFC90]  }
0xd2: {  	v8 =	vbroadcast v4, $0x6;
	v3 =	vmul.f32 v3, v11;
	v0 =	vadd.f32 v7, v0;
	v7 =	vld [tilespmem:s24+$0xFFFFFCA0]  }
0xd3: {  	v1 =	vadd.f32 v2, v1;
	v2 =	vmul.f32 v10, v11;
	v11 =	vld [tilespmem:s24+$0xFFFFFCB0]  }
0xd4: {  	v10 =	vbroadcast v4, $0x7;
	v6 =	vmul.f32 v6, v8;
	v0 =	vadd.f32 v3, v0;
	v3 =	vld [tilespmem:s24+$0xFFFFFCC0]  }
0xd5: {  	v1 =	vadd.f32 v2, v1;
	v2 =	vmul.f32 v12, v8;
	v12 =	vld [tilespmem:s24+$0xFFFFFCD0]  }
0xd6: {  	v8 =	vbroadcast v4, $0x8;
	v5 =	vmul.f32 v5, v10;
	v0 =	vadd.f32 v6, v0;
	v6 =	vld [tilespmem:s24+$0xFFFFFCE0]  }
0xd7: {  	v1 =	vadd.f32 v2, v1;
	v2 =	vmul.f32 v13, v10;
	v13 =	vld [tilespmem:s24+$0xFFFFFCF0]  }
0xd8: {  	v10 =	vbroadcast v4, $0x9;
	v7 =	vmul.f32 v7, v8;
	v0 =	vadd.f32 v5, v0;
	v5 =	vld [tilespmem:s24+$0xFFFFFD00]  }
0xd9: {  	v1 =	vadd.f32 v2, v1;
	v2 =	vmul.f32 v11, v8;
	v11 =	vld [tilespmem:s24+$0xFFFFFD10]  }
0xda: {  	v8 =	vbroadcast v4, $0xA;
	v3 =	vmul.f32 v3, v10;
	v0 =	vadd.f32 v7, v0;
	v7 =	vld [tilespmem:s24+$0xFFFFFD20]  }
0xdb: {  	v1 =	vadd.f32 v2, v1;
	v2 =	vmul.f32 v12, v10;
	v12 =	vld [tilespmem:s24+$0xFFFFFD30]  }
0xdc: {  	v10 =	vbroadcast v4, $0xB;
	v6 =	vmul.f32 v6, v8;
	v0 =	vadd.f32 v3, v0;
	v3 =	vld [tilespmem:s24+$0xFFFFFD40]  }
0xdd: {  	v1 =	vadd.f32 v2, v1;
	v2 =	vmul.f32 v13, v8;
	v13 =	vld [tilespmem:s24+$0xFFFFFD50]  }
0xde: {  	v8 =	vbroadcast v4, $0xC;
	v5 =	vmul.f32 v5, v10;
	v0 =	vadd.f32 v6, v0;
	v6 =	vld [tilespmem:s24+$0xFFFFFD60]  }
0xdf: {  	v1 =	vadd.f32 v2, v1;
	v2 =	vmul.f32 v11, v10;
	v11 =	vld [tilespmem:s24+$0xFFFFFD70]  }
0xe0: {  	v10 =	vbroadcast v4, $0xD;
	v7 =	vmul.f32 v7, v8;
	v5 =	vadd.f32 v5, v0;
	v0 =	vld [tilespmem:s25+$0xFFFFFFF0]  }
0xe1: {  	v1 =	vadd.f32 v2, v1;
	v2 =	vmul.f32 v12, v8;
	v12 =	vld [tilespmem:s24+$0xFFFFFD90]  }
0xe2: {  	v8 =	vbroadcast v4, $0xE;
	v3 =	vmul.f32 v3, v10;
	v5 =	vadd.f32 v7, v5;
	v7 =	vld [tilespmem:s24+$0xFFFFFDA0]  }
0xe3: {  	v4 =	vbroadcast v4, $0xF;
	v1 =	vadd.f32 v2, v1;
	v2 =	vmul.f32 v13, v10;
	v10 =	vld [tilespmem:s24+$0xFFFFFDB0]  }
0xe4: {  	v13 =	vld [tilespmem:s24+$0xFFFFFDD0];
	v6 =	vmul.f32 v6, v8;
	v3 =	vadd.f32 v3, v5  }
0xe5: {  	v1 =	vadd.f32 v2, v1;
	v2 =	vmul.f32 v11, v8;
	v5 =	vld [tilespmem:s24+$0xFFFFFDC0];
	v8 =	vmul.f32 v63, v4  }
0xe6: {  	v11 =	vbroadcast v0, $0x0;
	v63 =	vmul.f32 v12, v4;
	v4 =	vld [tilespmem:s24+$0xFFFFFDE0];
	v3 =	vadd.f32 v6, v3  }
0xe7: {  	v12 =	vld [tilespmem:s24+$0xFFFFFDF0];
	v1 =	vadd.f32 v2, v1  }
0xe8: {  	v6 =	vmul.f32 v11, v7;
	v7 =	vbroadcast v0, $0x1;
	v3 =	vadd.f32 v8, v3;
	v8 =	vld [tilespmem:s24+$0xFFFFFE00]  }
0xe9: {  	v1 =	vadd.f32 v63, v1;
	v63 =	vmul.f32 v10, v11;
	v11 =	vld [tilespmem:s24+$0xFFFFFE10]  }
0xea: {  	v10 =	vbroadcast v0, $0x2;
	v5 =	vmul.f32 v5, v7;
	v3 =	vadd.f32 v6, v3;
	v6 =	vld [tilespmem:s24+$0xFFFFFE20]  }
0xeb: {  	v1 =	vadd.f32 v63, v1;
	v63 =	vmul.f32 v13, v7;
	v13 =	vld [tilespmem:s24+$0xFFFFFE30]  }
0xec: {  	v4 =	vmul.f32 v4, v10;
	v7 =	vbroadcast v0, $0x3;
	v3 =	vadd.f32 v5, v3;
	v5 =	vld [tilespmem:s24+$0xFFFFFE40]  }
0xed: {  	v1 =	vadd.f32 v63, v1;
	v63 =	vmul.f32 v12, v10;
	v12 =	vld [tilespmem:s24+$0xFFFFFE50]  }
0xee: {  	v10 =	vbroadcast v0, $0x4;
	v8 =	vmul.f32 v8, v7;
	v3 =	vadd.f32 v4, v3;
	v4 =	vld [tilespmem:s24+$0xFFFFFE60]  }
0xef: {  	v1 =	vadd.f32 v63, v1;
	v63 =	vmul.f32 v11, v7;
	v11 =	vld [tilespmem:s24+$0xFFFFFE70]  }
0xf0: {  	v7 =	vbroadcast v0, $0x5;
	v6 =	vmul.f32 v6, v10;
	v3 =	vadd.f32 v8, v3;
	v8 =	vld [tilespmem:s24+$0xFFFFFE80]  }
0xf1: {  	v1 =	vadd.f32 v63, v1;
	v63 =	vmul.f32 v13, v10;
	v13 =	vld [tilespmem:s24+$0xFFFFFE90]  }
0xf2: {  	v10 =	vbroadcast v0, $0x6;
	v5 =	vmul.f32 v5, v7;
	v3 =	vadd.f32 v6, v3;
	v6 =	vld [tilespmem:s24+$0xFFFFFEA0]  }
0xf3: {  	v54 =	vbroadcast v58, $0x8;
	v1 =	vadd.f32 v63, v1;
	v63 =	vmul.f32 v12, v7;
	v12 =	vld [tilespmem:s24+$0xFFFFFEB0]  }
0xf4: {  	v7 =	vbroadcast v0, $0x7;
	v4 =	vmul.f32 v4, v10;
	v3 =	vadd.f32 v5, v3;
	v5 =	vld [tilespmem:s24+$0xFFFFFEC0]  }
0xf5: {  	v53 =	vbroadcast v58, $0x9;
	v1 =	vadd.f32 v63, v1;
	v63 =	vmul.f32 v11, v10;
	v11 =	vld [tilespmem:s24+$0xFFFFFED0]  }
0xf6: {  	v10 =	vbroadcast v0, $0x8;
	v8 =	vmul.f32 v8, v7;
	v3 =	vadd.f32 v4, v3;
	v4 =	vld [tilespmem:s24+$0xFFFFFEE0]  }
0xf7: {  	[tilespmem:$0x1FF70] =	vst v56;
	v56 =	vbroadcast v58, $0x6;
	v1 =	vadd.f32 v63, v1;
	v63 =	vmul.f32 v13, v7;
	v13 =	vld [tilespmem:s24+$0xFFFFFEF0]  }
0xf8: {  	v7 =	vbroadcast v0, $0x9;
	v6 =	vmul.f32 v6, v10;
	v3 =	vadd.f32 v8, v3;
	v8 =	vld [tilespmem:s24+$0xFFFFFF00]  }
0xf9: {  	v55 =	vbroadcast v58, $0x7;
	v1 =	vadd.f32 v63, v1;
	v63 =	vmul.f32 v12, v10;
	v12 =	vld [tilespmem:s24+$0xFFFFFF10]  }
0xfa: {  	v10 =	vbroadcast v0, $0xA;
	v5 =	vmul.f32 v5, v7;
	v3 =	vadd.f32 v6, v3;
	v6 =	vld [tilespmem:s24+$0xFFFFFF20]  }
0xfb: {  	v59 =	vbroadcast v58, $0x4;
	v1 =	vadd.f32 v63, v1;
	v63 =	vmul.f32 v11, v7;
	v11 =	vld [tilespmem:s24+$0xFFFFFF30]  }
0xfc: {  	v7 =	vbroadcast v0, $0xB;
	v4 =	vmul.f32 v4, v10;
	v3 =	vadd.f32 v5, v3;
	v5 =	vld [tilespmem:s24+$0xFFFFFF40]  }
0xfd: {  	v57 =	vbroadcast v58, $0x5;
	v1 =	vadd.f32 v63, v1;
	v63 =	vmul.f32 v13, v10;
	v13 =	vld [tilespmem:s24+$0xFFFFFF50]  }
0xfe: {  	v10 =	vbroadcast v0, $0xC;
	v8 =	vmul.f32 v8, v7;
	v3 =	vadd.f32 v4, v3;
	v4 =	vld [tilespmem:s24+$0xFFFFFF60]  }
0xff: {  	[tilespmem:$0x1FF50] =	vst v61;
	v61 =	vbroadcast v58, $0x2;
	v1 =	vadd.f32 v63, v1;
	v63 =	vmul.f32 v12, v7;
	v12 =	vld [tilespmem:s24+$0xFFFFFF70]  }
0x100: {  	v7 =	vbroadcast v0, $0xD;
	v6 =	vmul.f32 v6, v10;
	v3 =	vadd.f32 v8, v3;
	v8 =	vld [tilespmem:s24+$0x1F0]  }
0x101: {  	[tilespmem:$0x1FF60] =	vst v60;
	v60 =	vbroadcast v58, $0x3;
	v1 =	vadd.f32 v63, v1;
	v63 =	vmul.f32 v11, v10;
	v11 =	vld [tilespmem:s24+$0xFFFFFF90]  }
0x102: {  	[tilespmem:$0x1FF40] =	vst v14;
	v14 =	vmovc v62;
	v62 =	vbroadcast v58, $0x1;
	v5 =	vmul.f32 v5, v7;
	v3 =	vadd.f32 v6, v3;
	v6 =	vld [tilespmem:s24+$0x210]  }
0x103: {  	v10 =	vbroadcast v0, $0xE;
	v1 =	vadd.f32 v63, v1;
	v63 =	vmul.f32 v13, v7;
	v7 =	vld [tilespmem:s24+$0xFFFFFFB0]  }
0x104: {  	v58 =	vbroadcast v58, $0x0;
	v0 =	vbroadcast v0, $0xF;
	v3 =	vadd.f32 v5, v3;
	v5 =	vld [tilespmem:s24+$0x230]  }
0x105: {  	v4 =	vmul.f32 v4, v10;
	v1 =	vadd.f32 v63, v1;
	v63 =	vmul.f32 v12, v10;
	v12 =	vld [tilespmem:s24+$0xFFFFFFD0]  }
0x106: {  	v10 =	vmul.f32 v51, v0;
	v0 =	vmul.f32 v11, v0;
	v11 =	vld [tilespmem:s24+$0xFFFFFFF0]  }
0x107: {  	v3 =	vadd.f32 v4, v3;
	v1 =	vadd.f32 v63, v1;
	v63 =	vld [tilespmem:s24+$0x250]  }
0x108: {  	v8 =	vadd.f32 $0.0e+00, v8;
	v51 =	vmul.f32 v7, v58;
	v7 =	vld [tilespmem:s24+$0x270]  }
0x109: {  	s25 =	sadd.s32 $0x40, s25;
	v13 =	vadd.f32 $0.0e+00, v52;
	v3 =	vadd.f32 v10, v3;
	v10 =	vld [tilespmem:s24+$0x10]  }
0x10a: {  	v4 =	vmul.f32 v58, v49;
	v6 =	vadd.f32 v6, v8;
	v0 =	vadd.f32 v0, v1;
	v1 =	vld [tilespmem:s25+$0x10]  }
0x10b: {  	v13 =	vadd.f32 v50, v13;
	v52 =	vmul.f32 v12, v62;
	v12 =	vld [tilespmem:s24+$0x30]  }
0x10c: {  	v8 =	vmul.f32 v47, v62;
	v5 =	vadd.f32 v5, v6;
	v3 =	vadd.f32 v4, v3;
	v4 =	vld [tilespmem:s24+$0x290]  }
0x10d: {  	v13 =	vadd.f32 v48, v13;
	v58 =	vmul.f32 v11, v61;
	v11 =	vld [tilespmem:s24+$0x50]  }
0x10e: {  	v6 =	vmul.f32 v45, v61;
	v2 =	vadd.f32 v63, v5;
	v5 =	vld [tilespmem:s24+$0x2B0];
	v3 =	vadd.f32 v8, v3  }
0x10f: {  	v13 =	vadd.f32 v46, v13;
	v61 =	vmul.f32 v10, v60;
	v10 =	vld [tilespmem:s24+$0x70]  }
0x110: {  	v2 =	vadd.f32 v7, v2;
	v3 =	vadd.f32 v6, v3;
	v6 =	vld [tilespmem:s24+$0x2D0]  }
0x111: {  	v62 =	vmul.f32 v12, v59;
	v12 =	vld [tilespmem:s24+$0x90]  }
0x112: {  	v13 =	vadd.f32 v44, v13;
	v8 =	vmul.f32 v43, v60;
	v2 =	vadd.f32 v4, v2;
	v4 =	vld [tilespmem:s24+$0x2F0]  }
0x113: {  	v63 =	vmul.f32 v11, v57;
	v11 =	vld [tilespmem:s24+$0xB0]  }
0x114: {  	v13 =	vadd.f32 v42, v13;
	v3 =	vadd.f32 v8, v3;
	v8 =	vmul.f32 v39, v57;
	v57 =	vld [tilespmem:$0x1FFF0]  }
0x115: {  	v7 =	vmul.f32 v41, v59;
	v2 =	vadd.f32 v5, v2;
	v5 =	vld [tilespmem:s24+$0x310]  }
0x116: {  	v13 =	vadd.f32 v40, v13;
	v39 =	vmul.f32 v10, v56;
	v10 =	vld [tilespmem:s24+$0xD0]  }
0x117: {  	v3 =	vadd.f32 v7, v3;
	v2 =	vadd.f32 v6, v2;
	v6 =	vld [tilespmem:s24+$0x330]  }
0x118: {  	v40 =	vmul.f32 v12, v55;
	v12 =	vld [tilespmem:s24+$0xF0]  }
0x119: {  	v13 =	vadd.f32 v37, v13;
	v3 =	vadd.f32 v8, v3;
	v8 =	vmul.f32 v35, v55;
	v55 =	vld [tilespmem:$0x1FFE0]  }
0x11a: {  	v7 =	vmul.f32 v38, v56;
	v41 =	vmul.f32 v11, v54;
	v11 =	vld [tilespmem:s24+$0x110]  }
0x11b: {  	v13 =	vadd.f32 v34, v13;
	v2 =	vadd.f32 v4, v2;
	v4 =	vld [tilespmem:s24+$0x350]  }
0x11c: {  	v3 =	vadd.f32 v7, v3;
	v7 =	vmul.f32 v32, v54;
	v54 =	vld [tilespmem:$0x1FFD0]  }
0x11d: {  	v13 =	vadd.f32 v31, v13;
	v2 =	vadd.f32 v5, v2;
	v5 =	vld [tilespmem:s24+$0x370]  }
0x11e: {  	v42 =	vmul.f32 v10, v53;
	v10 =	vld [tilespmem:s24+$0x130]  }
0x11f: {  	v13 =	vadd.f32 v27, v13;
	v3 =	vadd.f32 v8, v3;
	v8 =	vmul.f32 v28, v53;
	v53 =	vld [tilespmem:$0x1FFC0]  }
0x120: {  	v43 =	vmul.f32 v12, v36;
	v12 =	vld [tilespmem:s24+$0x150]  }
0x121: {  	v13 =	vadd.f32 v24, v13;
	v2 =	vadd.f32 v6, v2;
	v6 =	vld [tilespmem:s24+$0x390]  }
0x122: {  	v0 =	vadd.f32 v51, v0;
	v44 =	vmul.f32 v11, v33;
	v11 =	vld [tilespmem:s24+$0x170]  }
0x123: {  	v13 =	vadd.f32 v21, v13;
	v2 =	vadd.f32 v4, v2;
	v4 =	vld [tilespmem:s24+$0x3B0]  }
0x124: {  	v0 =	vadd.f32 v52, v0;
	v3 =	vadd.f32 v7, v3;
	v45 =	vmul.f32 v10, v30;
	v10 =	vld [tilespmem:s24+$0x190]  }
0x125: {  	v13 =	vadd.f32 v18, v13;
	v2 =	vadd.f32 v5, v2;
	v5 =	vld [tilespmem:s24+$0x3D0]  }
0x126: {  	v7 =	vmul.f32 v25, v36;
	v3 =	vadd.f32 v8, v3;
	v46 =	vmul.f32 v12, v29;
	v12 =	vld [tilespmem:s24+$0x1B0]  }
0x127: {  	v0 =	vadd.f32 v58, v0;
	v8 =	vmul.f32 v22, v33;
	v13 =	vadd.f32 v15, v13;
	v15 =	vld [tilespmem:$0x1FFB0]  }
0x128: {  	v3 =	vadd.f32 v7, v3;
	v47 =	vmul.f32 v11, v26;
	v11 =	vld [tilespmem:s24+$0x1D0];
	v2 =	vadd.f32 v6, v2  }
0x129: {  	v0 =	vadd.f32 v61, v0;
	v6 =	vld [tilespmem:s24+$0x3F0]  }
0x12a: {  	v7 =	vmul.f32 v19, v30;
	v3 =	vadd.f32 v8, v3;
	v2 =	vadd.f32 v4, v2;
	v4 =	vld [tilespmem:s24+$0x410]  }
0x12b: {  	v0 =	vadd.f32 v62, v0;
	v48 =	vmul.f32 v10, v23;
	v10 =	vmul.f32 v20, v14;
	v14 =	vld [tilespmem:$0x1FF40]  }
0x12c: {  	v3 =	vadd.f32 v7, v3;
	v7 =	vld [tilespmem:$0x1FFA0]  }
0x12d: {  	v0 =	vadd.f32 v63, v0;
	v49 =	vmul.f32 v12, v20;
	v12 =	vld [tilespmem:$0x1FF60]  }
0x12e: {  	v8 =	vmul.f32 v16, v29;
	v2 =	vadd.f32 v5, v2;
	v5 =	vld [tilespmem:s24+$0x430]  }
0x12f: {  	v0 =	vadd.f32 v39, v0;
	v13 =	vadd.f32 v15, v13;
	v15 =	vld [tilespmem:$0x1FF90]  }
0x130: {  	v3 =	vadd.f32 v8, v3;
	v8 =	vld [tilespmem:$0x1FF80]  }
0x131: {  	v0 =	vadd.f32 v40, v0;
	v2 =	vadd.f32 v6, v2;
	v6 =	vld [tilespmem:s24+$0x450];
	s24 =	sadd.s32 $0x8C0, s24  }
0x132: {  	v60 =	vld [tilespmem:s24+$0x420]  }
0x133: {  	v0 =	vadd.f32 v41, v0;
	v62 =	vld [tilespmem:s24+$0x1A0]  }
0x134: {  	v51 =	vld [tilespmem:s24+$0x160]  }
0x135: {  	v0 =	vadd.f32 v42, v0;
	v52 =	vld [tilespmem:s24+$0x3C0]  }
0x136: {  	v16 =	vld [tilespmem:s24+$0x140]  }
0x137: {  	v0 =	vadd.f32 v43, v0;
	v19 =	vld [tilespmem:s24+$0x120]  }
0x138: {  	v18 =	vld [tilespmem:s24+$0x380]  }
0x139: {  	v0 =	vadd.f32 v44, v0;
	v22 =	vld [tilespmem:s24+$0x100]  }
0x13a: {  	v21 =	vld [tilespmem:s24+$0x360]  }
0x13b: {  	v0 =	vadd.f32 v45, v0;
	v25 =	vld [tilespmem:s24+$0xE0]  }
0x13c: {  	v24 =	vld [tilespmem:s24+$0x340];
	v7 =	vmul.f32 v7, v26  }
0x13d: {  	v0 =	vadd.f32 v46, v0;
	v28 =	vld [tilespmem:s24+$0xC0]  }
0x13e: {  	v27 =	vld [tilespmem:s24+$0x320];
	v8 =	vmul.f32 v8, v23;
	v3 =	vadd.f32 v7, v3  }
0x13f: {  	v0 =	vadd.f32 v47, v0;
	v32 =	vld [tilespmem:s24+$0xA0]  }
0x140: {  	v2 =	vadd.f32 v4, v2;
	v3 =	vadd.f32 v8, v3;
	v8 =	vld [tilespmem:$0x1FF50]  }
0x141: {  	v31 =	vld [tilespmem:s24+$0x300];
	v13 =	vadd.f32 v15, v13  }
0x142: {  	v0 =	vadd.f32 v48, v0;
	v2 =	vadd.f32 v5, v2;
	v5 =	vld [tilespmem:$0x1FF70]  }
0x143: {  	v35 =	vld [tilespmem:s24+$0x80];
	v13 =	vadd.f32 v14, v13  }
0x144: {  	v50 =	vmul.f32 v11, v17;
	v34 =	vld [tilespmem:s24+$0x2E0];
	v0 =	vadd.f32 v49, v0  }
0x145: {  	v38 =	vld [tilespmem:s24+$0x60];
	v12 =	vadd.f32 v12, v13;
	v3 =	vadd.f32 v10, v3;
	v8 =	vmul.f32 v8, v17  }
0x146: {  	v37 =	vld [tilespmem:s24+$0x2C0];
	v2 =	vadd.f32 v6, v2;
	v0 =	vadd.f32 v50, v0  }
0x147: {  	v39 =	vld [tilespmem:s24+$0x40];
	v5 =	vadd.f32 v5, v12;
	v3 =	vadd.f32 v8, v3  }
0x148: {  	v40 =	vld [tilespmem:s24+$0x2A0]  }
0x149: {  	v41 =	vld [tilespmem:s24+$0x20];
	v0 =	vmul.f32 v2, v0;
	v3 =	vmul.f32 v5, v3  }
0x14a: {  	v42 =	vld [tilespmem:s24+$0x280]  }
0x14b: {  	v43 =	vld [tilespmem:s24+$0x0];
	v0 =	vadd.f32 v0, v3  }
0x14c: {  	v44 =	vld [tilespmem:s24+$0x260]  }
0x14d: {  	v45 =	vld [tilespmem:s24+$0xFFFFFFE0];
	v58 =	vperm.xlane v0, v53  }
0x14e: {  	v46 =	vld [tilespmem:s24+$0x240]  }
0x14f: {  	v59 =	vlaneseq.u32;
	v63 =	vmov s23;
	v47 =	vld [tilespmem:s24+$0xFFFFFFC0];
	v0 =	vadd.f32 v0, v58  }
0x150: {  	vm0 =	veq.s32 v63, v59;
	v63 =	vld [tilespmem:s24+$0xFFFFFD80]  }
0x151: {  	v4 =	vld [tilespmem:s24+$0x1C0];
	v2 =	vperm.xlane v0, v54  }
0x152: {  	v15 =	vld [tilespmem:s24+$0x3A0]  }
0x153: {  	v48 =	vld [tilespmem:s24+$0x220];
	v0 =	vadd.f32 v0, v2  }
0x154: {  	v7 =	vld [tilespmem:s24+$0x440]  }
0x155: {  	v14 =	vld [tilespmem:s24+$0x400];
	v2 =	vperm.xlane v0, v55  }
0x156: {  	v58 =	vld [tilespmem:s25+$0x0]  }
0x157: {  	v6 =	vld [tilespmem:s24+$0x180];
	v0 =	vadd.f32 v0, v2  }
0x158: {  	p0 =	sne.s32 s26, $0xF;
	v61 =	vmov v4;
	v4 =	vld [tilespmem:s24+$0x3E0]  }
.Ltmp0:
0x159: {  	v49 =	vld [tilespmem:s24+$0xFFFFFFA0];
	v2 =	vperm.xlane v0, v57;
	(pc) =	sbr.rel @p0 .LBB2_3-.Ltmp0, $4  }
0x15a: {  	v20 =	vbroadcast v1, $0x0;
	[tilespmem:$0x1FFA0] =	vst v51;
	v51 =	vld [tilespmem:s24+$0xFFFFFF80];
	v17 =	vbroadcast v1, $0x1  }
0x15b: {  	[tilespmem:$0x1FFB0] =	vst v52;
	v52 =	vld [tilespmem:s24+$0x1E0];
	v26 =	vbroadcast v58, $0xE;
	v23 =	vbroadcast v58, $0xF;
	v0 =	vadd.f32 v0, v2  }
0x15c: {  	v50 =	vld [tilespmem:s24+$0x200];
	[tilespmem:$0x1FF80] =	vst v6;
	v30 =	vbroadcast v58, $0xC;
	v29 =	vbroadcast v58, $0xD  }
0x15d: {  	s23 =	smov.u32 s26;
	s26 =	sadd.s32 $0x1, s26;
	v56 =	vmovc v7;
	[tilespmem:$0x1FF90] =	vst v4;
	v4 =	vld [tilespmem:s25+$0xFFFFFFE0];
	v36 =	vbroadcast v58, $0xA;
	v33 =	vbroadcast v58, $0xB;
	v9 =	vsel vm0, v0, v9  }
0x15e: {  	_ = 	snop  }
0x15f: {  	v0 =	vld [tilespmem:s24+$0xFFFFFBA0]  }
0x160: {  	v1 =	vld [tilespmem:s24+$0xFFFFFBB0]  }
0x161: {  	v2 =	vld [tilespmem:s24+$0xFFFFFBC0]  }
0x162: {  	v3 =	vld [tilespmem:s24+$0xFFFFFBD0];
	v5 =	vbroadcast v4, $0x0  }
0x163: {  	v6 =	vld [tilespmem:s24+$0xFFFFFBE0]  }
0x164: {  	v8 =	vld [tilespmem:s24+$0xFFFFFBF0];
	v7 =	vbroadcast v4, $0x1;
	v0 =	vmul.f32 v5, v0  }
0x165: {  	v1 =	vmul.f32 v1, v5;
	v5 =	vld [tilespmem:s24+$0xFFFFFC00]  }
0x166: {  	v11 =	vld [tilespmem:s24+$0xFFFFFC10];
	v10 =	vbroadcast v4, $0x2;
	v2 =	vmul.f32 v2, v7;
	v0 =	vadd.f32 $0.0e+00, v0  }
0x167: {  	v3 =	vmul.f32 v3, v7;
	v7 =	vld [tilespmem:s24+$0xFFFFFC20];
	v1 =	vadd.f32 $0.0e+00, v1  }
0x168: {  	v12 =	vbroadcast v4, $0x3;
	v6 =	vmul.f32 v6, v10;
	v0 =	vadd.f32 v2, v0;
	v2 =	vld [tilespmem:s24+$0xFFFFFC30]  }
0x169: {  	v1 =	vadd.f32 v3, v1;
	v3 =	vmul.f32 v8, v10;
	v8 =	vld [tilespmem:s24+$0xFFFFFC40]  }
0x16a: {  	v10 =	vbroadcast v4, $0x4;
	v5 =	vmul.f32 v5, v12;
	v0 =	vadd.f32 v6, v0;
	v6 =	vld [tilespmem:s24+$0xFFFFFC50]  }
0x16b: {  	v1 =	vadd.f32 v3, v1;
	v3 =	vmul.f32 v11, v12;
	v11 =	vld [tilespmem:s24+$0xFFFFFC60]  }
0x16c: {  	v7 =	vmul.f32 v7, v10;
	v12 =	vbroadcast v4, $0x5;
	v0 =	vadd.f32 v5, v0;
	v5 =	vld [tilespmem:s24+$0xFFFFFC70]  }
0x16d: {  	v1 =	vadd.f32 v3, v1;
	v3 =	vld [tilespmem:s24+$0xFFFFFC80];
	v2 =	vmul.f32 v2, v10  }
0x16e: {  	v8 =	vmul.f32 v8, v12;
	v10 =	vbroadcast v4, $0x6;
	v0 =	vadd.f32 v7, v0;
	v7 =	vld [tilespmem:s24+$0xFFFFFC90]  }
0x16f: {  	v1 =	vadd.f32 v2, v1;
	v2 =	vmul.f32 v6, v12;
	v6 =	vld [tilespmem:s24+$0xFFFFFCA0]  }
0x170: {  	v11 =	vmul.f32 v11, v10;
	v12 =	vbroadcast v4, $0x7;
	v0 =	vadd.f32 v8, v0;
	v8 =	vld [tilespmem:s24+$0xFFFFFCB0]  }
0x171: {  	v1 =	vadd.f32 v2, v1;
	v2 =	vmul.f32 v5, v10;
	v5 =	vld [tilespmem:s24+$0xFFFFFCC0]  }
0x172: {  	v3 =	vmul.f32 v3, v12;
	v10 =	vbroadcast v4, $0x8;
	v0 =	vadd.f32 v11, v0;
	v11 =	vld [tilespmem:s24+$0xFFFFFCD0]  }
0x173: {  	v1 =	vadd.f32 v2, v1;
	v2 =	vmul.f32 v7, v12;
	v7 =	vld [tilespmem:s24+$0xFFFFFCE0]  }
0x174: {  	v12 =	vbroadcast v4, $0x9;
	v6 =	vmul.f32 v6, v10;
	v0 =	vadd.f32 v3, v0;
	v3 =	vld [tilespmem:s24+$0xFFFFFCF0]  }
0x175: {  	v1 =	vadd.f32 v2, v1;
	v2 =	vmul.f32 v8, v10;
	v8 =	vld [tilespmem:s24+$0xFFFFFD00]  }
0x176: {  	v10 =	vbroadcast v4, $0xA;
	v5 =	vmul.f32 v5, v12;
	v0 =	vadd.f32 v6, v0;
	v6 =	vld [tilespmem:s24+$0xFFFFFD10]  }
0x177: {  	v1 =	vadd.f32 v2, v1;
	v2 =	vmul.f32 v11, v12;
	v11 =	vld [tilespmem:s24+$0xFFFFFD20]  }
0x178: {  	v12 =	vbroadcast v4, $0xB;
	v7 =	vmul.f32 v7, v10;
	v0 =	vadd.f32 v5, v0;
	v5 =	vld [tilespmem:s24+$0xFFFFFD30]  }
0x179: {  	v1 =	vadd.f32 v2, v1;
	v2 =	vmul.f32 v3, v10;
	v3 =	vld [tilespmem:s24+$0xFFFFFD40]  }
0x17a: {  	v10 =	vbroadcast v4, $0xC;
	v8 =	vmul.f32 v8, v12;
	v0 =	vadd.f32 v7, v0;
	v7 =	vld [tilespmem:s24+$0xFFFFFD50]  }
0x17b: {  	v1 =	vadd.f32 v2, v1;
	v2 =	vmul.f32 v6, v12;
	v6 =	vld [tilespmem:s24+$0xFFFFFD60]  }
0x17c: {  	v12 =	vbroadcast v4, $0xD;
	v11 =	vmul.f32 v11, v10;
	v0 =	vadd.f32 v8, v0;
	v8 =	vld [tilespmem:s24+$0xFFFFFD70]  }
0x17d: {  	v1 =	vadd.f32 v2, v1;
	v2 =	vmul.f32 v5, v10;
	v5 =	vld [tilespmem:s25+$0xFFFFFFF0]  }
0x17e: {  	v10 =	vbroadcast v4, $0xE;
	v3 =	vmul.f32 v3, v12;
	v0 =	vadd.f32 v11, v0;
	v11 =	vld [tilespmem:s24+$0xFFFFFD90]  }
0x17f: {  	v1 =	vadd.f32 v2, v1;
	v2 =	vmul.f32 v7, v12;
	v7 =	vld [tilespmem:s24+$0xFFFFFDA0]  }
0x180: {  	v4 =	vbroadcast v4, $0xF;
	v6 =	vmul.f32 v6, v10;
	v0 =	vadd.f32 v3, v0;
	v3 =	vld [tilespmem:s24+$0xFFFFFDB0]  }
0x181: {  	v1 =	vadd.f32 v2, v1;
	v2 =	vmul.f32 v8, v10;
	v8 =	vld [tilespmem:s24+$0xFFFFFDC0]  }
0x182: {  	v10 =	vmul.f32 v63, v4;
	v12 =	vbroadcast v5, $0x0;
	v0 =	vadd.f32 v6, v0;
	v6 =	vld [tilespmem:s24+$0xFFFFFDD0]  }
0x183: {  	v1 =	vadd.f32 v2, v1;
	v63 =	vmul.f32 v11, v4;
	v4 =	vld [tilespmem:s24+$0xFFFFFDE0]  }
0x184: {  	v11 =	vbroadcast v5, $0x1;
	v7 =	vmul.f32 v12, v7;
	v0 =	vadd.f32 v10, v0;
	v10 =	vld [tilespmem:s24+$0xFFFFFDF0]  }
0x185: {  	v1 =	vadd.f32 v63, v1;
	v63 =	vmul.f32 v3, v12;
	v3 =	vld [tilespmem:s24+$0xFFFFFE00]  }
0x186: {  	v12 =	vbroadcast v5, $0x2;
	v8 =	vmul.f32 v8, v11;
	v0 =	vadd.f32 v7, v0;
	v7 =	vld [tilespmem:s24+$0xFFFFFE10]  }
0x187: {  	v1 =	vadd.f32 v63, v1;
	v63 =	vmul.f32 v6, v11;
	v6 =	vld [tilespmem:s24+$0xFFFFFE20]  }
0x188: {  	v11 =	vbroadcast v5, $0x3;
	v4 =	vmul.f32 v4, v12;
	v0 =	vadd.f32 v8, v0;
	v8 =	vld [tilespmem:s24+$0xFFFFFE30]  }
0x189: {  	v1 =	vadd.f32 v63, v1;
	v63 =	vmul.f32 v10, v12;
	v10 =	vld [tilespmem:s24+$0xFFFFFE40]  }
0x18a: {  	v12 =	vbroadcast v5, $0x4;
	v3 =	vmul.f32 v3, v11;
	v0 =	vadd.f32 v4, v0;
	v4 =	vld [tilespmem:s24+$0xFFFFFE50]  }
0x18b: {  	v1 =	vadd.f32 v63, v1;
	v63 =	vmul.f32 v7, v11;
	v7 =	vld [tilespmem:s24+$0xFFFFFE60]  }
0x18c: {  	v11 =	vbroadcast v5, $0x5;
	v6 =	vmul.f32 v6, v12;
	v0 =	vadd.f32 v3, v0;
	v3 =	vld [tilespmem:s24+$0xFFFFFE70]  }
0x18d: {  	v1 =	vadd.f32 v63, v1;
	v63 =	vmul.f32 v8, v12;
	v8 =	vld [tilespmem:s24+$0xFFFFFE80]  }
0x18e: {  	v12 =	vbroadcast v5, $0x6;
	v10 =	vmul.f32 v10, v11;
	v0 =	vadd.f32 v6, v0;
	v6 =	vld [tilespmem:s24+$0xFFFFFE90]  }
0x18f: {  	v1 =	vadd.f32 v63, v1;
	v63 =	vmul.f32 v4, v11;
	v4 =	vld [tilespmem:s24+$0xFFFFFEA0]  }
0x190: {  	v11 =	vbroadcast v5, $0x7;
	v7 =	vmul.f32 v7, v12;
	v0 =	vadd.f32 v10, v0;
	v10 =	vld [tilespmem:s24+$0xFFFFFEB0]  }
0x191: {  	v1 =	vadd.f32 v63, v1;
	v63 =	vmul.f32 v3, v12;
	v3 =	vld [tilespmem:s24+$0xFFFFFEC0]  }
0x192: {  	v12 =	vbroadcast v5, $0x8;
	v8 =	vmul.f32 v8, v11;
	v0 =	vadd.f32 v7, v0;
	v7 =	vld [tilespmem:s24+$0xFFFFFED0]  }
0x193: {  	v1 =	vadd.f32 v63, v1;
	v63 =	vmul.f32 v6, v11;
	v6 =	vld [tilespmem:s24+$0xFFFFFEE0]  }
0x194: {  	v11 =	vbroadcast v5, $0x9;
	v4 =	vmul.f32 v4, v12;
	v0 =	vadd.f32 v8, v0;
	v8 =	vld [tilespmem:s24+$0xFFFFFEF0]  }
0x195: {  	v1 =	vadd.f32 v63, v1;
	v63 =	vmul.f32 v10, v12;
	v10 =	vld [tilespmem:s24+$0xFFFFFF00]  }
0x196: {  	v12 =	vbroadcast v5, $0xA;
	v3 =	vmul.f32 v3, v11;
	v0 =	vadd.f32 v4, v0;
	v4 =	vld [tilespmem:s24+$0xFFFFFF10]  }
0x197: {  	v1 =	vadd.f32 v63, v1;
	v63 =	vmul.f32 v7, v11;
	v7 =	vld [tilespmem:s24+$0xFFFFFF20]  }
0x198: {  	v11 =	vbroadcast v5, $0xB;
	v6 =	vmul.f32 v6, v12;
	v0 =	vadd.f32 v3, v0;
	v3 =	vld [tilespmem:s24+$0xFFFFFF30]  }
0x199: {  	v1 =	vadd.f32 v63, v1;
	v63 =	vmul.f32 v8, v12;
	v8 =	vld [tilespmem:s24+$0xFFFFFF40]  }
0x19a: {  	v12 =	vbroadcast v5, $0xC;
	v10 =	vmul.f32 v10, v11;
	v0 =	vadd.f32 v6, v0;
	v6 =	vld [tilespmem:s24+$0xFFFFFF50]  }
0x19b: {  	v1 =	vadd.f32 v63, v1;
	v63 =	vmul.f32 v4, v11;
	v4 =	vld [tilespmem:s24+$0xFFFFFF60]  }
0x19c: {  	v11 =	vbroadcast v5, $0xD;
	v7 =	vmul.f32 v7, v12;
	v0 =	vadd.f32 v10, v0;
	v10 =	vld [tilespmem:s24+$0xFFFFFF70]  }
0x19d: {  	v1 =	vadd.f32 v63, v1;
	v63 =	vmul.f32 v3, v12  }
0x19e: {  	v3 =	vld [tilespmem:s24+$0x1F0];
	v8 =	vmul.f32 v8, v11;
	v0 =	vadd.f32 v7, v0;
	v7 =	vbroadcast v5, $0xE  }
0x19f: {  	v1 =	vadd.f32 v63, v1;
	v63 =	vmul.f32 v6, v11;
	v6 =	vld [tilespmem:s24+$0xFFFFFF90]  }
0x1a0: {  	v0 =	vadd.f32 v8, v0;
	v8 =	vld [tilespmem:s24+$0x210];
	v4 =	vmul.f32 v4, v7  }
0x1a1: {  	v1 =	vadd.f32 v63, v1;
	v63 =	vbroadcast v5, $0xF;
	v5 =	vmul.f32 v10, v7;
	v7 =	vld [tilespmem:s24+$0xFFFFFFB0]  }
0x1a2: {  	v10 =	vadd.f32 $0.0e+00, v52;
	v0 =	vadd.f32 v4, v0;
	v4 =	vld [tilespmem:s24+$0x230]  }
0x1a3: {  	v3 =	vadd.f32 $0.0e+00, v3;
	v1 =	vadd.f32 v5, v1;
	v5 =	vmul.f32 v51, v63  }
0x1a4: {  	v11 =	vld [tilespmem:s24+$0xFFFFFFD0];
	v10 =	vadd.f32 v50, v10;
	v2 =	vmul.f32 v6, v63;
	v6 =	vbroadcast v58, $0x0  }
0x1a5: {  	v3 =	vadd.f32 v8, v3;
	v8 =	vld [tilespmem:s24+$0x250];
	v0 =	vadd.f32 v5, v0  }
0x1a6: {  	v5 =	vbroadcast v58, $0x1;
	v12 =	vmul.f32 v6, v49;
	v1 =	vadd.f32 v2, v1;
	v49 =	vld [tilespmem:s24+$0xFFFFFFF0]  }
0x1a7: {  	v6 =	vmul.f32 v7, v6;
	v7 =	vadd.f32 v48, v10;
	v3 =	vadd.f32 v4, v3;
	v4 =	vld [tilespmem:s24+$0x270]  }
0x1a8: {  	v10 =	vbroadcast v58, $0x2;
	v0 =	vadd.f32 v12, v0;
	v12 =	vmul.f32 v47, v5  }
0x1a9: {  	v1 =	vadd.f32 v6, v1;
	v5 =	vmul.f32 v11, v5;
	v6 =	vadd.f32 v46, v7;
	v7 =	vld [tilespmem:s24+$0x10]  }
0x1aa: {  	v13 =	vbroadcast v58, $0x9;
	v11 =	vmul.f32 v45, v10;
	v3 =	vadd.f32 v8, v3;
	v8 =	vld [tilespmem:s24+$0x290]  }
0x1ab: {  	v63 =	vld [tilespmem:s24+$0xB0];
	v0 =	vadd.f32 v12, v0;
	v1 =	vadd.f32 v5, v1;
	v5 =	vbroadcast v58, $0x3  }
0x1ac: {  	v6 =	vadd.f32 v44, v6;
	v2 =	vmul.f32 v49, v10;
	v3 =	vadd.f32 v4, v3;
	v4 =	vld [tilespmem:s24+$0x30]  }
0x1ad: {  	v50 =	vbroadcast v58, $0x4;
	v0 =	vadd.f32 v11, v0;
	v11 =	vld [tilespmem:s24+$0x2B0];
	v12 =	vmul.f32 v43, v5  }
0x1ae: {  	v6 =	vadd.f32 v42, v6;
	v1 =	vadd.f32 v2, v1;
	v5 =	vmul.f32 v7, v5;
	v7 =	vld [tilespmem:s24+$0x50]  }
0x1af: {  	v0 =	vadd.f32 v12, v0;
	v12 =	vbroadcast v58, $0x5;
	v3 =	vadd.f32 v8, v3;
	v8 =	vld [tilespmem:s24+$0x2D0]  }
0x1b0: {  	v52 =	vbroadcast v58, $0x7;
	v41 =	vmul.f32 v41, v50;
	v1 =	vadd.f32 v5, v1;
	v5 =	vld [tilespmem:s24+$0x70]  }
0x1b1: {  	v51 =	vld [tilespmem:s24+$0x2F0];
	v10 =	vbroadcast v58, $0x8;
	v6 =	vadd.f32 v40, v6;
	v39 =	vmul.f32 v39, v12  }
0x1b2: {  	v42 =	vld [tilespmem:s24+$0xF0];
	v0 =	vadd.f32 v41, v0;
	v2 =	vmul.f32 v4, v50;
	v4 =	vbroadcast v58, $0x6  }
0x1b3: {  	v43 =	vmul.f32 v63, v10;
	v6 =	vadd.f32 v37, v6;
	v3 =	vadd.f32 v11, v3;
	v11 =	vld [tilespmem:s24+$0x90]  }
0x1b4: {  	v58 =	vmul.f32 v7, v12;
	v7 =	vld [tilespmem:s24+$0x310];
	v0 =	vadd.f32 v39, v0;
	v12 =	vmul.f32 v38, v4  }
0x1b5: {  	v6 =	vadd.f32 v34, v6;
	v3 =	vadd.f32 v8, v3;
	v39 =	vmul.f32 v5, v4;
	v4 =	vld [tilespmem:s24+$0x330]  }
0x1b6: {  	v1 =	vadd.f32 v2, v1;
	v5 =	vmul.f32 v35, v52;
	v8 =	vld [tilespmem:s24+$0xD0];
	v0 =	vadd.f32 v12, v0  }
0x1b7: {  	v6 =	vadd.f32 v31, v6;
	v12 =	vmul.f32 v32, v10;
	v10 =	vld [tilespmem:s24+$0x110];
	v3 =	vadd.f32 v51, v3  }
0x1b8: {  	v1 =	vadd.f32 v58, v1;
	v41 =	vmul.f32 v11, v52;
	v11 =	vld [tilespmem:s24+$0x350];
	v0 =	vadd.f32 v5, v0  }
0x1b9: {  	v6 =	vadd.f32 v27, v6;
	v5 =	vld [tilespmem:s24+$0x370];
	v3 =	vadd.f32 v7, v3  }
0x1ba: {  	v1 =	vadd.f32 v39, v1;
	v7 =	vmul.f32 v28, v13;
	v0 =	vadd.f32 v12, v0;
	v12 =	vld [tilespmem:s24+$0x130]  }
0x1bb: {  	v6 =	vadd.f32 v24, v6;
	v44 =	vmul.f32 v8, v13;
	v13 =	vld [tilespmem:s24+$0x150];
	v3 =	vadd.f32 v4, v3  }
0x1bc: {  	v45 =	vmul.f32 v42, v36;
	v1 =	vadd.f32 v41, v1;
	v4 =	vld [tilespmem:s24+$0x390]  }
0x1bd: {  	v6 =	vadd.f32 v21, v6;
	v46 =	vmul.f32 v10, v33;
	v10 =	vld [tilespmem:s24+$0x170];
	v3 =	vadd.f32 v11, v3  }
0x1be: {  	v8 =	vmul.f32 v25, v36;
	v1 =	vadd.f32 v43, v1;
	v0 =	vadd.f32 v7, v0;
	v7 =	vld [tilespmem:s24+$0x3B0]  }
0x1bf: {  	v11 =	vmul.f32 v22, v33;
	v6 =	vadd.f32 v18, v6;
	v3 =	vadd.f32 v5, v3;
	v5 =	vld [tilespmem:s24+$0x3D0]  }
0x1c0: {  	v1 =	vadd.f32 v44, v1;
	v0 =	vadd.f32 v8, v0;
	v47 =	vmul.f32 v12, v30;
	v12 =	vld [tilespmem:s24+$0x190]  }
0x1c1: {  	v8 =	vmul.f32 v19, v30;
	v6 =	vadd.f32 v15, v6;
	v15 =	vld [tilespmem:$0x1FFB0]  }
0x1c2: {  	v48 =	vmul.f32 v13, v29;
	v13 =	vld [tilespmem:s24+$0x1B0];
	v1 =	vadd.f32 v45, v1;
	v0 =	vadd.f32 v11, v0  }
0x1c3: {  	v49 =	vmul.f32 v10, v26;
	v10 =	vld [tilespmem:$0x1FF80];
	v3 =	vadd.f32 v4, v3  }
0x1c4: {  	v1 =	vadd.f32 v46, v1;
	v0 =	vadd.f32 v8, v0;
	v8 =	vld [tilespmem:$0x1FFA0]  }
0x1c5: {  	v11 =	vmul.f32 v16, v29;
	v4 =	vld [tilespmem:s24+$0x3F0];
	v3 =	vadd.f32 v7, v3  }
0x1c6: {  	v1 =	vadd.f32 v47, v1;
	v6 =	vadd.f32 v15, v6;
	v15 =	vld [tilespmem:$0x1FF90]  }
0x1c7: {  	v7 =	vld [tilespmem:s24+$0x410];
	v0 =	vadd.f32 v11, v0  }
0x1c8: {  	v11 =	vld [tilespmem:s24+$0x1D0];
	v3 =	vadd.f32 v5, v3;
	v1 =	vadd.f32 v48, v1  }
0x1c9: {  	v5 =	vld [tilespmem:s24+$0x430];
	v8 =	vmul.f32 v8, v26  }
0x1ca: {  	v50 =	vmul.f32 v12, v23;
	v3 =	vadd.f32 v4, v3;
	v1 =	vadd.f32 v49, v1  }
0x1cb: {  	v10 =	vmul.f32 v10, v23;
	v4 =	vld [tilespmem:s24+$0x450];
	v6 =	vadd.f32 v15, v6;
	v0 =	vadd.f32 v8, v0  }
0x1cc: {  	v51 =	vmul.f32 v13, v20;
	v3 =	vadd.f32 v7, v3;
	v1 =	vadd.f32 v50, v1  }
0x1cd: {  	v8 =	vmul.f32 v20, v62;
	v6 =	vadd.f32 v14, v6;
	v0 =	vadd.f32 v10, v0  }
0x1ce: {  	v52 =	vmul.f32 v11, v17;
	v3 =	vadd.f32 v5, v3;
	v1 =	vadd.f32 v51, v1  }
0x1cf: {  	v7 =	vmul.f32 v61, v17;
	v6 =	vadd.f32 v60, v6;
	v0 =	vadd.f32 v8, v0  }
0x1d0: {  	v3 =	vadd.f32 v4, v3;
	v1 =	vadd.f32 v52, v1  }
0x1d1: {  	v5 =	vadd.f32 v56, v6;
	v0 =	vadd.f32 v7, v0;
	_ =	sdelay $0x1  }
0x1d2: {  	v1 =	vmul.f32 v3, v1;
	v0 =	vmul.f32 v5, v0;
	_ =	sdelay $0x1  }
0x1d3: {  	v0 =	vadd.f32 v1, v0;
	_ =	sdelay $0x1  }
0x1d4: {  	v1 =	vperm.xlane v0, v53;
	_ =	sdelay $0x1  }
0x1d5: {  	v0 =	vadd.f32 v0, v1;
	_ =	sdelay $0x1  }
0x1d6: {  	v1 =	vperm.xlane v0, v54;
	_ =	sdelay $0x1  }
0x1d7: {  	v0 =	vadd.f32 v0, v1;
	_ =	sdelay $0x1  }
0x1d8: {  	v1 =	vperm.xlane v0, v55;
	_ =	sdelay $0x1  }
0x1d9: {  	v0 =	vadd.f32 v0, v1;
	_ =	sdelay $0x1  }
0x1da: {  	v1 =	vperm.xlane v0, v57  }
0x1db: {  	p0 =	seq.s32 s21, $0xF  }
0x1dc: {  	v55 =	vmov s23;
	s23 =	sadd.s32 @!p0 s22, s9;
	v0 =	vadd.f32 v0, v1  }
0x1dd: {  	vm0 =	veq.s32 v55, v59;
	s24 =	smul.u32 @!p0 $0x9, s23  }
0x1de: {  	s26 =	sand.u32 $0x3FFFFFE0, s22;
	v0 =	vsel vm0, v0, v9  }
0x1df: {  	s22 =	sadd.s32 @!p0 s4, s24;
	s24 =	simm.s32 @!p0 $0x0;
	[tilespmem:s26+$0x12900] =	vst v0  }
0x1e0: {  	[tilespmem:s24], [sflag:$0x3] =	stream.linear.gather @!p0 [hbm4b:s22+s24], $0x480, $0x38;
	[tilespmem:$0x12B00] =	vst v63  }
0x1e1: {  	s22 =	simm.s32 @!p0 $0x3  }
0x1e2: {  	_ =	swait.ge @!p0 [sflag:s22], $0x480  }
0x1e3: {  	s23 =	sshll.u32 @!p0 s23, $0x3;
	[sflag:s22] =	ssyncset.done @!p0 $0x0  }
0x1e4: {  	s25 =	simm.s32 @!p0 $0x480;
	s23 =	sadd.s32 @!p0 s5, s23;
	[sflag:s22] =	ssyncadd.s32 @!p0 $0xFFFFFB80  }
0x1e5: {  	[tilespmem:s25], [sflag:$0x3] =	stream.linear.gather @!p0 [hbm4b:s23+s24], $0x400, $0x38;
	[tilespmem:$0x12B00] =	vst v63  }
0x1e6: {  	_ =	swait.ge @!p0 [sflag:s22], $0x400  }
0x1e7: {  	[sflag:s22] =	ssyncset.done @!p0 $0x0  }
0x1e8: {  	s23 =	simm.s32 @!p0 $0x880;
	[sflag:s22] =	ssyncadd.s32 @!p0 $0xFFFFFC00;
	s22 =	simm.s32 @!p0 $0x46  }
0x1e9: {  	[tilespmem:s23], [sflag:$0x1] =	stream.indirect.gather @!p0 [hbm4b:s6+s22], $0x20, s24, s22, $0xb8;
	[tilespmem:$0x12B00] =	vst v63  }
0x1ea: {  	s23 =	simm.s32 @!p0 $0x48;
	s24 =	simm.s32 @!p0 $0x1140  }
0x1eb: {  	[tilespmem:s24], [sflag:$0x1] =	stream.indirect.gather @!p0 [hbm4b:s6+s22], $0x20, s23, s22, $0xb8;
	[tilespmem:$0x12B00] =	vst v63  }
0x1ec: {  	s23 =	simm.s32 @!p0 $0x90;
	s24 =	simm.s32 @!p0 $0x1A00  }
0x1ed: {  	[tilespmem:s24], [sflag:$0x1] =	stream.indirect.gather @!p0 [hbm4b:s6+s22], $0x20, s23, s22, $0xb8;
	[tilespmem:$0x12B00] =	vst v63  }
0x1ee: {  	s23 =	simm.s32 @!p0 $0xD8;
	s24 =	simm.s32 @!p0 $0x22C0  }
0x1ef: {  	[tilespmem:s24], [sflag:$0x1] =	stream.indirect.gather @!p0 [hbm4b:s6+s22], $0x20, s23, s22, $0xb8;
	[tilespmem:$0x12B00] =	vst v63  }
0x1f0: {  	s23 =	simm.s32 @!p0 $0x120;
	s24 =	simm.s32 @!p0 $0x2B80  }
0x1f1: {  	[tilespmem:s24], [sflag:$0x1] =	stream.indirect.gather @!p0 [hbm4b:s6+s22], $0x20, s23, s22, $0xb8;
	[tilespmem:$0x12B00] =	vst v63  }
0x1f2: {  	s23 =	simm.s32 @!p0 $0x168;
	s24 =	simm.s32 @!p0 $0x3440  }
0x1f3: {  	[tilespmem:s24], [sflag:$0x1] =	stream.indirect.gather @!p0 [hbm4b:s6+s22], $0x20, s23, s22, $0xb8;
	[tilespmem:$0x12B00] =	vst v63  }
0x1f4: {  	s23 =	simm.s32 @!p0 $0x1B0;
	s24 =	simm.s32 @!p0 $0x3D00  }
0x1f5: {  	[tilespmem:s24], [sflag:$0x1] =	stream.indirect.gather @!p0 [hbm4b:s6+s22], $0x20, s23, s22, $0xb8;
	[tilespmem:$0x12B00] =	vst v63  }
0x1f6: {  	s23 =	simm.s32 @!p0 $0x1F8;
	s24 =	simm.s32 @!p0 $0x45C0  }
0x1f7: {  	[tilespmem:s24], [sflag:$0x1] =	stream.indirect.gather @!p0 [hbm4b:s6+s22], $0x20, s23, s22, $0xb8;
	[tilespmem:$0x12B00] =	vst v63  }
0x1f8: {  	s23 =	simm.s32 @!p0 $0x240;
	s24 =	simm.s32 @!p0 $0x4E80  }
0x1f9: {  	[tilespmem:s24], [sflag:$0x1] =	stream.indirect.gather @!p0 [hbm4b:s6+s22], $0x20, s23, s22, $0xb8;
	[tilespmem:$0x12B00] =	vst v63  }
0x1fa: {  	s23 =	simm.s32 @!p0 $0x288;
	s24 =	simm.s32 @!p0 $0x5740  }
0x1fb: {  	[tilespmem:s24], [sflag:$0x1] =	stream.indirect.gather @!p0 [hbm4b:s6+s22], $0x20, s23, s22, $0xb8;
	[tilespmem:$0x12B00] =	vst v63  }
0x1fc: {  	s23 =	simm.s32 @!p0 $0x2D0;
	s24 =	simm.s32 @!p0 $0x6000  }
0x1fd: {  	[tilespmem:s24], [sflag:$0x1] =	stream.indirect.gather @!p0 [hbm4b:s6+s22], $0x20, s23, s22, $0xb8;
	[tilespmem:$0x12B00] =	vst v63  }
0x1fe: {  	s23 =	simm.s32 @!p0 $0x318;
	s24 =	simm.s32 @!p0 $0x68C0  }
0x1ff: {  	[tilespmem:s24], [sflag:$0x1] =	stream.indirect.gather @!p0 [hbm4b:s6+s22], $0x20, s23, s22, $0xb8;
	[tilespmem:$0x12B00] =	vst v63  }
0x200: {  	s23 =	simm.s32 @!p0 $0x360;
	s24 =	simm.s32 @!p0 $0x7180  }
0x201: {  	[tilespmem:s24], [sflag:$0x1] =	stream.indirect.gather @!p0 [hbm4b:s6+s22], $0x20, s23, s22, $0xb8;
	[tilespmem:$0x12B00] =	vst v63  }
0x202: {  	s23 =	simm.s32 @!p0 $0x3A8;
	s24 =	simm.s32 @!p0 $0x7A40  }
0x203: {  	[tilespmem:s24], [sflag:$0x1] =	stream.indirect.gather @!p0 [hbm4b:s6+s22], $0x20, s23, s22, $0xb8;
	[tilespmem:$0x12B00] =	vst v63  }
0x204: {  	s23 =	simm.s32 @!p0 $0x3F0;
	s24 =	simm.s32 @!p0 $0x8300  }
0x205: {  	[tilespmem:s24], [sflag:$0x1] =	stream.indirect.gather @!p0 [hbm4b:s6+s22], $0x20, s23, s22, $0xb8;
	[tilespmem:$0x12B00] =	vst v63  }
0x206: {  	s23 =	simm.s32 @!p0 $0x438;
	s24 =	simm.s32 @!p0 $0x8BC0  }
0x207: {  	[tilespmem:s24], [sflag:$0x1] =	stream.indirect.gather @!p0 [hbm4b:s6+s22], $0x20, s23, s22, $0xb8;
	[tilespmem:$0x12B00] =	vst v63  }
0x208: {  	_ =	swait.ge [sflag:s19], $0x8C0  }
0x209: {  	[sflag:s19] =	ssyncset.done $0x0  }
0x20a: {  	[sflag:s19] =	ssyncadd.s32 $0xFFFFF740  }
0x20b: {  	_ =	swait.ge [sflag:s19], $0x8C0  }
0x20c: {  	[sflag:s19] =	ssyncset.done $0x0  }
0x20d: {  	[sflag:s19] =	ssyncadd.s32 $0xFFFFF740  }
0x20e: {  	_ =	swait.ge [sflag:s19], $0x8C0  }
0x20f: {  	[sflag:s19] =	ssyncset.done $0x0  }
0x210: {  	[sflag:s19] =	ssyncadd.s32 $0xFFFFF740  }
0x211: {  	_ =	swait.ge [sflag:s19], $0x8C0  }
0x212: {  	[sflag:s19] =	ssyncset.done $0x0  }
0x213: {  	[sflag:s19] =	ssyncadd.s32 $0xFFFFF740  }
0x214: {  	_ =	swait.ge [sflag:s19], $0x8C0  }
0x215: {  	[sflag:s19] =	ssyncset.done $0x0  }
0x216: {  	[sflag:s19] =	ssyncadd.s32 $0xFFFFF740  }
0x217: {  	_ =	swait.ge [sflag:s19], $0x8C0  }
0x218: {  	[sflag:s19] =	ssyncset.done $0x0  }
0x219: {  	[sflag:s19] =	ssyncadd.s32 $0xFFFFF740  }
0x21a: {  	_ =	swait.ge [sflag:s19], $0x8C0  }
0x21b: {  	[sflag:s19] =	ssyncset.done $0x0  }
0x21c: {  	[sflag:s19] =	ssyncadd.s32 $0xFFFFF740  }
0x21d: {  	_ =	swait.ge [sflag:s19], $0x8C0  }
0x21e: {  	[sflag:s19] =	ssyncset.done $0x0  }
0x21f: {  	[sflag:s19] =	ssyncadd.s32 $0xFFFFF740  }
0x220: {  	_ =	swait.ge [sflag:s19], $0x8C0  }
0x221: {  	[sflag:s19] =	ssyncset.done $0x0  }
0x222: {  	[sflag:s19] =	ssyncadd.s32 $0xFFFFF740  }
0x223: {  	_ =	swait.ge [sflag:s19], $0x8C0  }
0x224: {  	[sflag:s19] =	ssyncset.done $0x0  }
0x225: {  	[sflag:s19] =	ssyncadd.s32 $0xFFFFF740  }
0x226: {  	_ =	swait.ge [sflag:s19], $0x8C0  }
0x227: {  	[sflag:s19] =	ssyncset.done $0x0  }
0x228: {  	[sflag:s19] =	ssyncadd.s32 $0xFFFFF740  }
0x229: {  	_ =	swait.ge [sflag:s19], $0x8C0  }
0x22a: {  	[sflag:s19] =	ssyncset.done $0x0  }
0x22b: {  	[sflag:s19] =	ssyncadd.s32 $0xFFFFF740  }
0x22c: {  	_ =	swait.ge [sflag:s19], $0x8C0  }
0x22d: {  	[sflag:s19] =	ssyncset.done $0x0  }
0x22e: {  	[sflag:s19] =	ssyncadd.s32 $0xFFFFF740  }
0x22f: {  	_ =	swait.ge [sflag:s19], $0x8C0  }
0x230: {  	[sflag:s19] =	ssyncset.done $0x0  }
0x231: {  	[sflag:s19] =	ssyncadd.s32 $0xFFFFF740  }
0x232: {  	_ =	swait.ge [sflag:s19], $0x8C0  }
0x233: {  	[sflag:s19] =	ssyncset.done $0x0  }
0x234: {  	[sflag:s19] =	ssyncadd.s32 $0xFFFFF740  }
0x235: {  	_ =	swait.ge [sflag:s19], $0x8C0  }
0x236: {  	[sflag:s19] =	ssyncset.done $0x0  }
0x237: {  	s22 =	simm.s32 $0xA160;
	[sflag:s19] =	ssyncadd.s32 $0xFFFFF740  }
0x238: {  	v58 =	vld [tilespmem:s22+$0x440]  }
0x239: {  	v61 =	vld [tilespmem:s22+$0x1C0]  }
0x23a: {  	v60 =	vld [tilespmem:s22+$0x420]  }
0x23b: {  	v62 =	vld [tilespmem:s22+$0x1A0]  }
0x23c: {  	v14 =	vld [tilespmem:s22+$0x400]  }
0x23d: {  	s24 =	simm.s32 $0x9920;
	v56 =	vld [tilespmem:s22+$0x180]  }
0x23e: {  	v0 =	vld [tilespmem:s24+$0x10]  }
0x23f: {  	v57 =	vld [tilespmem:s22+$0x3E0]  }
0x240: {  	v59 =	vld [tilespmem:s22+$0x160]  }
0x241: {  	v63 =	vld [tilespmem:s22+$0x3C0]  }
0x242: {  	v15 =	vld [tilespmem:s22+$0x140]  }
0x243: {  	v16 =	vld [tilespmem:s22+$0x3A0]  }
0x244: {  	v18 =	vld [tilespmem:s22+$0x120]  }
0x245: {  	v19 =	vld [tilespmem:s22+$0x380]  }
0x246: {  	v21 =	vld [tilespmem:s22+$0x100]  }
0x247: {  	v22 =	vld [tilespmem:s22+$0x360]  }
0x248: {  	v24 =	vld [tilespmem:s22+$0xE0]  }
0x249: {  	v26 =	vld [tilespmem:s22+$0x340]  }
0x24a: {  	v27 =	vld [tilespmem:s22+$0xC0]  }
0x24b: {  	v28 =	vld [tilespmem:s22+$0x320]  }
0x24c: {  	v31 =	vld [tilespmem:s22+$0xA0]  }
0x24d: {  	v32 =	vld [tilespmem:s22+$0x300]  }
0x24e: {  	v33 =	vld [tilespmem:s22+$0x80]  }
0x24f: {  	v35 =	vld [tilespmem:s22+$0x2E0]  }
0x250: {  	v37 =	vld [tilespmem:s22+$0x60]  }
0x251: {  	v38 =	vld [tilespmem:s22+$0x2C0]  }
0x252: {  	v39 =	vld [tilespmem:s22+$0x40]  }
0x253: {  	v40 =	vld [tilespmem:s22+$0x2A0]  }
0x254: {  	v41 =	vld [tilespmem:s22+$0x20]  }
0x255: {  	v42 =	vld [tilespmem:s22+$0x280]  }
0x256: {  	v43 =	vld [tilespmem:s22+$0x0]  }
0x257: {  	v44 =	vld [tilespmem:s22+$0x260]  }
0x258: {  	v45 =	vld [tilespmem:s22+$0xFFFFFFE0]  }
0x259: {  	v46 =	vld [tilespmem:s22+$0x240]  }
0x25a: {  	v47 =	vld [tilespmem:s22+$0xFFFFFFC0]  }
0x25b: {  	[tilespmem:$0x1FF00] =	vst v56;
	v56 =	vld [tilespmem:s24+$0x0]  }
0x25c: {  	v48 =	vld [tilespmem:s22+$0x220]  }
0x25d: {  	v49 =	vld [tilespmem:s22+$0xFFFFFFA0]  }
0x25e: {  	v50 =	vld [tilespmem:s22+$0x200]  }
0x25f: {  	v51 =	vld [tilespmem:s22+$0xFFFFFF80];
	v20 =	vbroadcast v0, $0x0;
	v17 =	vbroadcast v0, $0x1  }
0x260: {  	v52 =	vld [tilespmem:s22+$0x1E0];
	[tilespmem:$0x1FF10] =	vst v57;
	v25 =	vbroadcast v56, $0xE;
	v23 =	vbroadcast v56, $0xF  }
0x261: {  	v4 =	vld [tilespmem:s24+$0xFFFFFFE0];
	[tilespmem:$0x1FF20] =	vst v59;
	v30 =	vbroadcast v56, $0xC;
	v29 =	vbroadcast v56, $0xD  }
0x262: {  	s21 =	sadd.s32 $0x1, s21;
	v9 =	vimm.f32 $0.0e+00;
	s25 =	simm.s32 $0x1;
	s23 =	simm.s32 $0x0;
	[tilespmem:$0x1FF30] =	vst v63;
	v63 =	vld [tilespmem:s22+$0xFFFFFD80];
	v36 =	vbroadcast v56, $0xA;
	v34 =	vbroadcast v56, $0xB  }
.LBB2_5:
0x263: {  	v0 =	vld [tilespmem:s22+$0xFFFFFBA0]  }
0x264: {  	v1 =	vld [tilespmem:s22+$0xFFFFFBB0]  }
0x265: {  	v2 =	vld [tilespmem:s22+$0xFFFFFBC0]  }
0x266: {  	v3 =	vld [tilespmem:s22+$0xFFFFFBD0]  }
0x267: {  	v6 =	vld [tilespmem:s22+$0xFFFFFBE0];
	v5 =	vbroadcast v4, $0x0  }
0x268: {  	v8 =	vld [tilespmem:s22+$0xFFFFFBF0];
	v7 =	vbroadcast v4, $0x1  }
0x269: {  	v11 =	vld [tilespmem:s22+$0xFFFFFC10];
	v0 =	vmul.f32 v5, v0;
	v1 =	vmul.f32 v1, v5  }
0x26a: {  	v10 =	vbroadcast v4, $0x2;
	v5 =	vld [tilespmem:s22+$0xFFFFFC00];
	v2 =	vmul.f32 v2, v7  }
0x26b: {  	v13 =	vld [tilespmem:s22+$0xFFFFFC30];
	v3 =	vmul.f32 v3, v7;
	v0 =	vadd.f32 $0.0e+00, v0;
	v1 =	vadd.f32 $0.0e+00, v1  }
0x26c: {  	v12 =	vbroadcast v4, $0x3;
	v7 =	vld [tilespmem:s22+$0xFFFFFC20]  }
0x26d: {  	v6 =	vmul.f32 v6, v10;
	v0 =	vadd.f32 v2, v0;
	v1 =	vadd.f32 v3, v1;
	v3 =	vld [tilespmem:s22+$0xFFFFFC40]  }
0x26e: {  	v2 =	vmul.f32 v8, v10;
	v10 =	vld [tilespmem:s22+$0xFFFFFC50]  }
0x26f: {  	v8 =	vbroadcast v4, $0x4;
	v5 =	vmul.f32 v5, v12;
	v0 =	vadd.f32 v6, v0;
	v6 =	vld [tilespmem:s22+$0xFFFFFC60]  }
0x270: {  	v1 =	vadd.f32 v2, v1;
	v2 =	vmul.f32 v11, v12;
	v12 =	vld [tilespmem:s22+$0xFFFFFC70]  }
0x271: {  	v7 =	vmul.f32 v7, v8;
	v11 =	vbroadcast v4, $0x5;
	v0 =	vadd.f32 v5, v0;
	v5 =	vld [tilespmem:s22+$0xFFFFFC80]  }
0x272: {  	v1 =	vadd.f32 v2, v1;
	v2 =	vmul.f32 v13, v8;
	v13 =	vld [tilespmem:s22+$0xFFFFFC90]  }
0x273: {  	v8 =	vbroadcast v4, $0x6;
	v3 =	vmul.f32 v3, v11;
	v0 =	vadd.f32 v7, v0;
	v7 =	vld [tilespmem:s22+$0xFFFFFCA0]  }
0x274: {  	v1 =	vadd.f32 v2, v1;
	v2 =	vmul.f32 v10, v11;
	v11 =	vld [tilespmem:s22+$0xFFFFFCB0]  }
0x275: {  	v10 =	vbroadcast v4, $0x7;
	v6 =	vmul.f32 v6, v8;
	v0 =	vadd.f32 v3, v0;
	v3 =	vld [tilespmem:s22+$0xFFFFFCC0]  }
0x276: {  	v1 =	vadd.f32 v2, v1;
	v2 =	vmul.f32 v12, v8;
	v12 =	vld [tilespmem:s22+$0xFFFFFCD0]  }
0x277: {  	v8 =	vbroadcast v4, $0x8;
	v5 =	vmul.f32 v5, v10;
	v0 =	vadd.f32 v6, v0;
	v6 =	vld [tilespmem:s22+$0xFFFFFCE0]  }
0x278: {  	v1 =	vadd.f32 v2, v1;
	v2 =	vmul.f32 v13, v10;
	v13 =	vld [tilespmem:s22+$0xFFFFFCF0]  }
0x279: {  	v10 =	vbroadcast v4, $0x9;
	v7 =	vmul.f32 v7, v8;
	v0 =	vadd.f32 v5, v0;
	v5 =	vld [tilespmem:s22+$0xFFFFFD00]  }
0x27a: {  	v1 =	vadd.f32 v2, v1;
	v2 =	vmul.f32 v11, v8;
	v11 =	vld [tilespmem:s22+$0xFFFFFD10]  }
0x27b: {  	v8 =	vbroadcast v4, $0xA;
	v3 =	vmul.f32 v3, v10;
	v0 =	vadd.f32 v7, v0;
	v7 =	vld [tilespmem:s22+$0xFFFFFD20]  }
0x27c: {  	v1 =	vadd.f32 v2, v1;
	v2 =	vmul.f32 v12, v10;
	v12 =	vld [tilespmem:s22+$0xFFFFFD30]  }
0x27d: {  	v10 =	vbroadcast v4, $0xB;
	v6 =	vmul.f32 v6, v8;
	v0 =	vadd.f32 v3, v0;
	v3 =	vld [tilespmem:s22+$0xFFFFFD40]  }
0x27e: {  	v1 =	vadd.f32 v2, v1;
	v2 =	vmul.f32 v13, v8;
	v13 =	vld [tilespmem:s22+$0xFFFFFD50]  }
0x27f: {  	v8 =	vbroadcast v4, $0xC;
	v5 =	vmul.f32 v5, v10;
	v0 =	vadd.f32 v6, v0;
	v6 =	vld [tilespmem:s22+$0xFFFFFD60]  }
0x280: {  	v1 =	vadd.f32 v2, v1;
	v2 =	vmul.f32 v11, v10;
	v11 =	vld [tilespmem:s22+$0xFFFFFD70]  }
0x281: {  	v10 =	vbroadcast v4, $0xD;
	v7 =	vmul.f32 v7, v8;
	v5 =	vadd.f32 v5, v0;
	v0 =	vld [tilespmem:s24+$0xFFFFFFF0]  }
0x282: {  	v1 =	vadd.f32 v2, v1;
	v2 =	vmul.f32 v12, v8;
	v12 =	vld [tilespmem:s22+$0xFFFFFD90]  }
0x283: {  	v8 =	vbroadcast v4, $0xE;
	v3 =	vmul.f32 v3, v10;
	v5 =	vadd.f32 v7, v5;
	v7 =	vld [tilespmem:s22+$0xFFFFFDA0]  }
0x284: {  	v4 =	vbroadcast v4, $0xF;
	v1 =	vadd.f32 v2, v1;
	v2 =	vmul.f32 v13, v10;
	v10 =	vld [tilespmem:s22+$0xFFFFFDB0]  }
0x285: {  	v13 =	vld [tilespmem:s22+$0xFFFFFDD0];
	v6 =	vmul.f32 v6, v8;
	v3 =	vadd.f32 v3, v5  }
0x286: {  	v1 =	vadd.f32 v2, v1;
	v2 =	vmul.f32 v11, v8;
	v5 =	vld [tilespmem:s22+$0xFFFFFDC0];
	v8 =	vmul.f32 v63, v4  }
0x287: {  	v11 =	vbroadcast v0, $0x0;
	v63 =	vmul.f32 v12, v4;
	v4 =	vld [tilespmem:s22+$0xFFFFFDE0];
	v3 =	vadd.f32 v6, v3  }
0x288: {  	v12 =	vld [tilespmem:s22+$0xFFFFFDF0];
	v1 =	vadd.f32 v2, v1  }
0x289: {  	v6 =	vmul.f32 v11, v7;
	v7 =	vbroadcast v0, $0x1;
	v3 =	vadd.f32 v8, v3;
	v8 =	vld [tilespmem:s22+$0xFFFFFE00]  }
0x28a: {  	v1 =	vadd.f32 v63, v1;
	v63 =	vmul.f32 v10, v11;
	v11 =	vld [tilespmem:s22+$0xFFFFFE10]  }
0x28b: {  	v10 =	vbroadcast v0, $0x2;
	v5 =	vmul.f32 v5, v7;
	v3 =	vadd.f32 v6, v3;
	v6 =	vld [tilespmem:s22+$0xFFFFFE20]  }
0x28c: {  	v1 =	vadd.f32 v63, v1;
	v63 =	vmul.f32 v13, v7;
	v13 =	vld [tilespmem:s22+$0xFFFFFE30]  }
0x28d: {  	v4 =	vmul.f32 v4, v10;
	v7 =	vbroadcast v0, $0x3;
	v3 =	vadd.f32 v5, v3;
	v5 =	vld [tilespmem:s22+$0xFFFFFE40]  }
0x28e: {  	v1 =	vadd.f32 v63, v1;
	v63 =	vmul.f32 v12, v10;
	v12 =	vld [tilespmem:s22+$0xFFFFFE50]  }
0x28f: {  	v10 =	vbroadcast v0, $0x4;
	v8 =	vmul.f32 v8, v7;
	v3 =	vadd.f32 v4, v3;
	v4 =	vld [tilespmem:s22+$0xFFFFFE60]  }
0x290: {  	v1 =	vadd.f32 v63, v1;
	v63 =	vmul.f32 v11, v7;
	v11 =	vld [tilespmem:s22+$0xFFFFFE70]  }
0x291: {  	v7 =	vbroadcast v0, $0x5;
	v6 =	vmul.f32 v6, v10;
	v3 =	vadd.f32 v8, v3;
	v8 =	vld [tilespmem:s22+$0xFFFFFE80]  }
0x292: {  	v1 =	vadd.f32 v63, v1;
	v63 =	vmul.f32 v13, v10;
	v13 =	vld [tilespmem:s22+$0xFFFFFE90]  }
0x293: {  	v10 =	vbroadcast v0, $0x6;
	v5 =	vmul.f32 v5, v7;
	v3 =	vadd.f32 v6, v3;
	v6 =	vld [tilespmem:s22+$0xFFFFFEA0]  }
0x294: {  	v54 =	vbroadcast v56, $0x8;
	v1 =	vadd.f32 v63, v1;
	v63 =	vmul.f32 v12, v7;
	v12 =	vld [tilespmem:s22+$0xFFFFFEB0]  }
0x295: {  	v7 =	vbroadcast v0, $0x7;
	v4 =	vmul.f32 v4, v10;
	v3 =	vadd.f32 v5, v3;
	v5 =	vld [tilespmem:s22+$0xFFFFFEC0]  }
0x296: {  	v53 =	vbroadcast v56, $0x9;
	v1 =	vadd.f32 v63, v1;
	v63 =	vmul.f32 v11, v10;
	v11 =	vld [tilespmem:s22+$0xFFFFFED0]  }
0x297: {  	v10 =	vbroadcast v0, $0x8;
	v8 =	vmul.f32 v8, v7;
	v3 =	vadd.f32 v4, v3;
	v4 =	vld [tilespmem:s22+$0xFFFFFEE0]  }
0x298: {  	v57 =	vbroadcast v56, $0x6;
	v1 =	vadd.f32 v63, v1;
	v63 =	vmul.f32 v13, v7;
	v13 =	vld [tilespmem:s22+$0xFFFFFEF0]  }
0x299: {  	v7 =	vbroadcast v0, $0x9;
	v6 =	vmul.f32 v6, v10;
	v3 =	vadd.f32 v8, v3;
	v8 =	vld [tilespmem:s22+$0xFFFFFF00]  }
0x29a: {  	v55 =	vbroadcast v56, $0x7;
	v1 =	vadd.f32 v63, v1;
	v63 =	vmul.f32 v12, v10;
	v12 =	vld [tilespmem:s22+$0xFFFFFF10]  }
0x29b: {  	v10 =	vbroadcast v0, $0xA;
	v5 =	vmul.f32 v5, v7;
	v3 =	vadd.f32 v6, v3;
	v6 =	vld [tilespmem:s22+$0xFFFFFF20]  }
0x29c: {  	v59 =	vbroadcast v56, $0x4;
	v1 =	vadd.f32 v63, v1;
	v63 =	vmul.f32 v11, v7;
	v11 =	vld [tilespmem:s22+$0xFFFFFF30]  }
0x29d: {  	v7 =	vbroadcast v0, $0xB;
	v4 =	vmul.f32 v4, v10;
	v3 =	vadd.f32 v5, v3;
	v5 =	vld [tilespmem:s22+$0xFFFFFF40]  }
0x29e: {  	[tilespmem:$0x1FEF0] =	vst v58;
	v58 =	vbroadcast v56, $0x5;
	v1 =	vadd.f32 v63, v1;
	v63 =	vmul.f32 v13, v10;
	v13 =	vld [tilespmem:s22+$0xFFFFFF50]  }
0x29f: {  	v10 =	vbroadcast v0, $0xC;
	v8 =	vmul.f32 v8, v7;
	v3 =	vadd.f32 v4, v3;
	v4 =	vld [tilespmem:s22+$0xFFFFFF60]  }
0x2a0: {  	[tilespmem:$0x1FED0] =	vst v61;
	v61 =	vbroadcast v56, $0x2;
	v1 =	vadd.f32 v63, v1;
	v63 =	vmul.f32 v12, v7;
	v12 =	vld [tilespmem:s22+$0xFFFFFF70]  }
0x2a1: {  	v7 =	vbroadcast v0, $0xD;
	v6 =	vmul.f32 v6, v10;
	v3 =	vadd.f32 v8, v3;
	v8 =	vld [tilespmem:s22+$0x1F0]  }
0x2a2: {  	[tilespmem:$0x1FEE0] =	vst v60;
	v60 =	vbroadcast v56, $0x3;
	v1 =	vadd.f32 v63, v1;
	v63 =	vmul.f32 v11, v10;
	v11 =	vld [tilespmem:s22+$0xFFFFFF90]  }
0x2a3: {  	[tilespmem:$0x1FEC0] =	vst v14;
	v14 =	vmovc v62;
	v62 =	vbroadcast v56, $0x1;
	v5 =	vmul.f32 v5, v7;
	v3 =	vadd.f32 v6, v3;
	v6 =	vld [tilespmem:s22+$0x210]  }
0x2a4: {  	v10 =	vbroadcast v0, $0xE;
	v1 =	vadd.f32 v63, v1;
	v63 =	vmul.f32 v13, v7;
	v7 =	vld [tilespmem:s22+$0xFFFFFFB0]  }
0x2a5: {  	v56 =	vbroadcast v56, $0x0;
	v0 =	vbroadcast v0, $0xF;
	v3 =	vadd.f32 v5, v3;
	v5 =	vld [tilespmem:s22+$0x230]  }
0x2a6: {  	v4 =	vmul.f32 v4, v10;
	v1 =	vadd.f32 v63, v1;
	v63 =	vmul.f32 v12, v10;
	v12 =	vld [tilespmem:s22+$0xFFFFFFD0]  }
0x2a7: {  	v10 =	vmul.f32 v51, v0;
	v0 =	vmul.f32 v11, v0;
	v11 =	vld [tilespmem:s22+$0xFFFFFFF0]  }
0x2a8: {  	v3 =	vadd.f32 v4, v3;
	v1 =	vadd.f32 v63, v1;
	v63 =	vld [tilespmem:s22+$0x250]  }
0x2a9: {  	v8 =	vadd.f32 $0.0e+00, v8;
	v51 =	vmul.f32 v7, v56;
	v7 =	vld [tilespmem:s22+$0x270]  }
0x2aa: {  	s24 =	sadd.s32 $0x40, s24;
	v3 =	vadd.f32 v10, v3;
	v10 =	vld [tilespmem:s22+$0x10]  }
0x2ab: {  	v4 =	vmul.f32 v56, v49;
	v6 =	vadd.f32 v6, v8;
	v0 =	vadd.f32 v0, v1;
	v1 =	vld [tilespmem:s24+$0x10]  }
0x2ac: {  	v13 =	vadd.f32 $0.0e+00, v52;
	v52 =	vmul.f32 v12, v62;
	v12 =	vld [tilespmem:s22+$0x30]  }
0x2ad: {  	v8 =	vmul.f32 v47, v62;
	v5 =	vadd.f32 v5, v6;
	v3 =	vadd.f32 v4, v3;
	v4 =	vld [tilespmem:s22+$0x290]  }
0x2ae: {  	v13 =	vadd.f32 v50, v13;
	v56 =	vmul.f32 v11, v61;
	v11 =	vld [tilespmem:s22+$0x50]  }
0x2af: {  	v6 =	vmul.f32 v45, v61;
	v2 =	vadd.f32 v63, v5;
	v5 =	vld [tilespmem:s22+$0x2B0];
	v3 =	vadd.f32 v8, v3  }
0x2b0: {  	v13 =	vadd.f32 v48, v13;
	v61 =	vmul.f32 v10, v60;
	v10 =	vld [tilespmem:s22+$0x70]  }
0x2b1: {  	v2 =	vadd.f32 v7, v2;
	v3 =	vadd.f32 v6, v3;
	v6 =	vld [tilespmem:s22+$0x2D0]  }
0x2b2: {  	v8 =	vmul.f32 v43, v60;
	v62 =	vmul.f32 v12, v59;
	v12 =	vld [tilespmem:s22+$0x90]  }
0x2b3: {  	v13 =	vadd.f32 v46, v13;
	v2 =	vadd.f32 v4, v2;
	v4 =	vld [tilespmem:s22+$0x2F0]  }
0x2b4: {  	v7 =	vmul.f32 v41, v59;
	v63 =	vmul.f32 v11, v58;
	v11 =	vld [tilespmem:s22+$0xB0];
	v3 =	vadd.f32 v8, v3  }
0x2b5: {  	v13 =	vadd.f32 v44, v13;
	v8 =	vmul.f32 v39, v58;
	v2 =	vadd.f32 v5, v2;
	v5 =	vld [tilespmem:s22+$0x310]  }
0x2b6: {  	v3 =	vadd.f32 v7, v3;
	v7 =	vmul.f32 v37, v57;
	v39 =	vmul.f32 v10, v57;
	v57 =	vld [tilespmem:$0x1FFF0]  }
0x2b7: {  	v13 =	vadd.f32 v42, v13;
	v10 =	vld [tilespmem:s22+$0xD0]  }
0x2b8: {  	v2 =	vadd.f32 v6, v2;
	v6 =	vld [tilespmem:s22+$0x330]  }
0x2b9: {  	v13 =	vadd.f32 v40, v13;
	v40 =	vmul.f32 v12, v55;
	v12 =	vld [tilespmem:s22+$0xF0]  }
0x2ba: {  	v3 =	vadd.f32 v8, v3;
	v8 =	vmul.f32 v33, v55;
	v55 =	vld [tilespmem:$0x1FFE0]  }
0x2bb: {  	v41 =	vmul.f32 v11, v54;
	v11 =	vld [tilespmem:s22+$0x110]  }
0x2bc: {  	v2 =	vadd.f32 v4, v2;
	v4 =	vld [tilespmem:s22+$0x350]  }
0x2bd: {  	v3 =	vadd.f32 v7, v3;
	v7 =	vmul.f32 v31, v54;
	v54 =	vld [tilespmem:$0x1FFD0]  }
0x2be: {  	v2 =	vadd.f32 v5, v2;
	v5 =	vld [tilespmem:s22+$0x370]  }
0x2bf: {  	v42 =	vmul.f32 v10, v53;
	v10 =	vld [tilespmem:s22+$0x130]  }
0x2c0: {  	v3 =	vadd.f32 v8, v3;
	v8 =	vmul.f32 v27, v53;
	v53 =	vld [tilespmem:$0x1FFC0]  }
0x2c1: {  	v13 =	vadd.f32 v38, v13;
	v43 =	vmul.f32 v12, v36;
	v12 =	vld [tilespmem:s22+$0x150]  }
0x2c2: {  	v2 =	vadd.f32 v6, v2;
	v6 =	vld [tilespmem:s22+$0x390]  }
0x2c3: {  	v0 =	vadd.f32 v51, v0;
	v13 =	vadd.f32 v35, v13;
	v44 =	vmul.f32 v11, v34;
	v11 =	vld [tilespmem:s22+$0x170]  }
0x2c4: {  	v3 =	vadd.f32 v7, v3;
	v2 =	vadd.f32 v4, v2;
	v4 =	vld [tilespmem:s22+$0x3B0]  }
0x2c5: {  	v0 =	vadd.f32 v52, v0;
	v13 =	vadd.f32 v32, v13;
	v45 =	vmul.f32 v10, v30;
	v10 =	vld [tilespmem:s22+$0x190]  }
0x2c6: {  	v7 =	vmul.f32 v24, v36;
	v3 =	vadd.f32 v8, v3;
	v2 =	vadd.f32 v5, v2;
	v5 =	vld [tilespmem:s22+$0x3D0]  }
0x2c7: {  	v0 =	vadd.f32 v56, v0;
	v13 =	vadd.f32 v28, v13;
	v46 =	vmul.f32 v12, v29;
	v12 =	vld [tilespmem:s22+$0x1B0]  }
0x2c8: {  	v8 =	vmul.f32 v21, v34;
	v3 =	vadd.f32 v7, v3;
	v47 =	vmul.f32 v11, v25;
	v11 =	vld [tilespmem:s22+$0x1D0]  }
0x2c9: {  	v13 =	vadd.f32 v26, v13;
	v2 =	vadd.f32 v6, v2;
	v6 =	vld [tilespmem:s22+$0x3F0]  }
0x2ca: {  	v0 =	vadd.f32 v61, v0;
	v3 =	vadd.f32 v8, v3;
	v8 =	vmul.f32 v15, v29;
	v15 =	vld [tilespmem:$0x1FF30]  }
0x2cb: {  	v13 =	vadd.f32 v22, v13;
	v7 =	vmul.f32 v18, v30;
	v2 =	vadd.f32 v4, v2;
	v4 =	vld [tilespmem:s22+$0x410]  }
0x2cc: {  	v0 =	vadd.f32 v62, v0;
	v48 =	vmul.f32 v10, v23;
	v10 =	vmul.f32 v20, v14;
	v14 =	vld [tilespmem:$0x1FEC0]  }
0x2cd: {  	v13 =	vadd.f32 v19, v13;
	v3 =	vadd.f32 v7, v3;
	v7 =	vld [tilespmem:$0x1FF20]  }
0x2ce: {  	v0 =	vadd.f32 v63, v0;
	v49 =	vmul.f32 v12, v20;
	v12 =	vld [tilespmem:$0x1FEE0]  }
0x2cf: {  	v13 =	vadd.f32 v16, v13;
	v2 =	vadd.f32 v5, v2;
	v5 =	vld [tilespmem:s22+$0x430]  }
0x2d0: {  	v0 =	vadd.f32 v39, v0;
	v3 =	vadd.f32 v8, v3;
	v8 =	vld [tilespmem:$0x1FF00]  }
0x2d1: {  	v13 =	vadd.f32 v15, v13;
	v15 =	vld [tilespmem:$0x1FF10]  }
0x2d2: {  	v0 =	vadd.f32 v40, v0;
	v2 =	vadd.f32 v6, v2;
	v6 =	vld [tilespmem:s22+$0x450];
	s22 =	sadd.s32 $0x8C0, s22  }
0x2d3: {  	v60 =	vld [tilespmem:s22+$0x420]  }
0x2d4: {  	v0 =	vadd.f32 v41, v0;
	v62 =	vld [tilespmem:s22+$0x1A0]  }
0x2d5: {  	v51 =	vld [tilespmem:s22+$0x160]  }
0x2d6: {  	v0 =	vadd.f32 v42, v0;
	v52 =	vld [tilespmem:s22+$0x3C0]  }
0x2d7: {  	v16 =	vld [tilespmem:s22+$0x3A0]  }
0x2d8: {  	v0 =	vadd.f32 v43, v0;
	v18 =	vld [tilespmem:s22+$0x120]  }
0x2d9: {  	v19 =	vld [tilespmem:s22+$0x380]  }
0x2da: {  	v0 =	vadd.f32 v44, v0;
	v21 =	vld [tilespmem:s22+$0x100]  }
0x2db: {  	v22 =	vld [tilespmem:s22+$0x360]  }
0x2dc: {  	v0 =	vadd.f32 v45, v0;
	v24 =	vld [tilespmem:s22+$0xE0]  }
0x2dd: {  	v26 =	vld [tilespmem:s22+$0x340];
	v7 =	vmul.f32 v7, v25  }
0x2de: {  	v0 =	vadd.f32 v46, v0;
	v27 =	vld [tilespmem:s22+$0xC0]  }
0x2df: {  	v28 =	vld [tilespmem:s22+$0x320];
	v8 =	vmul.f32 v8, v23;
	v3 =	vadd.f32 v7, v3  }
0x2e0: {  	v0 =	vadd.f32 v47, v0;
	v31 =	vld [tilespmem:s22+$0xA0]  }
0x2e1: {  	v2 =	vadd.f32 v4, v2;
	v3 =	vadd.f32 v8, v3;
	v8 =	vld [tilespmem:$0x1FED0]  }
0x2e2: {  	v32 =	vld [tilespmem:s22+$0x300];
	v13 =	vadd.f32 v15, v13  }
0x2e3: {  	v0 =	vadd.f32 v48, v0;
	v2 =	vadd.f32 v5, v2;
	v5 =	vld [tilespmem:$0x1FEF0]  }
0x2e4: {  	v33 =	vld [tilespmem:s22+$0x80];
	v13 =	vadd.f32 v14, v13  }
0x2e5: {  	v50 =	vmul.f32 v11, v17;
	v35 =	vld [tilespmem:s22+$0x2E0];
	v0 =	vadd.f32 v49, v0  }
0x2e6: {  	v37 =	vld [tilespmem:s22+$0x60];
	v3 =	vadd.f32 v10, v3;
	v12 =	vadd.f32 v12, v13;
	v8 =	vmul.f32 v8, v17  }
0x2e7: {  	v38 =	vld [tilespmem:s22+$0x2C0];
	v2 =	vadd.f32 v6, v2;
	v0 =	vadd.f32 v50, v0  }
0x2e8: {  	v39 =	vld [tilespmem:s22+$0x40];
	v5 =	vadd.f32 v5, v12;
	v3 =	vadd.f32 v8, v3  }
0x2e9: {  	v40 =	vld [tilespmem:s22+$0x2A0]  }
0x2ea: {  	v41 =	vld [tilespmem:s22+$0x20];
	v0 =	vmul.f32 v2, v0;
	v3 =	vmul.f32 v5, v3  }
0x2eb: {  	v42 =	vld [tilespmem:s22+$0x280]  }
0x2ec: {  	v43 =	vld [tilespmem:s22+$0x0];
	v0 =	vadd.f32 v0, v3  }
0x2ed: {  	v44 =	vld [tilespmem:s22+$0x260]  }
0x2ee: {  	v45 =	vld [tilespmem:s22+$0xFFFFFFE0];
	v56 =	vperm.xlane v0, v53  }
0x2ef: {  	v46 =	vld [tilespmem:s22+$0x240]  }
0x2f0: {  	v59 =	vlaneseq.u32;
	v63 =	vmov s23;
	v47 =	vld [tilespmem:s22+$0xFFFFFFC0];
	v0 =	vadd.f32 v0, v56  }
0x2f1: {  	vm0 =	veq.s32 v63, v59;
	v63 =	vld [tilespmem:s22+$0xFFFFFD80]  }
0x2f2: {  	v4 =	vld [tilespmem:s22+$0x1C0];
	v2 =	vperm.xlane v0, v54  }
0x2f3: {  	v48 =	vld [tilespmem:s22+$0x220]  }
0x2f4: {  	v7 =	vld [tilespmem:s22+$0x440];
	v0 =	vadd.f32 v0, v2  }
0x2f5: {  	v15 =	vld [tilespmem:s22+$0x140]  }
0x2f6: {  	v49 =	vld [tilespmem:s22+$0xFFFFFFA0];
	v2 =	vperm.xlane v0, v55  }
0x2f7: {  	v56 =	vld [tilespmem:s24+$0x0]  }
0x2f8: {  	v6 =	vld [tilespmem:s22+$0x180];
	v0 =	vadd.f32 v0, v2  }
0x2f9: {  	p0 =	sne.s32 s25, $0xF;
	v61 =	vmov v4;
	v4 =	vld [tilespmem:s22+$0x3E0]  }
.Ltmp1:
0x2fa: {  	[tilespmem:$0x1FF20] =	vst v51;
	v51 =	vld [tilespmem:s22+$0xFFFFFF80];
	v2 =	vperm.xlane v0, v57;
	(pc) =	sbr.rel @p0 .LBB2_5-.Ltmp1, $4  }
0x2fb: {  	v20 =	vbroadcast v1, $0x0;
	[tilespmem:$0x1FF30] =	vst v52;
	v52 =	vld [tilespmem:s22+$0x1E0];
	v17 =	vbroadcast v1, $0x1  }
0x2fc: {  	v14 =	vld [tilespmem:s22+$0x400];
	v25 =	vbroadcast v56, $0xE;
	v23 =	vbroadcast v56, $0xF;
	v0 =	vadd.f32 v0, v2  }
0x2fd: {  	v50 =	vld [tilespmem:s22+$0x200];
	[tilespmem:$0x1FF00] =	vst v6;
	v30 =	vbroadcast v56, $0xC;
	v29 =	vbroadcast v56, $0xD  }
0x2fe: {  	s23 =	smov.u32 s25;
	s25 =	sadd.s32 $0x1, s25;
	v58 =	vmovc v7;
	[tilespmem:$0x1FF10] =	vst v4;
	v4 =	vld [tilespmem:s24+$0xFFFFFFE0];
	v36 =	vbroadcast v56, $0xA;
	v34 =	vbroadcast v56, $0xB;
	v9 =	vsel vm0, v0, v9  }
0x2ff: {  	_ = 	snop  }
0x300: {  	v0 =	vld [tilespmem:s22+$0xFFFFFBA0]  }
0x301: {  	v1 =	vld [tilespmem:s22+$0xFFFFFBB0]  }
0x302: {  	v2 =	vld [tilespmem:s22+$0xFFFFFBC0]  }
0x303: {  	v3 =	vld [tilespmem:s22+$0xFFFFFBD0];
	v5 =	vbroadcast v4, $0x0  }
0x304: {  	v6 =	vld [tilespmem:s22+$0xFFFFFBE0]  }
0x305: {  	v8 =	vld [tilespmem:s22+$0xFFFFFBF0];
	v7 =	vbroadcast v4, $0x1;
	v0 =	vmul.f32 v5, v0  }
0x306: {  	v1 =	vmul.f32 v1, v5;
	v5 =	vld [tilespmem:s22+$0xFFFFFC00]  }
0x307: {  	v11 =	vld [tilespmem:s22+$0xFFFFFC10];
	v10 =	vbroadcast v4, $0x2;
	v2 =	vmul.f32 v2, v7;
	v0 =	vadd.f32 $0.0e+00, v0  }
0x308: {  	v3 =	vmul.f32 v3, v7;
	v7 =	vld [tilespmem:s22+$0xFFFFFC20];
	v1 =	vadd.f32 $0.0e+00, v1  }
0x309: {  	v12 =	vbroadcast v4, $0x3;
	v6 =	vmul.f32 v6, v10;
	v0 =	vadd.f32 v2, v0;
	v2 =	vld [tilespmem:s22+$0xFFFFFC30]  }
0x30a: {  	v13 =	vmul.f32 v8, v10;
	v8 =	vld [tilespmem:s22+$0xFFFFFC40];
	v1 =	vadd.f32 v3, v1  }
0x30b: {  	v10 =	vbroadcast v4, $0x4;
	v5 =	vmul.f32 v5, v12;
	v0 =	vadd.f32 v6, v0;
	v6 =	vld [tilespmem:s22+$0xFFFFFC50]  }
0x30c: {  	v3 =	vmul.f32 v11, v12;
	v11 =	vld [tilespmem:s22+$0xFFFFFC60];
	v1 =	vadd.f32 v13, v1  }
0x30d: {  	v7 =	vmul.f32 v7, v10;
	v12 =	vbroadcast v4, $0x5;
	v0 =	vadd.f32 v5, v0;
	v5 =	vld [tilespmem:s22+$0xFFFFFC70]  }
0x30e: {  	v1 =	vadd.f32 v3, v1;
	v3 =	vld [tilespmem:s22+$0xFFFFFC80];
	v2 =	vmul.f32 v2, v10  }
0x30f: {  	v8 =	vmul.f32 v8, v12;
	v10 =	vbroadcast v4, $0x6;
	v0 =	vadd.f32 v7, v0;
	v7 =	vld [tilespmem:s22+$0xFFFFFC90]  }
0x310: {  	v1 =	vadd.f32 v2, v1;
	v2 =	vmul.f32 v6, v12;
	v6 =	vld [tilespmem:s22+$0xFFFFFCA0]  }
0x311: {  	v11 =	vmul.f32 v11, v10;
	v12 =	vbroadcast v4, $0x7;
	v0 =	vadd.f32 v8, v0;
	v8 =	vld [tilespmem:s22+$0xFFFFFCB0]  }
0x312: {  	v1 =	vadd.f32 v2, v1;
	v13 =	vmul.f32 v5, v10;
	v5 =	vld [tilespmem:s22+$0xFFFFFCC0]  }
0x313: {  	v3 =	vmul.f32 v3, v12;
	v10 =	vbroadcast v4, $0x8;
	v0 =	vadd.f32 v11, v0;
	v11 =	vld [tilespmem:s22+$0xFFFFFCD0]  }
0x314: {  	v1 =	vadd.f32 v13, v1;
	v2 =	vmul.f32 v7, v12;
	v7 =	vld [tilespmem:s22+$0xFFFFFCE0]  }
0x315: {  	v12 =	vbroadcast v4, $0x9;
	v6 =	vmul.f32 v6, v10;
	v0 =	vadd.f32 v3, v0;
	v3 =	vld [tilespmem:s22+$0xFFFFFCF0]  }
0x316: {  	v1 =	vadd.f32 v2, v1;
	v13 =	vmul.f32 v8, v10;
	v8 =	vld [tilespmem:s22+$0xFFFFFD00]  }
0x317: {  	v10 =	vbroadcast v4, $0xA;
	v5 =	vmul.f32 v5, v12;
	v0 =	vadd.f32 v6, v0;
	v6 =	vld [tilespmem:s22+$0xFFFFFD10]  }
0x318: {  	v1 =	vadd.f32 v13, v1;
	v2 =	vmul.f32 v11, v12;
	v11 =	vld [tilespmem:s22+$0xFFFFFD20]  }
0x319: {  	v12 =	vbroadcast v4, $0xB;
	v7 =	vmul.f32 v7, v10;
	v0 =	vadd.f32 v5, v0;
	v5 =	vld [tilespmem:s22+$0xFFFFFD30]  }
0x31a: {  	v1 =	vadd.f32 v2, v1;
	v13 =	vmul.f32 v3, v10;
	v3 =	vld [tilespmem:s22+$0xFFFFFD40]  }
0x31b: {  	v10 =	vbroadcast v4, $0xC;
	v8 =	vmul.f32 v8, v12;
	v0 =	vadd.f32 v7, v0;
	v7 =	vld [tilespmem:s22+$0xFFFFFD50]  }
0x31c: {  	v1 =	vadd.f32 v13, v1;
	v2 =	vmul.f32 v6, v12;
	v6 =	vld [tilespmem:s22+$0xFFFFFD60]  }
0x31d: {  	v12 =	vbroadcast v4, $0xD;
	v11 =	vmul.f32 v11, v10;
	v0 =	vadd.f32 v8, v0;
	v8 =	vld [tilespmem:s22+$0xFFFFFD70]  }
0x31e: {  	v1 =	vadd.f32 v2, v1;
	v13 =	vmul.f32 v5, v10;
	v5 =	vld [tilespmem:s24+$0xFFFFFFF0]  }
0x31f: {  	v10 =	vbroadcast v4, $0xE;
	v3 =	vmul.f32 v3, v12;
	v0 =	vadd.f32 v11, v0;
	v11 =	vld [tilespmem:s22+$0xFFFFFD90]  }
0x320: {  	v1 =	vadd.f32 v13, v1;
	v13 =	vmul.f32 v7, v12;
	v7 =	vld [tilespmem:s22+$0xFFFFFDA0]  }
0x321: {  	v4 =	vbroadcast v4, $0xF;
	v6 =	vmul.f32 v6, v10;
	v0 =	vadd.f32 v3, v0;
	v3 =	vld [tilespmem:s22+$0xFFFFFDB0]  }
0x322: {  	v1 =	vadd.f32 v13, v1;
	v2 =	vmul.f32 v8, v10;
	v8 =	vld [tilespmem:s22+$0xFFFFFDC0]  }
0x323: {  	v10 =	vmul.f32 v63, v4;
	v63 =	vbroadcast v5, $0x0;
	v0 =	vadd.f32 v6, v0;
	v6 =	vld [tilespmem:s22+$0xFFFFFDD0]  }
0x324: {  	v1 =	vadd.f32 v2, v1;
	v13 =	vmul.f32 v11, v4;
	v4 =	vld [tilespmem:s22+$0xFFFFFDE0]  }
0x325: {  	v11 =	vbroadcast v5, $0x1;
	v7 =	vmul.f32 v63, v7;
	v0 =	vadd.f32 v10, v0;
	v10 =	vld [tilespmem:s22+$0xFFFFFDF0]  }
0x326: {  	v1 =	vadd.f32 v13, v1;
	v2 =	vmul.f32 v3, v63;
	v3 =	vld [tilespmem:s22+$0xFFFFFE00]  }
0x327: {  	v63 =	vbroadcast v5, $0x2;
	v8 =	vmul.f32 v8, v11;
	v0 =	vadd.f32 v7, v0;
	v7 =	vld [tilespmem:s22+$0xFFFFFE10]  }
0x328: {  	v1 =	vadd.f32 v2, v1;
	v13 =	vmul.f32 v6, v11;
	v6 =	vld [tilespmem:s22+$0xFFFFFE20]  }
0x329: {  	v11 =	vbroadcast v5, $0x3;
	v4 =	vmul.f32 v4, v63;
	v0 =	vadd.f32 v8, v0;
	v8 =	vld [tilespmem:s22+$0xFFFFFE30]  }
0x32a: {  	v1 =	vadd.f32 v13, v1;
	v2 =	vmul.f32 v10, v63;
	v10 =	vld [tilespmem:s22+$0xFFFFFE40]  }
0x32b: {  	v63 =	vbroadcast v5, $0x4;
	v3 =	vmul.f32 v3, v11;
	v0 =	vadd.f32 v4, v0;
	v4 =	vld [tilespmem:s22+$0xFFFFFE50]  }
0x32c: {  	v1 =	vadd.f32 v2, v1;
	v13 =	vmul.f32 v7, v11;
	v7 =	vld [tilespmem:s22+$0xFFFFFE60]  }
0x32d: {  	v11 =	vbroadcast v5, $0x5;
	v6 =	vmul.f32 v6, v63;
	v0 =	vadd.f32 v3, v0;
	v3 =	vld [tilespmem:s22+$0xFFFFFE70]  }
0x32e: {  	v1 =	vadd.f32 v13, v1;
	v2 =	vmul.f32 v8, v63;
	v8 =	vld [tilespmem:s22+$0xFFFFFE80]  }
0x32f: {  	v63 =	vbroadcast v5, $0x6;
	v10 =	vmul.f32 v10, v11;
	v0 =	vadd.f32 v6, v0;
	v6 =	vld [tilespmem:s22+$0xFFFFFE90]  }
0x330: {  	v1 =	vadd.f32 v2, v1;
	v13 =	vmul.f32 v4, v11;
	v4 =	vld [tilespmem:s22+$0xFFFFFEA0]  }
0x331: {  	v11 =	vbroadcast v5, $0x7;
	v7 =	vmul.f32 v7, v63;
	v0 =	vadd.f32 v10, v0;
	v10 =	vld [tilespmem:s22+$0xFFFFFEB0]  }
0x332: {  	v1 =	vadd.f32 v13, v1;
	v2 =	vmul.f32 v3, v63;
	v3 =	vld [tilespmem:s22+$0xFFFFFEC0]  }
0x333: {  	v63 =	vbroadcast v5, $0x8;
	v8 =	vmul.f32 v8, v11;
	v0 =	vadd.f32 v7, v0;
	v7 =	vld [tilespmem:s22+$0xFFFFFED0]  }
0x334: {  	v1 =	vadd.f32 v2, v1;
	v13 =	vmul.f32 v6, v11;
	v6 =	vld [tilespmem:s22+$0xFFFFFEE0]  }
0x335: {  	v11 =	vbroadcast v5, $0x9;
	v4 =	vmul.f32 v4, v63;
	v0 =	vadd.f32 v8, v0;
	v8 =	vld [tilespmem:s22+$0xFFFFFEF0]  }
0x336: {  	v1 =	vadd.f32 v13, v1;
	v2 =	vmul.f32 v10, v63;
	v10 =	vld [tilespmem:s22+$0xFFFFFF00]  }
0x337: {  	v63 =	vbroadcast v5, $0xA;
	v3 =	vmul.f32 v3, v11;
	v0 =	vadd.f32 v4, v0;
	v4 =	vld [tilespmem:s22+$0xFFFFFF10]  }
0x338: {  	v1 =	vadd.f32 v2, v1;
	v13 =	vmul.f32 v7, v11;
	v7 =	vld [tilespmem:s22+$0xFFFFFF20]  }
0x339: {  	v11 =	vbroadcast v5, $0xB;
	v6 =	vmul.f32 v6, v63;
	v0 =	vadd.f32 v3, v0;
	v3 =	vld [tilespmem:s22+$0xFFFFFF30]  }
0x33a: {  	v1 =	vadd.f32 v13, v1;
	v63 =	vmul.f32 v8, v63;
	v8 =	vld [tilespmem:s22+$0xFFFFFF40]  }
0x33b: {  	v12 =	vbroadcast v5, $0xC;
	v10 =	vmul.f32 v10, v11;
	v0 =	vadd.f32 v6, v0;
	v6 =	vld [tilespmem:s22+$0xFFFFFF50]  }
0x33c: {  	v1 =	vadd.f32 v63, v1;
	v13 =	vmul.f32 v4, v11  }
0x33d: {  	v4 =	vld [tilespmem:s22+$0xFFFFFF60];
	v7 =	vmul.f32 v7, v12;
	v0 =	vadd.f32 v10, v0;
	v10 =	vbroadcast v5, $0xD  }
0x33e: {  	v63 =	vld [tilespmem:s22+$0xFFFFFF70];
	v1 =	vadd.f32 v13, v1;
	v3 =	vmul.f32 v3, v12  }
0x33f: {  	v11 =	vld [tilespmem:s22+$0x1F0];
	v12 =	vadd.f32 $0.0e+00, v52;
	v8 =	vmul.f32 v8, v10;
	v0 =	vadd.f32 v7, v0  }
0x340: {  	v13 =	vbroadcast v5, $0xE;
	v1 =	vadd.f32 v3, v1;
	v3 =	vld [tilespmem:s22+$0xFFFFFF90];
	v6 =	vmul.f32 v6, v10  }
0x341: {  	v5 =	vbroadcast v5, $0xF;
	v10 =	vadd.f32 v50, v12;
	v0 =	vadd.f32 v8, v0;
	v8 =	vld [tilespmem:s22+$0x210]  }
0x342: {  	v12 =	vbroadcast v56, $0x2;
	v4 =	vmul.f32 v4, v13;
	v1 =	vadd.f32 v6, v1;
	v6 =	vld [tilespmem:s22+$0xFFFFFFB0]  }
0x343: {  	v7 =	vld [tilespmem:s22+$0x230];
	v2 =	vmul.f32 v63, v13;
	v63 =	vbroadcast v56, $0x0  }
0x344: {  	v13 =	vmul.f32 v51, v5;
	v52 =	vadd.f32 v48, v10;
	v48 =	vld [tilespmem:s22+$0x10];
	v0 =	vadd.f32 v4, v0  }
0x345: {  	v11 =	vadd.f32 $0.0e+00, v11;
	v1 =	vadd.f32 v2, v1;
	v3 =	vmul.f32 v3, v5;
	v5 =	vld [tilespmem:s22+$0xFFFFFFD0]  }
0x346: {  	v51 =	vbroadcast v56, $0x1;
	v49 =	vmul.f32 v63, v49;
	v0 =	vadd.f32 v13, v0;
	v13 =	vld [tilespmem:s22+$0x270]  }
0x347: {  	v8 =	vadd.f32 v8, v11;
	v11 =	vld [tilespmem:s22+$0x250];
	v1 =	vadd.f32 v3, v1;
	v50 =	vmul.f32 v6, v63  }
0x348: {  	v63 =	vld [tilespmem:s22+$0xFFFFFFF0];
	v0 =	vadd.f32 v49, v0;
	v6 =	vadd.f32 v46, v52;
	v52 =	vbroadcast v56, $0x3  }
0x349: {  	v47 =	vmul.f32 v47, v51;
	v49 =	vld [tilespmem:s22+$0x290];
	v7 =	vadd.f32 v7, v8;
	v1 =	vadd.f32 v50, v1  }
0x34a: {  	v50 =	vmul.f32 v45, v12;
	v6 =	vadd.f32 v44, v6;
	v43 =	vmul.f32 v43, v52;
	v44 =	vld [tilespmem:s22+$0x50]  }
0x34b: {  	v0 =	vadd.f32 v47, v0;
	v45 =	vld [tilespmem:s22+$0x2D0];
	v4 =	vmul.f32 v5, v51;
	v5 =	vmul.f32 v48, v52  }
0x34c: {  	v48 =	vbroadcast v56, $0x5;
	v7 =	vadd.f32 v11, v7;
	v6 =	vadd.f32 v42, v6;
	v42 =	vld [tilespmem:s22+$0x330]  }
0x34d: {  	v0 =	vadd.f32 v50, v0;
	v50 =	vbroadcast v56, $0x6;
	v51 =	vmul.f32 v63, v12;
	v63 =	vld [tilespmem:s22+$0x30]  }
0x34e: {  	v1 =	vadd.f32 v4, v1;
	v12 =	vbroadcast v56, $0x4;
	v2 =	vadd.f32 v13, v7;
	v13 =	vld [tilespmem:s22+$0x2B0]  }
0x34f: {  	v52 =	vmul.f32 v39, v48;
	v39 =	vmul.f32 v37, v50;
	v37 =	vld [tilespmem:s22+$0x3F0]  }
0x350: {  	v1 =	vadd.f32 v51, v1;
	v51 =	vld [tilespmem:s22+$0x2F0]  }
0x351: {  	v0 =	vadd.f32 v43, v0;
	v46 =	vmul.f32 v41, v12;
	v41 =	vld [tilespmem:s22+$0xB0]  }
0x352: {  	v6 =	vadd.f32 v40, v6;
	v2 =	vadd.f32 v49, v2;
	v49 =	vld [tilespmem:s22+$0x70]  }
0x353: {  	v7 =	vmul.f32 v44, v48;
	v48 =	vld [tilespmem:s22+$0xF0];
	v1 =	vadd.f32 v5, v1;
	v47 =	vmul.f32 v63, v12  }
0x354: {  	v40 =	vbroadcast v56, $0x7;
	v6 =	vadd.f32 v38, v6;
	v0 =	vadd.f32 v46, v0;
	v63 =	vld [tilespmem:s22+$0x90]  }
0x355: {  	v43 =	vbroadcast v56, $0x8;
	v38 =	vld [tilespmem:s22+$0x310];
	v2 =	vadd.f32 v13, v2;
	v1 =	vadd.f32 v47, v1  }
0x356: {  	v46 =	vld [tilespmem:s22+$0x350];
	v6 =	vadd.f32 v35, v6;
	v0 =	vadd.f32 v52, v0;
	v47 =	vbroadcast v56, $0x9  }
0x357: {  	v56 =	vld [tilespmem:s22+$0x390];
	v2 =	vadd.f32 v45, v2;
	v3 =	vmul.f32 v49, v50;
	v1 =	vadd.f32 v7, v1  }
0x358: {  	v44 =	vmul.f32 v33, v40;
	v6 =	vadd.f32 v32, v6;
	v0 =	vadd.f32 v39, v0;
	v45 =	vld [tilespmem:s22+$0xD0]  }
0x359: {  	v32 =	vld [tilespmem:s22+$0x3D0];
	v2 =	vadd.f32 v51, v2;
	v7 =	vmul.f32 v63, v40;
	v1 =	vadd.f32 v3, v1  }
0x35a: {  	v13 =	vmul.f32 v31, v43;
	v5 =	vmul.f32 v41, v43;
	v41 =	vld [tilespmem:$0x1FF30];
	v0 =	vadd.f32 v44, v0  }
0x35b: {  	v49 =	vld [tilespmem:s22+$0x370];
	v2 =	vadd.f32 v38, v2;
	v1 =	vadd.f32 v7, v1  }
0x35c: {  	v6 =	vadd.f32 v28, v6;
	v50 =	vmul.f32 v27, v47;
	v51 =	vld [tilespmem:s22+$0x110];
	v0 =	vadd.f32 v13, v0  }
0x35d: {  	v43 =	vld [tilespmem:$0x1FF20];
	v3 =	vmul.f32 v45, v47;
	v2 =	vadd.f32 v42, v2;
	v1 =	vadd.f32 v5, v1  }
0x35e: {  	v63 =	vmul.f32 v24, v36;
	v52 =	vadd.f32 v26, v6;
	v13 =	vld [tilespmem:s22+$0x130];
	v0 =	vadd.f32 v50, v0  }
0x35f: {  	v28 =	vld [tilespmem:s22+$0x150];
	v24 =	vmul.f32 v48, v36;
	v2 =	vadd.f32 v46, v2;
	v1 =	vadd.f32 v3, v1  }
0x360: {  	v27 =	vmul.f32 v21, v34;
	v26 =	vld [tilespmem:s22+$0x3B0];
	v5 =	vadd.f32 v22, v52;
	v0 =	vadd.f32 v63, v0  }
0x361: {  	v48 =	vld [tilespmem:$0x1FF00];
	v31 =	vmul.f32 v51, v34;
	v2 =	vadd.f32 v49, v2;
	v1 =	vadd.f32 v24, v1  }
0x362: {  	v33 =	vmul.f32 v18, v30;
	v34 =	vld [tilespmem:s22+$0x170];
	v5 =	vadd.f32 v19, v5;
	v0 =	vadd.f32 v27, v0  }
0x363: {  	v46 =	vld [tilespmem:$0x1FF10];
	v35 =	vmul.f32 v13, v30;
	v2 =	vadd.f32 v56, v2;
	v1 =	vadd.f32 v31, v1  }
0x364: {  	v39 =	vld [tilespmem:s22+$0x190];
	v38 =	vmul.f32 v15, v29;
	v36 =	vadd.f32 v16, v5;
	v0 =	vadd.f32 v33, v0  }
0x365: {  	v44 =	vld [tilespmem:s22+$0x1B0];
	v40 =	vmul.f32 v28, v29;
	v2 =	vadd.f32 v26, v2;
	v1 =	vadd.f32 v35, v1  }
0x366: {  	v10 =	vmul.f32 v43, v25;
	v42 =	vld [tilespmem:s22+$0x410];
	v4 =	vadd.f32 v41, v36;
	v0 =	vadd.f32 v38, v0  }
0x367: {  	v47 =	vld [tilespmem:s22+$0x430];
	v45 =	vmul.f32 v34, v25;
	v2 =	vadd.f32 v32, v2;
	v1 =	vadd.f32 v40, v1  }
0x368: {  	v49 =	vld [tilespmem:s22+$0x1D0];
	v5 =	vmul.f32 v48, v23;
	v4 =	vadd.f32 v46, v4;
	v0 =	vadd.f32 v10, v0  }
0x369: {  	v50 =	vmul.f32 v39, v23;
	v2 =	vadd.f32 v37, v2;
	v1 =	vadd.f32 v45, v1  }
0x36a: {  	v51 =	vld [tilespmem:s22+$0x450];
	v52 =	vmul.f32 v20, v62;
	v4 =	vadd.f32 v14, v4;
	v0 =	vadd.f32 v5, v0  }
0x36b: {  	v56 =	vmul.f32 v44, v20;
	v2 =	vadd.f32 v42, v2;
	v1 =	vadd.f32 v50, v1  }
0x36c: {  	v61 =	vmul.f32 v61, v17;
	v4 =	vadd.f32 v60, v4;
	v0 =	vadd.f32 v52, v0  }
0x36d: {  	v62 =	vmul.f32 v49, v17;
	v2 =	vadd.f32 v47, v2;
	v1 =	vadd.f32 v56, v1  }
0x36e: {  	v4 =	vadd.f32 v58, v4;
	v0 =	vadd.f32 v61, v0  }
0x36f: {  	v2 =	vadd.f32 v51, v2;
	v1 =	vadd.f32 v62, v1;
	_ =	sdelay $0x1  }
0x370: {  	v0 =	vmul.f32 v4, v0;
	v1 =	vmul.f32 v2, v1;
	_ =	sdelay $0x1  }
0x371: {  	v0 =	vadd.f32 v1, v0;
	_ =	sdelay $0x1  }
0x372: {  	v1 =	vperm.xlane v0, v53;
	_ =	sdelay $0x1  }
0x373: {  	v0 =	vadd.f32 v0, v1;
	_ =	sdelay $0x1  }
0x374: {  	v1 =	vperm.xlane v0, v54;
	_ =	sdelay $0x1  }
0x375: {  	v0 =	vadd.f32 v0, v1;
	_ =	sdelay $0x1  }
0x376: {  	v1 =	vperm.xlane v0, v55;
	_ =	sdelay $0x1  }
0x377: {  	v0 =	vadd.f32 v0, v1;
	_ =	sdelay $0x1  }
0x378: {  	p0 =	sne.s32 s21, $0x10;
	v1 =	vperm.xlane v0, v57  }
.Ltmp2:
0x379: {  	_ = 	snop;
	(pc) =	sbr.rel @p0 .LBB2_2-.Ltmp2, $4  }
0x37a: {  	v63 =	vmov s23;
	v0 =	vadd.f32 v0, v1  }
0x37b: {  	vm0 =	veq.s32 v63, v59  }
0x37c: {  	v0 =	vsel vm0, v0, v9  }
0x37d: {  	[tilespmem:s20+$0x12900] =	vst v0  }
0x37e: {  	s20 =	simm.s32 $0x0;
	s21 =	rddreg [dreg:$0x5];
	s22 =	simm.s32 $0x12900  }
0x37f: {  	[hbm4b:s21+s20] =	stream.linear.scatter [tilespmem:s22], [sflag:$0x3], $0x200, $0x38;
	[tilespmem:$0x12B00] =	vst v63  }
0x380: {  	_ =	swait.ge [sflag:s12], $0x200  }
0x381: {  	s25 =	rddreg [dreg:$0x7]  }
0x382: {  	s26 =	rddreg [dreg:$0x6];
	s22 =	sadd.s32 $0x1, s25  }
0x383: {  	p0 =	sne.s32 s22, s26  }
.Ltmp3:
0x384: {  	_ = 	snop;
	(pc) =	sbr.rel @p0 .LBB2_1-.Ltmp3, $3  }
0x385: {  	_ =	sdelay $0x1  }
0x386: {  	[sflag:s12] =	ssyncset.done $0x0  }
0x387: {  	[sflag:s12] =	ssyncadd.s32 $0xFFFFFE00  }
0x388: {  	_ =	sfence.sel $0x180000  }
0x389: {  	[bflag:$0x0] =	sbarrier.arrive $0xFFFF  }
0x38a: {  	_ =	strace $0x90000047  }
0x38b: {  	s0 =	stileid.u32;
	[bflag:$0x2] =	sbarrier.arrive $0xFFFF  }
0x38c: {  	p0 =	sne.s32 s0, $0x0;
	s0 =	rddreg [dreg:$0x2]  }
0x38d: {  	s0 =	sadd.s32 @!p0 $0x100000, s0  }
0x38e: {  	[sflag:s0] =	ssyncadd.tile.s32 @!p0 $0x1;
	_ =	shalt  }
.Lfunc_end2:
_tile_overlayer_lowered:
.L_overlay_start_2:
0x38f: {  	(tag) =	ssettag $0x2  }
0x390: {  	s0 =	rddreg [dreg:$0x0];
	s2 =	stileid.u32  }
0x391: {  	s1 =	rddreg [dreg:$0x1];
	p0 =	sne.s32 s2, $0x0  }
0x392: {  	s3 =	rddreg [dreg:$0x2];
	[bflag:$0x3] =	sbarrier.arrive $0xFFFF;
	s2 =	simm.s32 @!p0 $0x1C03  }
0x393: {  	[timem:s3], [sflag:s2] =	dma.local @!p0 [hbm:s0], s1  }
0x394: {  	s0 =	simm.s32 @!p0 $0x3  }
0x395: {  	_ =	swait.ge @!p0 [sflag:s0], s1  }
0x396: {  	s1 =	ssub.s32 @!p0 $0x0, s1;
	[sflag:s0] =	ssyncset.done @!p0 $0x0  }
0x397: {  	[sflag:s0] =	ssyncadd.s32 @!p0 s1  }
0x398: {  	[bflag:$0x3] =	sbarrier.arrive $0xFFFF  }
0x399: {  	_ =	shalt  }

</sc_bundles>
